<compile_context>
chip_gen: v7x
topology: tpu7x:2x2x1
jax: 0.10.2.dev20260603
libtpu: 0.0.44.dev20260713+nightly
codegen_flags: <defaults>
</compile_context>

<pallas_src>
import functools

import numpy as np
import jax
import jax.numpy as jnp
from jax import lax
from jax.experimental import pallas as pl
from jax.experimental.pallas import tpu as pltpu
from jax.experimental.pallas import tpu_sc as plsc

IMAGE_SIZE = (256, 704)
FEATURE_SIZE = (32, 88)
XBOUND = (-54.0, 54.0, 0.3)
YBOUND = (-54.0, 54.0, 0.3)
ZBOUND = (-10.0, 10.0, 20.0)
DBOUND = (1.0, 60.0, 2.0)
IN_CHANNELS = 256
OUT_CHANNELS = 80
N_CAM = 6
NX = 360
NY = 360
FH, FW = FEATURE_SIZE
PIX = FH * FW
D_BINS = int(np.arange(DBOUND[0], DBOUND[1], DBOUND[2]).shape[0])

_DX = np.array([XBOUND[2], YBOUND[2], ZBOUND[2]], np.float32)
_BX = np.array([XBOUND[0] + XBOUND[2] / 2.0,
                YBOUND[0] + YBOUND[2] / 2.0,
                ZBOUND[0] + ZBOUND[2] / 2.0], np.float32)


def _frustum_np():
    iH, iW = IMAGE_SIZE
    d_vals = np.arange(DBOUND[0], DBOUND[1], DBOUND[2], dtype=np.float32)
    D = d_vals.shape[0]
    ds = np.broadcast_to(d_vals[:, None, None], (D, FH, FW))
    xs = np.broadcast_to(np.linspace(0, iW - 1, FW, dtype=np.float32)[None, None, :], (D, FH, FW))
    ys = np.broadcast_to(np.linspace(0, iH - 1, FH, dtype=np.float32)[None, :, None], (D, FH, FW))
    return np.stack([xs, ys, ds], -1)


def _geometry(camera_intrinsics, camera2lidar, img_aug_matrix, lidar_aug_matrix):
    intrins = camera_intrinsics[..., :3, :3]
    post_rots = img_aug_matrix[..., :3, :3]
    post_trans = img_aug_matrix[..., :3, 3]
    c2l_rots = camera2lidar[..., :3, :3]
    c2l_trans = camera2lidar[..., :3, 3]
    extra_rots = lidar_aug_matrix[..., :3, :3]
    extra_trans = lidar_aug_matrix[..., :3, 3]

    f_cf = jnp.transpose(jnp.asarray(_frustum_np()), (3, 0, 1, 2))
    p = f_cf[None, None] - post_trans[:, :, :, None, None, None]
    p = jnp.einsum('bnij,bnjdhw->bnidhw', jnp.linalg.inv(post_rots), p)
    p = jnp.concatenate([p[:, :, :2] * p[:, :, 2:3], p[:, :, 2:3]], axis=2)
    combine = jnp.einsum('bnij,bnjk->bnik', c2l_rots, jnp.linalg.inv(intrins))
    p = jnp.einsum('bnij,bnjdhw->bnidhw', combine, p) + c2l_trans[:, :, :, None, None, None]
    p = jnp.einsum('bij,bnjdhw->bnidhw', extra_rots, p) + extra_trans[:, None, :, None, None, None]

    dx = jnp.asarray(_DX)
    bx = jnp.asarray(_BX)
    lo = bx - dx / 2.0
    gx = ((p[0, :, 0] - lo[0]) / dx[0]).astype(jnp.int32)
    gy = ((p[0, :, 1] - lo[1]) / dx[1]).astype(jnp.int32)
    gz = ((p[0, :, 2] - lo[2]) / dx[2]).astype(jnp.int32)
    kept = ((gx >= 0) & (gx < NX) & (gy >= 0) & (gy < NY) &
            (gz >= 0) & (gz < 1))
    gx = jnp.where(kept, gx, 0)
    gy = jnp.where(kept, gy, 0)
    lin = (gx * NY + gy).reshape(-1)
    return lin, kept.reshape(-1)


def _dense_body(img_ref, w_ref, b_ref, ctx_ref, dep_ref):
    img = img_ref[0]
    feats = jnp.dot(w_ref[...], img, preferred_element_type=jnp.float32)
    feats = feats + b_ref[...]
    dlogit = feats[:D_BINS]
    m = jnp.max(dlogit, axis=0, keepdims=True)
    e = jnp.exp(dlogit - m)
    dep_ref[0] = e / jnp.sum(e, axis=0, keepdims=True)
    ctx_ref[0] = feats[D_BINS:]


def _dense_stage(img, depthnet_w, depthnet_b):
    img_r = img.reshape(N_CAM, IN_CHANNELS, PIX)
    b_col = jnp.broadcast_to(depthnet_b[:, None], (D_BINS + OUT_CHANNELS, 1))
    out_shapes = (
        jax.ShapeDtypeStruct((N_CAM, OUT_CHANNELS, PIX), jnp.float32),
        jax.ShapeDtypeStruct((N_CAM, D_BINS, PIX), jnp.float32),
    )
    ctx, dep = pl.pallas_call(
        _dense_body,
        grid=(N_CAM,),
        in_specs=[
            pl.BlockSpec((1, IN_CHANNELS, PIX), lambda n: (n, 0, 0)),
            pl.BlockSpec((D_BINS + OUT_CHANNELS, IN_CHANNELS), lambda n: (0, 0)),
            pl.BlockSpec((D_BINS + OUT_CHANNELS, 1), lambda n: (0, 0)),
        ],
        out_specs=(
            pl.BlockSpec((1, OUT_CHANNELS, PIX), lambda n: (n, 0, 0)),
            pl.BlockSpec((1, D_BINS, PIX), lambda n: (n, 0, 0)),
        ),
        out_shape=out_shapes,
    )(img_r, depthnet_w, b_col)
    return ctx, dep



NPIXELS = N_CAM * PIX
NVOX = NX * NY
PIX_PER_TILE = NPIXELS // 16
GROUPS_PER_D = PIX_PER_TILE // 16
GP = 80
SB = 5
SBP = 8
ROWS_PER_TILE = NVOX // 16
ZCHUNK = 675
SLOTS = 256
CC = 8
NPASS = 5


def _any_nz(v):
    return jnp.any(v != 0)


def _sc_body(wgt_hbm, lin_hbm, ctx_hbm, dm_hbm, g2_hbm, g1_hbm, out_hbm,
             wgt_v, lin_v, ctx_v, dm_v, g2_v, g1_v, stage_v, sidx_v, zer_v,
             grid_sh):
    cid = lax.axis_index("c")
    sid = lax.axis_index("s")
    iota16 = lax.iota(jnp.int32, 16)
    pixbase = sid * PIX_PER_TILE
    rowbase = sid * ROWS_PER_TILE

    def zfill(j, _):
        plsc.store_scatter(zer_v, [jnp.full((16,), j, jnp.int32),
                                   iota16 % CC],
                           jnp.zeros((16,), jnp.float32),
                           mask=iota16 < CC)
        return 0
    lax.fori_loop(0, ZCHUNK, zfill, 0)

    pltpu.sync_copy(dm_hbm.at[sid], dm_v)
    pltpu.sync_copy(g2_hbm.at[sid], g2_v)
    pltpu.sync_copy(g1_hbm.at[sid], g1_v)

    def zero_rows(j, _):
        pltpu.sync_copy(zer_v, grid_sh.at[pl.ds(rowbase + j * ZCHUNK, ZCHUNK)])
        return 0
    lax.fori_loop(0, ROWS_PER_TILE // ZCHUNK, zero_rows, 0)

    def scan(mode_add):
        def per_d(d, _):
            d16 = jnp.full((16,), d, jnp.int32)

            @pl.when(_any_nz(plsc.load_gather(dm_v, [d16])))
            def _d_live():
                if mode_add:
                    pltpu.sync_copy(wgt_hbm.at[d, pl.ds(pixbase, PIX_PER_TILE)],
                                    wgt_v)
                pltpu.sync_copy(lin_hbm.at[d, pl.ds(pixbase, PIX_PER_TILE)],
                                lin_v)

                def per_sb(sb, _):
                    @pl.when(_any_nz(plsc.load_gather(
                        g2_v, [d16, jnp.full((16,), sb, jnp.int32)])))
                    def _sb_live():
                        def per_g(gg, _):
                            g = sb * 16 + gg

                            @pl.when(_any_nz(plsc.load_gather(
                                g1_v, [d16, jnp.full((16,), g, jnp.int32)])))
                            def _live():
                                pix16 = g * 16 + iota16
                                lin16 = plsc.load_gather(lin_v, [pix16])
                                sidx_v[...] = lin16
                                if mode_add:
                                    w16 = plsc.load_gather(wgt_v, [pix16])
                                    for c in range(CC):
                                        c16 = jnp.full((16,), c, jnp.int32)
                                        v = plsc.load_gather(ctx_v,
                                                             [pix16, c16])
                                        plsc.store_scatter(stage_v,
                                                           [iota16, c16],
                                                           w16 * v)
                                    pltpu.sync_copy(stage_v,
                                                    grid_sh.at[sidx_v],
                                                    add=True)
                                else:
                                    pltpu.sync_copy(zer_v.at[pl.ds(0, 16)],
                                                    grid_sh.at[sidx_v])
                            return 0
                        lax.fori_loop(0, 16, per_g, 0)
                    return 0
                lax.fori_loop(0, SB, per_sb, 0)
            return 0
        lax.fori_loop(0, D_BINS, per_d, 0)

    for p in range(NPASS):
        pb = cid * NPASS + p

        pltpu.sync_copy(ctx_hbm.at[pb, pl.ds(pixbase, PIX_PER_TILE)], ctx_v)
        plsc.subcore_barrier()

        scan(mode_add=True)
        plsc.subcore_barrier()

        pltpu.sync_copy(grid_sh.at[pl.ds(rowbase, ROWS_PER_TILE)],
                        out_hbm.at[pb, pl.ds(rowbase, ROWS_PER_TILE)])
        plsc.subcore_barrier()

        if p < NPASS - 1:
            scan(mode_add=False)


def _sc_scatter(wgt_dm, lin_dm, ctx_t, dm_m, g2_m, g1_m):
    mesh = plsc.VectorSubcoreMesh(core_axis_name="c", subcore_axis_name="s")
    f = functools.partial(
        pl.kernel,
        out_type=jax.ShapeDtypeStruct((2 * NPASS, NVOX, CC), jnp.float32),
        mesh=mesh,
        scratch_types=[
            pltpu.VMEM((PIX_PER_TILE,), jnp.float32),
            pltpu.VMEM((PIX_PER_TILE,), jnp.int32),
            pltpu.VMEM((PIX_PER_TILE, CC), jnp.float32),
            pltpu.VMEM((32,), jnp.int32),
            pltpu.VMEM((D_BINS, SBP), jnp.int32),
            pltpu.VMEM((D_BINS, GP), jnp.int32),
            pltpu.VMEM((16, CC), jnp.float32),
            pltpu.VMEM((16,), jnp.int32),
            pltpu.VMEM((ZCHUNK, CC), jnp.float32),
            pltpu.VMEM_SHARED((NVOX, CC), jnp.float32),
        ],
        compiler_params=pltpu.CompilerParams(use_tc_tiling_on_sc=False,
                                             needs_layout_passes=False),
    )(_sc_body)
    return f(wgt_dm, lin_dm, ctx_t, dm_m, g2_m, g1_m)


def _liveness_masks(wgt_dm):
    g = (wgt_dm.reshape(D_BINS, 16, GROUPS_PER_D, 16) != 0).any(-1)
    g1 = jnp.zeros((D_BINS, 16, GP), jnp.int32).at[:, :, :GROUPS_PER_D].set(
        g.astype(jnp.int32))
    g2 = g1.reshape(D_BINS, 16, SB, 16).any(-1).astype(jnp.int32)
    g2p = jnp.zeros((D_BINS, 16, SBP), jnp.int32).at[:, :, :SB].set(g2)
    dm = g2.any(-1).astype(jnp.int32)
    dmp = jnp.zeros((32, 16), jnp.int32).at[:D_BINS].set(dm)
    return (jnp.transpose(dmp, (1, 0)),
            jnp.transpose(g2p, (1, 0, 2)),
            jnp.transpose(g1, (1, 0, 2)))


def kernel(img, points, camera2ego, lidar2ego, lidar2camera, lidar2image,
           camera_intrinsics, camera2lidar, img_aug_matrix, lidar_aug_matrix,
           depthnet_w, depthnet_b):
    ctx, dep = _dense_stage(img, depthnet_w, depthnet_b)
    lin, kept = _geometry(camera_intrinsics, camera2lidar, img_aug_matrix,
                          lidar_aug_matrix)
    wgt = dep.reshape(-1) * kept.astype(jnp.float32)

    wgt_dm = jnp.transpose(wgt.reshape(N_CAM, D_BINS, PIX),
                           (1, 0, 2)).reshape(D_BINS, NPIXELS)
    lin_dm = jnp.transpose(lin.reshape(N_CAM, D_BINS, PIX),
                           (1, 0, 2)).reshape(D_BINS, NPIXELS)
    ctx_pm = jnp.transpose(ctx, (0, 2, 1)).reshape(NPIXELS, OUT_CHANNELS)
    ctx_t = jnp.transpose(ctx_pm.reshape(NPIXELS, 2 * NPASS, CC), (1, 0, 2))

    dm_m, g2_m, g1_m = _liveness_masks(wgt_dm)
    grid = _sc_scatter(wgt_dm, lin_dm, ctx_t, dm_m, g2_m, g1_m)
    chan_major = jnp.transpose(grid, (0, 2, 1)).reshape(OUT_CHANNELS, NVOX)
    return chan_major.reshape(1, OUT_CHANNELS, NX, NY)

# --- scband reference (transcript-rebuilt; emitter-appended) ---
"""Pipeline reference for scband-base-transform-7378753814754 (READ-ONLY COPY).

The authoritative reference and input builder live on the scoring server;
editing this copy changes nothing except your own understanding.
"""

import jax, jax.numpy as jnp
import numpy as np

IMAGE_SIZE = (256, 704)
FEATURE_SIZE = (32, 88)
XBOUND = (-54.0, 54.0, 0.3)
YBOUND = (-54.0, 54.0, 0.3)
ZBOUND = (-10.0, 10.0, 20.0)
DBOUND = (1.0, 60.0, 2.0)
IN_CHANNELS = 256
OUT_CHANNELS = 80
B, N = 1, 6

def _gen_dx_bx():
    rows = [XBOUND, YBOUND, ZBOUND]
    dx = np.array([r[2] for r in rows], np.float32)
    bx = np.array([r[0] + r[2] / 2.0 for r in rows], np.float32)
    nx = np.array([int(round((r[1] - r[0]) / r[2])) for r in rows], np.int64)
    return dx, bx, nx

def _frustum():
    iH, iW = IMAGE_SIZE
    fH, fW = FEATURE_SIZE
    d_vals = np.arange(DBOUND[0], DBOUND[1], DBOUND[2], dtype=np.float32)
    D = d_vals.shape[0]
    ds = np.broadcast_to(d_vals[:, None, None], (D, fH, fW))
    xs = np.broadcast_to(np.linspace(0, iW - 1, fW, dtype=np.float32)[None, None, :], (D, fH, fW))
    ys = np.broadcast_to(np.linspace(0, iH - 1, fH, dtype=np.float32)[None, :, None], (D, fH, fW))
    return np.stack([xs, ys, ds], -1)

_D = _frustum().shape[0]

def setup_inputs(seed: int = 0):
    key = jax.random.key(seed)
    ks = jax.random.split(key, 12)
    fH, fW = FEATURE_SIZE
    return {
        'img': jax.random.normal(ks[0], (B, N, IN_CHANNELS, fH, fW), jnp.float32),
        'points': jax.random.normal(ks[1], (B, 10000, 5), jnp.float32),
        'camera2ego': jax.random.normal(ks[2], (B, N, 4, 4), jnp.float32),
        'lidar2ego': jax.random.normal(ks[3], (B, 4, 4), jnp.float32),
        'lidar2camera': jax.random.normal(ks[4], (B, N, 4, 4), jnp.float32),
        'lidar2image': jax.random.normal(ks[5], (B, N, 4, 4), jnp.float32),
        'camera_intrinsics': jax.random.normal(ks[6], (B, N, 4, 4), jnp.float32),
        'camera2lidar': jax.random.normal(ks[7], (B, N, 4, 4), jnp.float32),
        'img_aug_matrix': jax.random.normal(ks[8], (B, N, 4, 4), jnp.float32),
        'lidar_aug_matrix': jax.random.normal(ks[9], (B, 4, 4), jnp.float32),
        'depthnet_w': jax.random.normal(ks[10], (_D + OUT_CHANNELS, IN_CHANNELS), jnp.float32) * 0.02,
        'depthnet_b': jnp.zeros((_D + OUT_CHANNELS,), jnp.float32),
    }

def _forward(img, camera2ego, lidar2ego, lidar2camera, lidar2image, camera_intrinsics, camera2lidar, img_aug_matrix, lidar_aug_matrix, depthnet_w, depthnet_b):
    dx_np, bx_np, nx_np = _gen_dx_bx()
    dx = jnp.asarray(dx_np)
    bx = jnp.asarray(bx_np)
    nX, nY, nZ = int(nx_np[0]), int(nx_np[1]), int(nx_np[2])
    frustum = jnp.asarray(_frustum())
    D = frustum.shape[0]
    intrins = camera_intrinsics[..., :3, :3]
    post_rots = img_aug_matrix[..., :3, :3]
    post_trans = img_aug_matrix[..., :3, 3]
    c2l_rots = camera2lidar[..., :3, :3]
    c2l_trans = camera2lidar[..., :3, 3]
    extra_rots = lidar_aug_matrix[..., :3, :3]
    extra_trans = lidar_aug_matrix[..., :3, 3]
    pts = frustum[None, None] - post_trans[:, :, None, None, None, :]
    pts = jnp.einsum('bnij,bndhwj->bndhwi', jnp.linalg.inv(post_rots), pts)
    pts = jnp.concatenate([pts[..., :2] * pts[..., 2:3], pts[..., 2:3]], -1)
    combine = jnp.einsum('bnij,bnjk->bnik', c2l_rots, jnp.linalg.inv(intrins))
    pts = jnp.einsum('bnij,bndhwj->bndhwi', combine, pts) + c2l_trans[:, :, None, None, None, :]
    pts = jnp.einsum('bij,bndhwj->bndhwi', extra_rots, pts) + extra_trans[:, None, None, None, None, :]
    feats = jnp.einsum('oc,bnchw->bnohw', depthnet_w, img) + depthnet_b[None, None, :, None, None]
    depth = jax.nn.softmax(feats[:, :, :D], axis=2)
    ctx = feats[:, :, D:]
    x = depth[:, :, None, :, :, :] * ctx[:, :, :, None, :, :]
    x = jnp.transpose(x, (0, 1, 3, 4, 5, 2))
    Bv = x.shape[0]
    C = x.shape[-1]
    Nprime = x.shape[0] * x.shape[1] * x.shape[2] * x.shape[3] * x.shape[4]
    xf = x.reshape(Nprime, C)
    geom = ((pts - (bx - dx / 2.0)) / dx).astype(jnp.int32).reshape(Nprime, 3)
    batch_ix = jnp.repeat(jnp.arange(Bv), Nprime // Bv)
    kept = ((geom[:, 0] >= 0) & (geom[:, 0] < nX) & (geom[:, 1] >= 0) & (geom[:, 1] < nY) & (geom[:, 2] >= 0) & (geom[:, 2] < nZ))
    gx = jnp.where(kept, geom[:, 0], 0)
    gy = jnp.where(kept, geom[:, 1], 0)
    gz = jnp.where(kept, geom[:, 2], 0)
    xf = xf * kept[:, None].astype(xf.dtype)
    lin = ((batch_ix * nZ + gz) * nX + gx) * nY + gy
    grid = jnp.zeros((Bv * nZ * nX * nY, C), xf.dtype).at[lin].add(xf)
    grid = grid.reshape(Bv, nZ, nX, nY, C)
    grid = jnp.transpose(grid, (0, 4, 1, 2, 3))
    final = jnp.concatenate([grid[:, :, z] for z in range(nZ)], axis=1)
    return final

def reference(img, points, camera2ego, lidar2ego, lidar2camera, lidar2image, camera_intrinsics, camera2lidar, img_aug_matrix, lidar_aug_matrix, depthnet_w, depthnet_b):
    return _forward(img, camera2ego, lidar2ego, lidar2camera, lidar2image, camera_intrinsics, camera2lidar, img_aug_matrix, lidar_aug_matrix, depthnet_w, depthnet_b)

if __name__ == "__main__":
    import jax
    _d = setup_inputs()
    print(jax.jit(kernel)(*tuple(_d.values())))

</pallas_src>

<mosaic_0001>
#map = affine_map<(d0, d1) -> (0, 0)>
#map1 = affine_map<(d0, d1) -> (0, 0, 0)>
module attributes {stable_mosaic.version = 14 : i64} {
  func.func @_sc_body(%arg0: i32, %arg1: i32, %arg2: memref<30x16896xf32, #tpu.memory_space<hbm>>, %arg3: memref<30x16896xi32, #tpu.memory_space<hbm>>, %arg4: memref<10x16896x8xf32, #tpu.memory_space<hbm>>, %arg5: memref<16x32xi32, #tpu.memory_space<hbm>>, %arg6: memref<16x30x8xi32, #tpu.memory_space<hbm>>, %arg7: memref<16x30x80xi32, #tpu.memory_space<hbm>>, %arg8: memref<10x129600x8xf32, #tpu.memory_space<hbm>>, %arg9: memref<1056xf32, #tpu.memory_space<vmem>>, %arg10: memref<1056xi32, #tpu.memory_space<vmem>>, %arg11: memref<1056x8xf32, #tpu.memory_space<vmem>>, %arg12: memref<32xi32, #tpu.memory_space<vmem>>, %arg13: memref<30x8xi32, #tpu.memory_space<vmem>>, %arg14: memref<30x80xi32, #tpu.memory_space<vmem>>, %arg15: memref<16x8xf32, #tpu.memory_space<vmem>>, %arg16: memref<16xi32, #tpu.memory_space<vmem>>, %arg17: memref<675x8xf32, #tpu.memory_space<vmem>>, %arg18: memref<129600x8xf32, #tpu.memory_space<vmem_shared>>) attributes {dimension_semantics = [#tpu.dimension_semantics<core_parallel>, #tpu.dimension_semantics<subcore_parallel>], iteration_bounds = array<i64: 2, 16>, scalar_prefetch = 0 : i64, scratch_operands = 10 : i64, tpu.core_type = #tpu.core_type<sc_vector_subcore>, window_params = [{transform_indices = #map}, {transform_indices = #map}, {transform_indices = #map1}, {transform_indices = #map}, {transform_indices = #map1}, {transform_indices = #map1}, {transform_indices = #map1}]} {
    %iota3A = tpu.iota {dimensions = array<i32: 0>} : vector<16xi32>
    %mul3A = arith.constant 1056 : i32
    %mul3A_0 = arith.muli %arg1, %mul3A : i32
    %mul3A_1 = arith.constant 8100 : i32
    %mul3A_2 = arith.muli %arg1, %mul3A_1 : i32
    %scan3A = arith.constant 0 : i32
    %scan3A_3 = arith.constant 0 : i32
    %scan3A_4 = arith.constant 675 : i32
    %scan3A_5 = arith.addi %scan3A_3, %scan3A_4 : i32
    %scan3A_6 = arith.constant 1 : i32
    %scan3A_7 = scf.for %scan3A_112 = %scan3A_3 to %scan3A_5 step %scan3A_6 iter_args(%scan3A_113 = %scan3A) -> (i32)  : i32 {
      %broadcast_in_dim3A = vector.broadcast %scan3A_112 : i32 to vector<16xi32>
      %jit3A = arith.constant 8 : i32
      %eq3A = arith.constant 0 : i32
      %eq3A_114 = arith.cmpi eq, %jit3A, %eq3A : i32
      %jit3A_115 = arith.constant 1 : i32
      %select_n3A = arith.select %eq3A_114, %jit3A_115, %jit3A : i32
      %rem3A = vector.broadcast %select_n3A : i32 to vector<16xi32>
      %rem3A_116 = arith.remsi %iota3A, %rem3A : vector<16xi32>
      %ne3A = arith.constant 0 : i32
      %ne3A_117 = vector.broadcast %ne3A : i32 to vector<16xi32>
      %ne3A_118 = arith.cmpi ne, %rem3A_116, %ne3A_117 : vector<16xi32>
      %lt3A = arith.constant 0 : i32
      %lt3A_119 = vector.broadcast %lt3A : i32 to vector<16xi32>
      %lt3A_120 = arith.cmpi slt, %rem3A_116, %lt3A_119 : vector<16xi32>
      %lt3A_121 = arith.constant 0 : i32
      %lt3A_122 = arith.cmpi slt, %select_n3A, %lt3A_121 : i32
      %ne3A_123 = vector.broadcast %lt3A_122 : i1 to vector<16xi1>
      %ne3A_124 = vector.broadcast %ne3A_123 : vector<16xi1> to vector<16xi1>
      %ne3A_125 = arith.xori %lt3A_120, %ne3A_124 : vector<16xi1>
      %and3A = arith.andi %ne3A_125, %ne3A_118 : vector<16xi1>
      %add3A_126 = vector.broadcast %select_n3A : i32 to vector<16xi32>
      %add3A_127 = arith.addi %rem3A_116, %add3A_126 : vector<16xi32>
      %select_n3A_128 = arith.select %and3A, %add3A_127, %rem3A_116 : vector<16xi1>, vector<16xi32>
      %broadcast_in_dim3A_129 = arith.constant 0.000000e+00 : f32
      %broadcast_in_dim3A_130 = vector.broadcast %broadcast_in_dim3A_129 : f32 to vector<16xf32>
      %lt3A_131 = arith.constant 8 : i32
      %lt3A_132 = vector.broadcast %lt3A_131 : i32 to vector<16xi32>
      %lt3A_133 = arith.cmpi slt, %iota3A, %lt3A_132 : vector<16xi32>
      tpu.vector_store_idx %arg17[%broadcast_in_dim3A, %select_n3A_128], %broadcast_in_dim3A_130 masked %lt3A_133 : memref<675x8xf32, #tpu.memory_space<vmem>>[vector<16xi32>, vector<16xi32>], vector<16xf32>, vector<16xi1>
      %scan3A_134 = arith.constant 0 : i32
      scf.yield %scan3A_134 : i32
    }
    %scan3A_8 = arith.constant 675 : i32
    "tpu.region"() ({
      %run_scoped3A = tpu.sem_alloc : memref<!tpu.dma_semaphore, #tpu.memory_space<semaphore_mem>>
      %dma_start3A = arith.constant 0 : i32
      %dma_start3A_112 = tpu.memref_slice %arg5[%arg1, %dma_start3A] : memref<16x32xi32, #tpu.memory_space<hbm>> -> memref<1x32xi32, #tpu.memory_space<hbm>>
      %dma_start3A_113 = tpu.memref_squeeze %dma_start3A_112 : memref<1x32xi32, #tpu.memory_space<hbm>> -> memref<32xi32, #tpu.memory_space<hbm>>
      %dma_start3A_114 = arith.constant 0 : i32
      %dma_start3A_115 = tpu.memref_slice %arg5[%arg1, %dma_start3A_114] : memref<16x32xi32, #tpu.memory_space<hbm>> -> memref<1x32xi32, #tpu.memory_space<hbm>>
      %dma_start3A_116 = tpu.memref_squeeze %dma_start3A_115 : memref<1x32xi32, #tpu.memory_space<hbm>> -> memref<32xi32, #tpu.memory_space<hbm>>
      tpu.enqueue_dma source(%dma_start3A_116 : memref<32xi32, #tpu.memory_space<hbm>>) target(%arg12 : memref<32xi32, #tpu.memory_space<vmem>>) target_semaphore(%run_scoped3A : memref<!tpu.dma_semaphore, #tpu.memory_space<semaphore_mem>>)
      %dma_wait3A = arith.constant 0 : i32
      %dma_wait3A_117 = tpu.memref_slice %arg5[%arg1, %dma_wait3A] : memref<16x32xi32, #tpu.memory_space<hbm>> -> memref<1x32xi32, #tpu.memory_space<hbm>>
      %dma_wait3A_118 = tpu.memref_squeeze %dma_wait3A_117 : memref<1x32xi32, #tpu.memory_space<hbm>> -> memref<32xi32, #tpu.memory_space<hbm>>
      %dma_wait3A_119 = arith.constant 0 : i32
      %dma_wait3A_120 = tpu.memref_slice %arg5[%arg1, %dma_wait3A_119] : memref<16x32xi32, #tpu.memory_space<hbm>> -> memref<1x32xi32, #tpu.memory_space<hbm>>
      %dma_wait3A_121 = tpu.memref_squeeze %dma_wait3A_120 : memref<1x32xi32, #tpu.memory_space<hbm>> -> memref<32xi32, #tpu.memory_space<hbm>>
      tpu.wait_dma2 semaphore(%run_scoped3A : memref<!tpu.dma_semaphore, #tpu.memory_space<semaphore_mem>>) src(%dma_wait3A_121 : memref<32xi32, #tpu.memory_space<hbm>>) dst(%arg12 : memref<32xi32, #tpu.memory_space<vmem>>)
      tpu.yield
    }) : () -> ()
    "tpu.region"() ({
      %run_scoped3A = tpu.sem_alloc : memref<!tpu.dma_semaphore, #tpu.memory_space<semaphore_mem>>
      %dma_start3A = arith.constant 0 : i32
      %dma_start3A_112 = arith.constant 0 : i32
      %dma_start3A_113 = tpu.memref_slice %arg6[%arg1, %dma_start3A, %dma_start3A_112] : memref<16x30x8xi32, #tpu.memory_space<hbm>> -> memref<1x30x8xi32, #tpu.memory_space<hbm>>
      %dma_start3A_114 = tpu.memref_squeeze %dma_start3A_113 : memref<1x30x8xi32, #tpu.memory_space<hbm>> -> memref<30x8xi32, #tpu.memory_space<hbm>>
      %dma_start3A_115 = arith.constant 0 : i32
      %dma_start3A_116 = arith.constant 0 : i32
      %dma_start3A_117 = tpu.memref_slice %arg6[%arg1, %dma_start3A_115, %dma_start3A_116] : memref<16x30x8xi32, #tpu.memory_space<hbm>> -> memref<1x30x8xi32, #tpu.memory_space<hbm>>
      %dma_start3A_118 = tpu.memref_squeeze %dma_start3A_117 : memref<1x30x8xi32, #tpu.memory_space<hbm>> -> memref<30x8xi32, #tpu.memory_space<hbm>>
      tpu.enqueue_dma source(%dma_start3A_118 : memref<30x8xi32, #tpu.memory_space<hbm>>) target(%arg13 : memref<30x8xi32, #tpu.memory_space<vmem>>) target_semaphore(%run_scoped3A : memref<!tpu.dma_semaphore, #tpu.memory_space<semaphore_mem>>)
      %dma_wait3A = arith.constant 0 : i32
      %dma_wait3A_119 = arith.constant 0 : i32
      %dma_wait3A_120 = tpu.memref_slice %arg6[%arg1, %dma_wait3A, %dma_wait3A_119] : memref<16x30x8xi32, #tpu.memory_space<hbm>> -> memref<1x30x8xi32, #tpu.memory_space<hbm>>
      %dma_wait3A_121 = tpu.memref_squeeze %dma_wait3A_120 : memref<1x30x8xi32, #tpu.memory_space<hbm>> -> memref<30x8xi32, #tpu.memory_space<hbm>>
      %dma_wait3A_122 = arith.constant 0 : i32
      %dma_wait3A_123 = arith.constant 0 : i32
      %dma_wait3A_124 = tpu.memref_slice %arg6[%arg1, %dma_wait3A_122, %dma_wait3A_123] : memref<16x30x8xi32, #tpu.memory_space<hbm>> -> memref<1x30x8xi32, #tpu.memory_space<hbm>>
      %dma_wait3A_125 = tpu.memref_squeeze %dma_wait3A_124 : memref<1x30x8xi32, #tpu.memory_space<hbm>> -> memref<30x8xi32, #tpu.memory_space<hbm>>
      tpu.wait_dma2 semaphore(%run_scoped3A : memref<!tpu.dma_semaphore, #tpu.memory_space<semaphore_mem>>) src(%dma_wait3A_125 : memref<30x8xi32, #tpu.memory_space<hbm>>) dst(%arg13 : memref<30x8xi32, #tpu.memory_space<vmem>>)
      tpu.yield
    }) : () -> ()
    "tpu.region"() ({
      %run_scoped3A = tpu.sem_alloc : memref<!tpu.dma_semaphore, #tpu.memory_space<semaphore_mem>>
      %dma_start3A = arith.constant 0 : i32
      %dma_start3A_112 = arith.constant 0 : i32
      %dma_start3A_113 = tpu.memref_slice %arg7[%arg1, %dma_start3A, %dma_start3A_112] : memref<16x30x80xi32, #tpu.memory_space<hbm>> -> memref<1x30x80xi32, #tpu.memory_space<hbm>>
      %dma_start3A_114 = tpu.memref_squeeze %dma_start3A_113 : memref<1x30x80xi32, #tpu.memory_space<hbm>> -> memref<30x80xi32, #tpu.memory_space<hbm>>
      %dma_start3A_115 = arith.constant 0 : i32
      %dma_start3A_116 = arith.constant 0 : i32
      %dma_start3A_117 = tpu.memref_slice %arg7[%arg1, %dma_start3A_115, %dma_start3A_116] : memref<16x30x80xi32, #tpu.memory_space<hbm>> -> memref<1x30x80xi32, #tpu.memory_space<hbm>>
      %dma_start3A_118 = tpu.memref_squeeze %dma_start3A_117 : memref<1x30x80xi32, #tpu.memory_space<hbm>> -> memref<30x80xi32, #tpu.memory_space<hbm>>
      tpu.enqueue_dma source(%dma_start3A_118 : memref<30x80xi32, #tpu.memory_space<hbm>>) target(%arg14 : memref<30x80xi32, #tpu.memory_space<vmem>>) target_semaphore(%run_scoped3A : memref<!tpu.dma_semaphore, #tpu.memory_space<semaphore_mem>>)
      %dma_wait3A = arith.constant 0 : i32
      %dma_wait3A_119 = arith.constant 0 : i32
      %dma_wait3A_120 = tpu.memref_slice %arg7[%arg1, %dma_wait3A, %dma_wait3A_119] : memref<16x30x80xi32, #tpu.memory_space<hbm>> -> memref<1x30x80xi32, #tpu.memory_space<hbm>>
      %dma_wait3A_121 = tpu.memref_squeeze %dma_wait3A_120 : memref<1x30x80xi32, #tpu.memory_space<hbm>> -> memref<30x80xi32, #tpu.memory_space<hbm>>
      %dma_wait3A_122 = arith.constant 0 : i32
      %dma_wait3A_123 = arith.constant 0 : i32
      %dma_wait3A_124 = tpu.memref_slice %arg7[%arg1, %dma_wait3A_122, %dma_wait3A_123] : memref<16x30x80xi32, #tpu.memory_space<hbm>> -> memref<1x30x80xi32, #tpu.memory_space<hbm>>
      %dma_wait3A_125 = tpu.memref_squeeze %dma_wait3A_124 : memref<1x30x80xi32, #tpu.memory_space<hbm>> -> memref<30x80xi32, #tpu.memory_space<hbm>>
      tpu.wait_dma2 semaphore(%run_scoped3A : memref<!tpu.dma_semaphore, #tpu.memory_space<semaphore_mem>>) src(%dma_wait3A_125 : memref<30x80xi32, #tpu.memory_space<hbm>>) dst(%arg14 : memref<30x80xi32, #tpu.memory_space<vmem>>)
      tpu.yield
    }) : () -> ()
    %scan3A_9 = arith.constant 0 : i32
    %scan3A_10 = arith.constant 0 : i32
    %scan3A_11 = arith.constant 12 : i32
    %scan3A_12 = arith.addi %scan3A_10, %scan3A_11 : i32
    %scan3A_13 = arith.constant 1 : i32
    %scan3A_14 = scf.for %scan3A_112 = %scan3A_10 to %scan3A_12 step %scan3A_13 iter_args(%scan3A_113 = %scan3A_9) -> (i32)  : i32 {
      %mul3A_114 = arith.constant 675 : i32
      %mul3A_115 = arith.muli %scan3A_112, %mul3A_114 : i32
      %add3A_116 = arith.addi %mul3A_2, %mul3A_115 : i32
      "tpu.region"() ({
        %run_scoped3A = tpu.sem_alloc : memref<!tpu.dma_semaphore, #tpu.memory_space<semaphore_mem>>
        %dma_start3A = arith.constant 0 : i32
        %dma_start3A_118 = tpu.memref_slice %arg18[%add3A_116, %dma_start3A] : memref<129600x8xf32, #tpu.memory_space<vmem_shared>> -> memref<675x8xf32, #tpu.memory_space<vmem_shared>>
        %dma_start3A_119 = arith.constant 0 : i32
        %dma_start3A_120 = tpu.memref_slice %arg18[%add3A_116, %dma_start3A_119] : memref<129600x8xf32, #tpu.memory_space<vmem_shared>> -> memref<675x8xf32, #tpu.memory_space<vmem_shared>>
        tpu.enqueue_dma source(%arg17 : memref<675x8xf32, #tpu.memory_space<vmem>>) target(%dma_start3A_120 : memref<675x8xf32, #tpu.memory_space<vmem_shared>>) target_semaphore(%run_scoped3A : memref<!tpu.dma_semaphore, #tpu.memory_space<semaphore_mem>>)
        %dma_wait3A = arith.constant 0 : i32
        %dma_wait3A_121 = tpu.memref_slice %arg18[%add3A_116, %dma_wait3A] : memref<129600x8xf32, #tpu.memory_space<vmem_shared>> -> memref<675x8xf32, #tpu.memory_space<vmem_shared>>
        %dma_wait3A_122 = arith.constant 0 : i32
        %dma_wait3A_123 = tpu.memref_slice %arg18[%add3A_116, %dma_wait3A_122] : memref<129600x8xf32, #tpu.memory_space<vmem_shared>> -> memref<675x8xf32, #tpu.memory_space<vmem_shared>>
        tpu.wait_dma2 semaphore(%run_scoped3A : memref<!tpu.dma_semaphore, #tpu.memory_space<semaphore_mem>>) src(%arg17 : memref<675x8xf32, #tpu.memory_space<vmem>>) dst(%dma_wait3A_123 : memref<675x8xf32, #tpu.memory_space<vmem_shared>>)
        tpu.yield
      }) : () -> ()
      %scan3A_117 = arith.constant 0 : i32
      scf.yield %scan3A_117 : i32
    }
    %scan3A_15 = arith.constant 12 : i32
    %mul3A_16 = arith.constant 5 : i32
    %mul3A_17 = arith.muli %arg0, %mul3A_16 : i32
    %add3A = arith.constant 0 : i32
    %add3A_18 = arith.addi %mul3A_17, %add3A : i32
    "tpu.region"() ({
      %run_scoped3A = tpu.sem_alloc : memref<!tpu.dma_semaphore, #tpu.memory_space<semaphore_mem>>
      %dma_start3A = arith.constant 0 : i32
      %dma_start3A_112 = tpu.memref_slice %arg4[%add3A_18, %mul3A_0, %dma_start3A] : memref<10x16896x8xf32, #tpu.memory_space<hbm>> -> memref<1x1056x8xf32, #tpu.memory_space<hbm>>
      %dma_start3A_113 = tpu.memref_squeeze %dma_start3A_112 : memref<1x1056x8xf32, #tpu.memory_space<hbm>> -> memref<1056x8xf32, #tpu.memory_space<hbm>>
      %dma_start3A_114 = arith.constant 0 : i32
      %dma_start3A_115 = tpu.memref_slice %arg4[%add3A_18, %mul3A_0, %dma_start3A_114] : memref<10x16896x8xf32, #tpu.memory_space<hbm>> -> memref<1x1056x8xf32, #tpu.memory_space<hbm>>
      %dma_start3A_116 = tpu.memref_squeeze %dma_start3A_115 : memref<1x1056x8xf32, #tpu.memory_space<hbm>> -> memref<1056x8xf32, #tpu.memory_space<hbm>>
      tpu.enqueue_dma source(%dma_start3A_116 : memref<1056x8xf32, #tpu.memory_space<hbm>>) target(%arg11 : memref<1056x8xf32, #tpu.memory_space<vmem>>) target_semaphore(%run_scoped3A : memref<!tpu.dma_semaphore, #tpu.memory_space<semaphore_mem>>)
      %dma_wait3A = arith.constant 0 : i32
      %dma_wait3A_117 = tpu.memref_slice %arg4[%add3A_18, %mul3A_0, %dma_wait3A] : memref<10x16896x8xf32, #tpu.memory_space<hbm>> -> memref<1x1056x8xf32, #tpu.memory_space<hbm>>
      %dma_wait3A_118 = tpu.memref_squeeze %dma_wait3A_117 : memref<1x1056x8xf32, #tpu.memory_space<hbm>> -> memref<1056x8xf32, #tpu.memory_space<hbm>>
      %dma_wait3A_119 = arith.constant 0 : i32
      %dma_wait3A_120 = tpu.memref_slice %arg4[%add3A_18, %mul3A_0, %dma_wait3A_119] : memref<10x16896x8xf32, #tpu.memory_space<hbm>> -> memref<1x1056x8xf32, #tpu.memory_space<hbm>>
      %dma_wait3A_121 = tpu.memref_squeeze %dma_wait3A_120 : memref<1x1056x8xf32, #tpu.memory_space<hbm>> -> memref<1056x8xf32, #tpu.memory_space<hbm>>
      tpu.wait_dma2 semaphore(%run_scoped3A : memref<!tpu.dma_semaphore, #tpu.memory_space<semaphore_mem>>) src(%dma_wait3A_121 : memref<1056x8xf32, #tpu.memory_space<hbm>>) dst(%arg11 : memref<1056x8xf32, #tpu.memory_space<vmem>>)
      tpu.yield
    }) : () -> ()
    %barrier3A = arith.constant 0 : index
    tpu.barrier barrier_id(%barrier3A)
    %scan3A_19 = arith.constant 0 : i32
    %scan3A_20 = arith.constant 0 : i32
    %scan3A_21 = arith.constant 30 : i32
    %scan3A_22 = arith.addi %scan3A_20, %scan3A_21 : i32
    %scan3A_23 = arith.constant 1 : i32
    %scan3A_24 = scf.for %scan3A_112 = %scan3A_20 to %scan3A_22 step %scan3A_23 iter_args(%scan3A_113 = %scan3A_19) -> (i32)  : i32 {
      %broadcast_in_dim3A = vector.broadcast %scan3A_112 : i32 to vector<16xi32>
      %gather3A = tpu.vector_load_idx %arg12[%broadcast_in_dim3A] : memref<32xi32, #tpu.memory_space<vmem>>[vector<16xi32>], vector<16xi32>,
      %ne3A = arith.constant 0 : i32
      %ne3A_114 = vector.broadcast %ne3A : i32 to vector<16xi32>
      %ne3A_115 = arith.cmpi ne, %gather3A, %ne3A_114 : vector<16xi32>
      %reduce_or3A = arith.constant 1.000000e+00 : f32
      %reduce_or3A_116 = arith.constant 0.000000e+00 : f32
      %reduce_or3A_117 = vector.broadcast %reduce_or3A : f32 to vector<16xf32>
      %reduce_or3A_118 = vector.broadcast %reduce_or3A_116 : f32 to vector<16xf32>
      %reduce_or3A_119 = arith.select %ne3A_115, %reduce_or3A_117, %reduce_or3A_118 : vector<16xi1>, vector<16xf32>
      %reduce_or3A_120 = arith.constant true
      %reduce_or3A_121 = vector.broadcast %reduce_or3A_120 : i1 to vector<16xi1>
      %reduce_or3A_122 = tpu.scan <max>, %reduce_or3A_119 masked %reduce_or3A_121 : vector<16xf32>, vector<16xi1> -> vector<16xf32>
      %reduce_or3A_123 = vector.extract %reduce_or3A_122[15] : f32 from vector<16xf32>
      %reduce_or3A_124 = arith.constant 0.000000e+00 : f32
      %reduce_or3A_125 = arith.cmpf ogt, %reduce_or3A_123, %reduce_or3A_124 : f32
      %convert_element_type3A = arith.extui %reduce_or3A_125 : i1 to i32
      %cond3A = arith.constant 0 : i32
      %cond3A_126 = arith.cmpi ne, %convert_element_type3A, %cond3A : i32
      scf.if %cond3A_126 {
        "tpu.region"() ({
          %run_scoped3A = tpu.sem_alloc : memref<!tpu.dma_semaphore, #tpu.memory_space<semaphore_mem>>
          %dma_start3A = tpu.memref_slice %arg2[%scan3A_112, %mul3A_0] : memref<30x16896xf32, #tpu.memory_space<hbm>> -> memref<1x1056xf32, #tpu.memory_space<hbm>>
          %dma_start3A_135 = tpu.memref_squeeze %dma_start3A : memref<1x1056xf32, #tpu.memory_space<hbm>> -> memref<1056xf32, #tpu.memory_space<hbm>>
          %dma_start3A_136 = tpu.memref_slice %arg2[%scan3A_112, %mul3A_0] : memref<30x16896xf32, #tpu.memory_space<hbm>> -> memref<1x1056xf32, #tpu.memory_space<hbm>>
          %dma_start3A_137 = tpu.memref_squeeze %dma_start3A_136 : memref<1x1056xf32, #tpu.memory_space<hbm>> -> memref<1056xf32, #tpu.memory_space<hbm>>
          tpu.enqueue_dma source(%dma_start3A_137 : memref<1056xf32, #tpu.memory_space<hbm>>) target(%arg9 : memref<1056xf32, #tpu.memory_space<vmem>>) target_semaphore(%run_scoped3A : memref<!tpu.dma_semaphore, #tpu.memory_space<semaphore_mem>>)
          %dma_wait3A = tpu.memref_slice %arg2[%scan3A_112, %mul3A_0] : memref<30x16896xf32, #tpu.memory_space<hbm>> -> memref<1x1056xf32, #tpu.memory_space<hbm>>
          %dma_wait3A_138 = tpu.memref_squeeze %dma_wait3A : memref<1x1056xf32, #tpu.memory_space<hbm>> -> memref<1056xf32, #tpu.memory_space<hbm>>
          %dma_wait3A_139 = tpu.memref_slice %arg2[%scan3A_112, %mul3A_0] : memref<30x16896xf32, #tpu.memory_space<hbm>> -> memref<1x1056xf32, #tpu.memory_space<hbm>>
          %dma_wait3A_140 = tpu.memref_squeeze %dma_wait3A_139 : memref<1x1056xf32, #tpu.memory_space<hbm>> -> memref<1056xf32, #tpu.memory_space<hbm>>
          tpu.wait_dma2 semaphore(%run_scoped3A : memref<!tpu.dma_semaphore, #tpu.memory_space<semaphore_mem>>) src(%dma_wait3A_140 : memref<1056xf32, #tpu.memory_space<hbm>>) dst(%arg9 : memref<1056xf32, #tpu.memory_space<vmem>>)
          tpu.yield
        }) : () -> ()
        "tpu.region"() ({
          %run_scoped3A = tpu.sem_alloc : memref<!tpu.dma_semaphore, #tpu.memory_space<semaphore_mem>>
          %dma_start3A = tpu.memref_slice %arg3[%scan3A_112, %mul3A_0] : memref<30x16896xi32, #tpu.memory_space<hbm>> -> memref<1x1056xi32, #tpu.memory_space<hbm>>
          %dma_start3A_135 = tpu.memref_squeeze %dma_start3A : memref<1x1056xi32, #tpu.memory_space<hbm>> -> memref<1056xi32, #tpu.memory_space<hbm>>
          %dma_start3A_136 = tpu.memref_slice %arg3[%scan3A_112, %mul3A_0] : memref<30x16896xi32, #tpu.memory_space<hbm>> -> memref<1x1056xi32, #tpu.memory_space<hbm>>
          %dma_start3A_137 = tpu.memref_squeeze %dma_start3A_136 : memref<1x1056xi32, #tpu.memory_space<hbm>> -> memref<1056xi32, #tpu.memory_space<hbm>>
          tpu.enqueue_dma source(%dma_start3A_137 : memref<1056xi32, #tpu.memory_space<hbm>>) target(%arg10 : memref<1056xi32, #tpu.memory_space<vmem>>) target_semaphore(%run_scoped3A : memref<!tpu.dma_semaphore, #tpu.memory_space<semaphore_mem>>)
          %dma_wait3A = tpu.memref_slice %arg3[%scan3A_112, %mul3A_0] : memref<30x16896xi32, #tpu.memory_space<hbm>> -> memref<1x1056xi32, #tpu.memory_space<hbm>>
          %dma_wait3A_138 = tpu.memref_squeeze %dma_wait3A : memref<1x1056xi32, #tpu.memory_space<hbm>> -> memref<1056xi32, #tpu.memory_space<hbm>>
          %dma_wait3A_139 = tpu.memref_slice %arg3[%scan3A_112, %mul3A_0] : memref<30x16896xi32, #tpu.memory_space<hbm>> -> memref<1x1056xi32, #tpu.memory_space<hbm>>
          %dma_wait3A_140 = tpu.memref_squeeze %dma_wait3A_139 : memref<1x1056xi32, #tpu.memory_space<hbm>> -> memref<1056xi32, #tpu.memory_space<hbm>>
          tpu.wait_dma2 semaphore(%run_scoped3A : memref<!tpu.dma_semaphore, #tpu.memory_space<semaphore_mem>>) src(%dma_wait3A_140 : memref<1056xi32, #tpu.memory_space<hbm>>) dst(%arg10 : memref<1056xi32, #tpu.memory_space<vmem>>)
          tpu.yield
        }) : () -> ()
        %scan3A_128 = arith.constant 0 : i32
        %scan3A_129 = arith.constant 0 : i32
        %scan3A_130 = arith.constant 5 : i32
        %scan3A_131 = arith.addi %scan3A_129, %scan3A_130 : i32
        %scan3A_132 = arith.constant 1 : i32
        %scan3A_133 = scf.for %scan3A_135 = %scan3A_129 to %scan3A_131 step %scan3A_132 iter_args(%scan3A_136 = %scan3A_128) -> (i32)  : i32 {
          %broadcast_in_dim3A_137 = vector.broadcast %scan3A_135 : i32 to vector<16xi32>
          %gather3A_138 = tpu.vector_load_idx %arg13[%broadcast_in_dim3A, %broadcast_in_dim3A_137] : memref<30x8xi32, #tpu.memory_space<vmem>>[vector<16xi32>, vector<16xi32>], vector<16xi32>,
          %ne3A_139 = arith.constant 0 : i32
          %ne3A_140 = vector.broadcast %ne3A_139 : i32 to vector<16xi32>
          %ne3A_141 = arith.cmpi ne, %gather3A_138, %ne3A_140 : vector<16xi32>
          %reduce_or3A_142 = arith.constant 1.000000e+00 : f32
          %reduce_or3A_143 = arith.constant 0.000000e+00 : f32
          %reduce_or3A_144 = vector.broadcast %reduce_or3A_142 : f32 to vector<16xf32>
          %reduce_or3A_145 = vector.broadcast %reduce_or3A_143 : f32 to vector<16xf32>
          %reduce_or3A_146 = arith.select %ne3A_141, %reduce_or3A_144, %reduce_or3A_145 : vector<16xi1>, vector<16xf32>
          %reduce_or3A_147 = arith.constant true
          %reduce_or3A_148 = vector.broadcast %reduce_or3A_147 : i1 to vector<16xi1>
          %reduce_or3A_149 = tpu.scan <max>, %reduce_or3A_146 masked %reduce_or3A_148 : vector<16xf32>, vector<16xi1> -> vector<16xf32>
          %reduce_or3A_150 = vector.extract %reduce_or3A_149[15] : f32 from vector<16xf32>
          %reduce_or3A_151 = arith.constant 0.000000e+00 : f32
          %reduce_or3A_152 = arith.cmpf ogt, %reduce_or3A_150, %reduce_or3A_151 : f32
          %convert_element_type3A_153 = arith.extui %reduce_or3A_152 : i1 to i32
          %cond3A_154 = arith.constant 0 : i32
          %cond3A_155 = arith.cmpi ne, %convert_element_type3A_153, %cond3A_154 : i32
          scf.if %cond3A_155 {
            %scan3A_157 = arith.constant 0 : i32
            %scan3A_158 = arith.constant 0 : i32
            %scan3A_159 = arith.constant 16 : i32
            %scan3A_160 = arith.addi %scan3A_158, %scan3A_159 : i32
            %scan3A_161 = arith.constant 1 : i32
            %scan3A_162 = scf.for %scan3A_164 = %scan3A_158 to %scan3A_160 step %scan3A_161 iter_args(%scan3A_165 = %scan3A_157) -> (i32)  : i32 {
              %mul3A_166 = arith.constant 16 : i32
              %mul3A_167 = arith.muli %scan3A_135, %mul3A_166 : i32
              %add3A_168 = arith.addi %mul3A_167, %scan3A_164 : i32
              %broadcast_in_dim3A_169 = vector.broadcast %add3A_168 : i32 to vector<16xi32>
              %gather3A_170 = tpu.vector_load_idx %arg14[%broadcast_in_dim3A, %broadcast_in_dim3A_169] : memref<30x80xi32, #tpu.memory_space<vmem>>[vector<16xi32>, vector<16xi32>], vector<16xi32>,
              %ne3A_171 = arith.constant 0 : i32
              %ne3A_172 = vector.broadcast %ne3A_171 : i32 to vector<16xi32>
              %ne3A_173 = arith.cmpi ne, %gather3A_170, %ne3A_172 : vector<16xi32>
              %reduce_or3A_174 = arith.constant 1.000000e+00 : f32
              %reduce_or3A_175 = arith.constant 0.000000e+00 : f32
              %reduce_or3A_176 = vector.broadcast %reduce_or3A_174 : f32 to vector<16xf32>
              %reduce_or3A_177 = vector.broadcast %reduce_or3A_175 : f32 to vector<16xf32>
              %reduce_or3A_178 = arith.select %ne3A_173, %reduce_or3A_176, %reduce_or3A_177 : vector<16xi1>, vector<16xf32>
              %reduce_or3A_179 = arith.constant true
              %reduce_or3A_180 = vector.broadcast %reduce_or3A_179 : i1 to vector<16xi1>
              %reduce_or3A_181 = tpu.scan <max>, %reduce_or3A_178 masked %reduce_or3A_180 : vector<16xf32>, vector<16xi1> -> vector<16xf32>
              %reduce_or3A_182 = vector.extract %reduce_or3A_181[15] : f32 from vector<16xf32>
              %reduce_or3A_183 = arith.constant 0.000000e+00 : f32
              %reduce_or3A_184 = arith.cmpf ogt, %reduce_or3A_182, %reduce_or3A_183 : f32
              %convert_element_type3A_185 = arith.extui %reduce_or3A_184 : i1 to i32
              %cond3A_186 = arith.constant 0 : i32
              %cond3A_187 = arith.cmpi ne, %convert_element_type3A_185, %cond3A_186 : i32
              scf.if %cond3A_187 {
                %mul3A_189 = arith.constant 16 : i32
                %mul3A_190 = arith.muli %add3A_168, %mul3A_189 : i32
                %add3A_191 = vector.broadcast %mul3A_190 : i32 to vector<16xi32>
                %add3A_192 = arith.addi %add3A_191, %iota3A : vector<16xi32>
                %gather3A_193 = tpu.vector_load_idx %arg10[%add3A_192] : memref<1056xi32, #tpu.memory_space<vmem>>[vector<16xi32>], vector<16xi32>,
                %swap3A = arith.constant 0 : index
                %swap3A_194 = tpu.vector_load %arg16[%swap3A] {strides = array<i32>} : memref<16xi32, #tpu.memory_space<vmem>>, vector<16xi32>,
                tpu.vector_store %arg16[%swap3A], %gather3A_193 {strides = array<i32>} : memref<16xi32, #tpu.memory_space<vmem>>, vector<16xi32>,
                %gather3A_195 = tpu.vector_load_idx %arg9[%add3A_192] : memref<1056xf32, #tpu.memory_space<vmem>>[vector<16xi32>], vector<16xf32>,
                %broadcast_in_dim3A_196 = arith.constant 0 : i32
                %broadcast_in_dim3A_197 = vector.broadcast %broadcast_in_dim3A_196 : i32 to vector<16xi32>
                %gather3A_198 = tpu.vector_load_idx %arg11[%add3A_192, %broadcast_in_dim3A_197] : memref<1056x8xf32, #tpu.memory_space<vmem>>[vector<16xi32>, vector<16xi32>], vector<16xf32>,
                %mul3A_199 = arith.mulf %gather3A_195, %gather3A_198 : vector<16xf32>
                tpu.vector_store_idx %arg15[%iota3A, %broadcast_in_dim3A_197], %mul3A_199 : memref<16x8xf32, #tpu.memory_space<vmem>>[vector<16xi32>, vector<16xi32>], vector<16xf32>,
                %broadcast_in_dim3A_200 = arith.constant 1 : i32
                %broadcast_in_dim3A_201 = vector.broadcast %broadcast_in_dim3A_200 : i32 to vector<16xi32>
                %gather3A_202 = tpu.vector_load_idx %arg11[%add3A_192, %broadcast_in_dim3A_201] : memref<1056x8xf32, #tpu.memory_space<vmem>>[vector<16xi32>, vector<16xi32>], vector<16xf32>,
                %mul3A_203 = arith.mulf %gather3A_195, %gather3A_202 : vector<16xf32>
                tpu.vector_store_idx %arg15[%iota3A, %broadcast_in_dim3A_201], %mul3A_203 : memref<16x8xf32, #tpu.memory_space<vmem>>[vector<16xi32>, vector<16xi32>], vector<16xf32>,
                %broadcast_in_dim3A_204 = arith.constant 2 : i32
                %broadcast_in_dim3A_205 = vector.broadcast %broadcast_in_dim3A_204 : i32 to vector<16xi32>
                %gather3A_206 = tpu.vector_load_idx %arg11[%add3A_192, %broadcast_in_dim3A_205] : memref<1056x8xf32, #tpu.memory_space<vmem>>[vector<16xi32>, vector<16xi32>], vector<16xf32>,
                %mul3A_207 = arith.mulf %gather3A_195, %gather3A_206 : vector<16xf32>
                tpu.vector_store_idx %arg15[%iota3A, %broadcast_in_dim3A_205], %mul3A_207 : memref<16x8xf32, #tpu.memory_space<vmem>>[vector<16xi32>, vector<16xi32>], vector<16xf32>,
                %broadcast_in_dim3A_208 = arith.constant 3 : i32
                %broadcast_in_dim3A_209 = vector.broadcast %broadcast_in_dim3A_208 : i32 to vector<16xi32>
                %gather3A_210 = tpu.vector_load_idx %arg11[%add3A_192, %broadcast_in_dim3A_209] : memref<1056x8xf32, #tpu.memory_space<vmem>>[vector<16xi32>, vector<16xi32>], vector<16xf32>,
                %mul3A_211 = arith.mulf %gather3A_195, %gather3A_210 : vector<16xf32>
                tpu.vector_store_idx %arg15[%iota3A, %broadcast_in_dim3A_209], %mul3A_211 : memref<16x8xf32, #tpu.memory_space<vmem>>[vector<16xi32>, vector<16xi32>], vector<16xf32>,
                %broadcast_in_dim3A_212 = arith.constant 4 : i32
                %broadcast_in_dim3A_213 = vector.broadcast %broadcast_in_dim3A_212 : i32 to vector<16xi32>
                %gather3A_214 = tpu.vector_load_idx %arg11[%add3A_192, %broadcast_in_dim3A_213] : memref<1056x8xf32, #tpu.memory_space<vmem>>[vector<16xi32>, vector<16xi32>], vector<16xf32>,
                %mul3A_215 = arith.mulf %gather3A_195, %gather3A_214 : vector<16xf32>
                tpu.vector_store_idx %arg15[%iota3A, %broadcast_in_dim3A_213], %mul3A_215 : memref<16x8xf32, #tpu.memory_space<vmem>>[vector<16xi32>, vector<16xi32>], vector<16xf32>,
                %broadcast_in_dim3A_216 = arith.constant 5 : i32
                %broadcast_in_dim3A_217 = vector.broadcast %broadcast_in_dim3A_216 : i32 to vector<16xi32>
                %gather3A_218 = tpu.vector_load_idx %arg11[%add3A_192, %broadcast_in_dim3A_217] : memref<1056x8xf32, #tpu.memory_space<vmem>>[vector<16xi32>, vector<16xi32>], vector<16xf32>,
                %mul3A_219 = arith.mulf %gather3A_195, %gather3A_218 : vector<16xf32>
                tpu.vector_store_idx %arg15[%iota3A, %broadcast_in_dim3A_217], %mul3A_219 : memref<16x8xf32, #tpu.memory_space<vmem>>[vector<16xi32>, vector<16xi32>], vector<16xf32>,
                %broadcast_in_dim3A_220 = arith.constant 6 : i32
                %broadcast_in_dim3A_221 = vector.broadcast %broadcast_in_dim3A_220 : i32 to vector<16xi32>
                %gather3A_222 = tpu.vector_load_idx %arg11[%add3A_192, %broadcast_in_dim3A_221] : memref<1056x8xf32, #tpu.memory_space<vmem>>[vector<16xi32>, vector<16xi32>], vector<16xf32>,
                %mul3A_223 = arith.mulf %gather3A_195, %gather3A_222 : vector<16xf32>
                tpu.vector_store_idx %arg15[%iota3A, %broadcast_in_dim3A_221], %mul3A_223 : memref<16x8xf32, #tpu.memory_space<vmem>>[vector<16xi32>, vector<16xi32>], vector<16xf32>,
                %broadcast_in_dim3A_224 = arith.constant 7 : i32
                %broadcast_in_dim3A_225 = vector.broadcast %broadcast_in_dim3A_224 : i32 to vector<16xi32>
                %gather3A_226 = tpu.vector_load_idx %arg11[%add3A_192, %broadcast_in_dim3A_225] : memref<1056x8xf32, #tpu.memory_space<vmem>>[vector<16xi32>, vector<16xi32>], vector<16xf32>,
                %mul3A_227 = arith.mulf %gather3A_195, %gather3A_226 : vector<16xf32>
                tpu.vector_store_idx %arg15[%iota3A, %broadcast_in_dim3A_225], %mul3A_227 : memref<16x8xf32, #tpu.memory_space<vmem>>[vector<16xi32>, vector<16xi32>], vector<16xf32>,
                "tpu.region"() ({
                  %run_scoped3A = tpu.sem_alloc : memref<!tpu.dma_semaphore, #tpu.memory_space<semaphore_mem>>
                  %dma_start3A = arith.constant 0 : i32
                  %dma_start3A_228 = arith.constant 0 : i32
                  %dma_start3A_229 = tpu.memref_slice %arg18[%dma_start3A, %dma_start3A_228] : memref<129600x8xf32, #tpu.memory_space<vmem_shared>> -> memref<129600x8xf32, #tpu.memory_space<vmem_shared>>
                  tpu.enqueue_indirect_dma source(%arg15 : memref<16x8xf32, #tpu.memory_space<vmem>>) target(%dma_start3A_229 : memref<129600x8xf32, #tpu.memory_space<vmem_shared>>) offsets(%arg16 : memref<16xi32, #tpu.memory_space<vmem>>) semaphore(%run_scoped3A : memref<!tpu.dma_semaphore, #tpu.memory_space<semaphore_mem>>) {add = true}
                  %dma_wait3A = arith.constant 0 : i32
                  %dma_wait3A_230 = arith.constant 0 : i32
                  %dma_wait3A_231 = tpu.memref_slice %arg18[%dma_wait3A, %dma_wait3A_230] : memref<129600x8xf32, #tpu.memory_space<vmem_shared>> -> memref<129600x8xf32, #tpu.memory_space<vmem_shared>>
                  tpu.wait_indirect_dma semaphore(%run_scoped3A : memref<!tpu.dma_semaphore, #tpu.memory_space<semaphore_mem>>) src(%arg15 : memref<16x8xf32, #tpu.memory_space<vmem>>) dst(%dma_wait3A_231 : memref<129600x8xf32, #tpu.memory_space<vmem_shared>>)
                  tpu.yield
                }) : () -> ()
              } else {
              }
              %scan3A_188 = arith.constant 0 : i32
              scf.yield %scan3A_188 : i32
            }
            %scan3A_163 = arith.constant 16 : i32
          } else {
          }
          %scan3A_156 = arith.constant 0 : i32
          scf.yield %scan3A_156 : i32
        }
        %scan3A_134 = arith.constant 5 : i32
      } else {
      }
      %scan3A_127 = arith.constant 0 : i32
      scf.yield %scan3A_127 : i32
    }
    %scan3A_25 = arith.constant 30 : i32
    %barrier3A_26 = arith.constant 0 : index
    tpu.barrier barrier_id(%barrier3A_26)
    "tpu.region"() ({
      %run_scoped3A = tpu.sem_alloc : memref<!tpu.dma_semaphore, #tpu.memory_space<semaphore_mem>>
      %dma_start3A = arith.constant 0 : i32
      %dma_start3A_112 = tpu.memref_slice %arg8[%add3A_18, %mul3A_2, %dma_start3A] : memref<10x129600x8xf32, #tpu.memory_space<hbm>> -> memref<1x8100x8xf32, #tpu.memory_space<hbm>>
      %dma_start3A_113 = tpu.memref_squeeze %dma_start3A_112 : memref<1x8100x8xf32, #tpu.memory_space<hbm>> -> memref<8100x8xf32, #tpu.memory_space<hbm>>
      %dma_start3A_114 = arith.constant 0 : i32
      %dma_start3A_115 = tpu.memref_slice %arg18[%mul3A_2, %dma_start3A_114] : memref<129600x8xf32, #tpu.memory_space<vmem_shared>> -> memref<8100x8xf32, #tpu.memory_space<vmem_shared>>
      tpu.enqueue_dma source(%dma_start3A_115 : memref<8100x8xf32, #tpu.memory_space<vmem_shared>>) target(%dma_start3A_113 : memref<8100x8xf32, #tpu.memory_space<hbm>>) target_semaphore(%run_scoped3A : memref<!tpu.dma_semaphore, #tpu.memory_space<semaphore_mem>>)
      %dma_wait3A = arith.constant 0 : i32
      %dma_wait3A_116 = tpu.memref_slice %arg8[%add3A_18, %mul3A_2, %dma_wait3A] : memref<10x129600x8xf32, #tpu.memory_space<hbm>> -> memref<1x8100x8xf32, #tpu.memory_space<hbm>>
      %dma_wait3A_117 = tpu.memref_squeeze %dma_wait3A_116 : memref<1x8100x8xf32, #tpu.memory_space<hbm>> -> memref<8100x8xf32, #tpu.memory_space<hbm>>
      %dma_wait3A_118 = arith.constant 0 : i32
      %dma_wait3A_119 = tpu.memref_slice %arg18[%mul3A_2, %dma_wait3A_118] : memref<129600x8xf32, #tpu.memory_space<vmem_shared>> -> memref<8100x8xf32, #tpu.memory_space<vmem_shared>>
      tpu.wait_dma2 semaphore(%run_scoped3A : memref<!tpu.dma_semaphore, #tpu.memory_space<semaphore_mem>>) src(%dma_wait3A_119 : memref<8100x8xf32, #tpu.memory_space<vmem_shared>>) dst(%dma_wait3A_117 : memref<8100x8xf32, #tpu.memory_space<hbm>>)
      tpu.yield
    }) : () -> ()
    %barrier3A_27 = arith.constant 0 : index
    tpu.barrier barrier_id(%barrier3A_27)
    %scan3A_28 = arith.constant 0 : i32
    %scan3A_29 = arith.constant 0 : i32
    %scan3A_30 = arith.constant 30 : i32
    %scan3A_31 = arith.addi %scan3A_29, %scan3A_30 : i32
    %scan3A_32 = arith.constant 1 : i32
    %scan3A_33 = scf.for %scan3A_112 = %scan3A_29 to %scan3A_31 step %scan3A_32 iter_args(%scan3A_113 = %scan3A_28) -> (i32)  : i32 {
      %broadcast_in_dim3A = vector.broadcast %scan3A_112 : i32 to vector<16xi32>
      %gather3A = tpu.vector_load_idx %arg12[%broadcast_in_dim3A] : memref<32xi32, #tpu.memory_space<vmem>>[vector<16xi32>], vector<16xi32>,
      %ne3A = arith.constant 0 : i32
      %ne3A_114 = vector.broadcast %ne3A : i32 to vector<16xi32>
      %ne3A_115 = arith.cmpi ne, %gather3A, %ne3A_114 : vector<16xi32>
      %reduce_or3A = arith.constant 1.000000e+00 : f32
      %reduce_or3A_116 = arith.constant 0.000000e+00 : f32
      %reduce_or3A_117 = vector.broadcast %reduce_or3A : f32 to vector<16xf32>
      %reduce_or3A_118 = vector.broadcast %reduce_or3A_116 : f32 to vector<16xf32>
      %reduce_or3A_119 = arith.select %ne3A_115, %reduce_or3A_117, %reduce_or3A_118 : vector<16xi1>, vector<16xf32>
      %reduce_or3A_120 = arith.constant true
      %reduce_or3A_121 = vector.broadcast %reduce_or3A_120 : i1 to vector<16xi1>
      %reduce_or3A_122 = tpu.scan <max>, %reduce_or3A_119 masked %reduce_or3A_121 : vector<16xf32>, vector<16xi1> -> vector<16xf32>
      %reduce_or3A_123 = vector.extract %reduce_or3A_122[15] : f32 from vector<16xf32>
      %reduce_or3A_124 = arith.constant 0.000000e+00 : f32
      %reduce_or3A_125 = arith.cmpf ogt, %reduce_or3A_123, %reduce_or3A_124 : f32
      %convert_element_type3A = arith.extui %reduce_or3A_125 : i1 to i32
      %cond3A = arith.constant 0 : i32
      %cond3A_126 = arith.cmpi ne, %convert_element_type3A, %cond3A : i32
      scf.if %cond3A_126 {
        "tpu.region"() ({
          %run_scoped3A = tpu.sem_alloc : memref<!tpu.dma_semaphore, #tpu.memory_space<semaphore_mem>>
          %dma_start3A = tpu.memref_slice %arg3[%scan3A_112, %mul3A_0] : memref<30x16896xi32, #tpu.memory_space<hbm>> -> memref<1x1056xi32, #tpu.memory_space<hbm>>
          %dma_start3A_135 = tpu.memref_squeeze %dma_start3A : memref<1x1056xi32, #tpu.memory_space<hbm>> -> memref<1056xi32, #tpu.memory_space<hbm>>
          %dma_start3A_136 = tpu.memref_slice %arg3[%scan3A_112, %mul3A_0] : memref<30x16896xi32, #tpu.memory_space<hbm>> -> memref<1x1056xi32, #tpu.memory_space<hbm>>
          %dma_start3A_137 = tpu.memref_squeeze %dma_start3A_136 : memref<1x1056xi32, #tpu.memory_space<hbm>> -> memref<1056xi32, #tpu.memory_space<hbm>>
          tpu.enqueue_dma source(%dma_start3A_137 : memref<1056xi32, #tpu.memory_space<hbm>>) target(%arg10 : memref<1056xi32, #tpu.memory_space<vmem>>) target_semaphore(%run_scoped3A : memref<!tpu.dma_semaphore, #tpu.memory_space<semaphore_mem>>)
          %dma_wait3A = tpu.memref_slice %arg3[%scan3A_112, %mul3A_0] : memref<30x16896xi32, #tpu.memory_space<hbm>> -> memref<1x1056xi32, #tpu.memory_space<hbm>>
          %dma_wait3A_138 = tpu.memref_squeeze %dma_wait3A : memref<1x1056xi32, #tpu.memory_space<hbm>> -> memref<1056xi32, #tpu.memory_space<hbm>>
          %dma_wait3A_139 = tpu.memref_slice %arg3[%scan3A_112, %mul3A_0] : memref<30x16896xi32, #tpu.memory_space<hbm>> -> memref<1x1056xi32, #tpu.memory_space<hbm>>
          %dma_wait3A_140 = tpu.memref_squeeze %dma_wait3A_139 : memref<1x1056xi32, #tpu.memory_space<hbm>> -> memref<1056xi32, #tpu.memory_space<hbm>>
          tpu.wait_dma2 semaphore(%run_scoped3A : memref<!tpu.dma_semaphore, #tpu.memory_space<semaphore_mem>>) src(%dma_wait3A_140 : memref<1056xi32, #tpu.memory_space<hbm>>) dst(%arg10 : memref<1056xi32, #tpu.memory_space<vmem>>)
          tpu.yield
        }) : () -> ()
        %scan3A_128 = arith.constant 0 : i32
        %scan3A_129 = arith.constant 0 : i32
        %scan3A_130 = arith.constant 5 : i32
        %scan3A_131 = arith.addi %scan3A_129, %scan3A_130 : i32
        %scan3A_132 = arith.constant 1 : i32
        %scan3A_133 = scf.for %scan3A_135 = %scan3A_129 to %scan3A_131 step %scan3A_132 iter_args(%scan3A_136 = %scan3A_128) -> (i32)  : i32 {
          %broadcast_in_dim3A_137 = vector.broadcast %scan3A_135 : i32 to vector<16xi32>
          %gather3A_138 = tpu.vector_load_idx %arg13[%broadcast_in_dim3A, %broadcast_in_dim3A_137] : memref<30x8xi32, #tpu.memory_space<vmem>>[vector<16xi32>, vector<16xi32>], vector<16xi32>,
          %ne3A_139 = arith.constant 0 : i32
          %ne3A_140 = vector.broadcast %ne3A_139 : i32 to vector<16xi32>
          %ne3A_141 = arith.cmpi ne, %gather3A_138, %ne3A_140 : vector<16xi32>
          %reduce_or3A_142 = arith.constant 1.000000e+00 : f32
          %reduce_or3A_143 = arith.constant 0.000000e+00 : f32
          %reduce_or3A_144 = vector.broadcast %reduce_or3A_142 : f32 to vector<16xf32>
          %reduce_or3A_145 = vector.broadcast %reduce_or3A_143 : f32 to vector<16xf32>
          %reduce_or3A_146 = arith.select %ne3A_141, %reduce_or3A_144, %reduce_or3A_145 : vector<16xi1>, vector<16xf32>
          %reduce_or3A_147 = arith.constant true
          %reduce_or3A_148 = vector.broadcast %reduce_or3A_147 : i1 to vector<16xi1>
          %reduce_or3A_149 = tpu.scan <max>, %reduce_or3A_146 masked %reduce_or3A_148 : vector<16xf32>, vector<16xi1> -> vector<16xf32>
          %reduce_or3A_150 = vector.extract %reduce_or3A_149[15] : f32 from vector<16xf32>
          %reduce_or3A_151 = arith.constant 0.000000e+00 : f32
          %reduce_or3A_152 = arith.cmpf ogt, %reduce_or3A_150, %reduce_or3A_151 : f32
          %convert_element_type3A_153 = arith.extui %reduce_or3A_152 : i1 to i32
          %cond3A_154 = arith.constant 0 : i32
          %cond3A_155 = arith.cmpi ne, %convert_element_type3A_153, %cond3A_154 : i32
          scf.if %cond3A_155 {
            %scan3A_157 = arith.constant 0 : i32
            %scan3A_158 = arith.constant 0 : i32
            %scan3A_159 = arith.constant 16 : i32
            %scan3A_160 = arith.addi %scan3A_158, %scan3A_159 : i32
            %scan3A_161 = arith.constant 1 : i32
            %scan3A_162 = scf.for %scan3A_164 = %scan3A_158 to %scan3A_160 step %scan3A_161 iter_args(%scan3A_165 = %scan3A_157) -> (i32)  : i32 {
              %mul3A_166 = arith.constant 16 : i32
              %mul3A_167 = arith.muli %scan3A_135, %mul3A_166 : i32
              %add3A_168 = arith.addi %mul3A_167, %scan3A_164 : i32
              %broadcast_in_dim3A_169 = vector.broadcast %add3A_168 : i32 to vector<16xi32>
              %gather3A_170 = tpu.vector_load_idx %arg14[%broadcast_in_dim3A, %broadcast_in_dim3A_169] : memref<30x80xi32, #tpu.memory_space<vmem>>[vector<16xi32>, vector<16xi32>], vector<16xi32>,
              %ne3A_171 = arith.constant 0 : i32
              %ne3A_172 = vector.broadcast %ne3A_171 : i32 to vector<16xi32>
              %ne3A_173 = arith.cmpi ne, %gather3A_170, %ne3A_172 : vector<16xi32>
              %reduce_or3A_174 = arith.constant 1.000000e+00 : f32
              %reduce_or3A_175 = arith.constant 0.000000e+00 : f32
              %reduce_or3A_176 = vector.broadcast %reduce_or3A_174 : f32 to vector<16xf32>
              %reduce_or3A_177 = vector.broadcast %reduce_or3A_175 : f32 to vector<16xf32>
              %reduce_or3A_178 = arith.select %ne3A_173, %reduce_or3A_176, %reduce_or3A_177 : vector<16xi1>, vector<16xf32>
              %reduce_or3A_179 = arith.constant true
              %reduce_or3A_180 = vector.broadcast %reduce_or3A_179 : i1 to vector<16xi1>
              %reduce_or3A_181 = tpu.scan <max>, %reduce_or3A_178 masked %reduce_or3A_180 : vector<16xf32>, vector<16xi1> -> vector<16xf32>
              %reduce_or3A_182 = vector.extract %reduce_or3A_181[15] : f32 from vector<16xf32>
              %reduce_or3A_183 = arith.constant 0.000000e+00 : f32
              %reduce_or3A_184 = arith.cmpf ogt, %reduce_or3A_182, %reduce_or3A_183 : f32
              %convert_element_type3A_185 = arith.extui %reduce_or3A_184 : i1 to i32
              %cond3A_186 = arith.constant 0 : i32
              %cond3A_187 = arith.cmpi ne, %convert_element_type3A_185, %cond3A_186 : i32
              scf.if %cond3A_187 {
                %mul3A_189 = arith.constant 16 : i32
                %mul3A_190 = arith.muli %add3A_168, %mul3A_189 : i32
                %add3A_191 = vector.broadcast %mul3A_190 : i32 to vector<16xi32>
                %add3A_192 = arith.addi %add3A_191, %iota3A : vector<16xi32>
                %gather3A_193 = tpu.vector_load_idx %arg10[%add3A_192] : memref<1056xi32, #tpu.memory_space<vmem>>[vector<16xi32>], vector<16xi32>,
                %swap3A = arith.constant 0 : index
                %swap3A_194 = tpu.vector_load %arg16[%swap3A] {strides = array<i32>} : memref<16xi32, #tpu.memory_space<vmem>>, vector<16xi32>,
                tpu.vector_store %arg16[%swap3A], %gather3A_193 {strides = array<i32>} : memref<16xi32, #tpu.memory_space<vmem>>, vector<16xi32>,
                "tpu.region"() ({
                  %run_scoped3A = tpu.sem_alloc : memref<!tpu.dma_semaphore, #tpu.memory_space<semaphore_mem>>
                  %dma_start3A = arith.constant 0 : i32
                  %dma_start3A_195 = arith.constant 0 : i32
                  %dma_start3A_196 = tpu.memref_slice %arg17[%dma_start3A, %dma_start3A_195] : memref<675x8xf32, #tpu.memory_space<vmem>> -> memref<16x8xf32, #tpu.memory_space<vmem>>
                  %dma_start3A_197 = arith.constant 0 : i32
                  %dma_start3A_198 = arith.constant 0 : i32
                  %dma_start3A_199 = tpu.memref_slice %arg18[%dma_start3A_197, %dma_start3A_198] : memref<129600x8xf32, #tpu.memory_space<vmem_shared>> -> memref<129600x8xf32, #tpu.memory_space<vmem_shared>>
                  tpu.enqueue_indirect_dma source(%dma_start3A_196 : memref<16x8xf32, #tpu.memory_space<vmem>>) target(%dma_start3A_199 : memref<129600x8xf32, #tpu.memory_space<vmem_shared>>) offsets(%arg16 : memref<16xi32, #tpu.memory_space<vmem>>) semaphore(%run_scoped3A : memref<!tpu.dma_semaphore, #tpu.memory_space<semaphore_mem>>)
                  %dma_wait3A = arith.constant 0 : i32
                  %dma_wait3A_200 = arith.constant 0 : i32
                  %dma_wait3A_201 = tpu.memref_slice %arg17[%dma_wait3A, %dma_wait3A_200] : memref<675x8xf32, #tpu.memory_space<vmem>> -> memref<16x8xf32, #tpu.memory_space<vmem>>
                  %dma_wait3A_202 = arith.constant 0 : i32
                  %dma_wait3A_203 = arith.constant 0 : i32
                  %dma_wait3A_204 = tpu.memref_slice %arg18[%dma_wait3A_202, %dma_wait3A_203] : memref<129600x8xf32, #tpu.memory_space<vmem_shared>> -> memref<129600x8xf32, #tpu.memory_space<vmem_shared>>
                  tpu.wait_indirect_dma semaphore(%run_scoped3A : memref<!tpu.dma_semaphore, #tpu.memory_space<semaphore_mem>>) src(%dma_wait3A_201 : memref<16x8xf32, #tpu.memory_space<vmem>>) dst(%dma_wait3A_204 : memref<129600x8xf32, #tpu.memory_space<vmem_shared>>)
                  tpu.yield
                }) : () -> ()
              } else {
              }
              %scan3A_188 = arith.constant 0 : i32
              scf.yield %scan3A_188 : i32
            }
            %scan3A_163 = arith.constant 16 : i32
          } else {
          }
          %scan3A_156 = arith.constant 0 : i32
          scf.yield %scan3A_156 : i32
        }
        %scan3A_134 = arith.constant 5 : i32
      } else {
      }
      %scan3A_127 = arith.constant 0 : i32
      scf.yield %scan3A_127 : i32
    }
    %scan3A_34 = arith.constant 30 : i32
    %mul3A_35 = arith.constant 5 : i32
    %mul3A_36 = arith.muli %arg0, %mul3A_35 : i32
    %add3A_37 = arith.constant 1 : i32
    %add3A_38 = arith.addi %mul3A_36, %add3A_37 : i32
    "tpu.region"() ({
      %run_scoped3A = tpu.sem_alloc : memref<!tpu.dma_semaphore, #tpu.memory_space<semaphore_mem>>
      %dma_start3A = arith.constant 0 : i32
      %dma_start3A_112 = tpu.memref_slice %arg4[%add3A_38, %mul3A_0, %dma_start3A] : memref<10x16896x8xf32, #tpu.memory_space<hbm>> -> memref<1x1056x8xf32, #tpu.memory_space<hbm>>
      %dma_start3A_113 = tpu.memref_squeeze %dma_start3A_112 : memref<1x1056x8xf32, #tpu.memory_space<hbm>> -> memref<1056x8xf32, #tpu.memory_space<hbm>>
      %dma_start3A_114 = arith.constant 0 : i32
      %dma_start3A_115 = tpu.memref_slice %arg4[%add3A_38, %mul3A_0, %dma_start3A_114] : memref<10x16896x8xf32, #tpu.memory_space<hbm>> -> memref<1x1056x8xf32, #tpu.memory_space<hbm>>
      %dma_start3A_116 = tpu.memref_squeeze %dma_start3A_115 : memref<1x1056x8xf32, #tpu.memory_space<hbm>> -> memref<1056x8xf32, #tpu.memory_space<hbm>>
      tpu.enqueue_dma source(%dma_start3A_116 : memref<1056x8xf32, #tpu.memory_space<hbm>>) target(%arg11 : memref<1056x8xf32, #tpu.memory_space<vmem>>) target_semaphore(%run_scoped3A : memref<!tpu.dma_semaphore, #tpu.memory_space<semaphore_mem>>)
      %dma_wait3A = arith.constant 0 : i32
      %dma_wait3A_117 = tpu.memref_slice %arg4[%add3A_38, %mul3A_0, %dma_wait3A] : memref<10x16896x8xf32, #tpu.memory_space<hbm>> -> memref<1x1056x8xf32, #tpu.memory_space<hbm>>
      %dma_wait3A_118 = tpu.memref_squeeze %dma_wait3A_117 : memref<1x1056x8xf32, #tpu.memory_space<hbm>> -> memref<1056x8xf32, #tpu.memory_space<hbm>>
      %dma_wait3A_119 = arith.constant 0 : i32
      %dma_wait3A_120 = tpu.memref_slice %arg4[%add3A_38, %mul3A_0, %dma_wait3A_119] : memref<10x16896x8xf32, #tpu.memory_space<hbm>> -> memref<1x1056x8xf32, #tpu.memory_space<hbm>>
      %dma_wait3A_121 = tpu.memref_squeeze %dma_wait3A_120 : memref<1x1056x8xf32, #tpu.memory_space<hbm>> -> memref<1056x8xf32, #tpu.memory_space<hbm>>
      tpu.wait_dma2 semaphore(%run_scoped3A : memref<!tpu.dma_semaphore, #tpu.memory_space<semaphore_mem>>) src(%dma_wait3A_121 : memref<1056x8xf32, #tpu.memory_space<hbm>>) dst(%arg11 : memref<1056x8xf32, #tpu.memory_space<vmem>>)
      tpu.yield
    }) : () -> ()
    %barrier3A_39 = arith.constant 0 : index
    tpu.barrier barrier_id(%barrier3A_39)
    %scan3A_40 = arith.constant 0 : i32
    %scan3A_41 = arith.constant 0 : i32
    %scan3A_42 = arith.constant 30 : i32
    %scan3A_43 = arith.addi %scan3A_41, %scan3A_42 : i32
    %scan3A_44 = arith.constant 1 : i32
    %scan3A_45 = scf.for %scan3A_112 = %scan3A_41 to %scan3A_43 step %scan3A_44 iter_args(%scan3A_113 = %scan3A_40) -> (i32)  : i32 {
      %broadcast_in_dim3A = vector.broadcast %scan3A_112 : i32 to vector<16xi32>
      %gather3A = tpu.vector_load_idx %arg12[%broadcast_in_dim3A] : memref<32xi32, #tpu.memory_space<vmem>>[vector<16xi32>], vector<16xi32>,
      %ne3A = arith.constant 0 : i32
      %ne3A_114 = vector.broadcast %ne3A : i32 to vector<16xi32>
      %ne3A_115 = arith.cmpi ne, %gather3A, %ne3A_114 : vector<16xi32>
      %reduce_or3A = arith.constant 1.000000e+00 : f32
      %reduce_or3A_116 = arith.constant 0.000000e+00 : f32
      %reduce_or3A_117 = vector.broadcast %reduce_or3A : f32 to vector<16xf32>
      %reduce_or3A_118 = vector.broadcast %reduce_or3A_116 : f32 to vector<16xf32>
      %reduce_or3A_119 = arith.select %ne3A_115, %reduce_or3A_117, %reduce_or3A_118 : vector<16xi1>, vector<16xf32>
      %reduce_or3A_120 = arith.constant true
      %reduce_or3A_121 = vector.broadcast %reduce_or3A_120 : i1 to vector<16xi1>
      %reduce_or3A_122 = tpu.scan <max>, %reduce_or3A_119 masked %reduce_or3A_121 : vector<16xf32>, vector<16xi1> -> vector<16xf32>
      %reduce_or3A_123 = vector.extract %reduce_or3A_122[15] : f32 from vector<16xf32>
      %reduce_or3A_124 = arith.constant 0.000000e+00 : f32
      %reduce_or3A_125 = arith.cmpf ogt, %reduce_or3A_123, %reduce_or3A_124 : f32
      %convert_element_type3A = arith.extui %reduce_or3A_125 : i1 to i32
      %cond3A = arith.constant 0 : i32
      %cond3A_126 = arith.cmpi ne, %convert_element_type3A, %cond3A : i32
      scf.if %cond3A_126 {
        "tpu.region"() ({
          %run_scoped3A = tpu.sem_alloc : memref<!tpu.dma_semaphore, #tpu.memory_space<semaphore_mem>>
          %dma_start3A = tpu.memref_slice %arg2[%scan3A_112, %mul3A_0] : memref<30x16896xf32, #tpu.memory_space<hbm>> -> memref<1x1056xf32, #tpu.memory_space<hbm>>
          %dma_start3A_135 = tpu.memref_squeeze %dma_start3A : memref<1x1056xf32, #tpu.memory_space<hbm>> -> memref<1056xf32, #tpu.memory_space<hbm>>
          %dma_start3A_136 = tpu.memref_slice %arg2[%scan3A_112, %mul3A_0] : memref<30x16896xf32, #tpu.memory_space<hbm>> -> memref<1x1056xf32, #tpu.memory_space<hbm>>
          %dma_start3A_137 = tpu.memref_squeeze %dma_start3A_136 : memref<1x1056xf32, #tpu.memory_space<hbm>> -> memref<1056xf32, #tpu.memory_space<hbm>>
          tpu.enqueue_dma source(%dma_start3A_137 : memref<1056xf32, #tpu.memory_space<hbm>>) target(%arg9 : memref<1056xf32, #tpu.memory_space<vmem>>) target_semaphore(%run_scoped3A : memref<!tpu.dma_semaphore, #tpu.memory_space<semaphore_mem>>)
          %dma_wait3A = tpu.memref_slice %arg2[%scan3A_112, %mul3A_0] : memref<30x16896xf32, #tpu.memory_space<hbm>> -> memref<1x1056xf32, #tpu.memory_space<hbm>>
          %dma_wait3A_138 = tpu.memref_squeeze %dma_wait3A : memref<1x1056xf32, #tpu.memory_space<hbm>> -> memref<1056xf32, #tpu.memory_space<hbm>>
          %dma_wait3A_139 = tpu.memref_slice %arg2[%scan3A_112, %mul3A_0] : memref<30x16896xf32, #tpu.memory_space<hbm>> -> memref<1x1056xf32, #tpu.memory_space<hbm>>
          %dma_wait3A_140 = tpu.memref_squeeze %dma_wait3A_139 : memref<1x1056xf32, #tpu.memory_space<hbm>> -> memref<1056xf32, #tpu.memory_space<hbm>>
          tpu.wait_dma2 semaphore(%run_scoped3A : memref<!tpu.dma_semaphore, #tpu.memory_space<semaphore_mem>>) src(%dma_wait3A_140 : memref<1056xf32, #tpu.memory_space<hbm>>) dst(%arg9 : memref<1056xf32, #tpu.memory_space<vmem>>)
          tpu.yield
        }) : () -> ()
        "tpu.region"() ({
          %run_scoped3A = tpu.sem_alloc : memref<!tpu.dma_semaphore, #tpu.memory_space<semaphore_mem>>
          %dma_start3A = tpu.memref_slice %arg3[%scan3A_112, %mul3A_0] : memref<30x16896xi32, #tpu.memory_space<hbm>> -> memref<1x1056xi32, #tpu.memory_space<hbm>>
          %dma_start3A_135 = tpu.memref_squeeze %dma_start3A : memref<1x1056xi32, #tpu.memory_space<hbm>> -> memref<1056xi32, #tpu.memory_space<hbm>>
          %dma_start3A_136 = tpu.memref_slice %arg3[%scan3A_112, %mul3A_0] : memref<30x16896xi32, #tpu.memory_space<hbm>> -> memref<1x1056xi32, #tpu.memory_space<hbm>>
          %dma_start3A_137 = tpu.memref_squeeze %dma_start3A_136 : memref<1x1056xi32, #tpu.memory_space<hbm>> -> memref<1056xi32, #tpu.memory_space<hbm>>
          tpu.enqueue_dma source(%dma_start3A_137 : memref<1056xi32, #tpu.memory_space<hbm>>) target(%arg10 : memref<1056xi32, #tpu.memory_space<vmem>>) target_semaphore(%run_scoped3A : memref<!tpu.dma_semaphore, #tpu.memory_space<semaphore_mem>>)
          %dma_wait3A = tpu.memref_slice %arg3[%scan3A_112, %mul3A_0] : memref<30x16896xi32, #tpu.memory_space<hbm>> -> memref<1x1056xi32, #tpu.memory_space<hbm>>
          %dma_wait3A_138 = tpu.memref_squeeze %dma_wait3A : memref<1x1056xi32, #tpu.memory_space<hbm>> -> memref<1056xi32, #tpu.memory_space<hbm>>
          %dma_wait3A_139 = tpu.memref_slice %arg3[%scan3A_112, %mul3A_0] : memref<30x16896xi32, #tpu.memory_space<hbm>> -> memref<1x1056xi32, #tpu.memory_space<hbm>>
          %dma_wait3A_140 = tpu.memref_squeeze %dma_wait3A_139 : memref<1x1056xi32, #tpu.memory_space<hbm>> -> memref<1056xi32, #tpu.memory_space<hbm>>
          tpu.wait_dma2 semaphore(%run_scoped3A : memref<!tpu.dma_semaphore, #tpu.memory_space<semaphore_mem>>) src(%dma_wait3A_140 : memref<1056xi32, #tpu.memory_space<hbm>>) dst(%arg10 : memref<1056xi32, #tpu.memory_space<vmem>>)
          tpu.yield
        }) : () -> ()
        %scan3A_128 = arith.constant 0 : i32
        %scan3A_129 = arith.constant 0 : i32
        %scan3A_130 = arith.constant 5 : i32
        %scan3A_131 = arith.addi %scan3A_129, %scan3A_130 : i32
        %scan3A_132 = arith.constant 1 : i32
        %scan3A_133 = scf.for %scan3A_135 = %scan3A_129 to %scan3A_131 step %scan3A_132 iter_args(%scan3A_136 = %scan3A_128) -> (i32)  : i32 {
          %broadcast_in_dim3A_137 = vector.broadcast %scan3A_135 : i32 to vector<16xi32>
          %gather3A_138 = tpu.vector_load_idx %arg13[%broadcast_in_dim3A, %broadcast_in_dim3A_137] : memref<30x8xi32, #tpu.memory_space<vmem>>[vector<16xi32>, vector<16xi32>], vector<16xi32>,
          %ne3A_139 = arith.constant 0 : i32
          %ne3A_140 = vector.broadcast %ne3A_139 : i32 to vector<16xi32>
          %ne3A_141 = arith.cmpi ne, %gather3A_138, %ne3A_140 : vector<16xi32>
          %reduce_or3A_142 = arith.constant 1.000000e+00 : f32
          %reduce_or3A_143 = arith.constant 0.000000e+00 : f32
          %reduce_or3A_144 = vector.broadcast %reduce_or3A_142 : f32 to vector<16xf32>
          %reduce_or3A_145 = vector.broadcast %reduce_or3A_143 : f32 to vector<16xf32>
          %reduce_or3A_146 = arith.select %ne3A_141, %reduce_or3A_144, %reduce_or3A_145 : vector<16xi1>, vector<16xf32>
          %reduce_or3A_147 = arith.constant true
          %reduce_or3A_148 = vector.broadcast %reduce_or3A_147 : i1 to vector<16xi1>
          %reduce_or3A_149 = tpu.scan <max>, %reduce_or3A_146 masked %reduce_or3A_148 : vector<16xf32>, vector<16xi1> -> vector<16xf32>
          %reduce_or3A_150 = vector.extract %reduce_or3A_149[15] : f32 from vector<16xf32>
          %reduce_or3A_151 = arith.constant 0.000000e+00 : f32
          %reduce_or3A_152 = arith.cmpf ogt, %reduce_or3A_150, %reduce_or3A_151 : f32
          %convert_element_type3A_153 = arith.extui %reduce_or3A_152 : i1 to i32
          %cond3A_154 = arith.constant 0 : i32
          %cond3A_155 = arith.cmpi ne, %convert_element_type3A_153, %cond3A_154 : i32
          scf.if %cond3A_155 {
            %scan3A_157 = arith.constant 0 : i32
            %scan3A_158 = arith.constant 0 : i32
            %scan3A_159 = arith.constant 16 : i32
            %scan3A_160 = arith.addi %scan3A_158, %scan3A_159 : i32
            %scan3A_161 = arith.constant 1 : i32
            %scan3A_162 = scf.for %scan3A_164 = %scan3A_158 to %scan3A_160 step %scan3A_161 iter_args(%scan3A_165 = %scan3A_157) -> (i32)  : i32 {
              %mul3A_166 = arith.constant 16 : i32
              %mul3A_167 = arith.muli %scan3A_135, %mul3A_166 : i32
              %add3A_168 = arith.addi %mul3A_167, %scan3A_164 : i32
              %broadcast_in_dim3A_169 = vector.broadcast %add3A_168 : i32 to vector<16xi32>
              %gather3A_170 = tpu.vector_load_idx %arg14[%broadcast_in_dim3A, %broadcast_in_dim3A_169] : memref<30x80xi32, #tpu.memory_space<vmem>>[vector<16xi32>, vector<16xi32>], vector<16xi32>,
              %ne3A_171 = arith.constant 0 : i32
              %ne3A_172 = vector.broadcast %ne3A_171 : i32 to vector<16xi32>
              %ne3A_173 = arith.cmpi ne, %gather3A_170, %ne3A_172 : vector<16xi32>
              %reduce_or3A_174 = arith.constant 1.000000e+00 : f32
              %reduce_or3A_175 = arith.constant 0.000000e+00 : f32
              %reduce_or3A_176 = vector.broadcast %reduce_or3A_174 : f32 to vector<16xf32>
              %reduce_or3A_177 = vector.broadcast %reduce_or3A_175 : f32 to vector<16xf32>
              %reduce_or3A_178 = arith.select %ne3A_173, %reduce_or3A_176, %reduce_or3A_177 : vector<16xi1>, vector<16xf32>
              %reduce_or3A_179 = arith.constant true
              %reduce_or3A_180 = vector.broadcast %reduce_or3A_179 : i1 to vector<16xi1>
              %reduce_or3A_181 = tpu.scan <max>, %reduce_or3A_178 masked %reduce_or3A_180 : vector<16xf32>, vector<16xi1> -> vector<16xf32>
              %reduce_or3A_182 = vector.extract %reduce_or3A_181[15] : f32 from vector<16xf32>
              %reduce_or3A_183 = arith.constant 0.000000e+00 : f32
              %reduce_or3A_184 = arith.cmpf ogt, %reduce_or3A_182, %reduce_or3A_183 : f32
              %convert_element_type3A_185 = arith.extui %reduce_or3A_184 : i1 to i32
              %cond3A_186 = arith.constant 0 : i32
              %cond3A_187 = arith.cmpi ne, %convert_element_type3A_185, %cond3A_186 : i32
              scf.if %cond3A_187 {
                %mul3A_189 = arith.constant 16 : i32
                %mul3A_190 = arith.muli %add3A_168, %mul3A_189 : i32
                %add3A_191 = vector.broadcast %mul3A_190 : i32 to vector<16xi32>
                %add3A_192 = arith.addi %add3A_191, %iota3A : vector<16xi32>
                %gather3A_193 = tpu.vector_load_idx %arg10[%add3A_192] : memref<1056xi32, #tpu.memory_space<vmem>>[vector<16xi32>], vector<16xi32>,
                %swap3A = arith.constant 0 : index
                %swap3A_194 = tpu.vector_load %arg16[%swap3A] {strides = array<i32>} : memref<16xi32, #tpu.memory_space<vmem>>, vector<16xi32>,
                tpu.vector_store %arg16[%swap3A], %gather3A_193 {strides = array<i32>} : memref<16xi32, #tpu.memory_space<vmem>>, vector<16xi32>,
                %gather3A_195 = tpu.vector_load_idx %arg9[%add3A_192] : memref<1056xf32, #tpu.memory_space<vmem>>[vector<16xi32>], vector<16xf32>,
                %broadcast_in_dim3A_196 = arith.constant 0 : i32
                %broadcast_in_dim3A_197 = vector.broadcast %broadcast_in_dim3A_196 : i32 to vector<16xi32>
                %gather3A_198 = tpu.vector_load_idx %arg11[%add3A_192, %broadcast_in_dim3A_197] : memref<1056x8xf32, #tpu.memory_space<vmem>>[vector<16xi32>, vector<16xi32>], vector<16xf32>,
                %mul3A_199 = arith.mulf %gather3A_195, %gather3A_198 : vector<16xf32>
                tpu.vector_store_idx %arg15[%iota3A, %broadcast_in_dim3A_197], %mul3A_199 : memref<16x8xf32, #tpu.memory_space<vmem>>[vector<16xi32>, vector<16xi32>], vector<16xf32>,
                %broadcast_in_dim3A_200 = arith.constant 1 : i32
                %broadcast_in_dim3A_201 = vector.broadcast %broadcast_in_dim3A_200 : i32 to vector<16xi32>
                %gather3A_202 = tpu.vector_load_idx %arg11[%add3A_192, %broadcast_in_dim3A_201] : memref<1056x8xf32, #tpu.memory_space<vmem>>[vector<16xi32>, vector<16xi32>], vector<16xf32>,
                %mul3A_203 = arith.mulf %gather3A_195, %gather3A_202 : vector<16xf32>
                tpu.vector_store_idx %arg15[%iota3A, %broadcast_in_dim3A_201], %mul3A_203 : memref<16x8xf32, #tpu.memory_space<vmem>>[vector<16xi32>, vector<16xi32>], vector<16xf32>,
                %broadcast_in_dim3A_204 = arith.constant 2 : i32
                %broadcast_in_dim3A_205 = vector.broadcast %broadcast_in_dim3A_204 : i32 to vector<16xi32>
                %gather3A_206 = tpu.vector_load_idx %arg11[%add3A_192, %broadcast_in_dim3A_205] : memref<1056x8xf32, #tpu.memory_space<vmem>>[vector<16xi32>, vector<16xi32>], vector<16xf32>,
                %mul3A_207 = arith.mulf %gather3A_195, %gather3A_206 : vector<16xf32>
                tpu.vector_store_idx %arg15[%iota3A, %broadcast_in_dim3A_205], %mul3A_207 : memref<16x8xf32, #tpu.memory_space<vmem>>[vector<16xi32>, vector<16xi32>], vector<16xf32>,
                %broadcast_in_dim3A_208 = arith.constant 3 : i32
                %broadcast_in_dim3A_209 = vector.broadcast %broadcast_in_dim3A_208 : i32 to vector<16xi32>
                %gather3A_210 = tpu.vector_load_idx %arg11[%add3A_192, %broadcast_in_dim3A_209] : memref<1056x8xf32, #tpu.memory_space<vmem>>[vector<16xi32>, vector<16xi32>], vector<16xf32>,
                %mul3A_211 = arith.mulf %gather3A_195, %gather3A_210 : vector<16xf32>
                tpu.vector_store_idx %arg15[%iota3A, %broadcast_in_dim3A_209], %mul3A_211 : memref<16x8xf32, #tpu.memory_space<vmem>>[vector<16xi32>, vector<16xi32>], vector<16xf32>,
                %broadcast_in_dim3A_212 = arith.constant 4 : i32
                %broadcast_in_dim3A_213 = vector.broadcast %broadcast_in_dim3A_212 : i32 to vector<16xi32>
                %gather3A_214 = tpu.vector_load_idx %arg11[%add3A_192, %broadcast_in_dim3A_213] : memref<1056x8xf32, #tpu.memory_space<vmem>>[vector<16xi32>, vector<16xi32>], vector<16xf32>,
                %mul3A_215 = arith.mulf %gather3A_195, %gather3A_214 : vector<16xf32>
                tpu.vector_store_idx %arg15[%iota3A, %broadcast_in_dim3A_213], %mul3A_215 : memref<16x8xf32, #tpu.memory_space<vmem>>[vector<16xi32>, vector<16xi32>], vector<16xf32>,
                %broadcast_in_dim3A_216 = arith.constant 5 : i32
                %broadcast_in_dim3A_217 = vector.broadcast %broadcast_in_dim3A_216 : i32 to vector<16xi32>
                %gather3A_218 = tpu.vector_load_idx %arg11[%add3A_192, %broadcast_in_dim3A_217] : memref<1056x8xf32, #tpu.memory_space<vmem>>[vector<16xi32>, vector<16xi32>], vector<16xf32>,
                %mul3A_219 = arith.mulf %gather3A_195, %gather3A_218 : vector<16xf32>
                tpu.vector_store_idx %arg15[%iota3A, %broadcast_in_dim3A_217], %mul3A_219 : memref<16x8xf32, #tpu.memory_space<vmem>>[vector<16xi32>, vector<16xi32>], vector<16xf32>,
                %broadcast_in_dim3A_220 = arith.constant 6 : i32
                %broadcast_in_dim3A_221 = vector.broadcast %broadcast_in_dim3A_220 : i32 to vector<16xi32>
                %gather3A_222 = tpu.vector_load_idx %arg11[%add3A_192, %broadcast_in_dim3A_221] : memref<1056x8xf32, #tpu.memory_space<vmem>>[vector<16xi32>, vector<16xi32>], vector<16xf32>,
                %mul3A_223 = arith.mulf %gather3A_195, %gather3A_222 : vector<16xf32>
                tpu.vector_store_idx %arg15[%iota3A, %broadcast_in_dim3A_221], %mul3A_223 : memref<16x8xf32, #tpu.memory_space<vmem>>[vector<16xi32>, vector<16xi32>], vector<16xf32>,
                %broadcast_in_dim3A_224 = arith.constant 7 : i32
                %broadcast_in_dim3A_225 = vector.broadcast %broadcast_in_dim3A_224 : i32 to vector<16xi32>
                %gather3A_226 = tpu.vector_load_idx %arg11[%add3A_192, %broadcast_in_dim3A_225] : memref<1056x8xf32, #tpu.memory_space<vmem>>[vector<16xi32>, vector<16xi32>], vector<16xf32>,
                %mul3A_227 = arith.mulf %gather3A_195, %gather3A_226 : vector<16xf32>
                tpu.vector_store_idx %arg15[%iota3A, %broadcast_in_dim3A_225], %mul3A_227 : memref<16x8xf32, #tpu.memory_space<vmem>>[vector<16xi32>, vector<16xi32>], vector<16xf32>,
                "tpu.region"() ({
                  %run_scoped3A = tpu.sem_alloc : memref<!tpu.dma_semaphore, #tpu.memory_space<semaphore_mem>>
                  %dma_start3A = arith.constant 0 : i32
                  %dma_start3A_228 = arith.constant 0 : i32
                  %dma_start3A_229 = tpu.memref_slice %arg18[%dma_start3A, %dma_start3A_228] : memref<129600x8xf32, #tpu.memory_space<vmem_shared>> -> memref<129600x8xf32, #tpu.memory_space<vmem_shared>>
                  tpu.enqueue_indirect_dma source(%arg15 : memref<16x8xf32, #tpu.memory_space<vmem>>) target(%dma_start3A_229 : memref<129600x8xf32, #tpu.memory_space<vmem_shared>>) offsets(%arg16 : memref<16xi32, #tpu.memory_space<vmem>>) semaphore(%run_scoped3A : memref<!tpu.dma_semaphore, #tpu.memory_space<semaphore_mem>>) {add = true}
                  %dma_wait3A = arith.constant 0 : i32
                  %dma_wait3A_230 = arith.constant 0 : i32
                  %dma_wait3A_231 = tpu.memref_slice %arg18[%dma_wait3A, %dma_wait3A_230] : memref<129600x8xf32, #tpu.memory_space<vmem_shared>> -> memref<129600x8xf32, #tpu.memory_space<vmem_shared>>
                  tpu.wait_indirect_dma semaphore(%run_scoped3A : memref<!tpu.dma_semaphore, #tpu.memory_space<semaphore_mem>>) src(%arg15 : memref<16x8xf32, #tpu.memory_space<vmem>>) dst(%dma_wait3A_231 : memref<129600x8xf32, #tpu.memory_space<vmem_shared>>)
                  tpu.yield
                }) : () -> ()
              } else {
              }
              %scan3A_188 = arith.constant 0 : i32
              scf.yield %scan3A_188 : i32
            }
            %scan3A_163 = arith.constant 16 : i32
          } else {
          }
          %scan3A_156 = arith.constant 0 : i32
          scf.yield %scan3A_156 : i32
        }
        %scan3A_134 = arith.constant 5 : i32
      } else {
      }
      %scan3A_127 = arith.constant 0 : i32
      scf.yield %scan3A_127 : i32
    }
    %scan3A_46 = arith.constant 30 : i32
    %barrier3A_47 = arith.constant 0 : index
    tpu.barrier barrier_id(%barrier3A_47)
    "tpu.region"() ({
      %run_scoped3A = tpu.sem_alloc : memref<!tpu.dma_semaphore, #tpu.memory_space<semaphore_mem>>
      %dma_start3A = arith.constant 0 : i32
      %dma_start3A_112 = tpu.memref_slice %arg8[%add3A_38, %mul3A_2, %dma_start3A] : memref<10x129600x8xf32, #tpu.memory_space<hbm>> -> memref<1x8100x8xf32, #tpu.memory_space<hbm>>
      %dma_start3A_113 = tpu.memref_squeeze %dma_start3A_112 : memref<1x8100x8xf32, #tpu.memory_space<hbm>> -> memref<8100x8xf32, #tpu.memory_space<hbm>>
      %dma_start3A_114 = arith.constant 0 : i32
      %dma_start3A_115 = tpu.memref_slice %arg18[%mul3A_2, %dma_start3A_114] : memref<129600x8xf32, #tpu.memory_space<vmem_shared>> -> memref<8100x8xf32, #tpu.memory_space<vmem_shared>>
      tpu.enqueue_dma source(%dma_start3A_115 : memref<8100x8xf32, #tpu.memory_space<vmem_shared>>) target(%dma_start3A_113 : memref<8100x8xf32, #tpu.memory_space<hbm>>) target_semaphore(%run_scoped3A : memref<!tpu.dma_semaphore, #tpu.memory_space<semaphore_mem>>)
      %dma_wait3A = arith.constant 0 : i32
      %dma_wait3A_116 = tpu.memref_slice %arg8[%add3A_38, %mul3A_2, %dma_wait3A] : memref<10x129600x8xf32, #tpu.memory_space<hbm>> -> memref<1x8100x8xf32, #tpu.memory_space<hbm>>
      %dma_wait3A_117 = tpu.memref_squeeze %dma_wait3A_116 : memref<1x8100x8xf32, #tpu.memory_space<hbm>> -> memref<8100x8xf32, #tpu.memory_space<hbm>>
      %dma_wait3A_118 = arith.constant 0 : i32
      %dma_wait3A_119 = tpu.memref_slice %arg18[%mul3A_2, %dma_wait3A_118] : memref<129600x8xf32, #tpu.memory_space<vmem_shared>> -> memref<8100x8xf32, #tpu.memory_space<vmem_shared>>
      tpu.wait_dma2 semaphore(%run_scoped3A : memref<!tpu.dma_semaphore, #tpu.memory_space<semaphore_mem>>) src(%dma_wait3A_119 : memref<8100x8xf32, #tpu.memory_space<vmem_shared>>) dst(%dma_wait3A_117 : memref<8100x8xf32, #tpu.memory_space<hbm>>)
      tpu.yield
    }) : () -> ()
    %barrier3A_48 = arith.constant 0 : index
    tpu.barrier barrier_id(%barrier3A_48)
    %scan3A_49 = arith.constant 0 : i32
    %scan3A_50 = arith.constant 0 : i32
    %scan3A_51 = arith.constant 30 : i32
    %scan3A_52 = arith.addi %scan3A_50, %scan3A_51 : i32
    %scan3A_53 = arith.constant 1 : i32
    %scan3A_54 = scf.for %scan3A_112 = %scan3A_50 to %scan3A_52 step %scan3A_53 iter_args(%scan3A_113 = %scan3A_49) -> (i32)  : i32 {
      %broadcast_in_dim3A = vector.broadcast %scan3A_112 : i32 to vector<16xi32>
      %gather3A = tpu.vector_load_idx %arg12[%broadcast_in_dim3A] : memref<32xi32, #tpu.memory_space<vmem>>[vector<16xi32>], vector<16xi32>,
      %ne3A = arith.constant 0 : i32
      %ne3A_114 = vector.broadcast %ne3A : i32 to vector<16xi32>
      %ne3A_115 = arith.cmpi ne, %gather3A, %ne3A_114 : vector<16xi32>
      %reduce_or3A = arith.constant 1.000000e+00 : f32
      %reduce_or3A_116 = arith.constant 0.000000e+00 : f32
      %reduce_or3A_117 = vector.broadcast %reduce_or3A : f32 to vector<16xf32>
      %reduce_or3A_118 = vector.broadcast %reduce_or3A_116 : f32 to vector<16xf32>
      %reduce_or3A_119 = arith.select %ne3A_115, %reduce_or3A_117, %reduce_or3A_118 : vector<16xi1>, vector<16xf32>
      %reduce_or3A_120 = arith.constant true
      %reduce_or3A_121 = vector.broadcast %reduce_or3A_120 : i1 to vector<16xi1>
      %reduce_or3A_122 = tpu.scan <max>, %reduce_or3A_119 masked %reduce_or3A_121 : vector<16xf32>, vector<16xi1> -> vector<16xf32>
      %reduce_or3A_123 = vector.extract %reduce_or3A_122[15] : f32 from vector<16xf32>
      %reduce_or3A_124 = arith.constant 0.000000e+00 : f32
      %reduce_or3A_125 = arith.cmpf ogt, %reduce_or3A_123, %reduce_or3A_124 : f32
      %convert_element_type3A = arith.extui %reduce_or3A_125 : i1 to i32
      %cond3A = arith.constant 0 : i32
      %cond3A_126 = arith.cmpi ne, %convert_element_type3A, %cond3A : i32
      scf.if %cond3A_126 {
        "tpu.region"() ({
          %run_scoped3A = tpu.sem_alloc : memref<!tpu.dma_semaphore, #tpu.memory_space<semaphore_mem>>
          %dma_start3A = tpu.memref_slice %arg3[%scan3A_112, %mul3A_0] : memref<30x16896xi32, #tpu.memory_space<hbm>> -> memref<1x1056xi32, #tpu.memory_space<hbm>>
          %dma_start3A_135 = tpu.memref_squeeze %dma_start3A : memref<1x1056xi32, #tpu.memory_space<hbm>> -> memref<1056xi32, #tpu.memory_space<hbm>>
          %dma_start3A_136 = tpu.memref_slice %arg3[%scan3A_112, %mul3A_0] : memref<30x16896xi32, #tpu.memory_space<hbm>> -> memref<1x1056xi32, #tpu.memory_space<hbm>>
          %dma_start3A_137 = tpu.memref_squeeze %dma_start3A_136 : memref<1x1056xi32, #tpu.memory_space<hbm>> -> memref<1056xi32, #tpu.memory_space<hbm>>
          tpu.enqueue_dma source(%dma_start3A_137 : memref<1056xi32, #tpu.memory_space<hbm>>) target(%arg10 : memref<1056xi32, #tpu.memory_space<vmem>>) target_semaphore(%run_scoped3A : memref<!tpu.dma_semaphore, #tpu.memory_space<semaphore_mem>>)
          %dma_wait3A = tpu.memref_slice %arg3[%scan3A_112, %mul3A_0] : memref<30x16896xi32, #tpu.memory_space<hbm>> -> memref<1x1056xi32, #tpu.memory_space<hbm>>
          %dma_wait3A_138 = tpu.memref_squeeze %dma_wait3A : memref<1x1056xi32, #tpu.memory_space<hbm>> -> memref<1056xi32, #tpu.memory_space<hbm>>
          %dma_wait3A_139 = tpu.memref_slice %arg3[%scan3A_112, %mul3A_0] : memref<30x16896xi32, #tpu.memory_space<hbm>> -> memref<1x1056xi32, #tpu.memory_space<hbm>>
          %dma_wait3A_140 = tpu.memref_squeeze %dma_wait3A_139 : memref<1x1056xi32, #tpu.memory_space<hbm>> -> memref<1056xi32, #tpu.memory_space<hbm>>
          tpu.wait_dma2 semaphore(%run_scoped3A : memref<!tpu.dma_semaphore, #tpu.memory_space<semaphore_mem>>) src(%dma_wait3A_140 : memref<1056xi32, #tpu.memory_space<hbm>>) dst(%arg10 : memref<1056xi32, #tpu.memory_space<vmem>>)
          tpu.yield
        }) : () -> ()
        %scan3A_128 = arith.constant 0 : i32
        %scan3A_129 = arith.constant 0 : i32
        %scan3A_130 = arith.constant 5 : i32
        %scan3A_131 = arith.addi %scan3A_129, %scan3A_130 : i32
        %scan3A_132 = arith.constant 1 : i32
        %scan3A_133 = scf.for %scan3A_135 = %scan3A_129 to %scan3A_131 step %scan3A_132 iter_args(%scan3A_136 = %scan3A_128) -> (i32)  : i32 {
          %broadcast_in_dim3A_137 = vector.broadcast %scan3A_135 : i32 to vector<16xi32>
          %gather3A_138 = tpu.vector_load_idx %arg13[%broadcast_in_dim3A, %broadcast_in_dim3A_137] : memref<30x8xi32, #tpu.memory_space<vmem>>[vector<16xi32>, vector<16xi32>], vector<16xi32>,
          %ne3A_139 = arith.constant 0 : i32
          %ne3A_140 = vector.broadcast %ne3A_139 : i32 to vector<16xi32>
          %ne3A_141 = arith.cmpi ne, %gather3A_138, %ne3A_140 : vector<16xi32>
          %reduce_or3A_142 = arith.constant 1.000000e+00 : f32
          %reduce_or3A_143 = arith.constant 0.000000e+00 : f32
          %reduce_or3A_144 = vector.broadcast %reduce_or3A_142 : f32 to vector<16xf32>
          %reduce_or3A_145 = vector.broadcast %reduce_or3A_143 : f32 to vector<16xf32>
          %reduce_or3A_146 = arith.select %ne3A_141, %reduce_or3A_144, %reduce_or3A_145 : vector<16xi1>, vector<16xf32>
          %reduce_or3A_147 = arith.constant true
          %reduce_or3A_148 = vector.broadcast %reduce_or3A_147 : i1 to vector<16xi1>
          %reduce_or3A_149 = tpu.scan <max>, %reduce_or3A_146 masked %reduce_or3A_148 : vector<16xf32>, vector<16xi1> -> vector<16xf32>
          %reduce_or3A_150 = vector.extract %reduce_or3A_149[15] : f32 from vector<16xf32>
          %reduce_or3A_151 = arith.constant 0.000000e+00 : f32
          %reduce_or3A_152 = arith.cmpf ogt, %reduce_or3A_150, %reduce_or3A_151 : f32
          %convert_element_type3A_153 = arith.extui %reduce_or3A_152 : i1 to i32
          %cond3A_154 = arith.constant 0 : i32
          %cond3A_155 = arith.cmpi ne, %convert_element_type3A_153, %cond3A_154 : i32
          scf.if %cond3A_155 {
            %scan3A_157 = arith.constant 0 : i32
            %scan3A_158 = arith.constant 0 : i32
            %scan3A_159 = arith.constant 16 : i32
            %scan3A_160 = arith.addi %scan3A_158, %scan3A_159 : i32
            %scan3A_161 = arith.constant 1 : i32
            %scan3A_162 = scf.for %scan3A_164 = %scan3A_158 to %scan3A_160 step %scan3A_161 iter_args(%scan3A_165 = %scan3A_157) -> (i32)  : i32 {
              %mul3A_166 = arith.constant 16 : i32
              %mul3A_167 = arith.muli %scan3A_135, %mul3A_166 : i32
              %add3A_168 = arith.addi %mul3A_167, %scan3A_164 : i32
              %broadcast_in_dim3A_169 = vector.broadcast %add3A_168 : i32 to vector<16xi32>
              %gather3A_170 = tpu.vector_load_idx %arg14[%broadcast_in_dim3A, %broadcast_in_dim3A_169] : memref<30x80xi32, #tpu.memory_space<vmem>>[vector<16xi32>, vector<16xi32>], vector<16xi32>,
              %ne3A_171 = arith.constant 0 : i32
              %ne3A_172 = vector.broadcast %ne3A_171 : i32 to vector<16xi32>
              %ne3A_173 = arith.cmpi ne, %gather3A_170, %ne3A_172 : vector<16xi32>
              %reduce_or3A_174 = arith.constant 1.000000e+00 : f32
              %reduce_or3A_175 = arith.constant 0.000000e+00 : f32
              %reduce_or3A_176 = vector.broadcast %reduce_or3A_174 : f32 to vector<16xf32>
              %reduce_or3A_177 = vector.broadcast %reduce_or3A_175 : f32 to vector<16xf32>
              %reduce_or3A_178 = arith.select %ne3A_173, %reduce_or3A_176, %reduce_or3A_177 : vector<16xi1>, vector<16xf32>
              %reduce_or3A_179 = arith.constant true
              %reduce_or3A_180 = vector.broadcast %reduce_or3A_179 : i1 to vector<16xi1>
              %reduce_or3A_181 = tpu.scan <max>, %reduce_or3A_178 masked %reduce_or3A_180 : vector<16xf32>, vector<16xi1> -> vector<16xf32>
              %reduce_or3A_182 = vector.extract %reduce_or3A_181[15] : f32 from vector<16xf32>
              %reduce_or3A_183 = arith.constant 0.000000e+00 : f32
              %reduce_or3A_184 = arith.cmpf ogt, %reduce_or3A_182, %reduce_or3A_183 : f32
              %convert_element_type3A_185 = arith.extui %reduce_or3A_184 : i1 to i32
              %cond3A_186 = arith.constant 0 : i32
              %cond3A_187 = arith.cmpi ne, %convert_element_type3A_185, %cond3A_186 : i32
              scf.if %cond3A_187 {
                %mul3A_189 = arith.constant 16 : i32
                %mul3A_190 = arith.muli %add3A_168, %mul3A_189 : i32
                %add3A_191 = vector.broadcast %mul3A_190 : i32 to vector<16xi32>
                %add3A_192 = arith.addi %add3A_191, %iota3A : vector<16xi32>
                %gather3A_193 = tpu.vector_load_idx %arg10[%add3A_192] : memref<1056xi32, #tpu.memory_space<vmem>>[vector<16xi32>], vector<16xi32>,
                %swap3A = arith.constant 0 : index
                %swap3A_194 = tpu.vector_load %arg16[%swap3A] {strides = array<i32>} : memref<16xi32, #tpu.memory_space<vmem>>, vector<16xi32>,
                tpu.vector_store %arg16[%swap3A], %gather3A_193 {strides = array<i32>} : memref<16xi32, #tpu.memory_space<vmem>>, vector<16xi32>,
                "tpu.region"() ({
                  %run_scoped3A = tpu.sem_alloc : memref<!tpu.dma_semaphore, #tpu.memory_space<semaphore_mem>>
                  %dma_start3A = arith.constant 0 : i32
                  %dma_start3A_195 = arith.constant 0 : i32
                  %dma_start3A_196 = tpu.memref_slice %arg17[%dma_start3A, %dma_start3A_195] : memref<675x8xf32, #tpu.memory_space<vmem>> -> memref<16x8xf32, #tpu.memory_space<vmem>>
                  %dma_start3A_197 = arith.constant 0 : i32
                  %dma_start3A_198 = arith.constant 0 : i32
                  %dma_start3A_199 = tpu.memref_slice %arg18[%dma_start3A_197, %dma_start3A_198] : memref<129600x8xf32, #tpu.memory_space<vmem_shared>> -> memref<129600x8xf32, #tpu.memory_space<vmem_shared>>
                  tpu.enqueue_indirect_dma source(%dma_start3A_196 : memref<16x8xf32, #tpu.memory_space<vmem>>) target(%dma_start3A_199 : memref<129600x8xf32, #tpu.memory_space<vmem_shared>>) offsets(%arg16 : memref<16xi32, #tpu.memory_space<vmem>>) semaphore(%run_scoped3A : memref<!tpu.dma_semaphore, #tpu.memory_space<semaphore_mem>>)
                  %dma_wait3A = arith.constant 0 : i32
                  %dma_wait3A_200 = arith.constant 0 : i32
                  %dma_wait3A_201 = tpu.memref_slice %arg17[%dma_wait3A, %dma_wait3A_200] : memref<675x8xf32, #tpu.memory_space<vmem>> -> memref<16x8xf32, #tpu.memory_space<vmem>>
                  %dma_wait3A_202 = arith.constant 0 : i32
                  %dma_wait3A_203 = arith.constant 0 : i32
                  %dma_wait3A_204 = tpu.memref_slice %arg18[%dma_wait3A_202, %dma_wait3A_203] : memref<129600x8xf32, #tpu.memory_space<vmem_shared>> -> memref<129600x8xf32, #tpu.memory_space<vmem_shared>>
                  tpu.wait_indirect_dma semaphore(%run_scoped3A : memref<!tpu.dma_semaphore, #tpu.memory_space<semaphore_mem>>) src(%dma_wait3A_201 : memref<16x8xf32, #tpu.memory_space<vmem>>) dst(%dma_wait3A_204 : memref<129600x8xf32, #tpu.memory_space<vmem_shared>>)
                  tpu.yield
                }) : () -> ()
              } else {
              }
              %scan3A_188 = arith.constant 0 : i32
              scf.yield %scan3A_188 : i32
            }
            %scan3A_163 = arith.constant 16 : i32
          } else {
          }
          %scan3A_156 = arith.constant 0 : i32
          scf.yield %scan3A_156 : i32
        }
        %scan3A_134 = arith.constant 5 : i32
      } else {
      }
      %scan3A_127 = arith.constant 0 : i32
      scf.yield %scan3A_127 : i32
    }
    %scan3A_55 = arith.constant 30 : i32
    %mul3A_56 = arith.constant 5 : i32
    %mul3A_57 = arith.muli %arg0, %mul3A_56 : i32
    %add3A_58 = arith.constant 2 : i32
    %add3A_59 = arith.addi %mul3A_57, %add3A_58 : i32
    "tpu.region"() ({
      %run_scoped3A = tpu.sem_alloc : memref<!tpu.dma_semaphore, #tpu.memory_space<semaphore_mem>>
      %dma_start3A = arith.constant 0 : i32
      %dma_start3A_112 = tpu.memref_slice %arg4[%add3A_59, %mul3A_0, %dma_start3A] : memref<10x16896x8xf32, #tpu.memory_space<hbm>> -> memref<1x1056x8xf32, #tpu.memory_space<hbm>>
      %dma_start3A_113 = tpu.memref_squeeze %dma_start3A_112 : memref<1x1056x8xf32, #tpu.memory_space<hbm>> -> memref<1056x8xf32, #tpu.memory_space<hbm>>
      %dma_start3A_114 = arith.constant 0 : i32
      %dma_start3A_115 = tpu.memref_slice %arg4[%add3A_59, %mul3A_0, %dma_start3A_114] : memref<10x16896x8xf32, #tpu.memory_space<hbm>> -> memref<1x1056x8xf32, #tpu.memory_space<hbm>>
      %dma_start3A_116 = tpu.memref_squeeze %dma_start3A_115 : memref<1x1056x8xf32, #tpu.memory_space<hbm>> -> memref<1056x8xf32, #tpu.memory_space<hbm>>
      tpu.enqueue_dma source(%dma_start3A_116 : memref<1056x8xf32, #tpu.memory_space<hbm>>) target(%arg11 : memref<1056x8xf32, #tpu.memory_space<vmem>>) target_semaphore(%run_scoped3A : memref<!tpu.dma_semaphore, #tpu.memory_space<semaphore_mem>>)
      %dma_wait3A = arith.constant 0 : i32
      %dma_wait3A_117 = tpu.memref_slice %arg4[%add3A_59, %mul3A_0, %dma_wait3A] : memref<10x16896x8xf32, #tpu.memory_space<hbm>> -> memref<1x1056x8xf32, #tpu.memory_space<hbm>>
      %dma_wait3A_118 = tpu.memref_squeeze %dma_wait3A_117 : memref<1x1056x8xf32, #tpu.memory_space<hbm>> -> memref<1056x8xf32, #tpu.memory_space<hbm>>
      %dma_wait3A_119 = arith.constant 0 : i32
      %dma_wait3A_120 = tpu.memref_slice %arg4[%add3A_59, %mul3A_0, %dma_wait3A_119] : memref<10x16896x8xf32, #tpu.memory_space<hbm>> -> memref<1x1056x8xf32, #tpu.memory_space<hbm>>
      %dma_wait3A_121 = tpu.memref_squeeze %dma_wait3A_120 : memref<1x1056x8xf32, #tpu.memory_space<hbm>> -> memref<1056x8xf32, #tpu.memory_space<hbm>>
      tpu.wait_dma2 semaphore(%run_scoped3A : memref<!tpu.dma_semaphore, #tpu.memory_space<semaphore_mem>>) src(%dma_wait3A_121 : memref<1056x8xf32, #tpu.memory_space<hbm>>) dst(%arg11 : memref<1056x8xf32, #tpu.memory_space<vmem>>)
      tpu.yield
    }) : () -> ()
    %barrier3A_60 = arith.constant 0 : index
    tpu.barrier barrier_id(%barrier3A_60)
    %scan3A_61 = arith.constant 0 : i32
    %scan3A_62 = arith.constant 0 : i32
    %scan3A_63 = arith.constant 30 : i32
    %scan3A_64 = arith.addi %scan3A_62, %scan3A_63 : i32
    %scan3A_65 = arith.constant 1 : i32
    %scan3A_66 = scf.for %scan3A_112 = %scan3A_62 to %scan3A_64 step %scan3A_65 iter_args(%scan3A_113 = %scan3A_61) -> (i32)  : i32 {
      %broadcast_in_dim3A = vector.broadcast %scan3A_112 : i32 to vector<16xi32>
      %gather3A = tpu.vector_load_idx %arg12[%broadcast_in_dim3A] : memref<32xi32, #tpu.memory_space<vmem>>[vector<16xi32>], vector<16xi32>,
      %ne3A = arith.constant 0 : i32
      %ne3A_114 = vector.broadcast %ne3A : i32 to vector<16xi32>
      %ne3A_115 = arith.cmpi ne, %gather3A, %ne3A_114 : vector<16xi32>
      %reduce_or3A = arith.constant 1.000000e+00 : f32
      %reduce_or3A_116 = arith.constant 0.000000e+00 : f32
      %reduce_or3A_117 = vector.broadcast %reduce_or3A : f32 to vector<16xf32>
      %reduce_or3A_118 = vector.broadcast %reduce_or3A_116 : f32 to vector<16xf32>
      %reduce_or3A_119 = arith.select %ne3A_115, %reduce_or3A_117, %reduce_or3A_118 : vector<16xi1>, vector<16xf32>
      %reduce_or3A_120 = arith.constant true
      %reduce_or3A_121 = vector.broadcast %reduce_or3A_120 : i1 to vector<16xi1>
      %reduce_or3A_122 = tpu.scan <max>, %reduce_or3A_119 masked %reduce_or3A_121 : vector<16xf32>, vector<16xi1> -> vector<16xf32>
      %reduce_or3A_123 = vector.extract %reduce_or3A_122[15] : f32 from vector<16xf32>
      %reduce_or3A_124 = arith.constant 0.000000e+00 : f32
      %reduce_or3A_125 = arith.cmpf ogt, %reduce_or3A_123, %reduce_or3A_124 : f32
      %convert_element_type3A = arith.extui %reduce_or3A_125 : i1 to i32
      %cond3A = arith.constant 0 : i32
      %cond3A_126 = arith.cmpi ne, %convert_element_type3A, %cond3A : i32
      scf.if %cond3A_126 {
        "tpu.region"() ({
          %run_scoped3A = tpu.sem_alloc : memref<!tpu.dma_semaphore, #tpu.memory_space<semaphore_mem>>
          %dma_start3A = tpu.memref_slice %arg2[%scan3A_112, %mul3A_0] : memref<30x16896xf32, #tpu.memory_space<hbm>> -> memref<1x1056xf32, #tpu.memory_space<hbm>>
          %dma_start3A_135 = tpu.memref_squeeze %dma_start3A : memref<1x1056xf32, #tpu.memory_space<hbm>> -> memref<1056xf32, #tpu.memory_space<hbm>>
          %dma_start3A_136 = tpu.memref_slice %arg2[%scan3A_112, %mul3A_0] : memref<30x16896xf32, #tpu.memory_space<hbm>> -> memref<1x1056xf32, #tpu.memory_space<hbm>>
          %dma_start3A_137 = tpu.memref_squeeze %dma_start3A_136 : memref<1x1056xf32, #tpu.memory_space<hbm>> -> memref<1056xf32, #tpu.memory_space<hbm>>
          tpu.enqueue_dma source(%dma_start3A_137 : memref<1056xf32, #tpu.memory_space<hbm>>) target(%arg9 : memref<1056xf32, #tpu.memory_space<vmem>>) target_semaphore(%run_scoped3A : memref<!tpu.dma_semaphore, #tpu.memory_space<semaphore_mem>>)
          %dma_wait3A = tpu.memref_slice %arg2[%scan3A_112, %mul3A_0] : memref<30x16896xf32, #tpu.memory_space<hbm>> -> memref<1x1056xf32, #tpu.memory_space<hbm>>
          %dma_wait3A_138 = tpu.memref_squeeze %dma_wait3A : memref<1x1056xf32, #tpu.memory_space<hbm>> -> memref<1056xf32, #tpu.memory_space<hbm>>
          %dma_wait3A_139 = tpu.memref_slice %arg2[%scan3A_112, %mul3A_0] : memref<30x16896xf32, #tpu.memory_space<hbm>> -> memref<1x1056xf32, #tpu.memory_space<hbm>>
          %dma_wait3A_140 = tpu.memref_squeeze %dma_wait3A_139 : memref<1x1056xf32, #tpu.memory_space<hbm>> -> memref<1056xf32, #tpu.memory_space<hbm>>
          tpu.wait_dma2 semaphore(%run_scoped3A : memref<!tpu.dma_semaphore, #tpu.memory_space<semaphore_mem>>) src(%dma_wait3A_140 : memref<1056xf32, #tpu.memory_space<hbm>>) dst(%arg9 : memref<1056xf32, #tpu.memory_space<vmem>>)
          tpu.yield
        }) : () -> ()
        "tpu.region"() ({
          %run_scoped3A = tpu.sem_alloc : memref<!tpu.dma_semaphore, #tpu.memory_space<semaphore_mem>>
          %dma_start3A = tpu.memref_slice %arg3[%scan3A_112, %mul3A_0] : memref<30x16896xi32, #tpu.memory_space<hbm>> -> memref<1x1056xi32, #tpu.memory_space<hbm>>
          %dma_start3A_135 = tpu.memref_squeeze %dma_start3A : memref<1x1056xi32, #tpu.memory_space<hbm>> -> memref<1056xi32, #tpu.memory_space<hbm>>
          %dma_start3A_136 = tpu.memref_slice %arg3[%scan3A_112, %mul3A_0] : memref<30x16896xi32, #tpu.memory_space<hbm>> -> memref<1x1056xi32, #tpu.memory_space<hbm>>
          %dma_start3A_137 = tpu.memref_squeeze %dma_start3A_136 : memref<1x1056xi32, #tpu.memory_space<hbm>> -> memref<1056xi32, #tpu.memory_space<hbm>>
          tpu.enqueue_dma source(%dma_start3A_137 : memref<1056xi32, #tpu.memory_space<hbm>>) target(%arg10 : memref<1056xi32, #tpu.memory_space<vmem>>) target_semaphore(%run_scoped3A : memref<!tpu.dma_semaphore, #tpu.memory_space<semaphore_mem>>)
          %dma_wait3A = tpu.memref_slice %arg3[%scan3A_112, %mul3A_0] : memref<30x16896xi32, #tpu.memory_space<hbm>> -> memref<1x1056xi32, #tpu.memory_space<hbm>>
          %dma_wait3A_138 = tpu.memref_squeeze %dma_wait3A : memref<1x1056xi32, #tpu.memory_space<hbm>> -> memref<1056xi32, #tpu.memory_space<hbm>>
          %dma_wait3A_139 = tpu.memref_slice %arg3[%scan3A_112, %mul3A_0] : memref<30x16896xi32, #tpu.memory_space<hbm>> -> memref<1x1056xi32, #tpu.memory_space<hbm>>
          %dma_wait3A_140 = tpu.memref_squeeze %dma_wait3A_139 : memref<1x1056xi32, #tpu.memory_space<hbm>> -> memref<1056xi32, #tpu.memory_space<hbm>>
          tpu.wait_dma2 semaphore(%run_scoped3A : memref<!tpu.dma_semaphore, #tpu.memory_space<semaphore_mem>>) src(%dma_wait3A_140 : memref<1056xi32, #tpu.memory_space<hbm>>) dst(%arg10 : memref<1056xi32, #tpu.memory_space<vmem>>)
          tpu.yield
        }) : () -> ()
        %scan3A_128 = arith.constant 0 : i32
        %scan3A_129 = arith.constant 0 : i32
        %scan3A_130 = arith.constant 5 : i32
        %scan3A_131 = arith.addi %scan3A_129, %scan3A_130 : i32
        %scan3A_132 = arith.constant 1 : i32
        %scan3A_133 = scf.for %scan3A_135 = %scan3A_129 to %scan3A_131 step %scan3A_132 iter_args(%scan3A_136 = %scan3A_128) -> (i32)  : i32 {
          %broadcast_in_dim3A_137 = vector.broadcast %scan3A_135 : i32 to vector<16xi32>
          %gather3A_138 = tpu.vector_load_idx %arg13[%broadcast_in_dim3A, %broadcast_in_dim3A_137] : memref<30x8xi32, #tpu.memory_space<vmem>>[vector<16xi32>, vector<16xi32>], vector<16xi32>,
          %ne3A_139 = arith.constant 0 : i32
          %ne3A_140 = vector.broadcast %ne3A_139 : i32 to vector<16xi32>
          %ne3A_141 = arith.cmpi ne, %gather3A_138, %ne3A_140 : vector<16xi32>
          %reduce_or3A_142 = arith.constant 1.000000e+00 : f32
          %reduce_or3A_143 = arith.constant 0.000000e+00 : f32
          %reduce_or3A_144 = vector.broadcast %reduce_or3A_142 : f32 to vector<16xf32>
          %reduce_or3A_145 = vector.broadcast %reduce_or3A_143 : f32 to vector<16xf32>
          %reduce_or3A_146 = arith.select %ne3A_141, %reduce_or3A_144, %reduce_or3A_145 : vector<16xi1>, vector<16xf32>
          %reduce_or3A_147 = arith.constant true
          %reduce_or3A_148 = vector.broadcast %reduce_or3A_147 : i1 to vector<16xi1>
          %reduce_or3A_149 = tpu.scan <max>, %reduce_or3A_146 masked %reduce_or3A_148 : vector<16xf32>, vector<16xi1> -> vector<16xf32>
          %reduce_or3A_150 = vector.extract %reduce_or3A_149[15] : f32 from vector<16xf32>
          %reduce_or3A_151 = arith.constant 0.000000e+00 : f32
          %reduce_or3A_152 = arith.cmpf ogt, %reduce_or3A_150, %reduce_or3A_151 : f32
          %convert_element_type3A_153 = arith.extui %reduce_or3A_152 : i1 to i32
          %cond3A_154 = arith.constant 0 : i32
          %cond3A_155 = arith.cmpi ne, %convert_element_type3A_153, %cond3A_154 : i32
          scf.if %cond3A_155 {
            %scan3A_157 = arith.constant 0 : i32
            %scan3A_158 = arith.constant 0 : i32
            %scan3A_159 = arith.constant 16 : i32
            %scan3A_160 = arith.addi %scan3A_158, %scan3A_159 : i32
            %scan3A_161 = arith.constant 1 : i32
            %scan3A_162 = scf.for %scan3A_164 = %scan3A_158 to %scan3A_160 step %scan3A_161 iter_args(%scan3A_165 = %scan3A_157) -> (i32)  : i32 {
              %mul3A_166 = arith.constant 16 : i32
              %mul3A_167 = arith.muli %scan3A_135, %mul3A_166 : i32
              %add3A_168 = arith.addi %mul3A_167, %scan3A_164 : i32
              %broadcast_in_dim3A_169 = vector.broadcast %add3A_168 : i32 to vector<16xi32>
              %gather3A_170 = tpu.vector_load_idx %arg14[%broadcast_in_dim3A, %broadcast_in_dim3A_169] : memref<30x80xi32, #tpu.memory_space<vmem>>[vector<16xi32>, vector<16xi32>], vector<16xi32>,
              %ne3A_171 = arith.constant 0 : i32
              %ne3A_172 = vector.broadcast %ne3A_171 : i32 to vector<16xi32>
              %ne3A_173 = arith.cmpi ne, %gather3A_170, %ne3A_172 : vector<16xi32>
              %reduce_or3A_174 = arith.constant 1.000000e+00 : f32
              %reduce_or3A_175 = arith.constant 0.000000e+00 : f32
              %reduce_or3A_176 = vector.broadcast %reduce_or3A_174 : f32 to vector<16xf32>
              %reduce_or3A_177 = vector.broadcast %reduce_or3A_175 : f32 to vector<16xf32>
              %reduce_or3A_178 = arith.select %ne3A_173, %reduce_or3A_176, %reduce_or3A_177 : vector<16xi1>, vector<16xf32>
              %reduce_or3A_179 = arith.constant true
              %reduce_or3A_180 = vector.broadcast %reduce_or3A_179 : i1 to vector<16xi1>
              %reduce_or3A_181 = tpu.scan <max>, %reduce_or3A_178 masked %reduce_or3A_180 : vector<16xf32>, vector<16xi1> -> vector<16xf32>
              %reduce_or3A_182 = vector.extract %reduce_or3A_181[15] : f32 from vector<16xf32>
              %reduce_or3A_183 = arith.constant 0.000000e+00 : f32
              %reduce_or3A_184 = arith.cmpf ogt, %reduce_or3A_182, %reduce_or3A_183 : f32
              %convert_element_type3A_185 = arith.extui %reduce_or3A_184 : i1 to i32
              %cond3A_186 = arith.constant 0 : i32
              %cond3A_187 = arith.cmpi ne, %convert_element_type3A_185, %cond3A_186 : i32
              scf.if %cond3A_187 {
                %mul3A_189 = arith.constant 16 : i32
                %mul3A_190 = arith.muli %add3A_168, %mul3A_189 : i32
                %add3A_191 = vector.broadcast %mul3A_190 : i32 to vector<16xi32>
                %add3A_192 = arith.addi %add3A_191, %iota3A : vector<16xi32>
                %gather3A_193 = tpu.vector_load_idx %arg10[%add3A_192] : memref<1056xi32, #tpu.memory_space<vmem>>[vector<16xi32>], vector<16xi32>,
                %swap3A = arith.constant 0 : index
                %swap3A_194 = tpu.vector_load %arg16[%swap3A] {strides = array<i32>} : memref<16xi32, #tpu.memory_space<vmem>>, vector<16xi32>,
                tpu.vector_store %arg16[%swap3A], %gather3A_193 {strides = array<i32>} : memref<16xi32, #tpu.memory_space<vmem>>, vector<16xi32>,
                %gather3A_195 = tpu.vector_load_idx %arg9[%add3A_192] : memref<1056xf32, #tpu.memory_space<vmem>>[vector<16xi32>], vector<16xf32>,
                %broadcast_in_dim3A_196 = arith.constant 0 : i32
                %broadcast_in_dim3A_197 = vector.broadcast %broadcast_in_dim3A_196 : i32 to vector<16xi32>
                %gather3A_198 = tpu.vector_load_idx %arg11[%add3A_192, %broadcast_in_dim3A_197] : memref<1056x8xf32, #tpu.memory_space<vmem>>[vector<16xi32>, vector<16xi32>], vector<16xf32>,
                %mul3A_199 = arith.mulf %gather3A_195, %gather3A_198 : vector<16xf32>
                tpu.vector_store_idx %arg15[%iota3A, %broadcast_in_dim3A_197], %mul3A_199 : memref<16x8xf32, #tpu.memory_space<vmem>>[vector<16xi32>, vector<16xi32>], vector<16xf32>,
                %broadcast_in_dim3A_200 = arith.constant 1 : i32
                %broadcast_in_dim3A_201 = vector.broadcast %broadcast_in_dim3A_200 : i32 to vector<16xi32>
                %gather3A_202 = tpu.vector_load_idx %arg11[%add3A_192, %broadcast_in_dim3A_201] : memref<1056x8xf32, #tpu.memory_space<vmem>>[vector<16xi32>, vector<16xi32>], vector<16xf32>,
                %mul3A_203 = arith.mulf %gather3A_195, %gather3A_202 : vector<16xf32>
                tpu.vector_store_idx %arg15[%iota3A, %broadcast_in_dim3A_201], %mul3A_203 : memref<16x8xf32, #tpu.memory_space<vmem>>[vector<16xi32>, vector<16xi32>], vector<16xf32>,
                %broadcast_in_dim3A_204 = arith.constant 2 : i32
                %broadcast_in_dim3A_205 = vector.broadcast %broadcast_in_dim3A_204 : i32 to vector<16xi32>
                %gather3A_206 = tpu.vector_load_idx %arg11[%add3A_192, %broadcast_in_dim3A_205] : memref<1056x8xf32, #tpu.memory_space<vmem>>[vector<16xi32>, vector<16xi32>], vector<16xf32>,
                %mul3A_207 = arith.mulf %gather3A_195, %gather3A_206 : vector<16xf32>
                tpu.vector_store_idx %arg15[%iota3A, %broadcast_in_dim3A_205], %mul3A_207 : memref<16x8xf32, #tpu.memory_space<vmem>>[vector<16xi32>, vector<16xi32>], vector<16xf32>,
                %broadcast_in_dim3A_208 = arith.constant 3 : i32
                %broadcast_in_dim3A_209 = vector.broadcast %broadcast_in_dim3A_208 : i32 to vector<16xi32>
                %gather3A_210 = tpu.vector_load_idx %arg11[%add3A_192, %broadcast_in_dim3A_209] : memref<1056x8xf32, #tpu.memory_space<vmem>>[vector<16xi32>, vector<16xi32>], vector<16xf32>,
                %mul3A_211 = arith.mulf %gather3A_195, %gather3A_210 : vector<16xf32>
                tpu.vector_store_idx %arg15[%iota3A, %broadcast_in_dim3A_209], %mul3A_211 : memref<16x8xf32, #tpu.memory_space<vmem>>[vector<16xi32>, vector<16xi32>], vector<16xf32>,
                %broadcast_in_dim3A_212 = arith.constant 4 : i32
                %broadcast_in_dim3A_213 = vector.broadcast %broadcast_in_dim3A_212 : i32 to vector<16xi32>
                %gather3A_214 = tpu.vector_load_idx %arg11[%add3A_192, %broadcast_in_dim3A_213] : memref<1056x8xf32, #tpu.memory_space<vmem>>[vector<16xi32>, vector<16xi32>], vector<16xf32>,
                %mul3A_215 = arith.mulf %gather3A_195, %gather3A_214 : vector<16xf32>
                tpu.vector_store_idx %arg15[%iota3A, %broadcast_in_dim3A_213], %mul3A_215 : memref<16x8xf32, #tpu.memory_space<vmem>>[vector<16xi32>, vector<16xi32>], vector<16xf32>,
                %broadcast_in_dim3A_216 = arith.constant 5 : i32
                %broadcast_in_dim3A_217 = vector.broadcast %broadcast_in_dim3A_216 : i32 to vector<16xi32>
                %gather3A_218 = tpu.vector_load_idx %arg11[%add3A_192, %broadcast_in_dim3A_217] : memref<1056x8xf32, #tpu.memory_space<vmem>>[vector<16xi32>, vector<16xi32>], vector<16xf32>,
                %mul3A_219 = arith.mulf %gather3A_195, %gather3A_218 : vector<16xf32>
                tpu.vector_store_idx %arg15[%iota3A, %broadcast_in_dim3A_217], %mul3A_219 : memref<16x8xf32, #tpu.memory_space<vmem>>[vector<16xi32>, vector<16xi32>], vector<16xf32>,
                %broadcast_in_dim3A_220 = arith.constant 6 : i32
                %broadcast_in_dim3A_221 = vector.broadcast %broadcast_in_dim3A_220 : i32 to vector<16xi32>
                %gather3A_222 = tpu.vector_load_idx %arg11[%add3A_192, %broadcast_in_dim3A_221] : memref<1056x8xf32, #tpu.memory_space<vmem>>[vector<16xi32>, vector<16xi32>], vector<16xf32>,
                %mul3A_223 = arith.mulf %gather3A_195, %gather3A_222 : vector<16xf32>
                tpu.vector_store_idx %arg15[%iota3A, %broadcast_in_dim3A_221], %mul3A_223 : memref<16x8xf32, #tpu.memory_space<vmem>>[vector<16xi32>, vector<16xi32>], vector<16xf32>,
                %broadcast_in_dim3A_224 = arith.constant 7 : i32
                %broadcast_in_dim3A_225 = vector.broadcast %broadcast_in_dim3A_224 : i32 to vector<16xi32>
                %gather3A_226 = tpu.vector_load_idx %arg11[%add3A_192, %broadcast_in_dim3A_225] : memref<1056x8xf32, #tpu.memory_space<vmem>>[vector<16xi32>, vector<16xi32>], vector<16xf32>,
                %mul3A_227 = arith.mulf %gather3A_195, %gather3A_226 : vector<16xf32>
                tpu.vector_store_idx %arg15[%iota3A, %broadcast_in_dim3A_225], %mul3A_227 : memref<16x8xf32, #tpu.memory_space<vmem>>[vector<16xi32>, vector<16xi32>], vector<16xf32>,
                "tpu.region"() ({
                  %run_scoped3A = tpu.sem_alloc : memref<!tpu.dma_semaphore, #tpu.memory_space<semaphore_mem>>
                  %dma_start3A = arith.constant 0 : i32
                  %dma_start3A_228 = arith.constant 0 : i32
                  %dma_start3A_229 = tpu.memref_slice %arg18[%dma_start3A, %dma_start3A_228] : memref<129600x8xf32, #tpu.memory_space<vmem_shared>> -> memref<129600x8xf32, #tpu.memory_space<vmem_shared>>
                  tpu.enqueue_indirect_dma source(%arg15 : memref<16x8xf32, #tpu.memory_space<vmem>>) target(%dma_start3A_229 : memref<129600x8xf32, #tpu.memory_space<vmem_shared>>) offsets(%arg16 : memref<16xi32, #tpu.memory_space<vmem>>) semaphore(%run_scoped3A : memref<!tpu.dma_semaphore, #tpu.memory_space<semaphore_mem>>) {add = true}
                  %dma_wait3A = arith.constant 0 : i32
                  %dma_wait3A_230 = arith.constant 0 : i32
                  %dma_wait3A_231 = tpu.memref_slice %arg18[%dma_wait3A, %dma_wait3A_230] : memref<129600x8xf32, #tpu.memory_space<vmem_shared>> -> memref<129600x8xf32, #tpu.memory_space<vmem_shared>>
                  tpu.wait_indirect_dma semaphore(%run_scoped3A : memref<!tpu.dma_semaphore, #tpu.memory_space<semaphore_mem>>) src(%arg15 : memref<16x8xf32, #tpu.memory_space<vmem>>) dst(%dma_wait3A_231 : memref<129600x8xf32, #tpu.memory_space<vmem_shared>>)
                  tpu.yield
                }) : () -> ()
              } else {
              }
              %scan3A_188 = arith.constant 0 : i32
              scf.yield %scan3A_188 : i32
            }
            %scan3A_163 = arith.constant 16 : i32
          } else {
          }
          %scan3A_156 = arith.constant 0 : i32
          scf.yield %scan3A_156 : i32
        }
        %scan3A_134 = arith.constant 5 : i32
      } else {
      }
      %scan3A_127 = arith.constant 0 : i32
      scf.yield %scan3A_127 : i32
    }
    %scan3A_67 = arith.constant 30 : i32
    %barrier3A_68 = arith.constant 0 : index
    tpu.barrier barrier_id(%barrier3A_68)
    "tpu.region"() ({
      %run_scoped3A = tpu.sem_alloc : memref<!tpu.dma_semaphore, #tpu.memory_space<semaphore_mem>>
      %dma_start3A = arith.constant 0 : i32
      %dma_start3A_112 = tpu.memref_slice %arg8[%add3A_59, %mul3A_2, %dma_start3A] : memref<10x129600x8xf32, #tpu.memory_space<hbm>> -> memref<1x8100x8xf32, #tpu.memory_space<hbm>>
      %dma_start3A_113 = tpu.memref_squeeze %dma_start3A_112 : memref<1x8100x8xf32, #tpu.memory_space<hbm>> -> memref<8100x8xf32, #tpu.memory_space<hbm>>
      %dma_start3A_114 = arith.constant 0 : i32
      %dma_start3A_115 = tpu.memref_slice %arg18[%mul3A_2, %dma_start3A_114] : memref<129600x8xf32, #tpu.memory_space<vmem_shared>> -> memref<8100x8xf32, #tpu.memory_space<vmem_shared>>
      tpu.enqueue_dma source(%dma_start3A_115 : memref<8100x8xf32, #tpu.memory_space<vmem_shared>>) target(%dma_start3A_113 : memref<8100x8xf32, #tpu.memory_space<hbm>>) target_semaphore(%run_scoped3A : memref<!tpu.dma_semaphore, #tpu.memory_space<semaphore_mem>>)
      %dma_wait3A = arith.constant 0 : i32
      %dma_wait3A_116 = tpu.memref_slice %arg8[%add3A_59, %mul3A_2, %dma_wait3A] : memref<10x129600x8xf32, #tpu.memory_space<hbm>> -> memref<1x8100x8xf32, #tpu.memory_space<hbm>>
      %dma_wait3A_117 = tpu.memref_squeeze %dma_wait3A_116 : memref<1x8100x8xf32, #tpu.memory_space<hbm>> -> memref<8100x8xf32, #tpu.memory_space<hbm>>
      %dma_wait3A_118 = arith.constant 0 : i32
      %dma_wait3A_119 = tpu.memref_slice %arg18[%mul3A_2, %dma_wait3A_118] : memref<129600x8xf32, #tpu.memory_space<vmem_shared>> -> memref<8100x8xf32, #tpu.memory_space<vmem_shared>>
      tpu.wait_dma2 semaphore(%run_scoped3A : memref<!tpu.dma_semaphore, #tpu.memory_space<semaphore_mem>>) src(%dma_wait3A_119 : memref<8100x8xf32, #tpu.memory_space<vmem_shared>>) dst(%dma_wait3A_117 : memref<8100x8xf32, #tpu.memory_space<hbm>>)
      tpu.yield
    }) : () -> ()
    %barrier3A_69 = arith.constant 0 : index
    tpu.barrier barrier_id(%barrier3A_69)
    %scan3A_70 = arith.constant 0 : i32
    %scan3A_71 = arith.constant 0 : i32
    %scan3A_72 = arith.constant 30 : i32
    %scan3A_73 = arith.addi %scan3A_71, %scan3A_72 : i32
    %scan3A_74 = arith.constant 1 : i32
    %scan3A_75 = scf.for %scan3A_112 = %scan3A_71 to %scan3A_73 step %scan3A_74 iter_args(%scan3A_113 = %scan3A_70) -> (i32)  : i32 {
      %broadcast_in_dim3A = vector.broadcast %scan3A_112 : i32 to vector<16xi32>
      %gather3A = tpu.vector_load_idx %arg12[%broadcast_in_dim3A] : memref<32xi32, #tpu.memory_space<vmem>>[vector<16xi32>], vector<16xi32>,
      %ne3A = arith.constant 0 : i32
      %ne3A_114 = vector.broadcast %ne3A : i32 to vector<16xi32>
      %ne3A_115 = arith.cmpi ne, %gather3A, %ne3A_114 : vector<16xi32>
      %reduce_or3A = arith.constant 1.000000e+00 : f32
      %reduce_or3A_116 = arith.constant 0.000000e+00 : f32
      %reduce_or3A_117 = vector.broadcast %reduce_or3A : f32 to vector<16xf32>
      %reduce_or3A_118 = vector.broadcast %reduce_or3A_116 : f32 to vector<16xf32>
      %reduce_or3A_119 = arith.select %ne3A_115, %reduce_or3A_117, %reduce_or3A_118 : vector<16xi1>, vector<16xf32>
      %reduce_or3A_120 = arith.constant true
      %reduce_or3A_121 = vector.broadcast %reduce_or3A_120 : i1 to vector<16xi1>
      %reduce_or3A_122 = tpu.scan <max>, %reduce_or3A_119 masked %reduce_or3A_121 : vector<16xf32>, vector<16xi1> -> vector<16xf32>
      %reduce_or3A_123 = vector.extract %reduce_or3A_122[15] : f32 from vector<16xf32>
      %reduce_or3A_124 = arith.constant 0.000000e+00 : f32
      %reduce_or3A_125 = arith.cmpf ogt, %reduce_or3A_123, %reduce_or3A_124 : f32
      %convert_element_type3A = arith.extui %reduce_or3A_125 : i1 to i32
      %cond3A = arith.constant 0 : i32
      %cond3A_126 = arith.cmpi ne, %convert_element_type3A, %cond3A : i32
      scf.if %cond3A_126 {
        "tpu.region"() ({
          %run_scoped3A = tpu.sem_alloc : memref<!tpu.dma_semaphore, #tpu.memory_space<semaphore_mem>>
          %dma_start3A = tpu.memref_slice %arg3[%scan3A_112, %mul3A_0] : memref<30x16896xi32, #tpu.memory_space<hbm>> -> memref<1x1056xi32, #tpu.memory_space<hbm>>
          %dma_start3A_135 = tpu.memref_squeeze %dma_start3A : memref<1x1056xi32, #tpu.memory_space<hbm>> -> memref<1056xi32, #tpu.memory_space<hbm>>
          %dma_start3A_136 = tpu.memref_slice %arg3[%scan3A_112, %mul3A_0] : memref<30x16896xi32, #tpu.memory_space<hbm>> -> memref<1x1056xi32, #tpu.memory_space<hbm>>
          %dma_start3A_137 = tpu.memref_squeeze %dma_start3A_136 : memref<1x1056xi32, #tpu.memory_space<hbm>> -> memref<1056xi32, #tpu.memory_space<hbm>>
          tpu.enqueue_dma source(%dma_start3A_137 : memref<1056xi32, #tpu.memory_space<hbm>>) target(%arg10 : memref<1056xi32, #tpu.memory_space<vmem>>) target_semaphore(%run_scoped3A : memref<!tpu.dma_semaphore, #tpu.memory_space<semaphore_mem>>)
          %dma_wait3A = tpu.memref_slice %arg3[%scan3A_112, %mul3A_0] : memref<30x16896xi32, #tpu.memory_space<hbm>> -> memref<1x1056xi32, #tpu.memory_space<hbm>>
          %dma_wait3A_138 = tpu.memref_squeeze %dma_wait3A : memref<1x1056xi32, #tpu.memory_space<hbm>> -> memref<1056xi32, #tpu.memory_space<hbm>>
          %dma_wait3A_139 = tpu.memref_slice %arg3[%scan3A_112, %mul3A_0] : memref<30x16896xi32, #tpu.memory_space<hbm>> -> memref<1x1056xi32, #tpu.memory_space<hbm>>
          %dma_wait3A_140 = tpu.memref_squeeze %dma_wait3A_139 : memref<1x1056xi32, #tpu.memory_space<hbm>> -> memref<1056xi32, #tpu.memory_space<hbm>>
          tpu.wait_dma2 semaphore(%run_scoped3A : memref<!tpu.dma_semaphore, #tpu.memory_space<semaphore_mem>>) src(%dma_wait3A_140 : memref<1056xi32, #tpu.memory_space<hbm>>) dst(%arg10 : memref<1056xi32, #tpu.memory_space<vmem>>)
          tpu.yield
        }) : () -> ()
        %scan3A_128 = arith.constant 0 : i32
        %scan3A_129 = arith.constant 0 : i32
        %scan3A_130 = arith.constant 5 : i32
        %scan3A_131 = arith.addi %scan3A_129, %scan3A_130 : i32
        %scan3A_132 = arith.constant 1 : i32
        %scan3A_133 = scf.for %scan3A_135 = %scan3A_129 to %scan3A_131 step %scan3A_132 iter_args(%scan3A_136 = %scan3A_128) -> (i32)  : i32 {
          %broadcast_in_dim3A_137 = vector.broadcast %scan3A_135 : i32 to vector<16xi32>
          %gather3A_138 = tpu.vector_load_idx %arg13[%broadcast_in_dim3A, %broadcast_in_dim3A_137] : memref<30x8xi32, #tpu.memory_space<vmem>>[vector<16xi32>, vector<16xi32>], vector<16xi32>,
          %ne3A_139 = arith.constant 0 : i32
          %ne3A_140 = vector.broadcast %ne3A_139 : i32 to vector<16xi32>
          %ne3A_141 = arith.cmpi ne, %gather3A_138, %ne3A_140 : vector<16xi32>
          %reduce_or3A_142 = arith.constant 1.000000e+00 : f32
          %reduce_or3A_143 = arith.constant 0.000000e+00 : f32
          %reduce_or3A_144 = vector.broadcast %reduce_or3A_142 : f32 to vector<16xf32>
          %reduce_or3A_145 = vector.broadcast %reduce_or3A_143 : f32 to vector<16xf32>
          %reduce_or3A_146 = arith.select %ne3A_141, %reduce_or3A_144, %reduce_or3A_145 : vector<16xi1>, vector<16xf32>
          %reduce_or3A_147 = arith.constant true
          %reduce_or3A_148 = vector.broadcast %reduce_or3A_147 : i1 to vector<16xi1>
          %reduce_or3A_149 = tpu.scan <max>, %reduce_or3A_146 masked %reduce_or3A_148 : vector<16xf32>, vector<16xi1> -> vector<16xf32>
          %reduce_or3A_150 = vector.extract %reduce_or3A_149[15] : f32 from vector<16xf32>
          %reduce_or3A_151 = arith.constant 0.000000e+00 : f32
          %reduce_or3A_152 = arith.cmpf ogt, %reduce_or3A_150, %reduce_or3A_151 : f32
          %convert_element_type3A_153 = arith.extui %reduce_or3A_152 : i1 to i32
          %cond3A_154 = arith.constant 0 : i32
          %cond3A_155 = arith.cmpi ne, %convert_element_type3A_153, %cond3A_154 : i32
          scf.if %cond3A_155 {
            %scan3A_157 = arith.constant 0 : i32
            %scan3A_158 = arith.constant 0 : i32
            %scan3A_159 = arith.constant 16 : i32
            %scan3A_160 = arith.addi %scan3A_158, %scan3A_159 : i32
            %scan3A_161 = arith.constant 1 : i32
            %scan3A_162 = scf.for %scan3A_164 = %scan3A_158 to %scan3A_160 step %scan3A_161 iter_args(%scan3A_165 = %scan3A_157) -> (i32)  : i32 {
              %mul3A_166 = arith.constant 16 : i32
              %mul3A_167 = arith.muli %scan3A_135, %mul3A_166 : i32
              %add3A_168 = arith.addi %mul3A_167, %scan3A_164 : i32
              %broadcast_in_dim3A_169 = vector.broadcast %add3A_168 : i32 to vector<16xi32>
              %gather3A_170 = tpu.vector_load_idx %arg14[%broadcast_in_dim3A, %broadcast_in_dim3A_169] : memref<30x80xi32, #tpu.memory_space<vmem>>[vector<16xi32>, vector<16xi32>], vector<16xi32>,
              %ne3A_171 = arith.constant 0 : i32
              %ne3A_172 = vector.broadcast %ne3A_171 : i32 to vector<16xi32>
              %ne3A_173 = arith.cmpi ne, %gather3A_170, %ne3A_172 : vector<16xi32>
              %reduce_or3A_174 = arith.constant 1.000000e+00 : f32
              %reduce_or3A_175 = arith.constant 0.000000e+00 : f32
              %reduce_or3A_176 = vector.broadcast %reduce_or3A_174 : f32 to vector<16xf32>
              %reduce_or3A_177 = vector.broadcast %reduce_or3A_175 : f32 to vector<16xf32>
              %reduce_or3A_178 = arith.select %ne3A_173, %reduce_or3A_176, %reduce_or3A_177 : vector<16xi1>, vector<16xf32>
              %reduce_or3A_179 = arith.constant true
              %reduce_or3A_180 = vector.broadcast %reduce_or3A_179 : i1 to vector<16xi1>
              %reduce_or3A_181 = tpu.scan <max>, %reduce_or3A_178 masked %reduce_or3A_180 : vector<16xf32>, vector<16xi1> -> vector<16xf32>
              %reduce_or3A_182 = vector.extract %reduce_or3A_181[15] : f32 from vector<16xf32>
              %reduce_or3A_183 = arith.constant 0.000000e+00 : f32
              %reduce_or3A_184 = arith.cmpf ogt, %reduce_or3A_182, %reduce_or3A_183 : f32
              %convert_element_type3A_185 = arith.extui %reduce_or3A_184 : i1 to i32
              %cond3A_186 = arith.constant 0 : i32
              %cond3A_187 = arith.cmpi ne, %convert_element_type3A_185, %cond3A_186 : i32
              scf.if %cond3A_187 {
                %mul3A_189 = arith.constant 16 : i32
                %mul3A_190 = arith.muli %add3A_168, %mul3A_189 : i32
                %add3A_191 = vector.broadcast %mul3A_190 : i32 to vector<16xi32>
                %add3A_192 = arith.addi %add3A_191, %iota3A : vector<16xi32>
                %gather3A_193 = tpu.vector_load_idx %arg10[%add3A_192] : memref<1056xi32, #tpu.memory_space<vmem>>[vector<16xi32>], vector<16xi32>,
                %swap3A = arith.constant 0 : index
                %swap3A_194 = tpu.vector_load %arg16[%swap3A] {strides = array<i32>} : memref<16xi32, #tpu.memory_space<vmem>>, vector<16xi32>,
                tpu.vector_store %arg16[%swap3A], %gather3A_193 {strides = array<i32>} : memref<16xi32, #tpu.memory_space<vmem>>, vector<16xi32>,
                "tpu.region"() ({
                  %run_scoped3A = tpu.sem_alloc : memref<!tpu.dma_semaphore, #tpu.memory_space<semaphore_mem>>
                  %dma_start3A = arith.constant 0 : i32
                  %dma_start3A_195 = arith.constant 0 : i32
                  %dma_start3A_196 = tpu.memref_slice %arg17[%dma_start3A, %dma_start3A_195] : memref<675x8xf32, #tpu.memory_space<vmem>> -> memref<16x8xf32, #tpu.memory_space<vmem>>
                  %dma_start3A_197 = arith.constant 0 : i32
                  %dma_start3A_198 = arith.constant 0 : i32
                  %dma_start3A_199 = tpu.memref_slice %arg18[%dma_start3A_197, %dma_start3A_198] : memref<129600x8xf32, #tpu.memory_space<vmem_shared>> -> memref<129600x8xf32, #tpu.memory_space<vmem_shared>>
                  tpu.enqueue_indirect_dma source(%dma_start3A_196 : memref<16x8xf32, #tpu.memory_space<vmem>>) target(%dma_start3A_199 : memref<129600x8xf32, #tpu.memory_space<vmem_shared>>) offsets(%arg16 : memref<16xi32, #tpu.memory_space<vmem>>) semaphore(%run_scoped3A : memref<!tpu.dma_semaphore, #tpu.memory_space<semaphore_mem>>)
                  %dma_wait3A = arith.constant 0 : i32
                  %dma_wait3A_200 = arith.constant 0 : i32
                  %dma_wait3A_201 = tpu.memref_slice %arg17[%dma_wait3A, %dma_wait3A_200] : memref<675x8xf32, #tpu.memory_space<vmem>> -> memref<16x8xf32, #tpu.memory_space<vmem>>
                  %dma_wait3A_202 = arith.constant 0 : i32
                  %dma_wait3A_203 = arith.constant 0 : i32
                  %dma_wait3A_204 = tpu.memref_slice %arg18[%dma_wait3A_202, %dma_wait3A_203] : memref<129600x8xf32, #tpu.memory_space<vmem_shared>> -> memref<129600x8xf32, #tpu.memory_space<vmem_shared>>
                  tpu.wait_indirect_dma semaphore(%run_scoped3A : memref<!tpu.dma_semaphore, #tpu.memory_space<semaphore_mem>>) src(%dma_wait3A_201 : memref<16x8xf32, #tpu.memory_space<vmem>>) dst(%dma_wait3A_204 : memref<129600x8xf32, #tpu.memory_space<vmem_shared>>)
                  tpu.yield
                }) : () -> ()
              } else {
              }
              %scan3A_188 = arith.constant 0 : i32
              scf.yield %scan3A_188 : i32
            }
            %scan3A_163 = arith.constant 16 : i32
          } else {
          }
          %scan3A_156 = arith.constant 0 : i32
          scf.yield %scan3A_156 : i32
        }
        %scan3A_134 = arith.constant 5 : i32
      } else {
      }
      %scan3A_127 = arith.constant 0 : i32
      scf.yield %scan3A_127 : i32
    }
    %scan3A_76 = arith.constant 30 : i32
    %mul3A_77 = arith.constant 5 : i32
    %mul3A_78 = arith.muli %arg0, %mul3A_77 : i32
    %add3A_79 = arith.constant 3 : i32
    %add3A_80 = arith.addi %mul3A_78, %add3A_79 : i32
    "tpu.region"() ({
      %run_scoped3A = tpu.sem_alloc : memref<!tpu.dma_semaphore, #tpu.memory_space<semaphore_mem>>
      %dma_start3A = arith.constant 0 : i32
      %dma_start3A_112 = tpu.memref_slice %arg4[%add3A_80, %mul3A_0, %dma_start3A] : memref<10x16896x8xf32, #tpu.memory_space<hbm>> -> memref<1x1056x8xf32, #tpu.memory_space<hbm>>
      %dma_start3A_113 = tpu.memref_squeeze %dma_start3A_112 : memref<1x1056x8xf32, #tpu.memory_space<hbm>> -> memref<1056x8xf32, #tpu.memory_space<hbm>>
      %dma_start3A_114 = arith.constant 0 : i32
      %dma_start3A_115 = tpu.memref_slice %arg4[%add3A_80, %mul3A_0, %dma_start3A_114] : memref<10x16896x8xf32, #tpu.memory_space<hbm>> -> memref<1x1056x8xf32, #tpu.memory_space<hbm>>
      %dma_start3A_116 = tpu.memref_squeeze %dma_start3A_115 : memref<1x1056x8xf32, #tpu.memory_space<hbm>> -> memref<1056x8xf32, #tpu.memory_space<hbm>>
      tpu.enqueue_dma source(%dma_start3A_116 : memref<1056x8xf32, #tpu.memory_space<hbm>>) target(%arg11 : memref<1056x8xf32, #tpu.memory_space<vmem>>) target_semaphore(%run_scoped3A : memref<!tpu.dma_semaphore, #tpu.memory_space<semaphore_mem>>)
      %dma_wait3A = arith.constant 0 : i32
      %dma_wait3A_117 = tpu.memref_slice %arg4[%add3A_80, %mul3A_0, %dma_wait3A] : memref<10x16896x8xf32, #tpu.memory_space<hbm>> -> memref<1x1056x8xf32, #tpu.memory_space<hbm>>
      %dma_wait3A_118 = tpu.memref_squeeze %dma_wait3A_117 : memref<1x1056x8xf32, #tpu.memory_space<hbm>> -> memref<1056x8xf32, #tpu.memory_space<hbm>>
      %dma_wait3A_119 = arith.constant 0 : i32
      %dma_wait3A_120 = tpu.memref_slice %arg4[%add3A_80, %mul3A_0, %dma_wait3A_119] : memref<10x16896x8xf32, #tpu.memory_space<hbm>> -> memref<1x1056x8xf32, #tpu.memory_space<hbm>>
      %dma_wait3A_121 = tpu.memref_squeeze %dma_wait3A_120 : memref<1x1056x8xf32, #tpu.memory_space<hbm>> -> memref<1056x8xf32, #tpu.memory_space<hbm>>
      tpu.wait_dma2 semaphore(%run_scoped3A : memref<!tpu.dma_semaphore, #tpu.memory_space<semaphore_mem>>) src(%dma_wait3A_121 : memref<1056x8xf32, #tpu.memory_space<hbm>>) dst(%arg11 : memref<1056x8xf32, #tpu.memory_space<vmem>>)
      tpu.yield
    }) : () -> ()
    %barrier3A_81 = arith.constant 0 : index
    tpu.barrier barrier_id(%barrier3A_81)
    %scan3A_82 = arith.constant 0 : i32
    %scan3A_83 = arith.constant 0 : i32
    %scan3A_84 = arith.constant 30 : i32
    %scan3A_85 = arith.addi %scan3A_83, %scan3A_84 : i32
    %scan3A_86 = arith.constant 1 : i32
    %scan3A_87 = scf.for %scan3A_112 = %scan3A_83 to %scan3A_85 step %scan3A_86 iter_args(%scan3A_113 = %scan3A_82) -> (i32)  : i32 {
      %broadcast_in_dim3A = vector.broadcast %scan3A_112 : i32 to vector<16xi32>
      %gather3A = tpu.vector_load_idx %arg12[%broadcast_in_dim3A] : memref<32xi32, #tpu.memory_space<vmem>>[vector<16xi32>], vector<16xi32>,
      %ne3A = arith.constant 0 : i32
      %ne3A_114 = vector.broadcast %ne3A : i32 to vector<16xi32>
      %ne3A_115 = arith.cmpi ne, %gather3A, %ne3A_114 : vector<16xi32>
      %reduce_or3A = arith.constant 1.000000e+00 : f32
      %reduce_or3A_116 = arith.constant 0.000000e+00 : f32
      %reduce_or3A_117 = vector.broadcast %reduce_or3A : f32 to vector<16xf32>
      %reduce_or3A_118 = vector.broadcast %reduce_or3A_116 : f32 to vector<16xf32>
      %reduce_or3A_119 = arith.select %ne3A_115, %reduce_or3A_117, %reduce_or3A_118 : vector<16xi1>, vector<16xf32>
      %reduce_or3A_120 = arith.constant true
      %reduce_or3A_121 = vector.broadcast %reduce_or3A_120 : i1 to vector<16xi1>
      %reduce_or3A_122 = tpu.scan <max>, %reduce_or3A_119 masked %reduce_or3A_121 : vector<16xf32>, vector<16xi1> -> vector<16xf32>
      %reduce_or3A_123 = vector.extract %reduce_or3A_122[15] : f32 from vector<16xf32>
      %reduce_or3A_124 = arith.constant 0.000000e+00 : f32
      %reduce_or3A_125 = arith.cmpf ogt, %reduce_or3A_123, %reduce_or3A_124 : f32
      %convert_element_type3A = arith.extui %reduce_or3A_125 : i1 to i32
      %cond3A = arith.constant 0 : i32
      %cond3A_126 = arith.cmpi ne, %convert_element_type3A, %cond3A : i32
      scf.if %cond3A_126 {
        "tpu.region"() ({
          %run_scoped3A = tpu.sem_alloc : memref<!tpu.dma_semaphore, #tpu.memory_space<semaphore_mem>>
          %dma_start3A = tpu.memref_slice %arg2[%scan3A_112, %mul3A_0] : memref<30x16896xf32, #tpu.memory_space<hbm>> -> memref<1x1056xf32, #tpu.memory_space<hbm>>
          %dma_start3A_135 = tpu.memref_squeeze %dma_start3A : memref<1x1056xf32, #tpu.memory_space<hbm>> -> memref<1056xf32, #tpu.memory_space<hbm>>
          %dma_start3A_136 = tpu.memref_slice %arg2[%scan3A_112, %mul3A_0] : memref<30x16896xf32, #tpu.memory_space<hbm>> -> memref<1x1056xf32, #tpu.memory_space<hbm>>
          %dma_start3A_137 = tpu.memref_squeeze %dma_start3A_136 : memref<1x1056xf32, #tpu.memory_space<hbm>> -> memref<1056xf32, #tpu.memory_space<hbm>>
          tpu.enqueue_dma source(%dma_start3A_137 : memref<1056xf32, #tpu.memory_space<hbm>>) target(%arg9 : memref<1056xf32, #tpu.memory_space<vmem>>) target_semaphore(%run_scoped3A : memref<!tpu.dma_semaphore, #tpu.memory_space<semaphore_mem>>)
          %dma_wait3A = tpu.memref_slice %arg2[%scan3A_112, %mul3A_0] : memref<30x16896xf32, #tpu.memory_space<hbm>> -> memref<1x1056xf32, #tpu.memory_space<hbm>>
          %dma_wait3A_138 = tpu.memref_squeeze %dma_wait3A : memref<1x1056xf32, #tpu.memory_space<hbm>> -> memref<1056xf32, #tpu.memory_space<hbm>>
          %dma_wait3A_139 = tpu.memref_slice %arg2[%scan3A_112, %mul3A_0] : memref<30x16896xf32, #tpu.memory_space<hbm>> -> memref<1x1056xf32, #tpu.memory_space<hbm>>
          %dma_wait3A_140 = tpu.memref_squeeze %dma_wait3A_139 : memref<1x1056xf32, #tpu.memory_space<hbm>> -> memref<1056xf32, #tpu.memory_space<hbm>>
          tpu.wait_dma2 semaphore(%run_scoped3A : memref<!tpu.dma_semaphore, #tpu.memory_space<semaphore_mem>>) src(%dma_wait3A_140 : memref<1056xf32, #tpu.memory_space<hbm>>) dst(%arg9 : memref<1056xf32, #tpu.memory_space<vmem>>)
          tpu.yield
        }) : () -> ()
        "tpu.region"() ({
          %run_scoped3A = tpu.sem_alloc : memref<!tpu.dma_semaphore, #tpu.memory_space<semaphore_mem>>
          %dma_start3A = tpu.memref_slice %arg3[%scan3A_112, %mul3A_0] : memref<30x16896xi32, #tpu.memory_space<hbm>> -> memref<1x1056xi32, #tpu.memory_space<hbm>>
          %dma_start3A_135 = tpu.memref_squeeze %dma_start3A : memref<1x1056xi32, #tpu.memory_space<hbm>> -> memref<1056xi32, #tpu.memory_space<hbm>>
          %dma_start3A_136 = tpu.memref_slice %arg3[%scan3A_112, %mul3A_0] : memref<30x16896xi32, #tpu.memory_space<hbm>> -> memref<1x1056xi32, #tpu.memory_space<hbm>>
          %dma_start3A_137 = tpu.memref_squeeze %dma_start3A_136 : memref<1x1056xi32, #tpu.memory_space<hbm>> -> memref<1056xi32, #tpu.memory_space<hbm>>
          tpu.enqueue_dma source(%dma_start3A_137 : memref<1056xi32, #tpu.memory_space<hbm>>) target(%arg10 : memref<1056xi32, #tpu.memory_space<vmem>>) target_semaphore(%run_scoped3A : memref<!tpu.dma_semaphore, #tpu.memory_space<semaphore_mem>>)
          %dma_wait3A = tpu.memref_slice %arg3[%scan3A_112, %mul3A_0] : memref<30x16896xi32, #tpu.memory_space<hbm>> -> memref<1x1056xi32, #tpu.memory_space<hbm>>
          %dma_wait3A_138 = tpu.memref_squeeze %dma_wait3A : memref<1x1056xi32, #tpu.memory_space<hbm>> -> memref<1056xi32, #tpu.memory_space<hbm>>
          %dma_wait3A_139 = tpu.memref_slice %arg3[%scan3A_112, %mul3A_0] : memref<30x16896xi32, #tpu.memory_space<hbm>> -> memref<1x1056xi32, #tpu.memory_space<hbm>>
          %dma_wait3A_140 = tpu.memref_squeeze %dma_wait3A_139 : memref<1x1056xi32, #tpu.memory_space<hbm>> -> memref<1056xi32, #tpu.memory_space<hbm>>
          tpu.wait_dma2 semaphore(%run_scoped3A : memref<!tpu.dma_semaphore, #tpu.memory_space<semaphore_mem>>) src(%dma_wait3A_140 : memref<1056xi32, #tpu.memory_space<hbm>>) dst(%arg10 : memref<1056xi32, #tpu.memory_space<vmem>>)
          tpu.yield
        }) : () -> ()
        %scan3A_128 = arith.constant 0 : i32
        %scan3A_129 = arith.constant 0 : i32
        %scan3A_130 = arith.constant 5 : i32
        %scan3A_131 = arith.addi %scan3A_129, %scan3A_130 : i32
        %scan3A_132 = arith.constant 1 : i32
        %scan3A_133 = scf.for %scan3A_135 = %scan3A_129 to %scan3A_131 step %scan3A_132 iter_args(%scan3A_136 = %scan3A_128) -> (i32)  : i32 {
          %broadcast_in_dim3A_137 = vector.broadcast %scan3A_135 : i32 to vector<16xi32>
          %gather3A_138 = tpu.vector_load_idx %arg13[%broadcast_in_dim3A, %broadcast_in_dim3A_137] : memref<30x8xi32, #tpu.memory_space<vmem>>[vector<16xi32>, vector<16xi32>], vector<16xi32>,
          %ne3A_139 = arith.constant 0 : i32
          %ne3A_140 = vector.broadcast %ne3A_139 : i32 to vector<16xi32>
          %ne3A_141 = arith.cmpi ne, %gather3A_138, %ne3A_140 : vector<16xi32>
          %reduce_or3A_142 = arith.constant 1.000000e+00 : f32
          %reduce_or3A_143 = arith.constant 0.000000e+00 : f32
          %reduce_or3A_144 = vector.broadcast %reduce_or3A_142 : f32 to vector<16xf32>
          %reduce_or3A_145 = vector.broadcast %reduce_or3A_143 : f32 to vector<16xf32>
          %reduce_or3A_146 = arith.select %ne3A_141, %reduce_or3A_144, %reduce_or3A_145 : vector<16xi1>, vector<16xf32>
          %reduce_or3A_147 = arith.constant true
          %reduce_or3A_148 = vector.broadcast %reduce_or3A_147 : i1 to vector<16xi1>
          %reduce_or3A_149 = tpu.scan <max>, %reduce_or3A_146 masked %reduce_or3A_148 : vector<16xf32>, vector<16xi1> -> vector<16xf32>
          %reduce_or3A_150 = vector.extract %reduce_or3A_149[15] : f32 from vector<16xf32>
          %reduce_or3A_151 = arith.constant 0.000000e+00 : f32
          %reduce_or3A_152 = arith.cmpf ogt, %reduce_or3A_150, %reduce_or3A_151 : f32
          %convert_element_type3A_153 = arith.extui %reduce_or3A_152 : i1 to i32
          %cond3A_154 = arith.constant 0 : i32
          %cond3A_155 = arith.cmpi ne, %convert_element_type3A_153, %cond3A_154 : i32
          scf.if %cond3A_155 {
            %scan3A_157 = arith.constant 0 : i32
            %scan3A_158 = arith.constant 0 : i32
            %scan3A_159 = arith.constant 16 : i32
            %scan3A_160 = arith.addi %scan3A_158, %scan3A_159 : i32
            %scan3A_161 = arith.constant 1 : i32
            %scan3A_162 = scf.for %scan3A_164 = %scan3A_158 to %scan3A_160 step %scan3A_161 iter_args(%scan3A_165 = %scan3A_157) -> (i32)  : i32 {
              %mul3A_166 = arith.constant 16 : i32
              %mul3A_167 = arith.muli %scan3A_135, %mul3A_166 : i32
              %add3A_168 = arith.addi %mul3A_167, %scan3A_164 : i32
              %broadcast_in_dim3A_169 = vector.broadcast %add3A_168 : i32 to vector<16xi32>
              %gather3A_170 = tpu.vector_load_idx %arg14[%broadcast_in_dim3A, %broadcast_in_dim3A_169] : memref<30x80xi32, #tpu.memory_space<vmem>>[vector<16xi32>, vector<16xi32>], vector<16xi32>,
              %ne3A_171 = arith.constant 0 : i32
              %ne3A_172 = vector.broadcast %ne3A_171 : i32 to vector<16xi32>
              %ne3A_173 = arith.cmpi ne, %gather3A_170, %ne3A_172 : vector<16xi32>
              %reduce_or3A_174 = arith.constant 1.000000e+00 : f32
              %reduce_or3A_175 = arith.constant 0.000000e+00 : f32
              %reduce_or3A_176 = vector.broadcast %reduce_or3A_174 : f32 to vector<16xf32>
              %reduce_or3A_177 = vector.broadcast %reduce_or3A_175 : f32 to vector<16xf32>
              %reduce_or3A_178 = arith.select %ne3A_173, %reduce_or3A_176, %reduce_or3A_177 : vector<16xi1>, vector<16xf32>
              %reduce_or3A_179 = arith.constant true
              %reduce_or3A_180 = vector.broadcast %reduce_or3A_179 : i1 to vector<16xi1>
              %reduce_or3A_181 = tpu.scan <max>, %reduce_or3A_178 masked %reduce_or3A_180 : vector<16xf32>, vector<16xi1> -> vector<16xf32>
              %reduce_or3A_182 = vector.extract %reduce_or3A_181[15] : f32 from vector<16xf32>
              %reduce_or3A_183 = arith.constant 0.000000e+00 : f32
              %reduce_or3A_184 = arith.cmpf ogt, %reduce_or3A_182, %reduce_or3A_183 : f32
              %convert_element_type3A_185 = arith.extui %reduce_or3A_184 : i1 to i32
              %cond3A_186 = arith.constant 0 : i32
              %cond3A_187 = arith.cmpi ne, %convert_element_type3A_185, %cond3A_186 : i32
              scf.if %cond3A_187 {
                %mul3A_189 = arith.constant 16 : i32
                %mul3A_190 = arith.muli %add3A_168, %mul3A_189 : i32
                %add3A_191 = vector.broadcast %mul3A_190 : i32 to vector<16xi32>
                %add3A_192 = arith.addi %add3A_191, %iota3A : vector<16xi32>
                %gather3A_193 = tpu.vector_load_idx %arg10[%add3A_192] : memref<1056xi32, #tpu.memory_space<vmem>>[vector<16xi32>], vector<16xi32>,
                %swap3A = arith.constant 0 : index
                %swap3A_194 = tpu.vector_load %arg16[%swap3A] {strides = array<i32>} : memref<16xi32, #tpu.memory_space<vmem>>, vector<16xi32>,
                tpu.vector_store %arg16[%swap3A], %gather3A_193 {strides = array<i32>} : memref<16xi32, #tpu.memory_space<vmem>>, vector<16xi32>,
                %gather3A_195 = tpu.vector_load_idx %arg9[%add3A_192] : memref<1056xf32, #tpu.memory_space<vmem>>[vector<16xi32>], vector<16xf32>,
                %broadcast_in_dim3A_196 = arith.constant 0 : i32
                %broadcast_in_dim3A_197 = vector.broadcast %broadcast_in_dim3A_196 : i32 to vector<16xi32>
                %gather3A_198 = tpu.vector_load_idx %arg11[%add3A_192, %broadcast_in_dim3A_197] : memref<1056x8xf32, #tpu.memory_space<vmem>>[vector<16xi32>, vector<16xi32>], vector<16xf32>,
                %mul3A_199 = arith.mulf %gather3A_195, %gather3A_198 : vector<16xf32>
                tpu.vector_store_idx %arg15[%iota3A, %broadcast_in_dim3A_197], %mul3A_199 : memref<16x8xf32, #tpu.memory_space<vmem>>[vector<16xi32>, vector<16xi32>], vector<16xf32>,
                %broadcast_in_dim3A_200 = arith.constant 1 : i32
                %broadcast_in_dim3A_201 = vector.broadcast %broadcast_in_dim3A_200 : i32 to vector<16xi32>
                %gather3A_202 = tpu.vector_load_idx %arg11[%add3A_192, %broadcast_in_dim3A_201] : memref<1056x8xf32, #tpu.memory_space<vmem>>[vector<16xi32>, vector<16xi32>], vector<16xf32>,
                %mul3A_203 = arith.mulf %gather3A_195, %gather3A_202 : vector<16xf32>
                tpu.vector_store_idx %arg15[%iota3A, %broadcast_in_dim3A_201], %mul3A_203 : memref<16x8xf32, #tpu.memory_space<vmem>>[vector<16xi32>, vector<16xi32>], vector<16xf32>,
                %broadcast_in_dim3A_204 = arith.constant 2 : i32
                %broadcast_in_dim3A_205 = vector.broadcast %broadcast_in_dim3A_204 : i32 to vector<16xi32>
                %gather3A_206 = tpu.vector_load_idx %arg11[%add3A_192, %broadcast_in_dim3A_205] : memref<1056x8xf32, #tpu.memory_space<vmem>>[vector<16xi32>, vector<16xi32>], vector<16xf32>,
                %mul3A_207 = arith.mulf %gather3A_195, %gather3A_206 : vector<16xf32>
                tpu.vector_store_idx %arg15[%iota3A, %broadcast_in_dim3A_205], %mul3A_207 : memref<16x8xf32, #tpu.memory_space<vmem>>[vector<16xi32>, vector<16xi32>], vector<16xf32>,
                %broadcast_in_dim3A_208 = arith.constant 3 : i32
                %broadcast_in_dim3A_209 = vector.broadcast %broadcast_in_dim3A_208 : i32 to vector<16xi32>
                %gather3A_210 = tpu.vector_load_idx %arg11[%add3A_192, %broadcast_in_dim3A_209] : memref<1056x8xf32, #tpu.memory_space<vmem>>[vector<16xi32>, vector<16xi32>], vector<16xf32>,
                %mul3A_211 = arith.mulf %gather3A_195, %gather3A_210 : vector<16xf32>
                tpu.vector_store_idx %arg15[%iota3A, %broadcast_in_dim3A_209], %mul3A_211 : memref<16x8xf32, #tpu.memory_space<vmem>>[vector<16xi32>, vector<16xi32>], vector<16xf32>,
                %broadcast_in_dim3A_212 = arith.constant 4 : i32
                %broadcast_in_dim3A_213 = vector.broadcast %broadcast_in_dim3A_212 : i32 to vector<16xi32>
                %gather3A_214 = tpu.vector_load_idx %arg11[%add3A_192, %broadcast_in_dim3A_213] : memref<1056x8xf32, #tpu.memory_space<vmem>>[vector<16xi32>, vector<16xi32>], vector<16xf32>,
                %mul3A_215 = arith.mulf %gather3A_195, %gather3A_214 : vector<16xf32>
                tpu.vector_store_idx %arg15[%iota3A, %broadcast_in_dim3A_213], %mul3A_215 : memref<16x8xf32, #tpu.memory_space<vmem>>[vector<16xi32>, vector<16xi32>], vector<16xf32>,
                %broadcast_in_dim3A_216 = arith.constant 5 : i32
                %broadcast_in_dim3A_217 = vector.broadcast %broadcast_in_dim3A_216 : i32 to vector<16xi32>
                %gather3A_218 = tpu.vector_load_idx %arg11[%add3A_192, %broadcast_in_dim3A_217] : memref<1056x8xf32, #tpu.memory_space<vmem>>[vector<16xi32>, vector<16xi32>], vector<16xf32>,
                %mul3A_219 = arith.mulf %gather3A_195, %gather3A_218 : vector<16xf32>
                tpu.vector_store_idx %arg15[%iota3A, %broadcast_in_dim3A_217], %mul3A_219 : memref<16x8xf32, #tpu.memory_space<vmem>>[vector<16xi32>, vector<16xi32>], vector<16xf32>,
                %broadcast_in_dim3A_220 = arith.constant 6 : i32
                %broadcast_in_dim3A_221 = vector.broadcast %broadcast_in_dim3A_220 : i32 to vector<16xi32>
                %gather3A_222 = tpu.vector_load_idx %arg11[%add3A_192, %broadcast_in_dim3A_221] : memref<1056x8xf32, #tpu.memory_space<vmem>>[vector<16xi32>, vector<16xi32>], vector<16xf32>,
                %mul3A_223 = arith.mulf %gather3A_195, %gather3A_222 : vector<16xf32>
                tpu.vector_store_idx %arg15[%iota3A, %broadcast_in_dim3A_221], %mul3A_223 : memref<16x8xf32, #tpu.memory_space<vmem>>[vector<16xi32>, vector<16xi32>], vector<16xf32>,
                %broadcast_in_dim3A_224 = arith.constant 7 : i32
                %broadcast_in_dim3A_225 = vector.broadcast %broadcast_in_dim3A_224 : i32 to vector<16xi32>
                %gather3A_226 = tpu.vector_load_idx %arg11[%add3A_192, %broadcast_in_dim3A_225] : memref<1056x8xf32, #tpu.memory_space<vmem>>[vector<16xi32>, vector<16xi32>], vector<16xf32>,
                %mul3A_227 = arith.mulf %gather3A_195, %gather3A_226 : vector<16xf32>
                tpu.vector_store_idx %arg15[%iota3A, %broadcast_in_dim3A_225], %mul3A_227 : memref<16x8xf32, #tpu.memory_space<vmem>>[vector<16xi32>, vector<16xi32>], vector<16xf32>,
                "tpu.region"() ({
                  %run_scoped3A = tpu.sem_alloc : memref<!tpu.dma_semaphore, #tpu.memory_space<semaphore_mem>>
                  %dma_start3A = arith.constant 0 : i32
                  %dma_start3A_228 = arith.constant 0 : i32
                  %dma_start3A_229 = tpu.memref_slice %arg18[%dma_start3A, %dma_start3A_228] : memref<129600x8xf32, #tpu.memory_space<vmem_shared>> -> memref<129600x8xf32, #tpu.memory_space<vmem_shared>>
                  tpu.enqueue_indirect_dma source(%arg15 : memref<16x8xf32, #tpu.memory_space<vmem>>) target(%dma_start3A_229 : memref<129600x8xf32, #tpu.memory_space<vmem_shared>>) offsets(%arg16 : memref<16xi32, #tpu.memory_space<vmem>>) semaphore(%run_scoped3A : memref<!tpu.dma_semaphore, #tpu.memory_space<semaphore_mem>>) {add = true}
                  %dma_wait3A = arith.constant 0 : i32
                  %dma_wait3A_230 = arith.constant 0 : i32
                  %dma_wait3A_231 = tpu.memref_slice %arg18[%dma_wait3A, %dma_wait3A_230] : memref<129600x8xf32, #tpu.memory_space<vmem_shared>> -> memref<129600x8xf32, #tpu.memory_space<vmem_shared>>
                  tpu.wait_indirect_dma semaphore(%run_scoped3A : memref<!tpu.dma_semaphore, #tpu.memory_space<semaphore_mem>>) src(%arg15 : memref<16x8xf32, #tpu.memory_space<vmem>>) dst(%dma_wait3A_231 : memref<129600x8xf32, #tpu.memory_space<vmem_shared>>)
                  tpu.yield
                }) : () -> ()
              } else {
              }
              %scan3A_188 = arith.constant 0 : i32
              scf.yield %scan3A_188 : i32
            }
            %scan3A_163 = arith.constant 16 : i32
          } else {
          }
          %scan3A_156 = arith.constant 0 : i32
          scf.yield %scan3A_156 : i32
        }
        %scan3A_134 = arith.constant 5 : i32
      } else {
      }
      %scan3A_127 = arith.constant 0 : i32
      scf.yield %scan3A_127 : i32
    }
    %scan3A_88 = arith.constant 30 : i32
    %barrier3A_89 = arith.constant 0 : index
    tpu.barrier barrier_id(%barrier3A_89)
    "tpu.region"() ({
      %run_scoped3A = tpu.sem_alloc : memref<!tpu.dma_semaphore, #tpu.memory_space<semaphore_mem>>
      %dma_start3A = arith.constant 0 : i32
      %dma_start3A_112 = tpu.memref_slice %arg8[%add3A_80, %mul3A_2, %dma_start3A] : memref<10x129600x8xf32, #tpu.memory_space<hbm>> -> memref<1x8100x8xf32, #tpu.memory_space<hbm>>
      %dma_start3A_113 = tpu.memref_squeeze %dma_start3A_112 : memref<1x8100x8xf32, #tpu.memory_space<hbm>> -> memref<8100x8xf32, #tpu.memory_space<hbm>>
      %dma_start3A_114 = arith.constant 0 : i32
      %dma_start3A_115 = tpu.memref_slice %arg18[%mul3A_2, %dma_start3A_114] : memref<129600x8xf32, #tpu.memory_space<vmem_shared>> -> memref<8100x8xf32, #tpu.memory_space<vmem_shared>>
      tpu.enqueue_dma source(%dma_start3A_115 : memref<8100x8xf32, #tpu.memory_space<vmem_shared>>) target(%dma_start3A_113 : memref<8100x8xf32, #tpu.memory_space<hbm>>) target_semaphore(%run_scoped3A : memref<!tpu.dma_semaphore, #tpu.memory_space<semaphore_mem>>)
      %dma_wait3A = arith.constant 0 : i32
      %dma_wait3A_116 = tpu.memref_slice %arg8[%add3A_80, %mul3A_2, %dma_wait3A] : memref<10x129600x8xf32, #tpu.memory_space<hbm>> -> memref<1x8100x8xf32, #tpu.memory_space<hbm>>
      %dma_wait3A_117 = tpu.memref_squeeze %dma_wait3A_116 : memref<1x8100x8xf32, #tpu.memory_space<hbm>> -> memref<8100x8xf32, #tpu.memory_space<hbm>>
      %dma_wait3A_118 = arith.constant 0 : i32
      %dma_wait3A_119 = tpu.memref_slice %arg18[%mul3A_2, %dma_wait3A_118] : memref<129600x8xf32, #tpu.memory_space<vmem_shared>> -> memref<8100x8xf32, #tpu.memory_space<vmem_shared>>
      tpu.wait_dma2 semaphore(%run_scoped3A : memref<!tpu.dma_semaphore, #tpu.memory_space<semaphore_mem>>) src(%dma_wait3A_119 : memref<8100x8xf32, #tpu.memory_space<vmem_shared>>) dst(%dma_wait3A_117 : memref<8100x8xf32, #tpu.memory_space<hbm>>)
      tpu.yield
    }) : () -> ()
    %barrier3A_90 = arith.constant 0 : index
    tpu.barrier barrier_id(%barrier3A_90)
    %scan3A_91 = arith.constant 0 : i32
    %scan3A_92 = arith.constant 0 : i32
    %scan3A_93 = arith.constant 30 : i32
    %scan3A_94 = arith.addi %scan3A_92, %scan3A_93 : i32
    %scan3A_95 = arith.constant 1 : i32
    %scan3A_96 = scf.for %scan3A_112 = %scan3A_92 to %scan3A_94 step %scan3A_95 iter_args(%scan3A_113 = %scan3A_91) -> (i32)  : i32 {
      %broadcast_in_dim3A = vector.broadcast %scan3A_112 : i32 to vector<16xi32>
      %gather3A = tpu.vector_load_idx %arg12[%broadcast_in_dim3A] : memref<32xi32, #tpu.memory_space<vmem>>[vector<16xi32>], vector<16xi32>,
      %ne3A = arith.constant 0 : i32
      %ne3A_114 = vector.broadcast %ne3A : i32 to vector<16xi32>
      %ne3A_115 = arith.cmpi ne, %gather3A, %ne3A_114 : vector<16xi32>
      %reduce_or3A = arith.constant 1.000000e+00 : f32
      %reduce_or3A_116 = arith.constant 0.000000e+00 : f32
      %reduce_or3A_117 = vector.broadcast %reduce_or3A : f32 to vector<16xf32>
      %reduce_or3A_118 = vector.broadcast %reduce_or3A_116 : f32 to vector<16xf32>
      %reduce_or3A_119 = arith.select %ne3A_115, %reduce_or3A_117, %reduce_or3A_118 : vector<16xi1>, vector<16xf32>
      %reduce_or3A_120 = arith.constant true
      %reduce_or3A_121 = vector.broadcast %reduce_or3A_120 : i1 to vector<16xi1>
      %reduce_or3A_122 = tpu.scan <max>, %reduce_or3A_119 masked %reduce_or3A_121 : vector<16xf32>, vector<16xi1> -> vector<16xf32>
      %reduce_or3A_123 = vector.extract %reduce_or3A_122[15] : f32 from vector<16xf32>
      %reduce_or3A_124 = arith.constant 0.000000e+00 : f32
      %reduce_or3A_125 = arith.cmpf ogt, %reduce_or3A_123, %reduce_or3A_124 : f32
      %convert_element_type3A = arith.extui %reduce_or3A_125 : i1 to i32
      %cond3A = arith.constant 0 : i32
      %cond3A_126 = arith.cmpi ne, %convert_element_type3A, %cond3A : i32
      scf.if %cond3A_126 {
        "tpu.region"() ({
          %run_scoped3A = tpu.sem_alloc : memref<!tpu.dma_semaphore, #tpu.memory_space<semaphore_mem>>
          %dma_start3A = tpu.memref_slice %arg3[%scan3A_112, %mul3A_0] : memref<30x16896xi32, #tpu.memory_space<hbm>> -> memref<1x1056xi32, #tpu.memory_space<hbm>>
          %dma_start3A_135 = tpu.memref_squeeze %dma_start3A : memref<1x1056xi32, #tpu.memory_space<hbm>> -> memref<1056xi32, #tpu.memory_space<hbm>>
          %dma_start3A_136 = tpu.memref_slice %arg3[%scan3A_112, %mul3A_0] : memref<30x16896xi32, #tpu.memory_space<hbm>> -> memref<1x1056xi32, #tpu.memory_space<hbm>>
          %dma_start3A_137 = tpu.memref_squeeze %dma_start3A_136 : memref<1x1056xi32, #tpu.memory_space<hbm>> -> memref<1056xi32, #tpu.memory_space<hbm>>
          tpu.enqueue_dma source(%dma_start3A_137 : memref<1056xi32, #tpu.memory_space<hbm>>) target(%arg10 : memref<1056xi32, #tpu.memory_space<vmem>>) target_semaphore(%run_scoped3A : memref<!tpu.dma_semaphore, #tpu.memory_space<semaphore_mem>>)
          %dma_wait3A = tpu.memref_slice %arg3[%scan3A_112, %mul3A_0] : memref<30x16896xi32, #tpu.memory_space<hbm>> -> memref<1x1056xi32, #tpu.memory_space<hbm>>
          %dma_wait3A_138 = tpu.memref_squeeze %dma_wait3A : memref<1x1056xi32, #tpu.memory_space<hbm>> -> memref<1056xi32, #tpu.memory_space<hbm>>
          %dma_wait3A_139 = tpu.memref_slice %arg3[%scan3A_112, %mul3A_0] : memref<30x16896xi32, #tpu.memory_space<hbm>> -> memref<1x1056xi32, #tpu.memory_space<hbm>>
          %dma_wait3A_140 = tpu.memref_squeeze %dma_wait3A_139 : memref<1x1056xi32, #tpu.memory_space<hbm>> -> memref<1056xi32, #tpu.memory_space<hbm>>
          tpu.wait_dma2 semaphore(%run_scoped3A : memref<!tpu.dma_semaphore, #tpu.memory_space<semaphore_mem>>) src(%dma_wait3A_140 : memref<1056xi32, #tpu.memory_space<hbm>>) dst(%arg10 : memref<1056xi32, #tpu.memory_space<vmem>>)
          tpu.yield
        }) : () -> ()
        %scan3A_128 = arith.constant 0 : i32
        %scan3A_129 = arith.constant 0 : i32
        %scan3A_130 = arith.constant 5 : i32
        %scan3A_131 = arith.addi %scan3A_129, %scan3A_130 : i32
        %scan3A_132 = arith.constant 1 : i32
        %scan3A_133 = scf.for %scan3A_135 = %scan3A_129 to %scan3A_131 step %scan3A_132 iter_args(%scan3A_136 = %scan3A_128) -> (i32)  : i32 {
          %broadcast_in_dim3A_137 = vector.broadcast %scan3A_135 : i32 to vector<16xi32>
          %gather3A_138 = tpu.vector_load_idx %arg13[%broadcast_in_dim3A, %broadcast_in_dim3A_137] : memref<30x8xi32, #tpu.memory_space<vmem>>[vector<16xi32>, vector<16xi32>], vector<16xi32>,
          %ne3A_139 = arith.constant 0 : i32
          %ne3A_140 = vector.broadcast %ne3A_139 : i32 to vector<16xi32>
          %ne3A_141 = arith.cmpi ne, %gather3A_138, %ne3A_140 : vector<16xi32>
          %reduce_or3A_142 = arith.constant 1.000000e+00 : f32
          %reduce_or3A_143 = arith.constant 0.000000e+00 : f32
          %reduce_or3A_144 = vector.broadcast %reduce_or3A_142 : f32 to vector<16xf32>
          %reduce_or3A_145 = vector.broadcast %reduce_or3A_143 : f32 to vector<16xf32>
          %reduce_or3A_146 = arith.select %ne3A_141, %reduce_or3A_144, %reduce_or3A_145 : vector<16xi1>, vector<16xf32>
          %reduce_or3A_147 = arith.constant true
          %reduce_or3A_148 = vector.broadcast %reduce_or3A_147 : i1 to vector<16xi1>
          %reduce_or3A_149 = tpu.scan <max>, %reduce_or3A_146 masked %reduce_or3A_148 : vector<16xf32>, vector<16xi1> -> vector<16xf32>
          %reduce_or3A_150 = vector.extract %reduce_or3A_149[15] : f32 from vector<16xf32>
          %reduce_or3A_151 = arith.constant 0.000000e+00 : f32
          %reduce_or3A_152 = arith.cmpf ogt, %reduce_or3A_150, %reduce_or3A_151 : f32
          %convert_element_type3A_153 = arith.extui %reduce_or3A_152 : i1 to i32
          %cond3A_154 = arith.constant 0 : i32
          %cond3A_155 = arith.cmpi ne, %convert_element_type3A_153, %cond3A_154 : i32
          scf.if %cond3A_155 {
            %scan3A_157 = arith.constant 0 : i32
            %scan3A_158 = arith.constant 0 : i32
            %scan3A_159 = arith.constant 16 : i32
            %scan3A_160 = arith.addi %scan3A_158, %scan3A_159 : i32
            %scan3A_161 = arith.constant 1 : i32
            %scan3A_162 = scf.for %scan3A_164 = %scan3A_158 to %scan3A_160 step %scan3A_161 iter_args(%scan3A_165 = %scan3A_157) -> (i32)  : i32 {
              %mul3A_166 = arith.constant 16 : i32
              %mul3A_167 = arith.muli %scan3A_135, %mul3A_166 : i32
              %add3A_168 = arith.addi %mul3A_167, %scan3A_164 : i32
              %broadcast_in_dim3A_169 = vector.broadcast %add3A_168 : i32 to vector<16xi32>
              %gather3A_170 = tpu.vector_load_idx %arg14[%broadcast_in_dim3A, %broadcast_in_dim3A_169] : memref<30x80xi32, #tpu.memory_space<vmem>>[vector<16xi32>, vector<16xi32>], vector<16xi32>,
              %ne3A_171 = arith.constant 0 : i32
              %ne3A_172 = vector.broadcast %ne3A_171 : i32 to vector<16xi32>
              %ne3A_173 = arith.cmpi ne, %gather3A_170, %ne3A_172 : vector<16xi32>
              %reduce_or3A_174 = arith.constant 1.000000e+00 : f32
              %reduce_or3A_175 = arith.constant 0.000000e+00 : f32
              %reduce_or3A_176 = vector.broadcast %reduce_or3A_174 : f32 to vector<16xf32>
              %reduce_or3A_177 = vector.broadcast %reduce_or3A_175 : f32 to vector<16xf32>
              %reduce_or3A_178 = arith.select %ne3A_173, %reduce_or3A_176, %reduce_or3A_177 : vector<16xi1>, vector<16xf32>
              %reduce_or3A_179 = arith.constant true
              %reduce_or3A_180 = vector.broadcast %reduce_or3A_179 : i1 to vector<16xi1>
              %reduce_or3A_181 = tpu.scan <max>, %reduce_or3A_178 masked %reduce_or3A_180 : vector<16xf32>, vector<16xi1> -> vector<16xf32>
              %reduce_or3A_182 = vector.extract %reduce_or3A_181[15] : f32 from vector<16xf32>
              %reduce_or3A_183 = arith.constant 0.000000e+00 : f32
              %reduce_or3A_184 = arith.cmpf ogt, %reduce_or3A_182, %reduce_or3A_183 : f32
              %convert_element_type3A_185 = arith.extui %reduce_or3A_184 : i1 to i32
              %cond3A_186 = arith.constant 0 : i32
              %cond3A_187 = arith.cmpi ne, %convert_element_type3A_185, %cond3A_186 : i32
              scf.if %cond3A_187 {
                %mul3A_189 = arith.constant 16 : i32
                %mul3A_190 = arith.muli %add3A_168, %mul3A_189 : i32
                %add3A_191 = vector.broadcast %mul3A_190 : i32 to vector<16xi32>
                %add3A_192 = arith.addi %add3A_191, %iota3A : vector<16xi32>
                %gather3A_193 = tpu.vector_load_idx %arg10[%add3A_192] : memref<1056xi32, #tpu.memory_space<vmem>>[vector<16xi32>], vector<16xi32>,
                %swap3A = arith.constant 0 : index
                %swap3A_194 = tpu.vector_load %arg16[%swap3A] {strides = array<i32>} : memref<16xi32, #tpu.memory_space<vmem>>, vector<16xi32>,
                tpu.vector_store %arg16[%swap3A], %gather3A_193 {strides = array<i32>} : memref<16xi32, #tpu.memory_space<vmem>>, vector<16xi32>,
                "tpu.region"() ({
                  %run_scoped3A = tpu.sem_alloc : memref<!tpu.dma_semaphore, #tpu.memory_space<semaphore_mem>>
                  %dma_start3A = arith.constant 0 : i32
                  %dma_start3A_195 = arith.constant 0 : i32
                  %dma_start3A_196 = tpu.memref_slice %arg17[%dma_start3A, %dma_start3A_195] : memref<675x8xf32, #tpu.memory_space<vmem>> -> memref<16x8xf32, #tpu.memory_space<vmem>>
                  %dma_start3A_197 = arith.constant 0 : i32
                  %dma_start3A_198 = arith.constant 0 : i32
                  %dma_start3A_199 = tpu.memref_slice %arg18[%dma_start3A_197, %dma_start3A_198] : memref<129600x8xf32, #tpu.memory_space<vmem_shared>> -> memref<129600x8xf32, #tpu.memory_space<vmem_shared>>
                  tpu.enqueue_indirect_dma source(%dma_start3A_196 : memref<16x8xf32, #tpu.memory_space<vmem>>) target(%dma_start3A_199 : memref<129600x8xf32, #tpu.memory_space<vmem_shared>>) offsets(%arg16 : memref<16xi32, #tpu.memory_space<vmem>>) semaphore(%run_scoped3A : memref<!tpu.dma_semaphore, #tpu.memory_space<semaphore_mem>>)
                  %dma_wait3A = arith.constant 0 : i32
                  %dma_wait3A_200 = arith.constant 0 : i32
                  %dma_wait3A_201 = tpu.memref_slice %arg17[%dma_wait3A, %dma_wait3A_200] : memref<675x8xf32, #tpu.memory_space<vmem>> -> memref<16x8xf32, #tpu.memory_space<vmem>>
                  %dma_wait3A_202 = arith.constant 0 : i32
                  %dma_wait3A_203 = arith.constant 0 : i32
                  %dma_wait3A_204 = tpu.memref_slice %arg18[%dma_wait3A_202, %dma_wait3A_203] : memref<129600x8xf32, #tpu.memory_space<vmem_shared>> -> memref<129600x8xf32, #tpu.memory_space<vmem_shared>>
                  tpu.wait_indirect_dma semaphore(%run_scoped3A : memref<!tpu.dma_semaphore, #tpu.memory_space<semaphore_mem>>) src(%dma_wait3A_201 : memref<16x8xf32, #tpu.memory_space<vmem>>) dst(%dma_wait3A_204 : memref<129600x8xf32, #tpu.memory_space<vmem_shared>>)
                  tpu.yield
                }) : () -> ()
              } else {
              }
              %scan3A_188 = arith.constant 0 : i32
              scf.yield %scan3A_188 : i32
            }
            %scan3A_163 = arith.constant 16 : i32
          } else {
          }
          %scan3A_156 = arith.constant 0 : i32
          scf.yield %scan3A_156 : i32
        }
        %scan3A_134 = arith.constant 5 : i32
      } else {
      }
      %scan3A_127 = arith.constant 0 : i32
      scf.yield %scan3A_127 : i32
    }
    %scan3A_97 = arith.constant 30 : i32
    %mul3A_98 = arith.constant 5 : i32
    %mul3A_99 = arith.muli %arg0, %mul3A_98 : i32
    %add3A_100 = arith.constant 4 : i32
    %add3A_101 = arith.addi %mul3A_99, %add3A_100 : i32
    "tpu.region"() ({
      %run_scoped3A = tpu.sem_alloc : memref<!tpu.dma_semaphore, #tpu.memory_space<semaphore_mem>>
      %dma_start3A = arith.constant 0 : i32
      %dma_start3A_112 = tpu.memref_slice %arg4[%add3A_101, %mul3A_0, %dma_start3A] : memref<10x16896x8xf32, #tpu.memory_space<hbm>> -> memref<1x1056x8xf32, #tpu.memory_space<hbm>>
      %dma_start3A_113 = tpu.memref_squeeze %dma_start3A_112 : memref<1x1056x8xf32, #tpu.memory_space<hbm>> -> memref<1056x8xf32, #tpu.memory_space<hbm>>
      %dma_start3A_114 = arith.constant 0 : i32
      %dma_start3A_115 = tpu.memref_slice %arg4[%add3A_101, %mul3A_0, %dma_start3A_114] : memref<10x16896x8xf32, #tpu.memory_space<hbm>> -> memref<1x1056x8xf32, #tpu.memory_space<hbm>>
      %dma_start3A_116 = tpu.memref_squeeze %dma_start3A_115 : memref<1x1056x8xf32, #tpu.memory_space<hbm>> -> memref<1056x8xf32, #tpu.memory_space<hbm>>
      tpu.enqueue_dma source(%dma_start3A_116 : memref<1056x8xf32, #tpu.memory_space<hbm>>) target(%arg11 : memref<1056x8xf32, #tpu.memory_space<vmem>>) target_semaphore(%run_scoped3A : memref<!tpu.dma_semaphore, #tpu.memory_space<semaphore_mem>>)
      %dma_wait3A = arith.constant 0 : i32
      %dma_wait3A_117 = tpu.memref_slice %arg4[%add3A_101, %mul3A_0, %dma_wait3A] : memref<10x16896x8xf32, #tpu.memory_space<hbm>> -> memref<1x1056x8xf32, #tpu.memory_space<hbm>>
      %dma_wait3A_118 = tpu.memref_squeeze %dma_wait3A_117 : memref<1x1056x8xf32, #tpu.memory_space<hbm>> -> memref<1056x8xf32, #tpu.memory_space<hbm>>
      %dma_wait3A_119 = arith.constant 0 : i32
      %dma_wait3A_120 = tpu.memref_slice %arg4[%add3A_101, %mul3A_0, %dma_wait3A_119] : memref<10x16896x8xf32, #tpu.memory_space<hbm>> -> memref<1x1056x8xf32, #tpu.memory_space<hbm>>
      %dma_wait3A_121 = tpu.memref_squeeze %dma_wait3A_120 : memref<1x1056x8xf32, #tpu.memory_space<hbm>> -> memref<1056x8xf32, #tpu.memory_space<hbm>>
      tpu.wait_dma2 semaphore(%run_scoped3A : memref<!tpu.dma_semaphore, #tpu.memory_space<semaphore_mem>>) src(%dma_wait3A_121 : memref<1056x8xf32, #tpu.memory_space<hbm>>) dst(%arg11 : memref<1056x8xf32, #tpu.memory_space<vmem>>)
      tpu.yield
    }) : () -> ()
    %barrier3A_102 = arith.constant 0 : index
    tpu.barrier barrier_id(%barrier3A_102)
    %scan3A_103 = arith.constant 0 : i32
    %scan3A_104 = arith.constant 0 : i32
    %scan3A_105 = arith.constant 30 : i32
    %scan3A_106 = arith.addi %scan3A_104, %scan3A_105 : i32
    %scan3A_107 = arith.constant 1 : i32
    %scan3A_108 = scf.for %scan3A_112 = %scan3A_104 to %scan3A_106 step %scan3A_107 iter_args(%scan3A_113 = %scan3A_103) -> (i32)  : i32 {
      %broadcast_in_dim3A = vector.broadcast %scan3A_112 : i32 to vector<16xi32>
      %gather3A = tpu.vector_load_idx %arg12[%broadcast_in_dim3A] : memref<32xi32, #tpu.memory_space<vmem>>[vector<16xi32>], vector<16xi32>,
      %ne3A = arith.constant 0 : i32
      %ne3A_114 = vector.broadcast %ne3A : i32 to vector<16xi32>
      %ne3A_115 = arith.cmpi ne, %gather3A, %ne3A_114 : vector<16xi32>
      %reduce_or3A = arith.constant 1.000000e+00 : f32
      %reduce_or3A_116 = arith.constant 0.000000e+00 : f32
      %reduce_or3A_117 = vector.broadcast %reduce_or3A : f32 to vector<16xf32>
      %reduce_or3A_118 = vector.broadcast %reduce_or3A_116 : f32 to vector<16xf32>
      %reduce_or3A_119 = arith.select %ne3A_115, %reduce_or3A_117, %reduce_or3A_118 : vector<16xi1>, vector<16xf32>
      %reduce_or3A_120 = arith.constant true
      %reduce_or3A_121 = vector.broadcast %reduce_or3A_120 : i1 to vector<16xi1>
      %reduce_or3A_122 = tpu.scan <max>, %reduce_or3A_119 masked %reduce_or3A_121 : vector<16xf32>, vector<16xi1> -> vector<16xf32>
      %reduce_or3A_123 = vector.extract %reduce_or3A_122[15] : f32 from vector<16xf32>
      %reduce_or3A_124 = arith.constant 0.000000e+00 : f32
      %reduce_or3A_125 = arith.cmpf ogt, %reduce_or3A_123, %reduce_or3A_124 : f32
      %convert_element_type3A = arith.extui %reduce_or3A_125 : i1 to i32
      %cond3A = arith.constant 0 : i32
      %cond3A_126 = arith.cmpi ne, %convert_element_type3A, %cond3A : i32
      scf.if %cond3A_126 {
        "tpu.region"() ({
          %run_scoped3A = tpu.sem_alloc : memref<!tpu.dma_semaphore, #tpu.memory_space<semaphore_mem>>
          %dma_start3A = tpu.memref_slice %arg2[%scan3A_112, %mul3A_0] : memref<30x16896xf32, #tpu.memory_space<hbm>> -> memref<1x1056xf32, #tpu.memory_space<hbm>>
          %dma_start3A_135 = tpu.memref_squeeze %dma_start3A : memref<1x1056xf32, #tpu.memory_space<hbm>> -> memref<1056xf32, #tpu.memory_space<hbm>>
          %dma_start3A_136 = tpu.memref_slice %arg2[%scan3A_112, %mul3A_0] : memref<30x16896xf32, #tpu.memory_space<hbm>> -> memref<1x1056xf32, #tpu.memory_space<hbm>>
          %dma_start3A_137 = tpu.memref_squeeze %dma_start3A_136 : memref<1x1056xf32, #tpu.memory_space<hbm>> -> memref<1056xf32, #tpu.memory_space<hbm>>
          tpu.enqueue_dma source(%dma_start3A_137 : memref<1056xf32, #tpu.memory_space<hbm>>) target(%arg9 : memref<1056xf32, #tpu.memory_space<vmem>>) target_semaphore(%run_scoped3A : memref<!tpu.dma_semaphore, #tpu.memory_space<semaphore_mem>>)
          %dma_wait3A = tpu.memref_slice %arg2[%scan3A_112, %mul3A_0] : memref<30x16896xf32, #tpu.memory_space<hbm>> -> memref<1x1056xf32, #tpu.memory_space<hbm>>
          %dma_wait3A_138 = tpu.memref_squeeze %dma_wait3A : memref<1x1056xf32, #tpu.memory_space<hbm>> -> memref<1056xf32, #tpu.memory_space<hbm>>
          %dma_wait3A_139 = tpu.memref_slice %arg2[%scan3A_112, %mul3A_0] : memref<30x16896xf32, #tpu.memory_space<hbm>> -> memref<1x1056xf32, #tpu.memory_space<hbm>>
          %dma_wait3A_140 = tpu.memref_squeeze %dma_wait3A_139 : memref<1x1056xf32, #tpu.memory_space<hbm>> -> memref<1056xf32, #tpu.memory_space<hbm>>
          tpu.wait_dma2 semaphore(%run_scoped3A : memref<!tpu.dma_semaphore, #tpu.memory_space<semaphore_mem>>) src(%dma_wait3A_140 : memref<1056xf32, #tpu.memory_space<hbm>>) dst(%arg9 : memref<1056xf32, #tpu.memory_space<vmem>>)
          tpu.yield
        }) : () -> ()
        "tpu.region"() ({
          %run_scoped3A = tpu.sem_alloc : memref<!tpu.dma_semaphore, #tpu.memory_space<semaphore_mem>>
          %dma_start3A = tpu.memref_slice %arg3[%scan3A_112, %mul3A_0] : memref<30x16896xi32, #tpu.memory_space<hbm>> -> memref<1x1056xi32, #tpu.memory_space<hbm>>
          %dma_start3A_135 = tpu.memref_squeeze %dma_start3A : memref<1x1056xi32, #tpu.memory_space<hbm>> -> memref<1056xi32, #tpu.memory_space<hbm>>
          %dma_start3A_136 = tpu.memref_slice %arg3[%scan3A_112, %mul3A_0] : memref<30x16896xi32, #tpu.memory_space<hbm>> -> memref<1x1056xi32, #tpu.memory_space<hbm>>
          %dma_start3A_137 = tpu.memref_squeeze %dma_start3A_136 : memref<1x1056xi32, #tpu.memory_space<hbm>> -> memref<1056xi32, #tpu.memory_space<hbm>>
          tpu.enqueue_dma source(%dma_start3A_137 : memref<1056xi32, #tpu.memory_space<hbm>>) target(%arg10 : memref<1056xi32, #tpu.memory_space<vmem>>) target_semaphore(%run_scoped3A : memref<!tpu.dma_semaphore, #tpu.memory_space<semaphore_mem>>)
          %dma_wait3A = tpu.memref_slice %arg3[%scan3A_112, %mul3A_0] : memref<30x16896xi32, #tpu.memory_space<hbm>> -> memref<1x1056xi32, #tpu.memory_space<hbm>>
          %dma_wait3A_138 = tpu.memref_squeeze %dma_wait3A : memref<1x1056xi32, #tpu.memory_space<hbm>> -> memref<1056xi32, #tpu.memory_space<hbm>>
          %dma_wait3A_139 = tpu.memref_slice %arg3[%scan3A_112, %mul3A_0] : memref<30x16896xi32, #tpu.memory_space<hbm>> -> memref<1x1056xi32, #tpu.memory_space<hbm>>
          %dma_wait3A_140 = tpu.memref_squeeze %dma_wait3A_139 : memref<1x1056xi32, #tpu.memory_space<hbm>> -> memref<1056xi32, #tpu.memory_space<hbm>>
          tpu.wait_dma2 semaphore(%run_scoped3A : memref<!tpu.dma_semaphore, #tpu.memory_space<semaphore_mem>>) src(%dma_wait3A_140 : memref<1056xi32, #tpu.memory_space<hbm>>) dst(%arg10 : memref<1056xi32, #tpu.memory_space<vmem>>)
          tpu.yield
        }) : () -> ()
        %scan3A_128 = arith.constant 0 : i32
        %scan3A_129 = arith.constant 0 : i32
        %scan3A_130 = arith.constant 5 : i32
        %scan3A_131 = arith.addi %scan3A_129, %scan3A_130 : i32
        %scan3A_132 = arith.constant 1 : i32
        %scan3A_133 = scf.for %scan3A_135 = %scan3A_129 to %scan3A_131 step %scan3A_132 iter_args(%scan3A_136 = %scan3A_128) -> (i32)  : i32 {
          %broadcast_in_dim3A_137 = vector.broadcast %scan3A_135 : i32 to vector<16xi32>
          %gather3A_138 = tpu.vector_load_idx %arg13[%broadcast_in_dim3A, %broadcast_in_dim3A_137] : memref<30x8xi32, #tpu.memory_space<vmem>>[vector<16xi32>, vector<16xi32>], vector<16xi32>,
          %ne3A_139 = arith.constant 0 : i32
          %ne3A_140 = vector.broadcast %ne3A_139 : i32 to vector<16xi32>
          %ne3A_141 = arith.cmpi ne, %gather3A_138, %ne3A_140 : vector<16xi32>
          %reduce_or3A_142 = arith.constant 1.000000e+00 : f32
          %reduce_or3A_143 = arith.constant 0.000000e+00 : f32
          %reduce_or3A_144 = vector.broadcast %reduce_or3A_142 : f32 to vector<16xf32>
          %reduce_or3A_145 = vector.broadcast %reduce_or3A_143 : f32 to vector<16xf32>
          %reduce_or3A_146 = arith.select %ne3A_141, %reduce_or3A_144, %reduce_or3A_145 : vector<16xi1>, vector<16xf32>
          %reduce_or3A_147 = arith.constant true
          %reduce_or3A_148 = vector.broadcast %reduce_or3A_147 : i1 to vector<16xi1>
          %reduce_or3A_149 = tpu.scan <max>, %reduce_or3A_146 masked %reduce_or3A_148 : vector<16xf32>, vector<16xi1> -> vector<16xf32>
          %reduce_or3A_150 = vector.extract %reduce_or3A_149[15] : f32 from vector<16xf32>
          %reduce_or3A_151 = arith.constant 0.000000e+00 : f32
          %reduce_or3A_152 = arith.cmpf ogt, %reduce_or3A_150, %reduce_or3A_151 : f32
          %convert_element_type3A_153 = arith.extui %reduce_or3A_152 : i1 to i32
          %cond3A_154 = arith.constant 0 : i32
          %cond3A_155 = arith.cmpi ne, %convert_element_type3A_153, %cond3A_154 : i32
          scf.if %cond3A_155 {
            %scan3A_157 = arith.constant 0 : i32
            %scan3A_158 = arith.constant 0 : i32
            %scan3A_159 = arith.constant 16 : i32
            %scan3A_160 = arith.addi %scan3A_158, %scan3A_159 : i32
            %scan3A_161 = arith.constant 1 : i32
            %scan3A_162 = scf.for %scan3A_164 = %scan3A_158 to %scan3A_160 step %scan3A_161 iter_args(%scan3A_165 = %scan3A_157) -> (i32)  : i32 {
              %mul3A_166 = arith.constant 16 : i32
              %mul3A_167 = arith.muli %scan3A_135, %mul3A_166 : i32
              %add3A_168 = arith.addi %mul3A_167, %scan3A_164 : i32
              %broadcast_in_dim3A_169 = vector.broadcast %add3A_168 : i32 to vector<16xi32>
              %gather3A_170 = tpu.vector_load_idx %arg14[%broadcast_in_dim3A, %broadcast_in_dim3A_169] : memref<30x80xi32, #tpu.memory_space<vmem>>[vector<16xi32>, vector<16xi32>], vector<16xi32>,
              %ne3A_171 = arith.constant 0 : i32
              %ne3A_172 = vector.broadcast %ne3A_171 : i32 to vector<16xi32>
              %ne3A_173 = arith.cmpi ne, %gather3A_170, %ne3A_172 : vector<16xi32>
              %reduce_or3A_174 = arith.constant 1.000000e+00 : f32
              %reduce_or3A_175 = arith.constant 0.000000e+00 : f32
              %reduce_or3A_176 = vector.broadcast %reduce_or3A_174 : f32 to vector<16xf32>
              %reduce_or3A_177 = vector.broadcast %reduce_or3A_175 : f32 to vector<16xf32>
              %reduce_or3A_178 = arith.select %ne3A_173, %reduce_or3A_176, %reduce_or3A_177 : vector<16xi1>, vector<16xf32>
              %reduce_or3A_179 = arith.constant true
              %reduce_or3A_180 = vector.broadcast %reduce_or3A_179 : i1 to vector<16xi1>
              %reduce_or3A_181 = tpu.scan <max>, %reduce_or3A_178 masked %reduce_or3A_180 : vector<16xf32>, vector<16xi1> -> vector<16xf32>
              %reduce_or3A_182 = vector.extract %reduce_or3A_181[15] : f32 from vector<16xf32>
              %reduce_or3A_183 = arith.constant 0.000000e+00 : f32
              %reduce_or3A_184 = arith.cmpf ogt, %reduce_or3A_182, %reduce_or3A_183 : f32
              %convert_element_type3A_185 = arith.extui %reduce_or3A_184 : i1 to i32
              %cond3A_186 = arith.constant 0 : i32
              %cond3A_187 = arith.cmpi ne, %convert_element_type3A_185, %cond3A_186 : i32
              scf.if %cond3A_187 {
                %mul3A_189 = arith.constant 16 : i32
                %mul3A_190 = arith.muli %add3A_168, %mul3A_189 : i32
                %add3A_191 = vector.broadcast %mul3A_190 : i32 to vector<16xi32>
                %add3A_192 = arith.addi %add3A_191, %iota3A : vector<16xi32>
                %gather3A_193 = tpu.vector_load_idx %arg10[%add3A_192] : memref<1056xi32, #tpu.memory_space<vmem>>[vector<16xi32>], vector<16xi32>,
                %swap3A = arith.constant 0 : index
                %swap3A_194 = tpu.vector_load %arg16[%swap3A] {strides = array<i32>} : memref<16xi32, #tpu.memory_space<vmem>>, vector<16xi32>,
                tpu.vector_store %arg16[%swap3A], %gather3A_193 {strides = array<i32>} : memref<16xi32, #tpu.memory_space<vmem>>, vector<16xi32>,
                %gather3A_195 = tpu.vector_load_idx %arg9[%add3A_192] : memref<1056xf32, #tpu.memory_space<vmem>>[vector<16xi32>], vector<16xf32>,
                %broadcast_in_dim3A_196 = arith.constant 0 : i32
                %broadcast_in_dim3A_197 = vector.broadcast %broadcast_in_dim3A_196 : i32 to vector<16xi32>
                %gather3A_198 = tpu.vector_load_idx %arg11[%add3A_192, %broadcast_in_dim3A_197] : memref<1056x8xf32, #tpu.memory_space<vmem>>[vector<16xi32>, vector<16xi32>], vector<16xf32>,
                %mul3A_199 = arith.mulf %gather3A_195, %gather3A_198 : vector<16xf32>
                tpu.vector_store_idx %arg15[%iota3A, %broadcast_in_dim3A_197], %mul3A_199 : memref<16x8xf32, #tpu.memory_space<vmem>>[vector<16xi32>, vector<16xi32>], vector<16xf32>,
                %broadcast_in_dim3A_200 = arith.constant 1 : i32
                %broadcast_in_dim3A_201 = vector.broadcast %broadcast_in_dim3A_200 : i32 to vector<16xi32>
                %gather3A_202 = tpu.vector_load_idx %arg11[%add3A_192, %broadcast_in_dim3A_201] : memref<1056x8xf32, #tpu.memory_space<vmem>>[vector<16xi32>, vector<16xi32>], vector<16xf32>,
                %mul3A_203 = arith.mulf %gather3A_195, %gather3A_202 : vector<16xf32>
                tpu.vector_store_idx %arg15[%iota3A, %broadcast_in_dim3A_201], %mul3A_203 : memref<16x8xf32, #tpu.memory_space<vmem>>[vector<16xi32>, vector<16xi32>], vector<16xf32>,
                %broadcast_in_dim3A_204 = arith.constant 2 : i32
                %broadcast_in_dim3A_205 = vector.broadcast %broadcast_in_dim3A_204 : i32 to vector<16xi32>
                %gather3A_206 = tpu.vector_load_idx %arg11[%add3A_192, %broadcast_in_dim3A_205] : memref<1056x8xf32, #tpu.memory_space<vmem>>[vector<16xi32>, vector<16xi32>], vector<16xf32>,
                %mul3A_207 = arith.mulf %gather3A_195, %gather3A_206 : vector<16xf32>
                tpu.vector_store_idx %arg15[%iota3A, %broadcast_in_dim3A_205], %mul3A_207 : memref<16x8xf32, #tpu.memory_space<vmem>>[vector<16xi32>, vector<16xi32>], vector<16xf32>,
                %broadcast_in_dim3A_208 = arith.constant 3 : i32
                %broadcast_in_dim3A_209 = vector.broadcast %broadcast_in_dim3A_208 : i32 to vector<16xi32>
                %gather3A_210 = tpu.vector_load_idx %arg11[%add3A_192, %broadcast_in_dim3A_209] : memref<1056x8xf32, #tpu.memory_space<vmem>>[vector<16xi32>, vector<16xi32>], vector<16xf32>,
                %mul3A_211 = arith.mulf %gather3A_195, %gather3A_210 : vector<16xf32>
                tpu.vector_store_idx %arg15[%iota3A, %broadcast_in_dim3A_209], %mul3A_211 : memref<16x8xf32, #tpu.memory_space<vmem>>[vector<16xi32>, vector<16xi32>], vector<16xf32>,
                %broadcast_in_dim3A_212 = arith.constant 4 : i32
                %broadcast_in_dim3A_213 = vector.broadcast %broadcast_in_dim3A_212 : i32 to vector<16xi32>
                %gather3A_214 = tpu.vector_load_idx %arg11[%add3A_192, %broadcast_in_dim3A_213] : memref<1056x8xf32, #tpu.memory_space<vmem>>[vector<16xi32>, vector<16xi32>], vector<16xf32>,
                %mul3A_215 = arith.mulf %gather3A_195, %gather3A_214 : vector<16xf32>
                tpu.vector_store_idx %arg15[%iota3A, %broadcast_in_dim3A_213], %mul3A_215 : memref<16x8xf32, #tpu.memory_space<vmem>>[vector<16xi32>, vector<16xi32>], vector<16xf32>,
                %broadcast_in_dim3A_216 = arith.constant 5 : i32
                %broadcast_in_dim3A_217 = vector.broadcast %broadcast_in_dim3A_216 : i32 to vector<16xi32>
                %gather3A_218 = tpu.vector_load_idx %arg11[%add3A_192, %broadcast_in_dim3A_217] : memref<1056x8xf32, #tpu.memory_space<vmem>>[vector<16xi32>, vector<16xi32>], vector<16xf32>,
                %mul3A_219 = arith.mulf %gather3A_195, %gather3A_218 : vector<16xf32>
                tpu.vector_store_idx %arg15[%iota3A, %broadcast_in_dim3A_217], %mul3A_219 : memref<16x8xf32, #tpu.memory_space<vmem>>[vector<16xi32>, vector<16xi32>], vector<16xf32>,
                %broadcast_in_dim3A_220 = arith.constant 6 : i32
                %broadcast_in_dim3A_221 = vector.broadcast %broadcast_in_dim3A_220 : i32 to vector<16xi32>
                %gather3A_222 = tpu.vector_load_idx %arg11[%add3A_192, %broadcast_in_dim3A_221] : memref<1056x8xf32, #tpu.memory_space<vmem>>[vector<16xi32>, vector<16xi32>], vector<16xf32>,
                %mul3A_223 = arith.mulf %gather3A_195, %gather3A_222 : vector<16xf32>
                tpu.vector_store_idx %arg15[%iota3A, %broadcast_in_dim3A_221], %mul3A_223 : memref<16x8xf32, #tpu.memory_space<vmem>>[vector<16xi32>, vector<16xi32>], vector<16xf32>,
                %broadcast_in_dim3A_224 = arith.constant 7 : i32
                %broadcast_in_dim3A_225 = vector.broadcast %broadcast_in_dim3A_224 : i32 to vector<16xi32>
                %gather3A_226 = tpu.vector_load_idx %arg11[%add3A_192, %broadcast_in_dim3A_225] : memref<1056x8xf32, #tpu.memory_space<vmem>>[vector<16xi32>, vector<16xi32>], vector<16xf32>,
                %mul3A_227 = arith.mulf %gather3A_195, %gather3A_226 : vector<16xf32>
                tpu.vector_store_idx %arg15[%iota3A, %broadcast_in_dim3A_225], %mul3A_227 : memref<16x8xf32, #tpu.memory_space<vmem>>[vector<16xi32>, vector<16xi32>], vector<16xf32>,
                "tpu.region"() ({
                  %run_scoped3A = tpu.sem_alloc : memref<!tpu.dma_semaphore, #tpu.memory_space<semaphore_mem>>
                  %dma_start3A = arith.constant 0 : i32
                  %dma_start3A_228 = arith.constant 0 : i32
                  %dma_start3A_229 = tpu.memref_slice %arg18[%dma_start3A, %dma_start3A_228] : memref<129600x8xf32, #tpu.memory_space<vmem_shared>> -> memref<129600x8xf32, #tpu.memory_space<vmem_shared>>
                  tpu.enqueue_indirect_dma source(%arg15 : memref<16x8xf32, #tpu.memory_space<vmem>>) target(%dma_start3A_229 : memref<129600x8xf32, #tpu.memory_space<vmem_shared>>) offsets(%arg16 : memref<16xi32, #tpu.memory_space<vmem>>) semaphore(%run_scoped3A : memref<!tpu.dma_semaphore, #tpu.memory_space<semaphore_mem>>) {add = true}
                  %dma_wait3A = arith.constant 0 : i32
                  %dma_wait3A_230 = arith.constant 0 : i32
                  %dma_wait3A_231 = tpu.memref_slice %arg18[%dma_wait3A, %dma_wait3A_230] : memref<129600x8xf32, #tpu.memory_space<vmem_shared>> -> memref<129600x8xf32, #tpu.memory_space<vmem_shared>>
                  tpu.wait_indirect_dma semaphore(%run_scoped3A : memref<!tpu.dma_semaphore, #tpu.memory_space<semaphore_mem>>) src(%arg15 : memref<16x8xf32, #tpu.memory_space<vmem>>) dst(%dma_wait3A_231 : memref<129600x8xf32, #tpu.memory_space<vmem_shared>>)
                  tpu.yield
                }) : () -> ()
              } else {
              }
              %scan3A_188 = arith.constant 0 : i32
              scf.yield %scan3A_188 : i32
            }
            %scan3A_163 = arith.constant 16 : i32
          } else {
          }
          %scan3A_156 = arith.constant 0 : i32
          scf.yield %scan3A_156 : i32
        }
        %scan3A_134 = arith.constant 5 : i32
      } else {
      }
      %scan3A_127 = arith.constant 0 : i32
      scf.yield %scan3A_127 : i32
    }
    %scan3A_109 = arith.constant 30 : i32
    %barrier3A_110 = arith.constant 0 : index
    tpu.barrier barrier_id(%barrier3A_110)
    "tpu.region"() ({
      %run_scoped3A = tpu.sem_alloc : memref<!tpu.dma_semaphore, #tpu.memory_space<semaphore_mem>>
      %dma_start3A = arith.constant 0 : i32
      %dma_start3A_112 = tpu.memref_slice %arg8[%add3A_101, %mul3A_2, %dma_start3A] : memref<10x129600x8xf32, #tpu.memory_space<hbm>> -> memref<1x8100x8xf32, #tpu.memory_space<hbm>>
      %dma_start3A_113 = tpu.memref_squeeze %dma_start3A_112 : memref<1x8100x8xf32, #tpu.memory_space<hbm>> -> memref<8100x8xf32, #tpu.memory_space<hbm>>
      %dma_start3A_114 = arith.constant 0 : i32
      %dma_start3A_115 = tpu.memref_slice %arg18[%mul3A_2, %dma_start3A_114] : memref<129600x8xf32, #tpu.memory_space<vmem_shared>> -> memref<8100x8xf32, #tpu.memory_space<vmem_shared>>
      tpu.enqueue_dma source(%dma_start3A_115 : memref<8100x8xf32, #tpu.memory_space<vmem_shared>>) target(%dma_start3A_113 : memref<8100x8xf32, #tpu.memory_space<hbm>>) target_semaphore(%run_scoped3A : memref<!tpu.dma_semaphore, #tpu.memory_space<semaphore_mem>>)
      %dma_wait3A = arith.constant 0 : i32
      %dma_wait3A_116 = tpu.memref_slice %arg8[%add3A_101, %mul3A_2, %dma_wait3A] : memref<10x129600x8xf32, #tpu.memory_space<hbm>> -> memref<1x8100x8xf32, #tpu.memory_space<hbm>>
      %dma_wait3A_117 = tpu.memref_squeeze %dma_wait3A_116 : memref<1x8100x8xf32, #tpu.memory_space<hbm>> -> memref<8100x8xf32, #tpu.memory_space<hbm>>
      %dma_wait3A_118 = arith.constant 0 : i32
      %dma_wait3A_119 = tpu.memref_slice %arg18[%mul3A_2, %dma_wait3A_118] : memref<129600x8xf32, #tpu.memory_space<vmem_shared>> -> memref<8100x8xf32, #tpu.memory_space<vmem_shared>>
      tpu.wait_dma2 semaphore(%run_scoped3A : memref<!tpu.dma_semaphore, #tpu.memory_space<semaphore_mem>>) src(%dma_wait3A_119 : memref<8100x8xf32, #tpu.memory_space<vmem_shared>>) dst(%dma_wait3A_117 : memref<8100x8xf32, #tpu.memory_space<hbm>>)
      tpu.yield
    }) : () -> ()
    %barrier3A_111 = arith.constant 0 : index
    tpu.barrier barrier_id(%barrier3A_111)
    return
  }
}

module attributes {stable_mosaic.version = 14 : i64} {
  func.func @_dense_body(%arg0: i32, %arg1: memref<1x256x2816xf32, #tpu.memory_space<vmem>>, %arg2: memref<110x256xf32, #tpu.memory_space<vmem>>, %arg3: memref<110x1xf32, #tpu.memory_space<vmem>>, %arg4: memref<1x80x2816xf32, #tpu.memory_space<vmem>>, %arg5: memref<1x30x2816xf32, #tpu.memory_space<vmem>>) attributes {dimension_semantics = [#tpu.dimension_semantics<arbitrary>], iteration_bounds = array<i64: 6>, scalar_prefetch = 0 : i64, scratch_operands = 0 : i64, tpu.core_type = #tpu.core_type<tc>, window_params = [{transform_indices = @transform_0, window_bounds = array<i64: 1, 256, 2816>}, {pipeline_mode = #tpu.pipeline_mode<synchronous>, transform_indices = @transform_1, window_bounds = array<i64: 110, 256>}, {pipeline_mode = #tpu.pipeline_mode<synchronous>, transform_indices = @transform_2, window_bounds = array<i64: 110, 1>}, {transform_indices = @transform_3, window_bounds = array<i64: 1, 80, 2816>}, {transform_indices = @transform_4, window_bounds = array<i64: 1, 30, 2816>}]} {
    %get3A = arith.constant 0 : index
    %get3A_0 = arith.constant 0 : index
    %get3A_1 = arith.constant 0 : index
    %get3A_2 = vector.load %arg1[%get3A, %get3A_0, %get3A_1] : memref<1x256x2816xf32, #tpu.memory_space<vmem>>, vector<1x256x2816xf32>
    %get3A_3 = vector.shape_cast %get3A_2 : vector<1x256x2816xf32> to vector<256x2816xf32>
    %get3A_4 = arith.constant 0 : index
    %get3A_5 = arith.constant 0 : index
    %get3A_6 = vector.load %arg2[%get3A_4, %get3A_5] : memref<110x256xf32, #tpu.memory_space<vmem>>, vector<110x256xf32>
    %dot_general3A = arith.constant dense<0.000000e+00> : vector<110x2816xf32>
    %dot_general3A_7 = tpu.matmul %get3A_6, %get3A_3, %dot_general3A {dimension_numbers = #tpu.dot_dimension_numbers<[1], [0], [0], [1], [0, 0, 1, 1], [], []>, transpose_lhs_hint = false} : vector<110x256xf32>, vector<256x2816xf32>, vector<110x2816xf32> -> vector<110x2816xf32>
    %get3A_8 = arith.constant 0 : index
    %get3A_9 = arith.constant 0 : index
    %get3A_10 = vector.load %arg3[%get3A_8, %get3A_9] : memref<110x1xf32, #tpu.memory_space<vmem>>, vector<110x1xf32>
    %add3A = vector.broadcast %get3A_10 : vector<110x1xf32> to vector<110x2816xf32>
    %add3A_11 = arith.addf %dot_general3A_7, %add3A : vector<110x2816xf32>
    %slice3A = vector.extract_strided_slice %add3A_11 {offsets = [0, 0], sizes = [30, 2816], strides = [1, 1]} : vector<110x2816xf32> to vector<30x2816xf32>
    %reduce_max3A = arith.constant dense<0xFF800000> : vector<2816xf32>
    %reduce_max3A_12 = vector.multi_reduction <maximumf>, %slice3A, %reduce_max3A [0] : vector<30x2816xf32> to vector<2816xf32>
    %broadcast_in_dim3A = vector.shape_cast %reduce_max3A_12 : vector<2816xf32> to vector<1x2816xf32>
    %sub3A = vector.broadcast %broadcast_in_dim3A : vector<1x2816xf32> to vector<30x2816xf32>
    %sub3A_13 = arith.subf %slice3A, %sub3A : vector<30x2816xf32>
    %exp3A = math.exp %sub3A_13 : vector<30x2816xf32>
    %reduce_sum3A = arith.constant dense<0.000000e+00> : vector<2816xf32>
    %reduce_sum3A_14 = vector.multi_reduction <add>, %exp3A, %reduce_sum3A [0] : vector<30x2816xf32> to vector<2816xf32>
    %broadcast_in_dim3A_15 = vector.shape_cast %reduce_sum3A_14 : vector<2816xf32> to vector<1x2816xf32>
    %div3A = vector.broadcast %broadcast_in_dim3A_15 : vector<1x2816xf32> to vector<30x2816xf32>
    %div3A_16 = arith.divf %exp3A, %div3A : vector<30x2816xf32>
    %swap3A = arith.constant 0 : index
    %swap3A_17 = arith.constant 0 : index
    %swap3A_18 = arith.constant 0 : index
    %swap3A_19 = vector.load %arg5[%swap3A, %swap3A_17, %swap3A_18] : memref<1x30x2816xf32, #tpu.memory_space<vmem>>, vector<1x30x2816xf32>
    %swap3A_20 = vector.shape_cast %swap3A_19 : vector<1x30x2816xf32> to vector<30x2816xf32>
    %swap3A_21 = vector.shape_cast %div3A_16 : vector<30x2816xf32> to vector<1x30x2816xf32>
    tpu.vector_store %arg5[%swap3A, %swap3A_17, %swap3A_18], %swap3A_21 {strides = array<i32>} : memref<1x30x2816xf32, #tpu.memory_space<vmem>>, vector<1x30x2816xf32>,
    %slice3A_22 = vector.extract_strided_slice %add3A_11 {offsets = [30, 0], sizes = [80, 2816], strides = [1, 1]} : vector<110x2816xf32> to vector<80x2816xf32>
    %swap3A_23 = arith.constant 0 : index
    %swap3A_24 = arith.constant 0 : index
    %swap3A_25 = arith.constant 0 : index
    %swap3A_26 = vector.load %arg4[%swap3A_23, %swap3A_24, %swap3A_25] : memref<1x80x2816xf32, #tpu.memory_space<vmem>>, vector<1x80x2816xf32>
    %swap3A_27 = vector.shape_cast %swap3A_26 : vector<1x80x2816xf32> to vector<80x2816xf32>
    %swap3A_28 = vector.shape_cast %slice3A_22 : vector<80x2816xf32> to vector<1x80x2816xf32>
    tpu.vector_store %arg4[%swap3A_23, %swap3A_24, %swap3A_25], %swap3A_28 {strides = array<i32>} : memref<1x80x2816xf32, #tpu.memory_space<vmem>>, vector<1x80x2816xf32>,
    return
  }
  func.func @transform_0(%arg0: i32) -> (i32, i32, i32) {
    %c0_i32 = arith.constant 0 : i32
    %c0_i32_0 = arith.constant 0 : i32
    %c0_i32_1 = arith.constant 0 : i32
    return %arg0, %c0_i32, %c0_i32_0 : i32, i32, i32
  }
  func.func @transform_1(%arg0: i32) -> (i32, i32) {
    %c0_i32 = arith.constant 0 : i32
    %c0_i32_0 = arith.constant 0 : i32
    %c0_i32_1 = arith.constant 0 : i32
    return %c0_i32, %c0_i32_0 : i32, i32
  }
  func.func @transform_2(%arg0: i32) -> (i32, i32) {
    %c0_i32 = arith.constant 0 : i32
    %c0_i32_0 = arith.constant 0 : i32
    %c0_i32_1 = arith.constant 0 : i32
    return %c0_i32, %c0_i32_0 : i32, i32
  }
  func.func @transform_3(%arg0: i32) -> (i32, i32, i32) {
    %c0_i32 = arith.constant 0 : i32
    %c0_i32_0 = arith.constant 0 : i32
    %c0_i32_1 = arith.constant 0 : i32
    return %arg0, %c0_i32, %c0_i32_0 : i32, i32, i32
  }
  func.func @transform_4(%arg0: i32) -> (i32, i32, i32) {
    %c0_i32 = arith.constant 0 : i32
    %c0_i32_0 = arith.constant 0 : i32
    %c0_i32_1 = arith.constant 0 : i32
    return %arg0, %c0_i32, %c0_i32_0 : i32, i32, i32
  }
}

</mosaic_0001>

<sc_bundles>
// kernel: kernel.4.cloned.1.call-start
scs
__scs_entry_jumppad:
0x0: {  	(pc) =	sbr.rel $0x88, $3  }
0x1: {  	(tag) =	ssettag $0x0;
	lr =	simm.s32 $0x1  }
0x2: {  	[smem:$0x3F9A] =	sst lr;
	_ =	strace $0xD0000000  }
0x3: {  	_ = 	snop  }
0x4: {  	_ = 	snop  }
0x5: {  	_ = 	snop  }
0x6: {  	_ = 	snop  }
0x7: {  	_ = 	snop  }
__scs_overlays_trampoline_lowered:
0x8: {  	[smem:$0x3FA9] =	sst s0  }
0x9: {  	[smem:$0x3FAA] =	sst s1  }
0xa: {  	[smem:$0x3FAB] =	sst s2  }
0xb: {  	[smem:$0x3FAC] =	sst s3  }
0xc: {  	[smem:$0x3FAD] =	sst s4  }
0xd: {  	[smem:$0x3FAE] =	sst s5  }
0xe: {  	[smem:$0x3FAF] =	sst s6  }
0xf: {  	[smem:$0x3FB0] =	sst s7  }
0x10: {  	[smem:$0x3FB1] =	sst s8  }
0x11: {  	[smem:$0x3FB2] =	sst s9;
	s0 =	simm.s32 @!p0 $0x0  }
0x12: {  	s1 =	sld [smem:$0x3F98];
	s0 =	simm.s32 @p0 $0x1  }
0x13: {  	[smem:$0x3FB3] =	sst s0;
	s0 =	simm.s32 @!p1 $0x0  }
0x14: {  	s2 =	sld [smem:$0x3F97];
	s0 =	simm.s32 @p1 $0x1  }
0x15: {  	[smem:$0x3FB4] =	sst s0;
	s0 =	simm.s32 @!p2 $0x0  }
0x16: {  	s3 =	sld [smem:$0x3FDB];
	s0 =	simm.s32 @p2 $0x1  }
0x17: {  	s4 =	simm.s32 $0x1BF5;
	[smem:$0x3FB6] =	sst s0  }
0x18: {  	s0 =	sld [smem:$0x3F99];
	_ =	swait.ge [sflag:s4], $0x0  }
0x19: {  	s7 =	sld [smem:$0x3F9A]  }
0x1a: {  	s8 =	sadd.s32 $0xFFFFE003, lr  }
0x1b: {  	s9 =	sadd.s32 $0xFFFFFEF7, lr;
	s5 =	simm.s32 $0xFFFFFFFF;
	p2 =	slt.u32 s8, $0xFFFFF086  }
0x1c: {  	p1 =	slt.u32 s9, $0xF7A;
	s5 =	simm.s32 @!p2 $0x0  }
0x1d: {  	s5 =	simm.s32 @p1 $0x1;
	p0 =	seq.s32 s7, s2  }
0x1e: {  	s7 =	smul.u32 @!p0 $0xF7A, s2;
	p2 =	seq.s32 @!p0 s5, $0x0  }
0x1f: {  	s9 =	smul.u32 $0xF7A, s1;
	s8 =	simm.s32 @!p0 $0x1BF5;
	p2 =	por !p2, p0  }
0x20: {  	[sflag:s8] =	ssyncset.s32 @!p0 $0xFFFFF086;
	s6 =	sadd.s32 @!p0 s3, s7;
	s7 =	simm.s32 @!p0 $0x108  }
0x21: {  	s3 =	sadd.s32 s3, s9;
	s6 =	sadd.s32 @!p0 $0x88, s6;
	s7 =	simm.s32 @p2 $0x1082  }
0x22: {  	[simem:s7], [sflag:s8] =	dma.local @!p0 [hbm:s6], $0xF7A  }
0x23: {  	s9 =	sor.u32 $0xD0000000, s2;
	s6 =	simm.s32 $0x108;
	_ =	swait.ge @!p0 [sflag:s8], $0x0  }
0x24: {  	s3 =	sadd.s32 $0x88, s3;
	s6 =	simm.s32 @!p1 $0x1082;
	[sflag:s4] =	ssyncset.s32 $0xFFFFF086  }
0x25: {  	[simem:s6], [sflag:s4] =	dma.local [hbm:s3], $0xF7A  }
0x26: {  	[smem:$0x3F9A] =	sst s1;
	(tag) =	ssettag s2;
	_ =	strace s9  }
0x27: {  	s1 =	sld [smem:$0x3FAA]  }
0x28: {  	s2 =	sld [smem:$0x3FAB]  }
0x29: {  	s4 =	sld [smem:$0x3FAD]  }
0x2a: {  	p0 =	seq.s32 s5, $0x0;
	s5 =	sld [smem:$0x3FAE]  }
0x2b: {  	s6 =	sld [smem:$0x3FAF]  }
0x2c: {  	s7 =	sld [smem:$0x3FB0]  }
0x2d: {  	s3 =	simm.s32 $0x108;
	s8 =	sld [smem:$0x3FB1]  }
0x2e: {  	s3 =	simm.s32 @!p0 $0x1082;
	s9 =	sld [smem:$0x3FB2]  }
0x2f: {  	lr =	sadd.s32 s0, s3;
	s0 =	sld [smem:$0x3FA9]  }
0x30: {  	s3 =	sld [smem:$0x3FAC]  }
0x31: {  	[smem:$0x3FB5] =	sst s10  }
0x32: {  	s10 =	sld [smem:$0x3FB3];
	_ =	sdelay $0x3  }
0x33: {  	p0 =	seq.s32 s10, $0x1;
	s10 =	sld [smem:$0x3FB5];
	_ =	sdelay $0x3  }
0x34: {  	[smem:$0x3FB5] =	sst s10  }
0x35: {  	s10 =	sld [smem:$0x3FB4];
	_ =	sdelay $0x3  }
0x36: {  	p1 =	seq.s32 s10, $0x1;
	s10 =	sld [smem:$0x3FB5];
	_ =	sdelay $0x3  }
0x37: {  	[smem:$0x3FB5] =	sst s10  }
0x38: {  	s10 =	sld [smem:$0x3FB6]  }
0x39: {  	_ = 	snop;
	(pc) =	sbr.ind lr, $3  }
0x3a: {  	_ = 	snop  }
0x3b: {  	_ = 	snop  }
0x3c: {  	p2 =	seq.s32 s10, $0x1;
	s10 =	sld [smem:$0x3FB5]  }
0x3d: {  	_ =	shalt  }
0x3e: {  	_ =	shalt  }
0x3f: {  	_ =	shalt  }
0x40: {  	_ =	shalt  }
0x41: {  	_ =	shalt  }
0x42: {  	_ =	shalt  }
0x43: {  	_ =	shalt  }
0x44: {  	_ =	shalt  }
0x45: {  	_ =	shalt  }
0x46: {  	_ =	shalt  }
0x47: {  	_ =	shalt  }
0x48: {  	_ =	shalt  }
0x49: {  	_ =	shalt  }
0x4a: {  	_ =	shalt  }
0x4b: {  	_ =	shalt  }
0x4c: {  	_ =	shalt  }
0x4d: {  	_ =	shalt  }
0x4e: {  	_ =	shalt  }
0x4f: {  	_ =	shalt  }
0x50: {  	_ =	shalt  }
0x51: {  	_ =	shalt  }
0x52: {  	_ =	shalt  }
0x53: {  	_ =	shalt  }
0x54: {  	_ =	shalt  }
0x55: {  	_ =	shalt  }
0x56: {  	_ =	shalt  }
0x57: {  	_ =	shalt  }
0x58: {  	_ =	shalt  }
0x59: {  	_ =	shalt  }
0x5a: {  	_ =	shalt  }
0x5b: {  	_ =	shalt  }
0x5c: {  	_ =	shalt  }
0x5d: {  	_ =	shalt  }
0x5e: {  	_ =	shalt  }
0x5f: {  	_ =	shalt  }
0x60: {  	_ =	shalt  }
0x61: {  	_ =	shalt  }
0x62: {  	_ =	shalt  }
0x63: {  	_ =	shalt  }
0x64: {  	_ =	shalt  }
0x65: {  	_ =	shalt  }
0x66: {  	_ =	shalt  }
0x67: {  	_ =	shalt  }
0x68: {  	_ =	shalt  }
0x69: {  	_ =	shalt  }
0x6a: {  	_ =	shalt  }
0x6b: {  	_ =	shalt  }
0x6c: {  	_ =	shalt  }
0x6d: {  	_ =	shalt  }
0x6e: {  	_ =	shalt  }
0x6f: {  	_ =	shalt  }
0x70: {  	_ =	shalt  }
0x71: {  	_ =	shalt  }
0x72: {  	_ =	shalt  }
0x73: {  	_ =	shalt  }
0x74: {  	_ =	shalt  }
0x75: {  	_ =	shalt  }
0x76: {  	_ =	shalt  }
0x77: {  	_ =	shalt  }
0x78: {  	_ =	shalt  }
0x79: {  	_ =	shalt  }
0x7a: {  	_ =	shalt  }
0x7b: {  	_ =	shalt  }
0x7c: {  	_ =	shalt  }
0x7d: {  	_ =	shalt  }
0x7e: {  	_ =	shalt  }
0x7f: {  	_ =	shalt  }
0x80: {  	_ =	shalt  }
0x81: {  	_ =	shalt  }
0x82: {  	_ =	shalt  }
0x83: {  	_ =	shalt  }
0x84: {  	_ =	shalt  }
0x85: {  	_ =	shalt  }
0x86: {  	_ =	shalt  }
0x87: {  	_ =	shalt  }
.Lfunc_end0:
.L_simem_size_0:
called_computation.1_lowered:
.L_overlay_start_0:
0x88: {  	s2 =	sld [smem:$0x3FD9]  }
0x89: {  	s3 =	sld [smem:$0x3FFE];
	_ =	sdelay $0x1  }
0x8a: {  	s1 =	srdreg.scid  }
0x8b: {  	s0 =	sand.u32 $0x1, s1  }
0x8c: {  	s17 =	sshll.u32 s0, $0xA;
	s2 =	sadd.s32 s3, s2  }
0x8d: {  	s2 =	sadd.s32 s2, s17  }
0x8e: {  	[smem:$0x3FC1] =	sst s2  }
0x8f: {  	_ = 	snop  }
0x90: {  	s2 =	sld [smem:$0x3FD0];
	(tm) =	ssettm $0x1  }
0x91: {  	s18 =	sld [smem:$0x3FFB];
	_ =	sdelay $0x3  }
0x92: {  	_ =	strace s18  }
0x93: {  	s3 =	sld [smem:$0x3FFC];
	_ =	sdelay $0x3  }
0x94: {  	_ =	strace s3  }
0x95: {  	s3 =	sld [smem:$0x3FFD];
	_ =	sdelay $0x3  }
0x96: {  	_ =	strace s3  }
0x97: {  	_ =	strace $0x8FFFFFFF  }
0x98: {  	s19 =	sld [smem:$0x3FDB];
	_ =	sdelay $0x1  }
0x99: {  	s4 =	simm.s32 $_scs_section_size  }
0x9a: {  	s5 =	simm.s32 $_size__tile_overlayer_lowered;
	s6 =	simm.s32 $_tile_overlayer_lowered  }
0x9b: {  	s22 =	simm.s32 $0x1BFF;
	s21 =	sshll.u32 s6, $0x1;
	s3 =	sadd.s32 s4, s19  }
0x9c: {  	s7 =	simm.s32 $0x0;
	s20 =	sshll.u32 s5, $0x1;
	s5 =	sadd.s32 s21, s3  }
0x9d: {  	[timem:s7], [sflag:s22] =	dma.local [hbm:s5], s20  }
0x9e: {  	_ =	swait.ge [sflag:s22], s20  }
0x9f: {  	s4 =	ssub.s32 $0x0, s20;
	[sflag:s22] =	ssyncset.done $0x0  }
0xa0: {  	[sflag:s22] =	ssyncadd.s32 s4;
	_ =	sdelay $0x1  }
0xa1: {  	s23 =	simm.s32 $0x1B8B  }
0xa2: {  	_ =	swait.ge [sflag:s23], $0x1  }
0xa3: {  	[sflag:s23] =	ssyncset.done $0x0  }
0xa4: {  	s25 =	simm.s32 $0x1B8E;
	s24 =	sld [smem:$0x3FFE];
	[sflag:s23] =	ssyncadd.s32 $0xFFFFFFFF  }
0xa5: {  	s26 =	simm.s32 $execute0_lowered;
	[smem:$0x3FD2] =	sst s25  }
0xa6: {  	s5 =	sshll.u32 s26, $0x1;
	_ =	strace $0x80000046;
	[dreg:$0x1] =	wrdreg $0xFFFFFFFF  }
0xa7: {  	s28 =	simm.s32 $_size_execute0_lowered;
	s3 =	sadd.s32 s3, s5;
	[dreg:$0x0] =	wrdreg $0x0  }
0xa8: {  	s5 =	sshll.u32 s28, $0x1;
	[dreg:$0x2] =	wrdreg s3  }
0xa9: {  	[dreg:$0x3] =	wrdreg s5  }
0xaa: {  	[dreg:$0x4] =	wrdreg $0xC0  }
0xab: {  	_ =	task [dreg:s7], $0x5FFFF  }
0xac: {  	[dreg:$0x1] =	wrdreg $0xFFFFFFFF  }
0xad: {  	[dreg:$0x0] =	wrdreg $0x60  }
0xae: {  	[dreg:$0x2] =	wrdreg s24  }
0xaf: {  	[dreg:$0x3] =	wrdreg s2  }
0xb0: {  	[dreg:$0x4] =	wrdreg $0x49580  }
0xb1: {  	[dreg:$0x5] =	wrdreg $0x9  }
0xb2: {  	_ =	task.clear_ibuf [dreg:s7], $0x6FFFF;
	_ =	strace $0x90000046  }
0xb3: {  	s29 =	simm.s32 $0x9;
	_ =	strace $0x80000048  }
0xb4: {  	_ =	swait.ge [sflag:s29], $0x1  }
0xb5: {  	[sflag:s29] =	ssyncadd.s32 $0xFFFFFFFF  }
0xb6: {  	_ =	strace $0x90000048  }
0xb7: {  	_ =	sfence  }
0xb8: {  	s30 =	sld [smem:$0x0];
	_ =	sdelay $0x2  }
0xb9: {  	s31 =	sshll.u32 s1, $0xD;
	s1 =	sshrl.u32 s1, $0x2  }
0xba: {  	s3 =	sand.u32 $0x4000, s31;
	s1 =	sadd.s32 s1, s30  }
0xbb: {  	s0 =	sor.u32 s3, s0;
	s1 =	sshll.u32 s1, $0x11  }
0xbc: {  	s0 =	sor.u32 s1, s0  }
0xbd: {  	s0 =	sadd.s32 $0x8F2B, s0  }
0xbe: {  	[sflag:s0] =	ssyncadd.remote.s32 $0x1  }
0xbf: {  	_ =	sfence.sel $0xFFFF  }
0xc0: {  	[dreg:$0x0] =	wrdreg $0xFFFFFFFF;
	(pc) =	sbr.abs _section_cstart, $3  }
0xc1: {  	[dreg:$0x1] =	wrdreg $0xFFFFFFFF  }
0xc2: {  	_ =	task.clear_ibuf [dreg:s7], $0x2FFFF;
	_ =	strace $0x9FFFFFFF  }
0xc3: {  	(tm) =	ssettm $0x7FFFFFFF  }
tec
execute0_lowered:
.L_overlay_start_1:
0x0: {  	(tag) =	ssettag $0x1  }
0x1: {  	s17 =	stileid.u32  }
0x2: {  	s1 =	rddreg [dreg:$0x0];
	s7 =	smul.u32 $0x1E, s17  }
0x3: {  	s6 =	srdreg.scid;
	s8 =	smul.u32 $0x12C, s17  }
0x4: {  	s0 =	rddreg [dreg:$0x1];
	s9 =	sand.u32 $0x1, s6;
	s6 =	smul.u32 $0x420, s17  }
0x5: {  	s2 =	rddreg [dreg:$0x2];
	s3 =	simm.s32 $0x0;
	s14 =	smul.u32 $0x2100, s17  }
0x6: {  	[smem:$0x7FF] =	sst s3;
	s4 =	sadd.s32 $0x11C00, s1;
	s28 =	smul.u32 $0xFD20, s17  }
0x7: {  	s5 =	sadd.s32 $0xC00, s1;
	s11 =	sshll.u32 s17, $0x2;
	s17 =	smul.u32 $0x3F480, s17  }
0x8: {  	s10 =	sadd.s32 $0x2B5400, s1;
	_ =	strace $0x80000047;
	s12 =	smul.u32 $0x5, s9  }
0x9: {  	s11 =	sadd.s32 s11, s1;
	s13 =	ssub.s32 $0x2, s9;
	s16 =	smul.u32 $0xA5000, s9  }
0xa: {  	s9 =	smul.u32 $0x4F1A00, s9;
	s7 =	sadd.s32 s7, s1;
	s15 =	sshrl.u32 s13, $0x1  }
0xb: {  	s1 =	sadd.s32 s8, s1;
	s11 =	sadd.s32 $0x11800, s11;
	s23 =	sadd.s32 s28, s2  }
0xc: {  	s8 =	ssub.s32 s13, s15;
	[dreg:$0x4] =	wrdreg s11;
	s15 =	sadd.s32 $0x1, s12  }
0xd: {  	s7 =	sadd.s32 $0x11A00, s7;
	s18 =	sadd.s32 s14, s16;
	s9 =	sadd.s32 s28, s9  }
0xe: {  	s1 =	sadd.s32 $0x10400, s1;
	[dreg:$0x9] =	wrdreg s23;
	s12 =	smul.u32 $0x21000, s15  }
0xf: {  	[dreg:$0x5] =	wrdreg s7;
	s19 =	sshrl.u32 s18, $0x3;
	s11 =	smul.u32 $0xFD200, s15  }
0x10: {  	[dreg:$0x6] =	wrdreg s1;
	s21 =	sshrl.u32 s9, $0x3;
	s26 =	sadd.s32 $0x1FA400, s9  }
0x11: {  	s25 =	sadd.s32 $0x42000, s18;
	s16 =	sadd.s32 $0x2F7600, s9;
	s7 =	sadd.s32 $0x84000, s18  }
0x12: {  	s20 =	sadd.s32 s10, s19;
	s1 =	sadd.s32 s0, s21;
	s13 =	sshrl.u32 s26, $0x3  }
0x13: {  	s19 =	sadd.s32 $0x3F4800, s9;
	s21 =	sshrl.u32 s17, $0x2;
	[dreg:$0x7] =	wrdreg s20  }
0x14: {  	s9 =	simm.s32 $0x2940;
	[dreg:$0x8] =	wrdreg s1;
	s22 =	sadd.s32 s14, s12  }
0x15: {  	s11 =	sadd.s32 s28, s11;
	s28 =	sadd.s32 $0x63000, s18;
	s18 =	sshrl.u32 s7, $0x3  }
0x16: {  	s20 =	sshrl.u32 s19, $0x3;
	s12 =	simm.s32 $0x2A50;
	s1 =	sshrl.u32 s22, $0x3  }
0x17: {  	s11 =	sshrl.u32 s11, $0x3;
	s14 =	sshrl.u32 s28, $0x3;
	s22 =	smax.u32 s8, $0x1  }
0x18: {  	s8 =	simm.s32 $0x3440;
	s1 =	sadd.s32 s10, s1;
	[dreg:$0x12] =	wrdreg s22  }
0x19: {  	s24 =	sadd.s32 s0, s11;
	s15 =	sadd.s32 s10, s14;
	[dreg:$0xa] =	wrdreg s1  }
0x1a: {  	s22 =	sadd.s32 s21, s2;
	s11 =	simm.s32 $0x2960;
	[dreg:$0xb] =	wrdreg s24  }
0x1b: {  	s14 =	simm.s32 $0x420;
	[dreg:$0xe] =	wrdreg s15;
	s23 =	sadd.s32 $0x1518, s22  }
0x1c: {  	s1 =	sshrl.u32 s25, $0x3;
	s24 =	sadd.s32 $0x2A30, s22;
	[dreg:$0x13] =	wrdreg s23  }
0x1d: {  	s25 =	sadd.s32 $0x3F48, s22;
	s26 =	sadd.s32 $0x5460, s22;
	[dreg:$0x14] =	wrdreg s24  }
0x1e: {  	s28 =	sadd.s32 $0x6978, s22;
	s29 =	sadd.s32 $0x7E90, s22;
	[dreg:$0x15] =	wrdreg s25  }
0x1f: {  	s30 =	sadd.s32 $0x93A8, s22;
	s1 =	sadd.s32 s10, s1;
	[dreg:$0x16] =	wrdreg s26  }
0x20: {  	s31 =	sadd.s32 $0xA8C0, s22;
	[dreg:$0xc] =	wrdreg s1;
	s1 =	sadd.s32 s0, s13  }
.Ltmp0:
0x21: {  	[dreg:$0xd] =	wrdreg s1;
	s1 =	sshrl.u32 s16, $0x3;
	(pc) =	sbr.rel .LBB2_1-.Ltmp0, $4  }
0x22: {  	s7 =	sadd.s32 $0xE808, s22;
	[dreg:$0x17] =	wrdreg s28;
	s1 =	sadd.s32 s0, s1  }
0x23: {  	s13 =	simm.s32 $0x840;
	s0 =	sadd.s32 s0, s20;
	[dreg:$0xf] =	wrdreg s1  }
0x24: {  	v0 =	vlaneseq.u32;
	s1 =	sadd.s32 s10, s18;
	[dreg:$0x11] =	wrdreg s0;
	s0 =	sadd.s32 $0xBDD8, s22  }
0x25: {  	v1 =	vimm.f32 $0.0e+00;
	v2 =	vimm.f32 $1.000000000e+00;
	v0 =	vand.u32 $0x7, v0;
	s10 =	simm.s32 $0x1;
	[dreg:$0x10] =	wrdreg s1;
	s1 =	sadd.s32 $0xD2F0, s22  }
.LBB2_84:
0x26: {  	[bflag:$0x0] =	sbarrier.arrive $0xFFFF  }
0x27: {  	s17 =	rddreg [dreg:$0x11]  }
0x28: {  	[hbm:s17], [sflag:s15] =	dma.local [spmem:s16], $0x1FA4  }
0x29: {  	_ =	swait.ge [sflag:s10], $0x1FA4  }
0x2a: {  	s3 =	sadd.s32 $0x1, s3;
	s28 =	rddreg [dreg:$0x12]  }
0x2b: {  	p0 =	sne.s32 s3, s28  }
.Ltmp1:
0x2c: {  	_ = 	snop;
	(pc) =	sbr.rel @!p0 .LBB2_85-.Ltmp1, $3  }
0x2d: {  	[sflag:s10] =	ssyncset.done $0x0  }
0x2e: {  	[sflag:s10] =	ssyncadd.s32 $0xFFFFE05C  }
0x2f: {  	[bflag:$0x0] =	sbarrier.arrive $0xFFFF;
	_ =	sdelay $0x1  }
.LBB2_1:
0x30: {  	s16 =	simm.s32 $0x0  }
0x31: {  	s15 =	simm.s32 $0x1;
	v3 =	vor.u32 s16, v0  }
.LBB2_2:
0x32: {  	p0 =	sne.s32 s15, $0x2A2  }
.Ltmp2:
0x33: {  	_ = 	snop;
	(pc) =	sbr.rel @p0 .LBB2_2-.Ltmp2, $3  }
0x34: {  	_ =	sdelay $0x1  }
0x35: {  	s16 =	sshll.u32 s15, $0x3;
	s15 =	sadd.s32 $0x1, s15;
	[tilespmem:v3+s8+$0x0] =	vst.idx.msk $0xff, v1  }
0x36: {  	v3 =	vor.u32 s16, v0  }
0x37: {  	_ =	sdelay $0x3  }
0x38: {  	[tilespmem:v3+s8+$0x0] =	vst.idx.msk $0xff, v1;
	s15 =	simm.s32 $0x0;
	s16 =	rddreg [dreg:$0x4]  }
0x39: {  	[tilespmem:s9], [sflag:$0x1] =	stream.linear.gather [hbm4b:s16+s15], $0x20, $0x38;
	[tilespmem:$0x14678] =	vst v63  }
0x3a: {  	_ =	swait.ge [sflag:s10], $0x20  }
0x3b: {  	[sflag:s10] =	ssyncset.done $0x0  }
0x3c: {  	s19 =	rddreg [dreg:$0x5];
	[sflag:s10] =	ssyncadd.s32 $0xFFFFFFE0  }
0x3d: {  	[tilespmem:s11], [sflag:$0x1] =	stream.linear.gather [hbm4b:s19+s15], $0xF0, $0x38;
	[tilespmem:$0x14678] =	vst v63  }
0x3e: {  	_ =	swait.ge [sflag:s10], $0xF0  }
0x3f: {  	[sflag:s10] =	ssyncset.done $0x0  }
0x40: {  	s20 =	rddreg [dreg:$0x6];
	[sflag:s10] =	ssyncadd.s32 $0xFFFFFF10  }
0x41: {  	[tilespmem:s12], [sflag:$0x1] =	stream.linear.gather [hbm4b:s20+s15], $0x960, $0x38;
	[tilespmem:$0x14678] =	vst v63  }
0x42: {  	_ =	swait.ge [sflag:s10], $0x960  }
0x43: {  	[sflag:s10] =	ssyncset.done $0x0  }
0x44: {  	[sflag:s10] =	ssyncadd.s32 $0xFFFFF6A0  }
0x45: {  	[spmem:s22] =	stream.linear.scatter [tilespmem:s8], [sflag:$0x1], $0x1518, $0x38;
	[tilespmem:$0x14678] =	vst v63  }
0x46: {  	_ =	swait.ge [sflag:s10], $0x1518  }
0x47: {  	[sflag:s10] =	ssyncset.done $0x0  }
0x48: {  	s21 =	rddreg [dreg:$0x13];
	[sflag:s10] =	ssyncadd.s32 $0xFFFFEAE8  }
0x49: {  	[spmem:s21] =	stream.linear.scatter [tilespmem:s8], [sflag:$0x1], $0x1518, $0x38;
	[tilespmem:$0x14678] =	vst v63  }
0x4a: {  	_ =	swait.ge [sflag:s10], $0x1518  }
0x4b: {  	[sflag:s10] =	ssyncset.done $0x0  }
0x4c: {  	s23 =	rddreg [dreg:$0x14];
	[sflag:s10] =	ssyncadd.s32 $0xFFFFEAE8  }
0x4d: {  	[spmem:s23] =	stream.linear.scatter [tilespmem:s8], [sflag:$0x1], $0x1518, $0x38;
	[tilespmem:$0x14678] =	vst v63  }
0x4e: {  	_ =	swait.ge [sflag:s10], $0x1518  }
0x4f: {  	[sflag:s10] =	ssyncset.done $0x0  }
0x50: {  	s24 =	rddreg [dreg:$0x15];
	[sflag:s10] =	ssyncadd.s32 $0xFFFFEAE8  }
0x51: {  	[spmem:s24] =	stream.linear.scatter [tilespmem:s8], [sflag:$0x1], $0x1518, $0x38;
	[tilespmem:$0x14678] =	vst v63  }
0x52: {  	_ =	swait.ge [sflag:s10], $0x1518  }
0x53: {  	[sflag:s10] =	ssyncset.done $0x0  }
0x54: {  	s25 =	rddreg [dreg:$0x16];
	[sflag:s10] =	ssyncadd.s32 $0xFFFFEAE8  }
0x55: {  	[spmem:s25] =	stream.linear.scatter [tilespmem:s8], [sflag:$0x1], $0x1518, $0x38;
	[tilespmem:$0x14678] =	vst v63  }
0x56: {  	_ =	swait.ge [sflag:s10], $0x1518  }
0x57: {  	[sflag:s10] =	ssyncset.done $0x0  }
0x58: {  	s26 =	rddreg [dreg:$0x17];
	[sflag:s10] =	ssyncadd.s32 $0xFFFFEAE8  }
0x59: {  	[spmem:s26] =	stream.linear.scatter [tilespmem:s8], [sflag:$0x1], $0x1518, $0x38;
	[tilespmem:$0x14678] =	vst v63  }
0x5a: {  	_ =	swait.ge [sflag:s10], $0x1518  }
0x5b: {  	[sflag:s10] =	ssyncset.done $0x0  }
0x5c: {  	[sflag:s10] =	ssyncadd.s32 $0xFFFFEAE8  }
0x5d: {  	[spmem:s29] =	stream.linear.scatter [tilespmem:s8], [sflag:$0x1], $0x1518, $0x38;
	[tilespmem:$0x14678] =	vst v63  }
0x5e: {  	_ =	swait.ge [sflag:s10], $0x1518  }
0x5f: {  	[sflag:s10] =	ssyncset.done $0x0  }
0x60: {  	[sflag:s10] =	ssyncadd.s32 $0xFFFFEAE8  }
0x61: {  	[spmem:s30] =	stream.linear.scatter [tilespmem:s8], [sflag:$0x1], $0x1518, $0x38;
	[tilespmem:$0x14678] =	vst v63  }
0x62: {  	_ =	swait.ge [sflag:s10], $0x1518  }
0x63: {  	[sflag:s10] =	ssyncset.done $0x0  }
0x64: {  	[sflag:s10] =	ssyncadd.s32 $0xFFFFEAE8  }
0x65: {  	[spmem:s31] =	stream.linear.scatter [tilespmem:s8], [sflag:$0x1], $0x1518, $0x38;
	[tilespmem:$0x14678] =	vst v63  }
0x66: {  	_ =	swait.ge [sflag:s10], $0x1518  }
0x67: {  	[sflag:s10] =	ssyncset.done $0x0  }
0x68: {  	[sflag:s10] =	ssyncadd.s32 $0xFFFFEAE8  }
0x69: {  	[spmem:s0] =	stream.linear.scatter [tilespmem:s8], [sflag:$0x1], $0x1518, $0x38;
	[tilespmem:$0x14678] =	vst v63  }
0x6a: {  	_ =	swait.ge [sflag:s10], $0x1518  }
0x6b: {  	[sflag:s10] =	ssyncset.done $0x0  }
0x6c: {  	[sflag:s10] =	ssyncadd.s32 $0xFFFFEAE8  }
0x6d: {  	[spmem:s1] =	stream.linear.scatter [tilespmem:s8], [sflag:$0x1], $0x1518, $0x38;
	[tilespmem:$0x14678] =	vst v63  }
0x6e: {  	_ =	swait.ge [sflag:s10], $0x1518  }
0x6f: {  	[sflag:s10] =	ssyncset.done $0x0  }
0x70: {  	[sflag:s10] =	ssyncadd.s32 $0xFFFFEAE8  }
0x71: {  	[spmem:s7] =	stream.linear.scatter [tilespmem:s8], [sflag:$0x1], $0x1518, $0x38;
	[tilespmem:$0x14678] =	vst v63  }
0x72: {  	_ =	swait.ge [sflag:s10], $0x1518  }
0x73: {  	[sflag:s10] =	ssyncset.done $0x0  }
0x74: {  	s28 =	rddreg [dreg:$0x7];
	[sflag:s10] =	ssyncadd.s32 $0xFFFFEAE8  }
0x75: {  	[tilespmem:s13], [sflag:$0x1] =	stream.linear.gather [hbm4b:s28+s15], $0x2100, $0x38;
	[tilespmem:$0x14678] =	vst v63  }
.Ltmp3:
0x76: {  	_ =	swait.ge [sflag:s10], $0x2100;
	(pc) =	sbr.rel .LBB2_4-.Ltmp3, $3  }
0x77: {  	[sflag:s10] =	ssyncset.done $0x0  }
0x78: {  	[sflag:s10] =	ssyncadd.s32 $0xFFFFDF00  }
0x79: {  	[bflag:$0x0] =	sbarrier.arrive $0xFFFF;
	_ =	sdelay $0x1  }
.LBB2_11:
0x7a: {  	s15 =	sadd.s32 $0x1, s15  }
0x7b: {  	p0 =	sne.s32 s15, $0x1E  }
.Ltmp4:
0x7c: {  	_ = 	snop;
	(pc) =	sbr.rel @!p0 .LBB2_12-.Ltmp4, $1  }
0x7d: {  	_ =	sdelay $0x3  }
.LBB2_4:
0x7e: {  	v4 =	vmov s15;
	_ =	sdelay $0x4  }
0x7f: {  	v3 =	vld.idx.msk [tilespmem:v4+s9+$0x0], $0xffff;
	_ =	sdelay $0x4  }
0x80: {  	vm0 =	veq.s32 v3, $0x0  }
0x81: {  	v3 =	vsel vm0, $0x0, v2  }
0x82: {  	(xrf0) =	vmax.scan.msk.f32 $0xffff, v3;
	_ =	sdelay $0x5  }
0x83: {  	v3, _, _ =	vpop (xrf0)  }
0x84: {  	(v2sf) =	vpush v3, $0xF;
	_ =	sdelay $0xe  }
0x85: {  	s16 =	spop (v2sf)  }
0x86: {  	p0 =	sgt.f32 s16, $0.0e+00  }
.Ltmp5:
0x87: {  	_ = 	snop;
	(pc) =	sbr.rel @!p0 .LBB2_11-.Ltmp5, $1  }
0x88: {  	_ =	sdelay $0x3  }
0x89: {  	s16 =	smul.u32 $0x4200, s15;
	_ =	sdelay $0x1  }
0x8a: {  	s16 =	sadd.s32 s6, s16  }
0x8b: {  	s17 =	sshrl.u32 s16, $0x3  }
0x8c: {  	s16 =	simm.s32 $0x0;
	s18 =	sadd.s32 s4, s17  }
0x8d: {  	[tilespmem:s16], [sflag:$0x1] =	stream.linear.gather [hbm4b:s18+s16], $0x420, $0x38;
	[tilespmem:$0x14678] =	vst v63  }
0x8e: {  	_ =	swait.ge [sflag:s10], $0x420  }
0x8f: {  	[sflag:s10] =	ssyncset.done $0x0  }
.Ltmp6:
0x90: {  	s17 =	sadd.s32 s5, s17;
	[sflag:s10] =	ssyncadd.s32 $0xFFFFFBE0;
	(pc) =	sbr.rel .LBB2_6-.Ltmp6, $4  }
0x91: {  	[tilespmem:s14], [sflag:$0x1] =	stream.linear.gather [hbm4b:s17+s16], $0x420, $0x38;
	[tilespmem:$0x14678] =	vst v63  }
0x92: {  	_ =	swait.ge [sflag:s10], $0x420  }
0x93: {  	[sflag:s10] =	ssyncset.done $0x0  }
0x94: {  	v3 =	vshll.u32 v4, $0x3;
	v4 =	vmul.u32 $0x50, v4;
	s18 =	simm.s32 $0x0;
	s17 =	simm.s32 $0x0;
	[sflag:s10] =	ssyncadd.s32 $0xFFFFFBE0  }
.LBB2_9:
0x95: {  	_ =	sdelay $0x1  }
0x96: {  	[sflag:s24] =	ssyncset.done @p0 $0x0  }
0x97: {  	[sflag:s24] =	ssyncadd.s32 @p0 $0xFFFFFF80  }
0x98: {  	v5 =	vld.idx.msk [tilespmem:v5+s12+$0x0], $0xffff;
	_ =	sdelay $0x4  }
0x99: {  	vm0 =	veq.s32 v5, $0x0  }
0x9a: {  	v5 =	vsel vm0, $0x0, v2  }
0x9b: {  	(xrf0) =	vmax.scan.msk.f32 $0xffff, v5;
	_ =	sdelay $0x5  }
0x9c: {  	v5, _, _ =	vpop (xrf0)  }
0x9d: {  	(v2sf) =	vpush v5, $0xF;
	_ =	sdelay $0xe  }
0x9e: {  	s20 =	spop (v2sf)  }
0x9f: {  	p0 =	sgt.f32 s20, $0.0e+00;
	_ =	sdelay $0x1  }
0xa0: {  	s19 =	sadd.s32 $0x10, s19;
	v5 =	vlaneseq.u32 @p0  }
0xa1: {  	v6 =	vor.u32 @p0 s19, v5;
	v7 =	vor.u32 @p0 $0xFFFFFFF8, v5  }
0xa2: {  	v7 =	vand.u32 @p0 v7, v6;
	_ =	sdelay $0x3  }
0xa3: {  	s19 =	simm.s32 @p0 $0x420  }
0xa4: {  	v8 =	vld.idx.msk @p0 [tilespmem:v7+s19+$0x0], $0xffff;
	_ =	sdelay $0x1  }
0xa5: {  	v6 =	vshll.u32 @p0 v6, $0x3;
	_ =	sdelay $0x2  }
0xa6: {  	s19 =	simm.s32 @p0 $0x0;
	[tilespmem:$0x3430] =	vst @p0 v8  }
0xa7: {  	s20 =	simm.s32 @p0 $0x840;
	v7 =	vld.idx.msk @p0 [tilespmem:v7+s19+$0x0], $0xffff  }
0xa8: {  	v8 =	vld.idx.msk @p0 [tilespmem:v6+s20+$0x0], $0xffff  }
0xa9: {  	v5 =	vmul.u32 @p0 $0x8, v5;
	_ =	sdelay $0x1  }
0xaa: {  	v9 =	vor.u32 @p0 $0x1, v6;
	_ =	sdelay $0x1  }
0xab: {  	v8 =	vmul.f32 @p0 v8, v7  }
0xac: {  	s19 =	simm.s32 @p0 $0x33B0  }
0xad: {  	[tilespmem:v5+s19+$0x0] =	vst.idx.msk @p0 $0xffff, v8  }
0xae: {  	v8 =	vld.idx.msk @p0 [tilespmem:v9+s20+$0x0], $0xffff;
	_ =	sdelay $0x1  }
0xaf: {  	v9 =	vor.u32 @p0 $0x1, v5  }
0xb0: {  	v10 =	vor.u32 @p0 $0x2, v6;
	_ =	sdelay $0x1  }
0xb1: {  	v8 =	vmul.f32 @p0 v8, v7;
	_ =	sdelay $0x1  }
0xb2: {  	[tilespmem:v9+s19+$0x0] =	vst.idx.msk @p0 $0xffff, v8  }
0xb3: {  	v8 =	vld.idx.msk @p0 [tilespmem:v10+s20+$0x0], $0xffff;
	_ =	sdelay $0x1  }
0xb4: {  	v9 =	vor.u32 @p0 $0x2, v5  }
0xb5: {  	v10 =	vor.u32 @p0 $0x3, v6;
	_ =	sdelay $0x1  }
0xb6: {  	v8 =	vmul.f32 @p0 v8, v7;
	_ =	sdelay $0x1  }
0xb7: {  	[tilespmem:v9+s19+$0x0] =	vst.idx.msk @p0 $0xffff, v8  }
0xb8: {  	v8 =	vld.idx.msk @p0 [tilespmem:v10+s20+$0x0], $0xffff;
	_ =	sdelay $0x1  }
0xb9: {  	v9 =	vor.u32 @p0 $0x3, v5  }
0xba: {  	v10 =	vor.u32 @p0 $0x4, v6;
	_ =	sdelay $0x1  }
0xbb: {  	v8 =	vmul.f32 @p0 v8, v7;
	_ =	sdelay $0x1  }
0xbc: {  	[tilespmem:v9+s19+$0x0] =	vst.idx.msk @p0 $0xffff, v8  }
0xbd: {  	v8 =	vld.idx.msk @p0 [tilespmem:v10+s20+$0x0], $0xffff;
	_ =	sdelay $0x1  }
0xbe: {  	v9 =	vor.u32 @p0 $0x4, v5  }
0xbf: {  	v10 =	vor.u32 @p0 $0x5, v6;
	_ =	sdelay $0x1  }
0xc0: {  	v8 =	vmul.f32 @p0 v8, v7;
	_ =	sdelay $0x1  }
0xc1: {  	[tilespmem:v9+s19+$0x0] =	vst.idx.msk @p0 $0xffff, v8  }
0xc2: {  	v8 =	vld.idx.msk @p0 [tilespmem:v10+s20+$0x0], $0xffff;
	_ =	sdelay $0x1  }
0xc3: {  	v9 =	vor.u32 @p0 $0x5, v5  }
0xc4: {  	v10 =	vor.u32 @p0 $0x6, v6;
	_ =	sdelay $0x1  }
0xc5: {  	v8 =	vmul.f32 @p0 v8, v7;
	_ =	sdelay $0x1  }
0xc6: {  	[tilespmem:v9+s19+$0x0] =	vst.idx.msk @p0 $0xffff, v8  }
0xc7: {  	v8 =	vld.idx.msk @p0 [tilespmem:v10+s20+$0x0], $0xffff;
	_ =	sdelay $0x1  }
0xc8: {  	v9 =	vor.u32 @p0 $0x6, v5  }
0xc9: {  	v6 =	vor.u32 @p0 $0x7, v6;
	_ =	sdelay $0x1  }
0xca: {  	v8 =	vmul.f32 @p0 v8, v7;
	_ =	sdelay $0x1  }
0xcb: {  	[tilespmem:v9+s19+$0x0] =	vst.idx.msk @p0 $0xffff, v8  }
0xcc: {  	v6 =	vld.idx.msk @p0 [tilespmem:v6+s20+$0x0], $0xffff;
	_ =	sdelay $0x1  }
0xcd: {  	v5 =	vor.u32 @p0 $0x7, v5;
	_ =	sdelay $0x2  }
0xce: {  	v6 =	vmul.f32 @p0 v6, v7;
	_ =	sdelay $0x1  }
0xcf: {  	s21 =	simm.s32 @p0 $0x3430;
	s23 =	simm.s32 @p0 $0x1;
	s20 =	simm.s32 @p0 $0x10;
	[tilespmem:v5+s19+$0x0] =	vst.idx.msk @p0 $0xffff, v6  }
0xd0: {  	[spmem:s2] =	stream.indirect.scatter.add.f32 @p0 [tilespmem:s19], [sflag:$0x1], $0x8, s21, s20, $0xb8;
	[tilespmem:$0x14678] =	vst v63  }
0xd1: {  	_ =	swait.ge @p0 [sflag:s23], $0x80  }
0xd2: {  	[sflag:s23] =	ssyncset.done @p0 $0x0  }
0xd3: {  	[sflag:s23] =	ssyncadd.s32 @p0 $0xFFFFFF80  }
.LBB2_10:
0xd4: {  	s18 =	sadd.s32 $0x1, s18  }
0xd5: {  	p0 =	sne.s32 s18, $0x5  }
.Ltmp7:
0xd6: {  	_ = 	snop;
	(pc) =	sbr.rel @!p0 .LBB2_11-.Ltmp7, $2  }
0xd7: {  	_ =	sdelay $0x2  }
0xd8: {  	s16 =	sadd.s32 $0x100, s16;
	s17 =	sadd.s32 $0x10, s17  }
.LBB2_6:
0xd9: {  	v5 =	vmov s18  }
0xda: {  	v5 =	vand.u32 $0x7, v5  }
0xdb: {  	v5 =	vbroadcast v5, $0x0;
	_ =	sdelay $0x1  }
0xdc: {  	v5 =	vor.u32 v3, v5;
	_ =	sdelay $0x4  }
0xdd: {  	v5 =	vld.idx.msk [tilespmem:v5+s11+$0x0], $0xffff;
	_ =	sdelay $0x4  }
0xde: {  	vm0 =	veq.s32 v5, $0x0  }
0xdf: {  	v5 =	vsel vm0, $0x0, v2  }
0xe0: {  	(xrf0) =	vmax.scan.msk.f32 $0xffff, v5;
	_ =	sdelay $0x5  }
0xe1: {  	v5, _, _ =	vpop (xrf0)  }
0xe2: {  	(v2sf) =	vpush v5, $0xF;
	_ =	sdelay $0xe  }
0xe3: {  	s19 =	spop (v2sf)  }
0xe4: {  	p0 =	sgt.f32 s19, $0.0e+00  }
.Ltmp8:
0xe5: {  	_ = 	snop;
	(pc) =	sbr.rel @!p0 .LBB2_10-.Ltmp8, $1  }
0xe6: {  	_ =	sdelay $0x3  }
0xe7: {  	s19 =	sadd.s32 $0x0, s17  }
0xe8: {  	v5 =	vmov s19  }
0xe9: {  	v6 =	vand.u32 $0x78, v5  }
0xea: {  	v5 =	vand.u32 $0x7, v5;
	v6 =	vadd.s32 v4, v6  }
0xeb: {  	v5 =	vor.u32 v5, v6;
	_ =	sdelay $0x4  }
0xec: {  	v5 =	vld.idx.msk [tilespmem:v5+s12+$0x0], $0xffff;
	_ =	sdelay $0x4  }
0xed: {  	vm0 =	veq.s32 v5, $0x0  }
0xee: {  	v5 =	vsel vm0, $0x0, v2  }
0xef: {  	(xrf0) =	vmax.scan.msk.f32 $0xffff, v5;
	_ =	sdelay $0x5  }
0xf0: {  	v5, _, _ =	vpop (xrf0)  }
0xf1: {  	(v2sf) =	vpush v5, $0xF;
	_ =	sdelay $0xe  }
0xf2: {  	s26 =	spop (v2sf)  }
0xf3: {  	p0 =	sgt.f32 s26, $0.0e+00;
	_ =	sdelay $0x1  }
0xf4: {  	v5 =	vlaneseq.u32 @p0  }
0xf5: {  	v6 =	vor.u32 @p0 s16, v5;
	v7 =	vor.u32 @p0 $0xFFFFFFF8, v5  }
0xf6: {  	v7 =	vand.u32 @p0 v7, v6;
	_ =	sdelay $0x3  }
0xf7: {  	s19 =	simm.s32 @p0 $0x420  }
0xf8: {  	v8 =	vld.idx.msk @p0 [tilespmem:v7+s19+$0x0], $0xffff;
	_ =	sdelay $0x1  }
0xf9: {  	v6 =	vshll.u32 @p0 v6, $0x3;
	_ =	sdelay $0x2  }
0xfa: {  	s19 =	simm.s32 @p0 $0x0;
	[tilespmem:$0x3430] =	vst @p0 v8  }
0xfb: {  	s20 =	simm.s32 @p0 $0x840;
	v7 =	vld.idx.msk @p0 [tilespmem:v7+s19+$0x0], $0xffff  }
0xfc: {  	v8 =	vld.idx.msk @p0 [tilespmem:v6+s20+$0x0], $0xffff  }
0xfd: {  	v5 =	vmul.u32 @p0 $0x8, v5;
	_ =	sdelay $0x1  }
0xfe: {  	v9 =	vor.u32 @p0 $0x1, v6;
	_ =	sdelay $0x1  }
0xff: {  	v8 =	vmul.f32 @p0 v8, v7  }
0x100: {  	s19 =	simm.s32 @p0 $0x33B0  }
0x101: {  	[tilespmem:v5+s19+$0x0] =	vst.idx.msk @p0 $0xffff, v8  }
0x102: {  	v8 =	vld.idx.msk @p0 [tilespmem:v9+s20+$0x0], $0xffff;
	_ =	sdelay $0x1  }
0x103: {  	v9 =	vor.u32 @p0 $0x1, v5  }
0x104: {  	v10 =	vor.u32 @p0 $0x2, v6;
	_ =	sdelay $0x1  }
0x105: {  	v8 =	vmul.f32 @p0 v8, v7;
	_ =	sdelay $0x1  }
0x106: {  	[tilespmem:v9+s19+$0x0] =	vst.idx.msk @p0 $0xffff, v8  }
0x107: {  	v8 =	vld.idx.msk @p0 [tilespmem:v10+s20+$0x0], $0xffff;
	_ =	sdelay $0x1  }
0x108: {  	v9 =	vor.u32 @p0 $0x2, v5  }
0x109: {  	v10 =	vor.u32 @p0 $0x3, v6;
	_ =	sdelay $0x1  }
0x10a: {  	v8 =	vmul.f32 @p0 v8, v7;
	_ =	sdelay $0x1  }
0x10b: {  	[tilespmem:v9+s19+$0x0] =	vst.idx.msk @p0 $0xffff, v8  }
0x10c: {  	v8 =	vld.idx.msk @p0 [tilespmem:v10+s20+$0x0], $0xffff;
	_ =	sdelay $0x1  }
0x10d: {  	v9 =	vor.u32 @p0 $0x3, v5  }
0x10e: {  	v10 =	vor.u32 @p0 $0x4, v6;
	_ =	sdelay $0x1  }
0x10f: {  	v8 =	vmul.f32 @p0 v8, v7;
	_ =	sdelay $0x1  }
0x110: {  	[tilespmem:v9+s19+$0x0] =	vst.idx.msk @p0 $0xffff, v8  }
0x111: {  	v8 =	vld.idx.msk @p0 [tilespmem:v10+s20+$0x0], $0xffff;
	_ =	sdelay $0x1  }
0x112: {  	v9 =	vor.u32 @p0 $0x4, v5  }
0x113: {  	v10 =	vor.u32 @p0 $0x5, v6;
	_ =	sdelay $0x1  }
0x114: {  	v8 =	vmul.f32 @p0 v8, v7;
	_ =	sdelay $0x1  }
0x115: {  	[tilespmem:v9+s19+$0x0] =	vst.idx.msk @p0 $0xffff, v8  }
0x116: {  	v8 =	vld.idx.msk @p0 [tilespmem:v10+s20+$0x0], $0xffff;
	_ =	sdelay $0x1  }
0x117: {  	v9 =	vor.u32 @p0 $0x5, v5  }
0x118: {  	v10 =	vor.u32 @p0 $0x6, v6;
	_ =	sdelay $0x1  }
0x119: {  	v8 =	vmul.f32 @p0 v8, v7;
	_ =	sdelay $0x1  }
0x11a: {  	[tilespmem:v9+s19+$0x0] =	vst.idx.msk @p0 $0xffff, v8  }
0x11b: {  	v8 =	vld.idx.msk @p0 [tilespmem:v10+s20+$0x0], $0xffff;
	_ =	sdelay $0x1  }
0x11c: {  	v9 =	vor.u32 @p0 $0x6, v5  }
0x11d: {  	v6 =	vor.u32 @p0 $0x7, v6;
	_ =	sdelay $0x1  }
0x11e: {  	v8 =	vmul.f32 @p0 v8, v7;
	_ =	sdelay $0x1  }
0x11f: {  	[tilespmem:v9+s19+$0x0] =	vst.idx.msk @p0 $0xffff, v8  }
0x120: {  	v6 =	vld.idx.msk @p0 [tilespmem:v6+s20+$0x0], $0xffff;
	_ =	sdelay $0x1  }
0x121: {  	v5 =	vor.u32 @p0 $0x7, v5;
	_ =	sdelay $0x2  }
0x122: {  	s28 =	sadd.s32 $0x1, s17;
	v6 =	vmul.f32 @p0 v6, v7  }
0x123: {  	v7 =	vmov s28  }
0x124: {  	[tilespmem:v5+s19+$0x0] =	vst.idx.msk @p0 $0xffff, v6;
	v5 =	vand.u32 $0x78, v7  }
0x125: {  	s21 =	simm.s32 @p0 $0x3430;
	s24 =	simm.s32 @p0 $0x1;
	s20 =	simm.s32 @p0 $0x10;
	v6 =	vand.u32 $0x7, v7;
	v5 =	vadd.s32 v4, v5  }
0x126: {  	[spmem:s2] =	stream.indirect.scatter.add.f32 @p0 [tilespmem:s19], [sflag:$0x1], $0x8, s21, s20, $0xb8;
	v5 =	vor.u32 v6, v5;
	[tilespmem:$0x14678] =	vst v63  }
0x127: {  	s20 =	simm.s32 $0x2;
	s19 =	smov.u32 s16;
	_ =	swait.ge @p0 [sflag:s24], $0x80  }
.LBB2_8:
0x128: {  	[sflag:s24] =	ssyncset.done @p0 $0x0  }
0x129: {  	s19 =	sadd.s32 $0x10, s19;
	s21 =	smov.u32 s20;
	s20 =	sadd.s32 $0x1, s20  }
0x12a: {  	p1 =	sne.s32 s20, $0x10;
	[sflag:s24] =	ssyncadd.s32 @p0 $0xFFFFFF80  }
0x12b: {  	v5 =	vld.idx.msk [tilespmem:v5+s12+$0x0], $0xffff;
	_ =	sdelay $0x5  }
0x12c: {  	vm0 =	veq.s32 v5, $0x0  }
0x12d: {  	v5 =	vsel vm0, $0x0, v2  }
0x12e: {  	(xrf0) =	vmax.scan.msk.f32 $0xffff, v5;
	_ =	sdelay $0x5  }
0x12f: {  	v5, _, _ =	vpop (xrf0)  }
0x130: {  	(v2sf) =	vpush v5, $0xF;
	_ =	sdelay $0xe  }
0x131: {  	s23 =	spop (v2sf)  }
0x132: {  	p0 =	sgt.f32 s23, $0.0e+00;
	_ =	sdelay $0x1  }
0x133: {  	v5 =	vlaneseq.u32 @p0  }
0x134: {  	v6 =	vor.u32 @p0 s19, v5;
	v7 =	vor.u32 @p0 $0xFFFFFFF8, v5;
	v5 =	vmul.u32 @p0 $0x8, v5  }
0x135: {  	v7 =	vand.u32 @p0 v7, v6;
	v6 =	vshll.u32 @p0 v6, $0x3  }
0x136: {  	v8 =	vor.u32 @p0 $0x1, v6;
	v9 =	vor.u32 @p0 $0x1, v5;
	v10 =	vor.u32 @p0 $0x2, v6  }
0x137: {  	v11 =	vor.u32 @p0 $0x2, v5;
	v12 =	vor.u32 @p0 $0x3, v6;
	v13 =	vor.u32 @p0 $0x3, v5  }
0x138: {  	v14 =	vor.u32 @p0 $0x4, v6;
	v15 =	vor.u32 @p0 $0x4, v5;
	v16 =	vor.u32 @p0 $0x5, v6  }
0x139: {  	s23 =	simm.s32 @p0 $0x420;
	v17 =	vor.u32 @p0 $0x5, v5;
	v18 =	vor.u32 @p0 $0x6, v6;
	v19 =	vor.u32 @p0 $0x6, v5  }
0x13a: {  	v21 =	vor.u32 @p0 $0x7, v6;
	v22 =	vor.u32 @p0 $0x7, v5;
	v20 =	vld.idx.msk @p0 [tilespmem:v7+s23+$0x0], $0xffff;
	_ =	sdelay $0x5  }
0x13b: {  	s24 =	simm.s32 @p0 $0x840;
	s23 =	simm.s32 @p0 $0x0;
	[tilespmem:$0x3430] =	vst @p0 v20  }
0x13c: {  	v7 =	vld.idx.msk @p0 [tilespmem:v7+s23+$0x0], $0xffff  }
0x13d: {  	v6 =	vld.idx.msk @p0 [tilespmem:v6+s24+$0x0], $0xffff;
	_ =	sdelay $0x5  }
0x13e: {  	s23 =	simm.s32 @p0 $0x33B0;
	v6 =	vmul.f32 @p0 v6, v7;
	_ =	sdelay $0x1  }
0x13f: {  	[tilespmem:v5+s23+$0x0] =	vst.idx.msk @p0 $0xffff, v6  }
0x140: {  	v5 =	vld.idx.msk @p0 [tilespmem:v8+s24+$0x0], $0xffff;
	_ =	sdelay $0x5  }
0x141: {  	v5 =	vmul.f32 @p0 v5, v7;
	_ =	sdelay $0x1  }
0x142: {  	[tilespmem:v9+s23+$0x0] =	vst.idx.msk @p0 $0xffff, v5  }
0x143: {  	v5 =	vld.idx.msk @p0 [tilespmem:v10+s24+$0x0], $0xffff;
	_ =	sdelay $0x5  }
0x144: {  	v5 =	vmul.f32 @p0 v5, v7;
	_ =	sdelay $0x1  }
0x145: {  	[tilespmem:v11+s23+$0x0] =	vst.idx.msk @p0 $0xffff, v5  }
0x146: {  	v5 =	vld.idx.msk @p0 [tilespmem:v12+s24+$0x0], $0xffff;
	_ =	sdelay $0x5  }
0x147: {  	v5 =	vmul.f32 @p0 v5, v7;
	_ =	sdelay $0x1  }
0x148: {  	[tilespmem:v13+s23+$0x0] =	vst.idx.msk @p0 $0xffff, v5  }
0x149: {  	v5 =	vld.idx.msk @p0 [tilespmem:v14+s24+$0x0], $0xffff;
	_ =	sdelay $0x5  }
0x14a: {  	v5 =	vmul.f32 @p0 v5, v7;
	_ =	sdelay $0x1  }
0x14b: {  	[tilespmem:v15+s23+$0x0] =	vst.idx.msk @p0 $0xffff, v5  }
0x14c: {  	v5 =	vld.idx.msk @p0 [tilespmem:v16+s24+$0x0], $0xffff;
	_ =	sdelay $0x5  }
0x14d: {  	v5 =	vmul.f32 @p0 v5, v7;
	_ =	sdelay $0x1  }
0x14e: {  	[tilespmem:v17+s23+$0x0] =	vst.idx.msk @p0 $0xffff, v5  }
0x14f: {  	v5 =	vld.idx.msk @p0 [tilespmem:v18+s24+$0x0], $0xffff;
	_ =	sdelay $0x5  }
0x150: {  	v5 =	vmul.f32 @p0 v5, v7;
	_ =	sdelay $0x1  }
0x151: {  	[tilespmem:v19+s23+$0x0] =	vst.idx.msk @p0 $0xffff, v5  }
0x152: {  	v5 =	vld.idx.msk @p0 [tilespmem:v21+s24+$0x0], $0xffff;
	_ =	sdelay $0x3  }
0x153: {  	s21 =	sadd.s32 s21, s17  }
0x154: {  	v6 =	vmov s21  }
.Ltmp9:
0x155: {  	v8 =	vand.u32 $0x78, v6;
	v7 =	vmul.f32 @p0 v5, v7;
	(pc) =	sbr.rel @p1 .LBB2_8-.Ltmp9, $4  }
0x156: {  	s25 =	simm.s32 @p0 $0x3430;
	s21 =	simm.s32 @p0 $0x10;
	v5 =	vand.u32 $0x7, v6;
	v6 =	vadd.s32 v4, v8  }
0x157: {  	s24 =	simm.s32 @p0 $0x1;
	v5 =	vor.u32 v5, v6;
	[tilespmem:v22+s23+$0x0] =	vst.idx.msk @p0 $0xffff, v7  }
0x158: {  	[spmem:s2] =	stream.indirect.scatter.add.f32 @p0 [tilespmem:s23], [sflag:$0x1], $0x8, s25, s21, $0xb8;
	[tilespmem:$0x14678] =	vst v63  }
0x159: {  	_ =	swait.ge @p0 [sflag:s24], $0x80  }
.Ltmp10:
0x15a: {  	_ = 	snop;
	(pc) =	sbr.rel .LBB2_9-.Ltmp10, $1  }
0x15b: {  	_ =	sdelay $0x3  }
.LBB2_12:
0x15c: {  	s15 =	stileid.u32;
	[bflag:$0x0] =	sbarrier.arrive $0xFFFF  }
0x15d: {  	s15 =	sshll.u32 s15, $0x6;
	s16 =	rddreg [dreg:$0x9]  }
0x15e: {  	s17 =	rddreg [dreg:$0x8];
	s15 =	sor.u32 $0x1C01, s15;
	s16 =	sshrl.u32 s16, $0x3  }
0x15f: {  	[hbm:s17], [sflag:s15] =	dma.local [spmem:s16], $0x1FA4  }
.Ltmp11:
0x160: {  	_ =	swait.ge [sflag:s10], $0x1FA4;
	(pc) =	sbr.rel .LBB2_13-.Ltmp11, $4  }
0x161: {  	[sflag:s10] =	ssyncset.done $0x0  }
0x162: {  	[sflag:s10] =	ssyncadd.s32 $0xFFFFE05C  }
0x163: {  	[bflag:$0x0] =	sbarrier.arrive $0xFFFF  }
0x164: {  	s17 =	simm.s32 $0x0  }
.LBB2_20:
0x165: {  	s17 =	sadd.s32 $0x1, s17  }
0x166: {  	p0 =	sne.s32 s17, $0x1E  }
.Ltmp12:
0x167: {  	_ = 	snop;
	(pc) =	sbr.rel @!p0 .LBB2_21-.Ltmp12, $1  }
0x168: {  	_ =	sdelay $0x3  }
.LBB2_13:
0x169: {  	v4 =	vmov s17;
	_ =	sdelay $0x4  }
0x16a: {  	v3 =	vld.idx.msk [tilespmem:v4+s9+$0x0], $0xffff;
	_ =	sdelay $0x4  }
0x16b: {  	vm0 =	veq.s32 v3, $0x0  }
0x16c: {  	v3 =	vsel vm0, $0x0, v2  }
0x16d: {  	(xrf0) =	vmax.scan.msk.f32 $0xffff, v3;
	_ =	sdelay $0x5  }
0x16e: {  	v3, _, _ =	vpop (xrf0)  }
0x16f: {  	(v2sf) =	vpush v3, $0xF;
	_ =	sdelay $0xe  }
0x170: {  	s18 =	spop (v2sf)  }
0x171: {  	p0 =	sgt.f32 s18, $0.0e+00  }
.Ltmp13:
0x172: {  	_ = 	snop;
	(pc) =	sbr.rel @!p0 .LBB2_20-.Ltmp13, $1  }
0x173: {  	_ =	sdelay $0x3  }
0x174: {  	s18 =	smul.u32 $0x4200, s17;
	_ =	sdelay $0x1  }
0x175: {  	s18 =	sadd.s32 s6, s18  }
0x176: {  	s18 =	sshrl.u32 s18, $0x3  }
.Ltmp14:
0x177: {  	s19 =	sadd.s32 s5, s18;
	s18 =	simm.s32 $0x0;
	(pc) =	sbr.rel .LBB2_15-.Ltmp14, $4  }
0x178: {  	[tilespmem:s14], [sflag:$0x1] =	stream.linear.gather [hbm4b:s19+s18], $0x420, $0x38;
	[tilespmem:$0x14678] =	vst v63  }
0x179: {  	_ =	swait.ge [sflag:s10], $0x420  }
0x17a: {  	[sflag:s10] =	ssyncset.done $0x0  }
0x17b: {  	v3 =	vshll.u32 v4, $0x3;
	v4 =	vmul.u32 $0x50, v4;
	s20 =	simm.s32 $0x0;
	s19 =	simm.s32 $0x0;
	[sflag:s10] =	ssyncadd.s32 $0xFFFFFBE0  }
.LBB2_18:
0x17c: {  	_ =	sdelay $0x2  }
0x17d: {  	[sflag:s24] =	ssyncadd.s32 @p1 $0xFFFFFF80  }
0x17e: {  	v5 =	vld.idx.msk [tilespmem:v5+s12+$0x0], $0xffff;
	_ =	sdelay $0x4  }
0x17f: {  	vm0 =	veq.s32 v5, $0x0  }
0x180: {  	v5 =	vsel vm0, $0x0, v2  }
0x181: {  	(xrf0) =	vmax.scan.msk.f32 $0xffff, v5;
	_ =	sdelay $0x5  }
0x182: {  	v5, _, _ =	vpop (xrf0)  }
0x183: {  	(v2sf) =	vpush v5, $0xF;
	_ =	sdelay $0xe  }
0x184: {  	s23 =	spop (v2sf)  }
0x185: {  	p0 =	sgt.f32 s23, $0.0e+00;
	_ =	sdelay $0x1  }
0x186: {  	s21 =	sadd.s32 $0x10, s21;
	v5 =	vlaneseq.u32 @p0  }
0x187: {  	v5 =	vor.u32 @p0 s21, v5;
	_ =	sdelay $0x3  }
0x188: {  	s21 =	simm.s32 @p0 $0x420  }
0x189: {  	v5 =	vld.idx.msk @p0 [tilespmem:v5+s21+$0x0], $0xffff;
	_ =	sdelay $0x3  }
0x18a: {  	s23 =	simm.s32 @p0 $0x10  }
0x18b: {  	s24 =	simm.s32 @p0 $0x3430;
	s25 =	simm.s32 @p0 $0x3440;
	s21 =	simm.s32 @p0 $0x1;
	[tilespmem:$0x3430] =	vst @p0 v5  }
0x18c: {  	[spmem:s2] =	stream.indirect.scatter @p0 [tilespmem:s25], [sflag:$0x1], $0x8, s24, s23, $0xb8;
	[tilespmem:$0x14678] =	vst v63  }
0x18d: {  	_ =	swait.ge @p0 [sflag:s21], $0x80  }
0x18e: {  	[sflag:s21] =	ssyncset.done @p0 $0x0  }
0x18f: {  	[sflag:s21] =	ssyncadd.s32 @p0 $0xFFFFFF80  }
.LBB2_19:
0x190: {  	s20 =	sadd.s32 $0x1, s20  }
0x191: {  	p0 =	sne.s32 s20, $0x5  }
.Ltmp15:
0x192: {  	_ = 	snop;
	(pc) =	sbr.rel @!p0 .LBB2_20-.Ltmp15, $2  }
0x193: {  	_ =	sdelay $0x2  }
0x194: {  	s18 =	sadd.s32 $0x100, s18;
	s19 =	sadd.s32 $0x10, s19  }
.LBB2_15:
0x195: {  	v5 =	vmov s20  }
0x196: {  	v5 =	vand.u32 $0x7, v5  }
0x197: {  	v5 =	vbroadcast v5, $0x0;
	_ =	sdelay $0x1  }
0x198: {  	v5 =	vor.u32 v3, v5;
	_ =	sdelay $0x4  }
0x199: {  	v5 =	vld.idx.msk [tilespmem:v5+s11+$0x0], $0xffff;
	_ =	sdelay $0x4  }
0x19a: {  	vm0 =	veq.s32 v5, $0x0  }
0x19b: {  	v5 =	vsel vm0, $0x0, v2  }
0x19c: {  	(xrf0) =	vmax.scan.msk.f32 $0xffff, v5;
	_ =	sdelay $0x5  }
0x19d: {  	v5, _, _ =	vpop (xrf0)  }
0x19e: {  	(v2sf) =	vpush v5, $0xF;
	_ =	sdelay $0xe  }
0x19f: {  	s21 =	spop (v2sf)  }
0x1a0: {  	p0 =	sgt.f32 s21, $0.0e+00  }
.Ltmp16:
0x1a1: {  	_ = 	snop;
	(pc) =	sbr.rel @!p0 .LBB2_19-.Ltmp16, $1  }
0x1a2: {  	_ =	sdelay $0x3  }
0x1a3: {  	s21 =	sadd.s32 $0x0, s19  }
0x1a4: {  	v5 =	vmov s21  }
0x1a5: {  	v6 =	vand.u32 $0x78, v5  }
0x1a6: {  	v5 =	vand.u32 $0x7, v5;
	v6 =	vadd.s32 v4, v6  }
0x1a7: {  	v5 =	vor.u32 v5, v6;
	_ =	sdelay $0x4  }
0x1a8: {  	v5 =	vld.idx.msk [tilespmem:v5+s12+$0x0], $0xffff;
	_ =	sdelay $0x4  }
0x1a9: {  	vm0 =	veq.s32 v5, $0x0  }
0x1aa: {  	v5 =	vsel vm0, $0x0, v2  }
0x1ab: {  	(xrf0) =	vmax.scan.msk.f32 $0xffff, v5;
	_ =	sdelay $0x5  }
0x1ac: {  	v5, _, _ =	vpop (xrf0)  }
0x1ad: {  	(v2sf) =	vpush v5, $0xF;
	_ =	sdelay $0xe  }
0x1ae: {  	s26 =	spop (v2sf)  }
0x1af: {  	p1 =	sgt.f32 s26, $0.0e+00;
	_ =	sdelay $0x1  }
0x1b0: {  	v5 =	vlaneseq.u32 @p1  }
0x1b1: {  	v5 =	vor.u32 @p1 s18, v5;
	_ =	sdelay $0x3  }
0x1b2: {  	s21 =	simm.s32 @p1 $0x420  }
0x1b3: {  	v5 =	vld.idx.msk @p1 [tilespmem:v5+s21+$0x0], $0xffff;
	_ =	sdelay $0x2  }
0x1b4: {  	s28 =	sadd.s32 $0x1, s19  }
0x1b5: {  	v6 =	vmov s28  }
0x1b6: {  	s24 =	simm.s32 @p1 $0x1;
	[tilespmem:$0x3430] =	vst @p1 v5;
	v5 =	vand.u32 $0x78, v6  }
0x1b7: {  	s23 =	simm.s32 @p1 $0x3430;
	s25 =	simm.s32 @p1 $0x3440;
	s21 =	simm.s32 @p1 $0x10;
	v6 =	vand.u32 $0x7, v6;
	v5 =	vadd.s32 v4, v5  }
0x1b8: {  	[spmem:s2] =	stream.indirect.scatter @p1 [tilespmem:s25], [sflag:$0x1], $0x8, s23, s21, $0xb8;
	v5 =	vor.u32 v6, v5;
	[tilespmem:$0x14678] =	vst v63  }
0x1b9: {  	_ =	swait.ge @p1 [sflag:s24], $0x80  }
0x1ba: {  	s23 =	simm.s32 $0x2;
	s21 =	smov.u32 s18;
	[sflag:s24] =	ssyncset.done @p1 $0x0  }
.LBB2_17:
0x1bb: {  	[sflag:s24] =	ssyncadd.s32 @p1 $0xFFFFFF80  }
0x1bc: {  	s21 =	sadd.s32 $0x10, s21;
	s24 =	smov.u32 s23;
	s23 =	sadd.s32 $0x1, s23  }
0x1bd: {  	p0 =	sne.s32 s23, $0x10;
	v5 =	vld.idx.msk [tilespmem:v5+s12+$0x0], $0xffff;
	_ =	sdelay $0x5  }
0x1be: {  	vm0 =	veq.s32 v5, $0x0  }
0x1bf: {  	v5 =	vsel vm0, $0x0, v2  }
0x1c0: {  	(xrf0) =	vmax.scan.msk.f32 $0xffff, v5;
	_ =	sdelay $0x5  }
0x1c1: {  	v5, _, _ =	vpop (xrf0)  }
0x1c2: {  	(v2sf) =	vpush v5, $0xF;
	_ =	sdelay $0xe  }
0x1c3: {  	s25 =	spop (v2sf)  }
0x1c4: {  	p1 =	sgt.f32 s25, $0.0e+00;
	_ =	sdelay $0x1  }
0x1c5: {  	v5 =	vlaneseq.u32 @p1  }
0x1c6: {  	v5 =	vor.u32 @p1 s21, v5;
	_ =	sdelay $0x3  }
0x1c7: {  	s25 =	simm.s32 @p1 $0x420  }
0x1c8: {  	v6 =	vld.idx.msk @p1 [tilespmem:v5+s25+$0x0], $0xffff;
	_ =	sdelay $0x1  }
0x1c9: {  	s24 =	sadd.s32 s24, s19  }
0x1ca: {  	v5 =	vmov s24  }
0x1cb: {  	v7 =	vand.u32 $0x78, v5  }
.Ltmp17:
0x1cc: {  	s24 =	simm.s32 @p1 $0x1;
	v5 =	vand.u32 $0x7, v5;
	v7 =	vadd.s32 v4, v7;
	(pc) =	sbr.rel @p0 .LBB2_17-.Ltmp17, $4  }
0x1cd: {  	s26 =	simm.s32 @p1 $0x3430;
	s28 =	simm.s32 @p1 $0x3440;
	s25 =	simm.s32 @p1 $0x10;
	v5 =	vor.u32 v5, v7;
	[tilespmem:$0x3430] =	vst @p1 v6  }
0x1ce: {  	[spmem:s2] =	stream.indirect.scatter @p1 [tilespmem:s28], [sflag:$0x1], $0x8, s26, s25, $0xb8;
	[tilespmem:$0x14678] =	vst v63  }
0x1cf: {  	_ =	swait.ge @p1 [sflag:s24], $0x80  }
0x1d0: {  	[sflag:s24] =	ssyncset.done @p1 $0x0  }
.Ltmp18:
0x1d1: {  	_ = 	snop;
	(pc) =	sbr.rel .LBB2_18-.Ltmp18, $1  }
0x1d2: {  	_ =	sdelay $0x3  }
.LBB2_21:
0x1d3: {  	s17 =	simm.s32 $0x0;
	s18 =	rddreg [dreg:$0xa]  }
0x1d4: {  	[tilespmem:s13], [sflag:$0x1] =	stream.linear.gather [hbm4b:s18+s17], $0x2100, $0x38;
	[tilespmem:$0x14678] =	vst v63  }
.Ltmp19:
0x1d5: {  	_ =	swait.ge [sflag:s10], $0x2100;
	(pc) =	sbr.rel .LBB2_22-.Ltmp19, $3  }
0x1d6: {  	[sflag:s10] =	ssyncset.done $0x0  }
0x1d7: {  	[sflag:s10] =	ssyncadd.s32 $0xFFFFDF00  }
0x1d8: {  	[bflag:$0x0] =	sbarrier.arrive $0xFFFF;
	_ =	sdelay $0x1  }
.LBB2_29:
0x1d9: {  	s17 =	sadd.s32 $0x1, s17  }
0x1da: {  	p0 =	sne.s32 s17, $0x1E  }
.Ltmp20:
0x1db: {  	_ = 	snop;
	(pc) =	sbr.rel @!p0 .LBB2_30-.Ltmp20, $1  }
0x1dc: {  	_ =	sdelay $0x3  }
.LBB2_22:
0x1dd: {  	v4 =	vmov s17;
	_ =	sdelay $0x4  }
0x1de: {  	v3 =	vld.idx.msk [tilespmem:v4+s9+$0x0], $0xffff;
	_ =	sdelay $0x4  }
0x1df: {  	vm0 =	veq.s32 v3, $0x0  }
0x1e0: {  	v3 =	vsel vm0, $0x0, v2  }
0x1e1: {  	(xrf0) =	vmax.scan.msk.f32 $0xffff, v3;
	_ =	sdelay $0x5  }
0x1e2: {  	v3, _, _ =	vpop (xrf0)  }
0x1e3: {  	(v2sf) =	vpush v3, $0xF;
	_ =	sdelay $0xe  }
0x1e4: {  	s18 =	spop (v2sf)  }
0x1e5: {  	p0 =	sgt.f32 s18, $0.0e+00  }
.Ltmp21:
0x1e6: {  	_ = 	snop;
	(pc) =	sbr.rel @!p0 .LBB2_29-.Ltmp21, $1  }
0x1e7: {  	_ =	sdelay $0x3  }
0x1e8: {  	s18 =	smul.u32 $0x4200, s17;
	_ =	sdelay $0x1  }
0x1e9: {  	s18 =	sadd.s32 s6, s18  }
0x1ea: {  	s18 =	sshrl.u32 s18, $0x3  }
0x1eb: {  	s21 =	simm.s32 $0x0;
	s19 =	sadd.s32 s4, s18  }
0x1ec: {  	[tilespmem:s21], [sflag:$0x1] =	stream.linear.gather [hbm4b:s19+s21], $0x420, $0x38;
	[tilespmem:$0x14678] =	vst v63  }
0x1ed: {  	_ =	swait.ge [sflag:s10], $0x420  }
0x1ee: {  	[sflag:s10] =	ssyncset.done $0x0  }
.Ltmp22:
0x1ef: {  	s18 =	sadd.s32 s5, s18;
	[sflag:s10] =	ssyncadd.s32 $0xFFFFFBE0;
	(pc) =	sbr.rel .LBB2_24-.Ltmp22, $4  }
0x1f0: {  	[tilespmem:s14], [sflag:$0x1] =	stream.linear.gather [hbm4b:s18+s21], $0x420, $0x38;
	[tilespmem:$0x14678] =	vst v63  }
0x1f1: {  	_ =	swait.ge [sflag:s10], $0x420  }
0x1f2: {  	[sflag:s10] =	ssyncset.done $0x0  }
0x1f3: {  	v3 =	vshll.u32 v4, $0x3;
	v4 =	vmul.u32 $0x50, v4;
	s20 =	simm.s32 $0x0;
	s19 =	simm.s32 $0x0;
	[sflag:s10] =	ssyncadd.s32 $0xFFFFFBE0  }
.LBB2_27:
0x1f4: {  	_ =	sdelay $0x1  }
0x1f5: {  	[sflag:s26] =	ssyncset.done @p0 $0x0  }
0x1f6: {  	[sflag:s26] =	ssyncadd.s32 @p0 $0xFFFFFF80  }
0x1f7: {  	v5 =	vld.idx.msk [tilespmem:v5+s12+$0x0], $0xffff;
	_ =	sdelay $0x4  }
0x1f8: {  	vm0 =	veq.s32 v5, $0x0  }
0x1f9: {  	v5 =	vsel vm0, $0x0, v2  }
0x1fa: {  	(xrf0) =	vmax.scan.msk.f32 $0xffff, v5;
	_ =	sdelay $0x5  }
0x1fb: {  	v5, _, _ =	vpop (xrf0)  }
0x1fc: {  	(v2sf) =	vpush v5, $0xF;
	_ =	sdelay $0xe  }
0x1fd: {  	s23 =	spop (v2sf)  }
0x1fe: {  	p0 =	sgt.f32 s23, $0.0e+00;
	_ =	sdelay $0x1  }
0x1ff: {  	s18 =	sadd.s32 $0x10, s18;
	v5 =	vlaneseq.u32 @p0  }
0x200: {  	v6 =	vor.u32 @p0 s18, v5;
	v7 =	vor.u32 @p0 $0xFFFFFFF8, v5  }
0x201: {  	v7 =	vand.u32 @p0 v7, v6;
	_ =	sdelay $0x3  }
0x202: {  	s18 =	simm.s32 @p0 $0x420  }
0x203: {  	v8 =	vld.idx.msk @p0 [tilespmem:v7+s18+$0x0], $0xffff;
	_ =	sdelay $0x1  }
0x204: {  	v6 =	vshll.u32 @p0 v6, $0x3;
	_ =	sdelay $0x2  }
0x205: {  	s18 =	simm.s32 @p0 $0x0;
	[tilespmem:$0x3430] =	vst @p0 v8  }
0x206: {  	s23 =	simm.s32 @p0 $0x840;
	v7 =	vld.idx.msk @p0 [tilespmem:v7+s18+$0x0], $0xffff  }
0x207: {  	v8 =	vld.idx.msk @p0 [tilespmem:v6+s23+$0x0], $0xffff  }
0x208: {  	v5 =	vmul.u32 @p0 $0x8, v5;
	_ =	sdelay $0x1  }
0x209: {  	v9 =	vor.u32 @p0 $0x1, v6;
	_ =	sdelay $0x1  }
0x20a: {  	v8 =	vmul.f32 @p0 v8, v7  }
0x20b: {  	s18 =	simm.s32 @p0 $0x33B0  }
0x20c: {  	[tilespmem:v5+s18+$0x0] =	vst.idx.msk @p0 $0xffff, v8  }
0x20d: {  	v8 =	vld.idx.msk @p0 [tilespmem:v9+s23+$0x0], $0xffff;
	_ =	sdelay $0x1  }
0x20e: {  	v9 =	vor.u32 @p0 $0x1, v5  }
0x20f: {  	v10 =	vor.u32 @p0 $0x2, v6;
	_ =	sdelay $0x1  }
0x210: {  	v8 =	vmul.f32 @p0 v8, v7;
	_ =	sdelay $0x1  }
0x211: {  	[tilespmem:v9+s18+$0x0] =	vst.idx.msk @p0 $0xffff, v8  }
0x212: {  	v8 =	vld.idx.msk @p0 [tilespmem:v10+s23+$0x0], $0xffff;
	_ =	sdelay $0x1  }
0x213: {  	v9 =	vor.u32 @p0 $0x2, v5  }
0x214: {  	v10 =	vor.u32 @p0 $0x3, v6;
	_ =	sdelay $0x1  }
0x215: {  	v8 =	vmul.f32 @p0 v8, v7;
	_ =	sdelay $0x1  }
0x216: {  	[tilespmem:v9+s18+$0x0] =	vst.idx.msk @p0 $0xffff, v8  }
0x217: {  	v8 =	vld.idx.msk @p0 [tilespmem:v10+s23+$0x0], $0xffff;
	_ =	sdelay $0x1  }
0x218: {  	v9 =	vor.u32 @p0 $0x3, v5  }
0x219: {  	v10 =	vor.u32 @p0 $0x4, v6;
	_ =	sdelay $0x1  }
0x21a: {  	v8 =	vmul.f32 @p0 v8, v7;
	_ =	sdelay $0x1  }
0x21b: {  	[tilespmem:v9+s18+$0x0] =	vst.idx.msk @p0 $0xffff, v8  }
0x21c: {  	v8 =	vld.idx.msk @p0 [tilespmem:v10+s23+$0x0], $0xffff;
	_ =	sdelay $0x1  }
0x21d: {  	v9 =	vor.u32 @p0 $0x4, v5  }
0x21e: {  	v10 =	vor.u32 @p0 $0x5, v6;
	_ =	sdelay $0x1  }
0x21f: {  	v8 =	vmul.f32 @p0 v8, v7;
	_ =	sdelay $0x1  }
0x220: {  	[tilespmem:v9+s18+$0x0] =	vst.idx.msk @p0 $0xffff, v8  }
0x221: {  	v8 =	vld.idx.msk @p0 [tilespmem:v10+s23+$0x0], $0xffff;
	_ =	sdelay $0x1  }
0x222: {  	v9 =	vor.u32 @p0 $0x5, v5  }
0x223: {  	v10 =	vor.u32 @p0 $0x6, v6;
	_ =	sdelay $0x1  }
0x224: {  	v8 =	vmul.f32 @p0 v8, v7;
	_ =	sdelay $0x1  }
0x225: {  	[tilespmem:v9+s18+$0x0] =	vst.idx.msk @p0 $0xffff, v8  }
0x226: {  	v8 =	vld.idx.msk @p0 [tilespmem:v10+s23+$0x0], $0xffff;
	_ =	sdelay $0x1  }
0x227: {  	v9 =	vor.u32 @p0 $0x6, v5  }
0x228: {  	v6 =	vor.u32 @p0 $0x7, v6;
	_ =	sdelay $0x1  }
0x229: {  	v8 =	vmul.f32 @p0 v8, v7;
	_ =	sdelay $0x1  }
0x22a: {  	[tilespmem:v9+s18+$0x0] =	vst.idx.msk @p0 $0xffff, v8  }
0x22b: {  	v6 =	vld.idx.msk @p0 [tilespmem:v6+s23+$0x0], $0xffff;
	_ =	sdelay $0x1  }
0x22c: {  	v5 =	vor.u32 @p0 $0x7, v5;
	_ =	sdelay $0x2  }
0x22d: {  	v6 =	vmul.f32 @p0 v6, v7;
	_ =	sdelay $0x1  }
0x22e: {  	s24 =	simm.s32 @p0 $0x3430;
	s25 =	simm.s32 @p0 $0x1;
	s23 =	simm.s32 @p0 $0x10;
	[tilespmem:v5+s18+$0x0] =	vst.idx.msk @p0 $0xffff, v6  }
0x22f: {  	[spmem:s2] =	stream.indirect.scatter.add.f32 @p0 [tilespmem:s18], [sflag:$0x1], $0x8, s24, s23, $0xb8;
	[tilespmem:$0x14678] =	vst v63  }
0x230: {  	_ =	swait.ge @p0 [sflag:s25], $0x80  }
0x231: {  	[sflag:s25] =	ssyncset.done @p0 $0x0  }
0x232: {  	[sflag:s25] =	ssyncadd.s32 @p0 $0xFFFFFF80  }
.LBB2_28:
0x233: {  	s20 =	sadd.s32 $0x1, s20  }
0x234: {  	p0 =	sne.s32 s20, $0x5  }
.Ltmp23:
0x235: {  	_ = 	snop;
	(pc) =	sbr.rel @!p0 .LBB2_29-.Ltmp23, $2  }
0x236: {  	_ =	sdelay $0x2  }
0x237: {  	s21 =	sadd.s32 $0x100, s21;
	s19 =	sadd.s32 $0x10, s19  }
.LBB2_24:
0x238: {  	v5 =	vmov s20  }
0x239: {  	v5 =	vand.u32 $0x7, v5  }
0x23a: {  	v5 =	vbroadcast v5, $0x0;
	_ =	sdelay $0x1  }
0x23b: {  	v5 =	vor.u32 v3, v5;
	_ =	sdelay $0x4  }
0x23c: {  	v5 =	vld.idx.msk [tilespmem:v5+s11+$0x0], $0xffff;
	_ =	sdelay $0x4  }
0x23d: {  	vm0 =	veq.s32 v5, $0x0  }
0x23e: {  	v5 =	vsel vm0, $0x0, v2  }
0x23f: {  	(xrf0) =	vmax.scan.msk.f32 $0xffff, v5;
	_ =	sdelay $0x5  }
0x240: {  	v5, _, _ =	vpop (xrf0)  }
0x241: {  	(v2sf) =	vpush v5, $0xF;
	_ =	sdelay $0xe  }
0x242: {  	s18 =	spop (v2sf)  }
0x243: {  	p0 =	sgt.f32 s18, $0.0e+00  }
.Ltmp24:
0x244: {  	_ = 	snop;
	(pc) =	sbr.rel @!p0 .LBB2_28-.Ltmp24, $1  }
0x245: {  	_ =	sdelay $0x3  }
0x246: {  	s18 =	sadd.s32 $0x0, s19  }
0x247: {  	v5 =	vmov s18  }
0x248: {  	v6 =	vand.u32 $0x78, v5  }
0x249: {  	v5 =	vand.u32 $0x7, v5;
	v6 =	vadd.s32 v4, v6  }
0x24a: {  	v5 =	vor.u32 v5, v6;
	_ =	sdelay $0x4  }
0x24b: {  	v5 =	vld.idx.msk [tilespmem:v5+s12+$0x0], $0xffff;
	_ =	sdelay $0x4  }
0x24c: {  	vm0 =	veq.s32 v5, $0x0  }
0x24d: {  	v5 =	vsel vm0, $0x0, v2  }
0x24e: {  	(xrf0) =	vmax.scan.msk.f32 $0xffff, v5;
	_ =	sdelay $0x5  }
0x24f: {  	v5, _, _ =	vpop (xrf0)  }
0x250: {  	(v2sf) =	vpush v5, $0xF;
	_ =	sdelay $0xe  }
0x251: {  	s26 =	spop (v2sf)  }
0x252: {  	p0 =	sgt.f32 s26, $0.0e+00;
	_ =	sdelay $0x1  }
0x253: {  	v5 =	vlaneseq.u32 @p0  }
0x254: {  	v6 =	vor.u32 @p0 s21, v5;
	v7 =	vor.u32 @p0 $0xFFFFFFF8, v5  }
0x255: {  	v7 =	vand.u32 @p0 v7, v6;
	_ =	sdelay $0x3  }
0x256: {  	s18 =	simm.s32 @p0 $0x420  }
0x257: {  	v8 =	vld.idx.msk @p0 [tilespmem:v7+s18+$0x0], $0xffff;
	_ =	sdelay $0x1  }
0x258: {  	v6 =	vshll.u32 @p0 v6, $0x3;
	_ =	sdelay $0x2  }
0x259: {  	s18 =	simm.s32 @p0 $0x0;
	[tilespmem:$0x3430] =	vst @p0 v8  }
0x25a: {  	s23 =	simm.s32 @p0 $0x840;
	v7 =	vld.idx.msk @p0 [tilespmem:v7+s18+$0x0], $0xffff  }
0x25b: {  	v8 =	vld.idx.msk @p0 [tilespmem:v6+s23+$0x0], $0xffff  }
0x25c: {  	v5 =	vmul.u32 @p0 $0x8, v5;
	_ =	sdelay $0x1  }
0x25d: {  	v9 =	vor.u32 @p0 $0x1, v6;
	_ =	sdelay $0x1  }
0x25e: {  	v8 =	vmul.f32 @p0 v8, v7  }
0x25f: {  	s18 =	simm.s32 @p0 $0x33B0  }
0x260: {  	[tilespmem:v5+s18+$0x0] =	vst.idx.msk @p0 $0xffff, v8  }
0x261: {  	v8 =	vld.idx.msk @p0 [tilespmem:v9+s23+$0x0], $0xffff;
	_ =	sdelay $0x1  }
0x262: {  	v9 =	vor.u32 @p0 $0x1, v5  }
0x263: {  	v10 =	vor.u32 @p0 $0x2, v6;
	_ =	sdelay $0x1  }
0x264: {  	v8 =	vmul.f32 @p0 v8, v7;
	_ =	sdelay $0x1  }
0x265: {  	[tilespmem:v9+s18+$0x0] =	vst.idx.msk @p0 $0xffff, v8  }
0x266: {  	v8 =	vld.idx.msk @p0 [tilespmem:v10+s23+$0x0], $0xffff;
	_ =	sdelay $0x1  }
0x267: {  	v9 =	vor.u32 @p0 $0x2, v5  }
0x268: {  	v10 =	vor.u32 @p0 $0x3, v6;
	_ =	sdelay $0x1  }
0x269: {  	v8 =	vmul.f32 @p0 v8, v7;
	_ =	sdelay $0x1  }
0x26a: {  	[tilespmem:v9+s18+$0x0] =	vst.idx.msk @p0 $0xffff, v8  }
0x26b: {  	v8 =	vld.idx.msk @p0 [tilespmem:v10+s23+$0x0], $0xffff;
	_ =	sdelay $0x1  }
0x26c: {  	v9 =	vor.u32 @p0 $0x3, v5  }
0x26d: {  	v10 =	vor.u32 @p0 $0x4, v6;
	_ =	sdelay $0x1  }
0x26e: {  	v8 =	vmul.f32 @p0 v8, v7;
	_ =	sdelay $0x1  }
0x26f: {  	[tilespmem:v9+s18+$0x0] =	vst.idx.msk @p0 $0xffff, v8  }
0x270: {  	v8 =	vld.idx.msk @p0 [tilespmem:v10+s23+$0x0], $0xffff;
	_ =	sdelay $0x1  }
0x271: {  	v9 =	vor.u32 @p0 $0x4, v5  }
0x272: {  	v10 =	vor.u32 @p0 $0x5, v6;
	_ =	sdelay $0x1  }
0x273: {  	v8 =	vmul.f32 @p0 v8, v7;
	_ =	sdelay $0x1  }
0x274: {  	[tilespmem:v9+s18+$0x0] =	vst.idx.msk @p0 $0xffff, v8  }
0x275: {  	v8 =	vld.idx.msk @p0 [tilespmem:v10+s23+$0x0], $0xffff;
	_ =	sdelay $0x1  }
0x276: {  	v9 =	vor.u32 @p0 $0x5, v5  }
0x277: {  	v10 =	vor.u32 @p0 $0x6, v6;
	_ =	sdelay $0x1  }
0x278: {  	v8 =	vmul.f32 @p0 v8, v7;
	_ =	sdelay $0x1  }
0x279: {  	[tilespmem:v9+s18+$0x0] =	vst.idx.msk @p0 $0xffff, v8  }
0x27a: {  	v8 =	vld.idx.msk @p0 [tilespmem:v10+s23+$0x0], $0xffff;
	_ =	sdelay $0x1  }
0x27b: {  	v9 =	vor.u32 @p0 $0x6, v5  }
0x27c: {  	v6 =	vor.u32 @p0 $0x7, v6;
	_ =	sdelay $0x1  }
0x27d: {  	v8 =	vmul.f32 @p0 v8, v7;
	_ =	sdelay $0x1  }
0x27e: {  	[tilespmem:v9+s18+$0x0] =	vst.idx.msk @p0 $0xffff, v8  }
0x27f: {  	v6 =	vld.idx.msk @p0 [tilespmem:v6+s23+$0x0], $0xffff;
	_ =	sdelay $0x1  }
0x280: {  	v5 =	vor.u32 @p0 $0x7, v5;
	_ =	sdelay $0x2  }
0x281: {  	s28 =	sadd.s32 $0x1, s19;
	v6 =	vmul.f32 @p0 v6, v7  }
0x282: {  	v7 =	vmov s28  }
0x283: {  	[tilespmem:v5+s18+$0x0] =	vst.idx.msk @p0 $0xffff, v6;
	v5 =	vand.u32 $0x78, v7  }
0x284: {  	s24 =	simm.s32 @p0 $0x3430;
	s26 =	simm.s32 @p0 $0x1;
	s23 =	simm.s32 @p0 $0x10;
	v6 =	vand.u32 $0x7, v7;
	v5 =	vadd.s32 v4, v5  }
0x285: {  	[spmem:s2] =	stream.indirect.scatter.add.f32 @p0 [tilespmem:s18], [sflag:$0x1], $0x8, s24, s23, $0xb8;
	v5 =	vor.u32 v6, v5;
	[tilespmem:$0x14678] =	vst v63  }
0x286: {  	s23 =	simm.s32 $0x2;
	s18 =	smov.u32 s21;
	_ =	swait.ge @p0 [sflag:s26], $0x80  }
.LBB2_26:
0x287: {  	[sflag:s26] =	ssyncset.done @p0 $0x0  }
0x288: {  	s18 =	sadd.s32 $0x10, s18;
	s24 =	smov.u32 s23;
	s23 =	sadd.s32 $0x1, s23  }
0x289: {  	p1 =	sne.s32 s23, $0x10;
	[sflag:s26] =	ssyncadd.s32 @p0 $0xFFFFFF80  }
0x28a: {  	v5 =	vld.idx.msk [tilespmem:v5+s12+$0x0], $0xffff;
	_ =	sdelay $0x5  }
0x28b: {  	vm0 =	veq.s32 v5, $0x0  }
0x28c: {  	v5 =	vsel vm0, $0x0, v2  }
0x28d: {  	(xrf0) =	vmax.scan.msk.f32 $0xffff, v5;
	_ =	sdelay $0x5  }
0x28e: {  	v5, _, _ =	vpop (xrf0)  }
0x28f: {  	(v2sf) =	vpush v5, $0xF;
	_ =	sdelay $0xe  }
0x290: {  	s25 =	spop (v2sf)  }
0x291: {  	p0 =	sgt.f32 s25, $0.0e+00;
	_ =	sdelay $0x1  }
0x292: {  	v5 =	vlaneseq.u32 @p0  }
0x293: {  	v6 =	vor.u32 @p0 s18, v5;
	v7 =	vor.u32 @p0 $0xFFFFFFF8, v5;
	v5 =	vmul.u32 @p0 $0x8, v5  }
0x294: {  	v7 =	vand.u32 @p0 v7, v6;
	v6 =	vshll.u32 @p0 v6, $0x3  }
0x295: {  	v8 =	vor.u32 @p0 $0x1, v6;
	v9 =	vor.u32 @p0 $0x1, v5;
	v10 =	vor.u32 @p0 $0x2, v6  }
0x296: {  	v11 =	vor.u32 @p0 $0x2, v5;
	v12 =	vor.u32 @p0 $0x3, v6;
	v13 =	vor.u32 @p0 $0x3, v5  }
0x297: {  	v14 =	vor.u32 @p0 $0x4, v6;
	v15 =	vor.u32 @p0 $0x4, v5;
	v16 =	vor.u32 @p0 $0x5, v6  }
0x298: {  	s25 =	simm.s32 @p0 $0x420;
	v17 =	vor.u32 @p0 $0x5, v5;
	v18 =	vor.u32 @p0 $0x6, v6;
	v19 =	vor.u32 @p0 $0x6, v5  }
0x299: {  	v21 =	vor.u32 @p0 $0x7, v6;
	v22 =	vor.u32 @p0 $0x7, v5;
	v20 =	vld.idx.msk @p0 [tilespmem:v7+s25+$0x0], $0xffff;
	_ =	sdelay $0x5  }
0x29a: {  	s26 =	simm.s32 @p0 $0x840;
	s25 =	simm.s32 @p0 $0x0;
	[tilespmem:$0x3430] =	vst @p0 v20  }
0x29b: {  	v7 =	vld.idx.msk @p0 [tilespmem:v7+s25+$0x0], $0xffff  }
0x29c: {  	v6 =	vld.idx.msk @p0 [tilespmem:v6+s26+$0x0], $0xffff;
	_ =	sdelay $0x5  }
0x29d: {  	s25 =	simm.s32 @p0 $0x33B0;
	v6 =	vmul.f32 @p0 v6, v7;
	_ =	sdelay $0x1  }
0x29e: {  	[tilespmem:v5+s25+$0x0] =	vst.idx.msk @p0 $0xffff, v6  }
0x29f: {  	v5 =	vld.idx.msk @p0 [tilespmem:v8+s26+$0x0], $0xffff;
	_ =	sdelay $0x5  }
0x2a0: {  	v5 =	vmul.f32 @p0 v5, v7;
	_ =	sdelay $0x1  }
0x2a1: {  	[tilespmem:v9+s25+$0x0] =	vst.idx.msk @p0 $0xffff, v5  }
0x2a2: {  	v5 =	vld.idx.msk @p0 [tilespmem:v10+s26+$0x0], $0xffff;
	_ =	sdelay $0x5  }
0x2a3: {  	v5 =	vmul.f32 @p0 v5, v7;
	_ =	sdelay $0x1  }
0x2a4: {  	[tilespmem:v11+s25+$0x0] =	vst.idx.msk @p0 $0xffff, v5  }
0x2a5: {  	v5 =	vld.idx.msk @p0 [tilespmem:v12+s26+$0x0], $0xffff;
	_ =	sdelay $0x5  }
0x2a6: {  	v5 =	vmul.f32 @p0 v5, v7;
	_ =	sdelay $0x1  }
0x2a7: {  	[tilespmem:v13+s25+$0x0] =	vst.idx.msk @p0 $0xffff, v5  }
0x2a8: {  	v5 =	vld.idx.msk @p0 [tilespmem:v14+s26+$0x0], $0xffff;
	_ =	sdelay $0x5  }
0x2a9: {  	v5 =	vmul.f32 @p0 v5, v7;
	_ =	sdelay $0x1  }
0x2aa: {  	[tilespmem:v15+s25+$0x0] =	vst.idx.msk @p0 $0xffff, v5  }
0x2ab: {  	v5 =	vld.idx.msk @p0 [tilespmem:v16+s26+$0x0], $0xffff;
	_ =	sdelay $0x5  }
0x2ac: {  	v5 =	vmul.f32 @p0 v5, v7;
	_ =	sdelay $0x1  }
0x2ad: {  	[tilespmem:v17+s25+$0x0] =	vst.idx.msk @p0 $0xffff, v5  }
0x2ae: {  	v5 =	vld.idx.msk @p0 [tilespmem:v18+s26+$0x0], $0xffff;
	_ =	sdelay $0x5  }
0x2af: {  	v5 =	vmul.f32 @p0 v5, v7;
	_ =	sdelay $0x1  }
0x2b0: {  	[tilespmem:v19+s25+$0x0] =	vst.idx.msk @p0 $0xffff, v5  }
0x2b1: {  	v5 =	vld.idx.msk @p0 [tilespmem:v21+s26+$0x0], $0xffff;
	_ =	sdelay $0x3  }
0x2b2: {  	s24 =	sadd.s32 s24, s19  }
0x2b3: {  	v6 =	vmov s24  }
.Ltmp25:
0x2b4: {  	v8 =	vand.u32 $0x78, v6;
	v7 =	vmul.f32 @p0 v5, v7;
	(pc) =	sbr.rel @p1 .LBB2_26-.Ltmp25, $4  }
0x2b5: {  	s28 =	simm.s32 @p0 $0x3430;
	s24 =	simm.s32 @p0 $0x10;
	v5 =	vand.u32 $0x7, v6;
	v6 =	vadd.s32 v4, v8  }
0x2b6: {  	s26 =	simm.s32 @p0 $0x1;
	v5 =	vor.u32 v5, v6;
	[tilespmem:v22+s25+$0x0] =	vst.idx.msk @p0 $0xffff, v7  }
0x2b7: {  	[spmem:s2] =	stream.indirect.scatter.add.f32 @p0 [tilespmem:s25], [sflag:$0x1], $0x8, s28, s24, $0xb8;
	[tilespmem:$0x14678] =	vst v63  }
0x2b8: {  	_ =	swait.ge @p0 [sflag:s26], $0x80  }
.Ltmp26:
0x2b9: {  	_ = 	snop;
	(pc) =	sbr.rel .LBB2_27-.Ltmp26, $1  }
0x2ba: {  	_ =	sdelay $0x3  }
.LBB2_30:
0x2bb: {  	[bflag:$0x0] =	sbarrier.arrive $0xFFFF  }
0x2bc: {  	s17 =	rddreg [dreg:$0xb]  }
0x2bd: {  	[hbm:s17], [sflag:s15] =	dma.local [spmem:s16], $0x1FA4  }
.Ltmp27:
0x2be: {  	_ =	swait.ge [sflag:s10], $0x1FA4;
	(pc) =	sbr.rel .LBB2_31-.Ltmp27, $4  }
0x2bf: {  	[sflag:s10] =	ssyncset.done $0x0  }
0x2c0: {  	[sflag:s10] =	ssyncadd.s32 $0xFFFFE05C  }
0x2c1: {  	[bflag:$0x0] =	sbarrier.arrive $0xFFFF  }
0x2c2: {  	s17 =	simm.s32 $0x0  }
.LBB2_38:
0x2c3: {  	s17 =	sadd.s32 $0x1, s17  }
0x2c4: {  	p0 =	sne.s32 s17, $0x1E  }
.Ltmp28:
0x2c5: {  	_ = 	snop;
	(pc) =	sbr.rel @!p0 .LBB2_39-.Ltmp28, $1  }
0x2c6: {  	_ =	sdelay $0x3  }
.LBB2_31:
0x2c7: {  	v4 =	vmov s17;
	_ =	sdelay $0x4  }
0x2c8: {  	v3 =	vld.idx.msk [tilespmem:v4+s9+$0x0], $0xffff;
	_ =	sdelay $0x4  }
0x2c9: {  	vm0 =	veq.s32 v3, $0x0  }
0x2ca: {  	v3 =	vsel vm0, $0x0, v2  }
0x2cb: {  	(xrf0) =	vmax.scan.msk.f32 $0xffff, v3;
	_ =	sdelay $0x5  }
0x2cc: {  	v3, _, _ =	vpop (xrf0)  }
0x2cd: {  	(v2sf) =	vpush v3, $0xF;
	_ =	sdelay $0xe  }
0x2ce: {  	s18 =	spop (v2sf)  }
0x2cf: {  	p0 =	sgt.f32 s18, $0.0e+00  }
.Ltmp29:
0x2d0: {  	_ = 	snop;
	(pc) =	sbr.rel @!p0 .LBB2_38-.Ltmp29, $1  }
0x2d1: {  	_ =	sdelay $0x3  }
0x2d2: {  	s18 =	smul.u32 $0x4200, s17;
	_ =	sdelay $0x1  }
0x2d3: {  	s18 =	sadd.s32 s6, s18  }
0x2d4: {  	s18 =	sshrl.u32 s18, $0x3  }
.Ltmp30:
0x2d5: {  	s19 =	sadd.s32 s5, s18;
	s18 =	simm.s32 $0x0;
	(pc) =	sbr.rel .LBB2_33-.Ltmp30, $4  }
0x2d6: {  	[tilespmem:s14], [sflag:$0x1] =	stream.linear.gather [hbm4b:s19+s18], $0x420, $0x38;
	[tilespmem:$0x14678] =	vst v63  }
0x2d7: {  	_ =	swait.ge [sflag:s10], $0x420  }
0x2d8: {  	[sflag:s10] =	ssyncset.done $0x0  }
0x2d9: {  	v3 =	vshll.u32 v4, $0x3;
	v4 =	vmul.u32 $0x50, v4;
	s20 =	simm.s32 $0x0;
	s19 =	simm.s32 $0x0;
	[sflag:s10] =	ssyncadd.s32 $0xFFFFFBE0  }
.LBB2_36:
0x2da: {  	_ =	sdelay $0x2  }
0x2db: {  	[sflag:s24] =	ssyncadd.s32 @p1 $0xFFFFFF80  }
0x2dc: {  	v5 =	vld.idx.msk [tilespmem:v5+s12+$0x0], $0xffff;
	_ =	sdelay $0x4  }
0x2dd: {  	vm0 =	veq.s32 v5, $0x0  }
0x2de: {  	v5 =	vsel vm0, $0x0, v2  }
0x2df: {  	(xrf0) =	vmax.scan.msk.f32 $0xffff, v5;
	_ =	sdelay $0x5  }
0x2e0: {  	v5, _, _ =	vpop (xrf0)  }
0x2e1: {  	(v2sf) =	vpush v5, $0xF;
	_ =	sdelay $0xe  }
0x2e2: {  	s23 =	spop (v2sf)  }
0x2e3: {  	p0 =	sgt.f32 s23, $0.0e+00;
	_ =	sdelay $0x1  }
0x2e4: {  	s21 =	sadd.s32 $0x10, s21;
	v5 =	vlaneseq.u32 @p0  }
0x2e5: {  	v5 =	vor.u32 @p0 s21, v5;
	_ =	sdelay $0x3  }
0x2e6: {  	s21 =	simm.s32 @p0 $0x420  }
0x2e7: {  	v5 =	vld.idx.msk @p0 [tilespmem:v5+s21+$0x0], $0xffff;
	_ =	sdelay $0x3  }
0x2e8: {  	s23 =	simm.s32 @p0 $0x10  }
0x2e9: {  	s24 =	simm.s32 @p0 $0x3430;
	s25 =	simm.s32 @p0 $0x3440;
	s21 =	simm.s32 @p0 $0x1;
	[tilespmem:$0x3430] =	vst @p0 v5  }
0x2ea: {  	[spmem:s2] =	stream.indirect.scatter @p0 [tilespmem:s25], [sflag:$0x1], $0x8, s24, s23, $0xb8;
	[tilespmem:$0x14678] =	vst v63  }
0x2eb: {  	_ =	swait.ge @p0 [sflag:s21], $0x80  }
0x2ec: {  	[sflag:s21] =	ssyncset.done @p0 $0x0  }
0x2ed: {  	[sflag:s21] =	ssyncadd.s32 @p0 $0xFFFFFF80  }
.LBB2_37:
0x2ee: {  	s20 =	sadd.s32 $0x1, s20  }
0x2ef: {  	p0 =	sne.s32 s20, $0x5  }
.Ltmp31:
0x2f0: {  	_ = 	snop;
	(pc) =	sbr.rel @!p0 .LBB2_38-.Ltmp31, $2  }
0x2f1: {  	_ =	sdelay $0x2  }
0x2f2: {  	s18 =	sadd.s32 $0x100, s18;
	s19 =	sadd.s32 $0x10, s19  }
.LBB2_33:
0x2f3: {  	v5 =	vmov s20  }
0x2f4: {  	v5 =	vand.u32 $0x7, v5  }
0x2f5: {  	v5 =	vbroadcast v5, $0x0;
	_ =	sdelay $0x1  }
0x2f6: {  	v5 =	vor.u32 v3, v5;
	_ =	sdelay $0x4  }
0x2f7: {  	v5 =	vld.idx.msk [tilespmem:v5+s11+$0x0], $0xffff;
	_ =	sdelay $0x4  }
0x2f8: {  	vm0 =	veq.s32 v5, $0x0  }
0x2f9: {  	v5 =	vsel vm0, $0x0, v2  }
0x2fa: {  	(xrf0) =	vmax.scan.msk.f32 $0xffff, v5;
	_ =	sdelay $0x5  }
0x2fb: {  	v5, _, _ =	vpop (xrf0)  }
0x2fc: {  	(v2sf) =	vpush v5, $0xF;
	_ =	sdelay $0xe  }
0x2fd: {  	s21 =	spop (v2sf)  }
0x2fe: {  	p0 =	sgt.f32 s21, $0.0e+00  }
.Ltmp32:
0x2ff: {  	_ = 	snop;
	(pc) =	sbr.rel @!p0 .LBB2_37-.Ltmp32, $1  }
0x300: {  	_ =	sdelay $0x3  }
0x301: {  	s21 =	sadd.s32 $0x0, s19  }
0x302: {  	v5 =	vmov s21  }
0x303: {  	v6 =	vand.u32 $0x78, v5  }
0x304: {  	v5 =	vand.u32 $0x7, v5;
	v6 =	vadd.s32 v4, v6  }
0x305: {  	v5 =	vor.u32 v5, v6;
	_ =	sdelay $0x4  }
0x306: {  	v5 =	vld.idx.msk [tilespmem:v5+s12+$0x0], $0xffff;
	_ =	sdelay $0x4  }
0x307: {  	vm0 =	veq.s32 v5, $0x0  }
0x308: {  	v5 =	vsel vm0, $0x0, v2  }
0x309: {  	(xrf0) =	vmax.scan.msk.f32 $0xffff, v5;
	_ =	sdelay $0x5  }
0x30a: {  	v5, _, _ =	vpop (xrf0)  }
0x30b: {  	(v2sf) =	vpush v5, $0xF;
	_ =	sdelay $0xe  }
0x30c: {  	s26 =	spop (v2sf)  }
0x30d: {  	p1 =	sgt.f32 s26, $0.0e+00;
	_ =	sdelay $0x1  }
0x30e: {  	v5 =	vlaneseq.u32 @p1  }
0x30f: {  	v5 =	vor.u32 @p1 s18, v5;
	_ =	sdelay $0x3  }
0x310: {  	s21 =	simm.s32 @p1 $0x420  }
0x311: {  	v5 =	vld.idx.msk @p1 [tilespmem:v5+s21+$0x0], $0xffff;
	_ =	sdelay $0x2  }
0x312: {  	s28 =	sadd.s32 $0x1, s19  }
0x313: {  	v6 =	vmov s28  }
0x314: {  	s24 =	simm.s32 @p1 $0x1;
	[tilespmem:$0x3430] =	vst @p1 v5;
	v5 =	vand.u32 $0x78, v6  }
0x315: {  	s23 =	simm.s32 @p1 $0x3430;
	s25 =	simm.s32 @p1 $0x3440;
	s21 =	simm.s32 @p1 $0x10;
	v6 =	vand.u32 $0x7, v6;
	v5 =	vadd.s32 v4, v5  }
0x316: {  	[spmem:s2] =	stream.indirect.scatter @p1 [tilespmem:s25], [sflag:$0x1], $0x8, s23, s21, $0xb8;
	v5 =	vor.u32 v6, v5;
	[tilespmem:$0x14678] =	vst v63  }
0x317: {  	_ =	swait.ge @p1 [sflag:s24], $0x80  }
0x318: {  	s23 =	simm.s32 $0x2;
	s21 =	smov.u32 s18;
	[sflag:s24] =	ssyncset.done @p1 $0x0  }
.LBB2_35:
0x319: {  	[sflag:s24] =	ssyncadd.s32 @p1 $0xFFFFFF80  }
0x31a: {  	s21 =	sadd.s32 $0x10, s21;
	s24 =	smov.u32 s23;
	s23 =	sadd.s32 $0x1, s23  }
0x31b: {  	p0 =	sne.s32 s23, $0x10;
	v5 =	vld.idx.msk [tilespmem:v5+s12+$0x0], $0xffff;
	_ =	sdelay $0x5  }
0x31c: {  	vm0 =	veq.s32 v5, $0x0  }
0x31d: {  	v5 =	vsel vm0, $0x0, v2  }
0x31e: {  	(xrf0) =	vmax.scan.msk.f32 $0xffff, v5;
	_ =	sdelay $0x5  }
0x31f: {  	v5, _, _ =	vpop (xrf0)  }
0x320: {  	(v2sf) =	vpush v5, $0xF;
	_ =	sdelay $0xe  }
0x321: {  	s25 =	spop (v2sf)  }
0x322: {  	p1 =	sgt.f32 s25, $0.0e+00;
	_ =	sdelay $0x1  }
0x323: {  	v5 =	vlaneseq.u32 @p1  }
0x324: {  	v5 =	vor.u32 @p1 s21, v5;
	_ =	sdelay $0x3  }
0x325: {  	s25 =	simm.s32 @p1 $0x420  }
0x326: {  	v6 =	vld.idx.msk @p1 [tilespmem:v5+s25+$0x0], $0xffff;
	_ =	sdelay $0x1  }
0x327: {  	s24 =	sadd.s32 s24, s19  }
0x328: {  	v5 =	vmov s24  }
0x329: {  	v7 =	vand.u32 $0x78, v5  }
.Ltmp33:
0x32a: {  	s24 =	simm.s32 @p1 $0x1;
	v5 =	vand.u32 $0x7, v5;
	v7 =	vadd.s32 v4, v7;
	(pc) =	sbr.rel @p0 .LBB2_35-.Ltmp33, $4  }
0x32b: {  	s26 =	simm.s32 @p1 $0x3430;
	s28 =	simm.s32 @p1 $0x3440;
	s25 =	simm.s32 @p1 $0x10;
	v5 =	vor.u32 v5, v7;
	[tilespmem:$0x3430] =	vst @p1 v6  }
0x32c: {  	[spmem:s2] =	stream.indirect.scatter @p1 [tilespmem:s28], [sflag:$0x1], $0x8, s26, s25, $0xb8;
	[tilespmem:$0x14678] =	vst v63  }
0x32d: {  	_ =	swait.ge @p1 [sflag:s24], $0x80  }
0x32e: {  	[sflag:s24] =	ssyncset.done @p1 $0x0  }
.Ltmp34:
0x32f: {  	_ = 	snop;
	(pc) =	sbr.rel .LBB2_36-.Ltmp34, $1  }
0x330: {  	_ =	sdelay $0x3  }
.LBB2_39:
0x331: {  	s17 =	simm.s32 $0x0;
	s18 =	rddreg [dreg:$0xc]  }
0x332: {  	[tilespmem:s13], [sflag:$0x1] =	stream.linear.gather [hbm4b:s18+s17], $0x2100, $0x38;
	[tilespmem:$0x14678] =	vst v63  }
.Ltmp35:
0x333: {  	_ =	swait.ge [sflag:s10], $0x2100;
	(pc) =	sbr.rel .LBB2_40-.Ltmp35, $3  }
0x334: {  	[sflag:s10] =	ssyncset.done $0x0  }
0x335: {  	[sflag:s10] =	ssyncadd.s32 $0xFFFFDF00  }
0x336: {  	[bflag:$0x0] =	sbarrier.arrive $0xFFFF;
	_ =	sdelay $0x1  }
.LBB2_47:
0x337: {  	s17 =	sadd.s32 $0x1, s17  }
0x338: {  	p0 =	sne.s32 s17, $0x1E  }
.Ltmp36:
0x339: {  	_ = 	snop;
	(pc) =	sbr.rel @!p0 .LBB2_48-.Ltmp36, $1  }
0x33a: {  	_ =	sdelay $0x3  }
.LBB2_40:
0x33b: {  	v4 =	vmov s17;
	_ =	sdelay $0x4  }
0x33c: {  	v3 =	vld.idx.msk [tilespmem:v4+s9+$0x0], $0xffff;
	_ =	sdelay $0x4  }
0x33d: {  	vm0 =	veq.s32 v3, $0x0  }
0x33e: {  	v3 =	vsel vm0, $0x0, v2  }
0x33f: {  	(xrf0) =	vmax.scan.msk.f32 $0xffff, v3;
	_ =	sdelay $0x5  }
0x340: {  	v3, _, _ =	vpop (xrf0)  }
0x341: {  	(v2sf) =	vpush v3, $0xF;
	_ =	sdelay $0xe  }
0x342: {  	s18 =	spop (v2sf)  }
0x343: {  	p0 =	sgt.f32 s18, $0.0e+00  }
.Ltmp37:
0x344: {  	_ = 	snop;
	(pc) =	sbr.rel @!p0 .LBB2_47-.Ltmp37, $1  }
0x345: {  	_ =	sdelay $0x3  }
0x346: {  	s18 =	smul.u32 $0x4200, s17;
	_ =	sdelay $0x1  }
0x347: {  	s18 =	sadd.s32 s6, s18  }
0x348: {  	s19 =	sshrl.u32 s18, $0x3  }
0x349: {  	s18 =	simm.s32 $0x0;
	s20 =	sadd.s32 s4, s19  }
0x34a: {  	[tilespmem:s18], [sflag:$0x1] =	stream.linear.gather [hbm4b:s20+s18], $0x420, $0x38;
	[tilespmem:$0x14678] =	vst v63  }
0x34b: {  	_ =	swait.ge [sflag:s10], $0x420  }
0x34c: {  	[sflag:s10] =	ssyncset.done $0x0  }
.Ltmp38:
0x34d: {  	s19 =	sadd.s32 s5, s19;
	[sflag:s10] =	ssyncadd.s32 $0xFFFFFBE0;
	(pc) =	sbr.rel .LBB2_42-.Ltmp38, $4  }
0x34e: {  	[tilespmem:s14], [sflag:$0x1] =	stream.linear.gather [hbm4b:s19+s18], $0x420, $0x38;
	[tilespmem:$0x14678] =	vst v63  }
0x34f: {  	_ =	swait.ge [sflag:s10], $0x420  }
0x350: {  	[sflag:s10] =	ssyncset.done $0x0  }
0x351: {  	v3 =	vshll.u32 v4, $0x3;
	v4 =	vmul.u32 $0x50, v4;
	s20 =	simm.s32 $0x0;
	s19 =	simm.s32 $0x0;
	[sflag:s10] =	ssyncadd.s32 $0xFFFFFBE0  }
.LBB2_45:
0x352: {  	_ =	sdelay $0x1  }
0x353: {  	[sflag:s26] =	ssyncset.done @p0 $0x0  }
0x354: {  	[sflag:s26] =	ssyncadd.s32 @p0 $0xFFFFFF80  }
0x355: {  	v5 =	vld.idx.msk [tilespmem:v5+s12+$0x0], $0xffff;
	_ =	sdelay $0x4  }
0x356: {  	vm0 =	veq.s32 v5, $0x0  }
0x357: {  	v5 =	vsel vm0, $0x0, v2  }
0x358: {  	(xrf0) =	vmax.scan.msk.f32 $0xffff, v5;
	_ =	sdelay $0x5  }
0x359: {  	v5, _, _ =	vpop (xrf0)  }
0x35a: {  	(v2sf) =	vpush v5, $0xF;
	_ =	sdelay $0xe  }
0x35b: {  	s23 =	spop (v2sf)  }
0x35c: {  	p0 =	sgt.f32 s23, $0.0e+00;
	_ =	sdelay $0x1  }
0x35d: {  	s21 =	sadd.s32 $0x10, s21;
	v5 =	vlaneseq.u32 @p0  }
0x35e: {  	v6 =	vor.u32 @p0 s21, v5;
	v7 =	vor.u32 @p0 $0xFFFFFFF8, v5  }
0x35f: {  	v7 =	vand.u32 @p0 v7, v6;
	_ =	sdelay $0x3  }
0x360: {  	s21 =	simm.s32 @p0 $0x420  }
0x361: {  	v8 =	vld.idx.msk @p0 [tilespmem:v7+s21+$0x0], $0xffff;
	_ =	sdelay $0x1  }
0x362: {  	v6 =	vshll.u32 @p0 v6, $0x3;
	_ =	sdelay $0x2  }
0x363: {  	s21 =	simm.s32 @p0 $0x0;
	[tilespmem:$0x3430] =	vst @p0 v8  }
0x364: {  	s23 =	simm.s32 @p0 $0x840;
	v7 =	vld.idx.msk @p0 [tilespmem:v7+s21+$0x0], $0xffff  }
0x365: {  	v8 =	vld.idx.msk @p0 [tilespmem:v6+s23+$0x0], $0xffff  }
0x366: {  	v5 =	vmul.u32 @p0 $0x8, v5;
	_ =	sdelay $0x1  }
0x367: {  	v9 =	vor.u32 @p0 $0x1, v6;
	_ =	sdelay $0x1  }
0x368: {  	v8 =	vmul.f32 @p0 v8, v7  }
0x369: {  	s21 =	simm.s32 @p0 $0x33B0  }
0x36a: {  	[tilespmem:v5+s21+$0x0] =	vst.idx.msk @p0 $0xffff, v8  }
0x36b: {  	v8 =	vld.idx.msk @p0 [tilespmem:v9+s23+$0x0], $0xffff;
	_ =	sdelay $0x1  }
0x36c: {  	v9 =	vor.u32 @p0 $0x1, v5  }
0x36d: {  	v10 =	vor.u32 @p0 $0x2, v6;
	_ =	sdelay $0x1  }
0x36e: {  	v8 =	vmul.f32 @p0 v8, v7;
	_ =	sdelay $0x1  }
0x36f: {  	[tilespmem:v9+s21+$0x0] =	vst.idx.msk @p0 $0xffff, v8  }
0x370: {  	v8 =	vld.idx.msk @p0 [tilespmem:v10+s23+$0x0], $0xffff;
	_ =	sdelay $0x1  }
0x371: {  	v9 =	vor.u32 @p0 $0x2, v5  }
0x372: {  	v10 =	vor.u32 @p0 $0x3, v6;
	_ =	sdelay $0x1  }
0x373: {  	v8 =	vmul.f32 @p0 v8, v7;
	_ =	sdelay $0x1  }
0x374: {  	[tilespmem:v9+s21+$0x0] =	vst.idx.msk @p0 $0xffff, v8  }
0x375: {  	v8 =	vld.idx.msk @p0 [tilespmem:v10+s23+$0x0], $0xffff;
	_ =	sdelay $0x1  }
0x376: {  	v9 =	vor.u32 @p0 $0x3, v5  }
0x377: {  	v10 =	vor.u32 @p0 $0x4, v6;
	_ =	sdelay $0x1  }
0x378: {  	v8 =	vmul.f32 @p0 v8, v7;
	_ =	sdelay $0x1  }
0x379: {  	[tilespmem:v9+s21+$0x0] =	vst.idx.msk @p0 $0xffff, v8  }
0x37a: {  	v8 =	vld.idx.msk @p0 [tilespmem:v10+s23+$0x0], $0xffff;
	_ =	sdelay $0x1  }
0x37b: {  	v9 =	vor.u32 @p0 $0x4, v5  }
0x37c: {  	v10 =	vor.u32 @p0 $0x5, v6;
	_ =	sdelay $0x1  }
0x37d: {  	v8 =	vmul.f32 @p0 v8, v7;
	_ =	sdelay $0x1  }
0x37e: {  	[tilespmem:v9+s21+$0x0] =	vst.idx.msk @p0 $0xffff, v8  }
0x37f: {  	v8 =	vld.idx.msk @p0 [tilespmem:v10+s23+$0x0], $0xffff;
	_ =	sdelay $0x1  }
0x380: {  	v9 =	vor.u32 @p0 $0x5, v5  }
0x381: {  	v10 =	vor.u32 @p0 $0x6, v6;
	_ =	sdelay $0x1  }
0x382: {  	v8 =	vmul.f32 @p0 v8, v7;
	_ =	sdelay $0x1  }
0x383: {  	[tilespmem:v9+s21+$0x0] =	vst.idx.msk @p0 $0xffff, v8  }
0x384: {  	v8 =	vld.idx.msk @p0 [tilespmem:v10+s23+$0x0], $0xffff;
	_ =	sdelay $0x1  }
0x385: {  	v9 =	vor.u32 @p0 $0x6, v5  }
0x386: {  	v6 =	vor.u32 @p0 $0x7, v6;
	_ =	sdelay $0x1  }
0x387: {  	v8 =	vmul.f32 @p0 v8, v7;
	_ =	sdelay $0x1  }
0x388: {  	[tilespmem:v9+s21+$0x0] =	vst.idx.msk @p0 $0xffff, v8  }
0x389: {  	v6 =	vld.idx.msk @p0 [tilespmem:v6+s23+$0x0], $0xffff;
	_ =	sdelay $0x1  }
0x38a: {  	v5 =	vor.u32 @p0 $0x7, v5;
	_ =	sdelay $0x2  }
0x38b: {  	v6 =	vmul.f32 @p0 v6, v7;
	_ =	sdelay $0x1  }
0x38c: {  	s24 =	simm.s32 @p0 $0x3430;
	s25 =	simm.s32 @p0 $0x1;
	s23 =	simm.s32 @p0 $0x10;
	[tilespmem:v5+s21+$0x0] =	vst.idx.msk @p0 $0xffff, v6  }
0x38d: {  	[spmem:s2] =	stream.indirect.scatter.add.f32 @p0 [tilespmem:s21], [sflag:$0x1], $0x8, s24, s23, $0xb8;
	[tilespmem:$0x14678] =	vst v63  }
0x38e: {  	_ =	swait.ge @p0 [sflag:s25], $0x80  }
0x38f: {  	[sflag:s25] =	ssyncset.done @p0 $0x0  }
0x390: {  	[sflag:s25] =	ssyncadd.s32 @p0 $0xFFFFFF80  }
.LBB2_46:
0x391: {  	s20 =	sadd.s32 $0x1, s20  }
0x392: {  	p0 =	sne.s32 s20, $0x5  }
.Ltmp39:
0x393: {  	_ = 	snop;
	(pc) =	sbr.rel @!p0 .LBB2_47-.Ltmp39, $2  }
0x394: {  	_ =	sdelay $0x2  }
0x395: {  	s18 =	sadd.s32 $0x100, s18;
	s19 =	sadd.s32 $0x10, s19  }
.LBB2_42:
0x396: {  	v5 =	vmov s20  }
0x397: {  	v5 =	vand.u32 $0x7, v5  }
0x398: {  	v5 =	vbroadcast v5, $0x0;
	_ =	sdelay $0x1  }
0x399: {  	v5 =	vor.u32 v3, v5;
	_ =	sdelay $0x4  }
0x39a: {  	v5 =	vld.idx.msk [tilespmem:v5+s11+$0x0], $0xffff;
	_ =	sdelay $0x4  }
0x39b: {  	vm0 =	veq.s32 v5, $0x0  }
0x39c: {  	v5 =	vsel vm0, $0x0, v2  }
0x39d: {  	(xrf0) =	vmax.scan.msk.f32 $0xffff, v5;
	_ =	sdelay $0x5  }
0x39e: {  	v5, _, _ =	vpop (xrf0)  }
0x39f: {  	(v2sf) =	vpush v5, $0xF;
	_ =	sdelay $0xe  }
0x3a0: {  	s21 =	spop (v2sf)  }
0x3a1: {  	p0 =	sgt.f32 s21, $0.0e+00  }
.Ltmp40:
0x3a2: {  	_ = 	snop;
	(pc) =	sbr.rel @!p0 .LBB2_46-.Ltmp40, $1  }
0x3a3: {  	_ =	sdelay $0x3  }
0x3a4: {  	s21 =	sadd.s32 $0x0, s19  }
0x3a5: {  	v5 =	vmov s21  }
0x3a6: {  	v6 =	vand.u32 $0x78, v5  }
0x3a7: {  	v5 =	vand.u32 $0x7, v5;
	v6 =	vadd.s32 v4, v6  }
0x3a8: {  	v5 =	vor.u32 v5, v6;
	_ =	sdelay $0x4  }
0x3a9: {  	v5 =	vld.idx.msk [tilespmem:v5+s12+$0x0], $0xffff;
	_ =	sdelay $0x4  }
0x3aa: {  	vm0 =	veq.s32 v5, $0x0  }
0x3ab: {  	v5 =	vsel vm0, $0x0, v2  }
0x3ac: {  	(xrf0) =	vmax.scan.msk.f32 $0xffff, v5;
	_ =	sdelay $0x5  }
0x3ad: {  	v5, _, _ =	vpop (xrf0)  }
0x3ae: {  	(v2sf) =	vpush v5, $0xF;
	_ =	sdelay $0xe  }
0x3af: {  	s26 =	spop (v2sf)  }
0x3b0: {  	p0 =	sgt.f32 s26, $0.0e+00;
	_ =	sdelay $0x1  }
0x3b1: {  	v5 =	vlaneseq.u32 @p0  }
0x3b2: {  	v6 =	vor.u32 @p0 s18, v5;
	v7 =	vor.u32 @p0 $0xFFFFFFF8, v5  }
0x3b3: {  	v7 =	vand.u32 @p0 v7, v6;
	_ =	sdelay $0x3  }
0x3b4: {  	s21 =	simm.s32 @p0 $0x420  }
0x3b5: {  	v8 =	vld.idx.msk @p0 [tilespmem:v7+s21+$0x0], $0xffff;
	_ =	sdelay $0x1  }
0x3b6: {  	v6 =	vshll.u32 @p0 v6, $0x3;
	_ =	sdelay $0x2  }
0x3b7: {  	s21 =	simm.s32 @p0 $0x0;
	[tilespmem:$0x3430] =	vst @p0 v8  }
0x3b8: {  	s23 =	simm.s32 @p0 $0x840;
	v7 =	vld.idx.msk @p0 [tilespmem:v7+s21+$0x0], $0xffff  }
0x3b9: {  	v8 =	vld.idx.msk @p0 [tilespmem:v6+s23+$0x0], $0xffff  }
0x3ba: {  	v5 =	vmul.u32 @p0 $0x8, v5;
	_ =	sdelay $0x1  }
0x3bb: {  	v9 =	vor.u32 @p0 $0x1, v6;
	_ =	sdelay $0x1  }
0x3bc: {  	v8 =	vmul.f32 @p0 v8, v7  }
0x3bd: {  	s21 =	simm.s32 @p0 $0x33B0  }
0x3be: {  	[tilespmem:v5+s21+$0x0] =	vst.idx.msk @p0 $0xffff, v8  }
0x3bf: {  	v8 =	vld.idx.msk @p0 [tilespmem:v9+s23+$0x0], $0xffff;
	_ =	sdelay $0x1  }
0x3c0: {  	v9 =	vor.u32 @p0 $0x1, v5  }
0x3c1: {  	v10 =	vor.u32 @p0 $0x2, v6;
	_ =	sdelay $0x1  }
0x3c2: {  	v8 =	vmul.f32 @p0 v8, v7;
	_ =	sdelay $0x1  }
0x3c3: {  	[tilespmem:v9+s21+$0x0] =	vst.idx.msk @p0 $0xffff, v8  }
0x3c4: {  	v8 =	vld.idx.msk @p0 [tilespmem:v10+s23+$0x0], $0xffff;
	_ =	sdelay $0x1  }
0x3c5: {  	v9 =	vor.u32 @p0 $0x2, v5  }
0x3c6: {  	v10 =	vor.u32 @p0 $0x3, v6;
	_ =	sdelay $0x1  }
0x3c7: {  	v8 =	vmul.f32 @p0 v8, v7;
	_ =	sdelay $0x1  }
0x3c8: {  	[tilespmem:v9+s21+$0x0] =	vst.idx.msk @p0 $0xffff, v8  }
0x3c9: {  	v8 =	vld.idx.msk @p0 [tilespmem:v10+s23+$0x0], $0xffff;
	_ =	sdelay $0x1  }
0x3ca: {  	v9 =	vor.u32 @p0 $0x3, v5  }
0x3cb: {  	v10 =	vor.u32 @p0 $0x4, v6;
	_ =	sdelay $0x1  }
0x3cc: {  	v8 =	vmul.f32 @p0 v8, v7;
	_ =	sdelay $0x1  }
0x3cd: {  	[tilespmem:v9+s21+$0x0] =	vst.idx.msk @p0 $0xffff, v8  }
0x3ce: {  	v8 =	vld.idx.msk @p0 [tilespmem:v10+s23+$0x0], $0xffff;
	_ =	sdelay $0x1  }
0x3cf: {  	v9 =	vor.u32 @p0 $0x4, v5  }
0x3d0: {  	v10 =	vor.u32 @p0 $0x5, v6;
	_ =	sdelay $0x1  }
0x3d1: {  	v8 =	vmul.f32 @p0 v8, v7;
	_ =	sdelay $0x1  }
0x3d2: {  	[tilespmem:v9+s21+$0x0] =	vst.idx.msk @p0 $0xffff, v8  }
0x3d3: {  	v8 =	vld.idx.msk @p0 [tilespmem:v10+s23+$0x0], $0xffff;
	_ =	sdelay $0x1  }
0x3d4: {  	v9 =	vor.u32 @p0 $0x5, v5  }
0x3d5: {  	v10 =	vor.u32 @p0 $0x6, v6;
	_ =	sdelay $0x1  }
0x3d6: {  	v8 =	vmul.f32 @p0 v8, v7;
	_ =	sdelay $0x1  }
0x3d7: {  	[tilespmem:v9+s21+$0x0] =	vst.idx.msk @p0 $0xffff, v8  }
0x3d8: {  	v8 =	vld.idx.msk @p0 [tilespmem:v10+s23+$0x0], $0xffff;
	_ =	sdelay $0x1  }
0x3d9: {  	v9 =	vor.u32 @p0 $0x6, v5  }
0x3da: {  	v6 =	vor.u32 @p0 $0x7, v6;
	_ =	sdelay $0x1  }
0x3db: {  	v8 =	vmul.f32 @p0 v8, v7;
	_ =	sdelay $0x1  }
0x3dc: {  	[tilespmem:v9+s21+$0x0] =	vst.idx.msk @p0 $0xffff, v8  }
0x3dd: {  	v6 =	vld.idx.msk @p0 [tilespmem:v6+s23+$0x0], $0xffff;
	_ =	sdelay $0x1  }
0x3de: {  	v5 =	vor.u32 @p0 $0x7, v5;
	_ =	sdelay $0x2  }
0x3df: {  	s28 =	sadd.s32 $0x1, s19;
	v6 =	vmul.f32 @p0 v6, v7  }
0x3e0: {  	v7 =	vmov s28  }
0x3e1: {  	[tilespmem:v5+s21+$0x0] =	vst.idx.msk @p0 $0xffff, v6;
	v5 =	vand.u32 $0x78, v7  }
0x3e2: {  	s24 =	simm.s32 @p0 $0x3430;
	s26 =	simm.s32 @p0 $0x1;
	s23 =	simm.s32 @p0 $0x10;
	v6 =	vand.u32 $0x7, v7;
	v5 =	vadd.s32 v4, v5  }
0x3e3: {  	[spmem:s2] =	stream.indirect.scatter.add.f32 @p0 [tilespmem:s21], [sflag:$0x1], $0x8, s24, s23, $0xb8;
	v5 =	vor.u32 v6, v5;
	[tilespmem:$0x14678] =	vst v63  }
0x3e4: {  	s23 =	simm.s32 $0x2;
	s21 =	smov.u32 s18;
	_ =	swait.ge @p0 [sflag:s26], $0x80  }
.LBB2_44:
0x3e5: {  	[sflag:s26] =	ssyncset.done @p0 $0x0  }
0x3e6: {  	s21 =	sadd.s32 $0x10, s21;
	s24 =	smov.u32 s23;
	s23 =	sadd.s32 $0x1, s23  }
0x3e7: {  	p1 =	sne.s32 s23, $0x10;
	[sflag:s26] =	ssyncadd.s32 @p0 $0xFFFFFF80  }
0x3e8: {  	v5 =	vld.idx.msk [tilespmem:v5+s12+$0x0], $0xffff;
	_ =	sdelay $0x5  }
0x3e9: {  	vm0 =	veq.s32 v5, $0x0  }
0x3ea: {  	v5 =	vsel vm0, $0x0, v2  }
0x3eb: {  	(xrf0) =	vmax.scan.msk.f32 $0xffff, v5;
	_ =	sdelay $0x5  }
0x3ec: {  	v5, _, _ =	vpop (xrf0)  }
0x3ed: {  	(v2sf) =	vpush v5, $0xF;
	_ =	sdelay $0xe  }
0x3ee: {  	s25 =	spop (v2sf)  }
0x3ef: {  	p0 =	sgt.f32 s25, $0.0e+00;
	_ =	sdelay $0x1  }
0x3f0: {  	v5 =	vlaneseq.u32 @p0  }
0x3f1: {  	v6 =	vor.u32 @p0 s21, v5;
	v7 =	vor.u32 @p0 $0xFFFFFFF8, v5;
	v5 =	vmul.u32 @p0 $0x8, v5  }
0x3f2: {  	v7 =	vand.u32 @p0 v7, v6;
	v6 =	vshll.u32 @p0 v6, $0x3  }
0x3f3: {  	v8 =	vor.u32 @p0 $0x1, v6;
	v9 =	vor.u32 @p0 $0x1, v5;
	v10 =	vor.u32 @p0 $0x2, v6  }
0x3f4: {  	v11 =	vor.u32 @p0 $0x2, v5;
	v12 =	vor.u32 @p0 $0x3, v6;
	v13 =	vor.u32 @p0 $0x3, v5  }
0x3f5: {  	v14 =	vor.u32 @p0 $0x4, v6;
	v15 =	vor.u32 @p0 $0x4, v5;
	v16 =	vor.u32 @p0 $0x5, v6  }
0x3f6: {  	s25 =	simm.s32 @p0 $0x420;
	v17 =	vor.u32 @p0 $0x5, v5;
	v18 =	vor.u32 @p0 $0x6, v6;
	v19 =	vor.u32 @p0 $0x6, v5  }
0x3f7: {  	v21 =	vor.u32 @p0 $0x7, v6;
	v22 =	vor.u32 @p0 $0x7, v5;
	v20 =	vld.idx.msk @p0 [tilespmem:v7+s25+$0x0], $0xffff;
	_ =	sdelay $0x5  }
0x3f8: {  	s26 =	simm.s32 @p0 $0x840;
	s25 =	simm.s32 @p0 $0x0;
	[tilespmem:$0x3430] =	vst @p0 v20  }
0x3f9: {  	v7 =	vld.idx.msk @p0 [tilespmem:v7+s25+$0x0], $0xffff  }
0x3fa: {  	v6 =	vld.idx.msk @p0 [tilespmem:v6+s26+$0x0], $0xffff;
	_ =	sdelay $0x5  }
0x3fb: {  	s25 =	simm.s32 @p0 $0x33B0;
	v6 =	vmul.f32 @p0 v6, v7;
	_ =	sdelay $0x1  }
0x3fc: {  	[tilespmem:v5+s25+$0x0] =	vst.idx.msk @p0 $0xffff, v6  }
0x3fd: {  	v5 =	vld.idx.msk @p0 [tilespmem:v8+s26+$0x0], $0xffff;
	_ =	sdelay $0x5  }
0x3fe: {  	v5 =	vmul.f32 @p0 v5, v7;
	_ =	sdelay $0x1  }
0x3ff: {  	[tilespmem:v9+s25+$0x0] =	vst.idx.msk @p0 $0xffff, v5  }
0x400: {  	v5 =	vld.idx.msk @p0 [tilespmem:v10+s26+$0x0], $0xffff;
	_ =	sdelay $0x5  }
0x401: {  	v5 =	vmul.f32 @p0 v5, v7;
	_ =	sdelay $0x1  }
0x402: {  	[tilespmem:v11+s25+$0x0] =	vst.idx.msk @p0 $0xffff, v5  }
0x403: {  	v5 =	vld.idx.msk @p0 [tilespmem:v12+s26+$0x0], $0xffff;
	_ =	sdelay $0x5  }
0x404: {  	v5 =	vmul.f32 @p0 v5, v7;
	_ =	sdelay $0x1  }
0x405: {  	[tilespmem:v13+s25+$0x0] =	vst.idx.msk @p0 $0xffff, v5  }
0x406: {  	v5 =	vld.idx.msk @p0 [tilespmem:v14+s26+$0x0], $0xffff;
	_ =	sdelay $0x5  }
0x407: {  	v5 =	vmul.f32 @p0 v5, v7;
	_ =	sdelay $0x1  }
0x408: {  	[tilespmem:v15+s25+$0x0] =	vst.idx.msk @p0 $0xffff, v5  }
0x409: {  	v5 =	vld.idx.msk @p0 [tilespmem:v16+s26+$0x0], $0xffff;
	_ =	sdelay $0x5  }
0x40a: {  	v5 =	vmul.f32 @p0 v5, v7;
	_ =	sdelay $0x1  }
0x40b: {  	[tilespmem:v17+s25+$0x0] =	vst.idx.msk @p0 $0xffff, v5  }
0x40c: {  	v5 =	vld.idx.msk @p0 [tilespmem:v18+s26+$0x0], $0xffff;
	_ =	sdelay $0x5  }
0x40d: {  	v5 =	vmul.f32 @p0 v5, v7;
	_ =	sdelay $0x1  }
0x40e: {  	[tilespmem:v19+s25+$0x0] =	vst.idx.msk @p0 $0xffff, v5  }
0x40f: {  	v5 =	vld.idx.msk @p0 [tilespmem:v21+s26+$0x0], $0xffff;
	_ =	sdelay $0x3  }
0x410: {  	s24 =	sadd.s32 s24, s19  }
0x411: {  	v6 =	vmov s24  }
.Ltmp41:
0x412: {  	v8 =	vand.u32 $0x78, v6;
	v7 =	vmul.f32 @p0 v5, v7;
	(pc) =	sbr.rel @p1 .LBB2_44-.Ltmp41, $4  }
0x413: {  	s28 =	simm.s32 @p0 $0x3430;
	s24 =	simm.s32 @p0 $0x10;
	v5 =	vand.u32 $0x7, v6;
	v6 =	vadd.s32 v4, v8  }
0x414: {  	s26 =	simm.s32 @p0 $0x1;
	v5 =	vor.u32 v5, v6;
	[tilespmem:v22+s25+$0x0] =	vst.idx.msk @p0 $0xffff, v7  }
0x415: {  	[spmem:s2] =	stream.indirect.scatter.add.f32 @p0 [tilespmem:s25], [sflag:$0x1], $0x8, s28, s24, $0xb8;
	[tilespmem:$0x14678] =	vst v63  }
0x416: {  	_ =	swait.ge @p0 [sflag:s26], $0x80  }
.Ltmp42:
0x417: {  	_ = 	snop;
	(pc) =	sbr.rel .LBB2_45-.Ltmp42, $1  }
0x418: {  	_ =	sdelay $0x3  }
.LBB2_48:
0x419: {  	[bflag:$0x0] =	sbarrier.arrive $0xFFFF  }
0x41a: {  	s17 =	rddreg [dreg:$0xd]  }
0x41b: {  	[hbm:s17], [sflag:s15] =	dma.local [spmem:s16], $0x1FA4  }
.Ltmp43:
0x41c: {  	_ =	swait.ge [sflag:s10], $0x1FA4;
	(pc) =	sbr.rel .LBB2_49-.Ltmp43, $4  }
0x41d: {  	[sflag:s10] =	ssyncset.done $0x0  }
0x41e: {  	[sflag:s10] =	ssyncadd.s32 $0xFFFFE05C  }
0x41f: {  	[bflag:$0x0] =	sbarrier.arrive $0xFFFF  }
0x420: {  	s17 =	simm.s32 $0x0  }
.LBB2_56:
0x421: {  	s17 =	sadd.s32 $0x1, s17  }
0x422: {  	p0 =	sne.s32 s17, $0x1E  }
.Ltmp44:
0x423: {  	_ = 	snop;
	(pc) =	sbr.rel @!p0 .LBB2_57-.Ltmp44, $1  }
0x424: {  	_ =	sdelay $0x3  }
.LBB2_49:
0x425: {  	v4 =	vmov s17;
	_ =	sdelay $0x4  }
0x426: {  	v3 =	vld.idx.msk [tilespmem:v4+s9+$0x0], $0xffff;
	_ =	sdelay $0x4  }
0x427: {  	vm0 =	veq.s32 v3, $0x0  }
0x428: {  	v3 =	vsel vm0, $0x0, v2  }
0x429: {  	(xrf0) =	vmax.scan.msk.f32 $0xffff, v3;
	_ =	sdelay $0x5  }
0x42a: {  	v3, _, _ =	vpop (xrf0)  }
0x42b: {  	(v2sf) =	vpush v3, $0xF;
	_ =	sdelay $0xe  }
0x42c: {  	s18 =	spop (v2sf)  }
0x42d: {  	p0 =	sgt.f32 s18, $0.0e+00  }
.Ltmp45:
0x42e: {  	_ = 	snop;
	(pc) =	sbr.rel @!p0 .LBB2_56-.Ltmp45, $1  }
0x42f: {  	_ =	sdelay $0x3  }
0x430: {  	s18 =	smul.u32 $0x4200, s17;
	_ =	sdelay $0x1  }
0x431: {  	s18 =	sadd.s32 s6, s18  }
0x432: {  	s18 =	sshrl.u32 s18, $0x3  }
.Ltmp46:
0x433: {  	s19 =	sadd.s32 s5, s18;
	s18 =	simm.s32 $0x0;
	(pc) =	sbr.rel .LBB2_51-.Ltmp46, $4  }
0x434: {  	[tilespmem:s14], [sflag:$0x1] =	stream.linear.gather [hbm4b:s19+s18], $0x420, $0x38;
	[tilespmem:$0x14678] =	vst v63  }
0x435: {  	_ =	swait.ge [sflag:s10], $0x420  }
0x436: {  	[sflag:s10] =	ssyncset.done $0x0  }
0x437: {  	v3 =	vshll.u32 v4, $0x3;
	v4 =	vmul.u32 $0x50, v4;
	s20 =	simm.s32 $0x0;
	s19 =	simm.s32 $0x0;
	[sflag:s10] =	ssyncadd.s32 $0xFFFFFBE0  }
.LBB2_54:
0x438: {  	_ =	sdelay $0x2  }
0x439: {  	[sflag:s24] =	ssyncadd.s32 @p1 $0xFFFFFF80  }
0x43a: {  	v5 =	vld.idx.msk [tilespmem:v5+s12+$0x0], $0xffff;
	_ =	sdelay $0x4  }
0x43b: {  	vm0 =	veq.s32 v5, $0x0  }
0x43c: {  	v5 =	vsel vm0, $0x0, v2  }
0x43d: {  	(xrf0) =	vmax.scan.msk.f32 $0xffff, v5;
	_ =	sdelay $0x5  }
0x43e: {  	v5, _, _ =	vpop (xrf0)  }
0x43f: {  	(v2sf) =	vpush v5, $0xF;
	_ =	sdelay $0xe  }
0x440: {  	s23 =	spop (v2sf)  }
0x441: {  	p0 =	sgt.f32 s23, $0.0e+00;
	_ =	sdelay $0x1  }
0x442: {  	s21 =	sadd.s32 $0x10, s21;
	v5 =	vlaneseq.u32 @p0  }
0x443: {  	v5 =	vor.u32 @p0 s21, v5;
	_ =	sdelay $0x3  }
0x444: {  	s21 =	simm.s32 @p0 $0x420  }
0x445: {  	v5 =	vld.idx.msk @p0 [tilespmem:v5+s21+$0x0], $0xffff;
	_ =	sdelay $0x3  }
0x446: {  	s23 =	simm.s32 @p0 $0x10  }
0x447: {  	s24 =	simm.s32 @p0 $0x3430;
	s25 =	simm.s32 @p0 $0x3440;
	s21 =	simm.s32 @p0 $0x1;
	[tilespmem:$0x3430] =	vst @p0 v5  }
0x448: {  	[spmem:s2] =	stream.indirect.scatter @p0 [tilespmem:s25], [sflag:$0x1], $0x8, s24, s23, $0xb8;
	[tilespmem:$0x14678] =	vst v63  }
0x449: {  	_ =	swait.ge @p0 [sflag:s21], $0x80  }
0x44a: {  	[sflag:s21] =	ssyncset.done @p0 $0x0  }
0x44b: {  	[sflag:s21] =	ssyncadd.s32 @p0 $0xFFFFFF80  }
.LBB2_55:
0x44c: {  	s20 =	sadd.s32 $0x1, s20  }
0x44d: {  	p0 =	sne.s32 s20, $0x5  }
.Ltmp47:
0x44e: {  	_ = 	snop;
	(pc) =	sbr.rel @!p0 .LBB2_56-.Ltmp47, $2  }
0x44f: {  	_ =	sdelay $0x2  }
0x450: {  	s18 =	sadd.s32 $0x100, s18;
	s19 =	sadd.s32 $0x10, s19  }
.LBB2_51:
0x451: {  	v5 =	vmov s20  }
0x452: {  	v5 =	vand.u32 $0x7, v5  }
0x453: {  	v5 =	vbroadcast v5, $0x0;
	_ =	sdelay $0x1  }
0x454: {  	v5 =	vor.u32 v3, v5;
	_ =	sdelay $0x4  }
0x455: {  	v5 =	vld.idx.msk [tilespmem:v5+s11+$0x0], $0xffff;
	_ =	sdelay $0x4  }
0x456: {  	vm0 =	veq.s32 v5, $0x0  }
0x457: {  	v5 =	vsel vm0, $0x0, v2  }
0x458: {  	(xrf0) =	vmax.scan.msk.f32 $0xffff, v5;
	_ =	sdelay $0x5  }
0x459: {  	v5, _, _ =	vpop (xrf0)  }
0x45a: {  	(v2sf) =	vpush v5, $0xF;
	_ =	sdelay $0xe  }
0x45b: {  	s21 =	spop (v2sf)  }
0x45c: {  	p0 =	sgt.f32 s21, $0.0e+00  }
.Ltmp48:
0x45d: {  	_ = 	snop;
	(pc) =	sbr.rel @!p0 .LBB2_55-.Ltmp48, $1  }
0x45e: {  	_ =	sdelay $0x3  }
0x45f: {  	s21 =	sadd.s32 $0x0, s19  }
0x460: {  	v5 =	vmov s21  }
0x461: {  	v6 =	vand.u32 $0x78, v5  }
0x462: {  	v5 =	vand.u32 $0x7, v5;
	v6 =	vadd.s32 v4, v6  }
0x463: {  	v5 =	vor.u32 v5, v6;
	_ =	sdelay $0x4  }
0x464: {  	v5 =	vld.idx.msk [tilespmem:v5+s12+$0x0], $0xffff;
	_ =	sdelay $0x4  }
0x465: {  	vm0 =	veq.s32 v5, $0x0  }
0x466: {  	v5 =	vsel vm0, $0x0, v2  }
0x467: {  	(xrf0) =	vmax.scan.msk.f32 $0xffff, v5;
	_ =	sdelay $0x5  }
0x468: {  	v5, _, _ =	vpop (xrf0)  }
0x469: {  	(v2sf) =	vpush v5, $0xF;
	_ =	sdelay $0xe  }
0x46a: {  	s26 =	spop (v2sf)  }
0x46b: {  	p1 =	sgt.f32 s26, $0.0e+00;
	_ =	sdelay $0x1  }
0x46c: {  	v5 =	vlaneseq.u32 @p1  }
0x46d: {  	v5 =	vor.u32 @p1 s18, v5;
	_ =	sdelay $0x3  }
0x46e: {  	s21 =	simm.s32 @p1 $0x420  }
0x46f: {  	v5 =	vld.idx.msk @p1 [tilespmem:v5+s21+$0x0], $0xffff;
	_ =	sdelay $0x2  }
0x470: {  	s28 =	sadd.s32 $0x1, s19  }
0x471: {  	v6 =	vmov s28  }
0x472: {  	s24 =	simm.s32 @p1 $0x1;
	[tilespmem:$0x3430] =	vst @p1 v5;
	v5 =	vand.u32 $0x78, v6  }
0x473: {  	s23 =	simm.s32 @p1 $0x3430;
	s25 =	simm.s32 @p1 $0x3440;
	s21 =	simm.s32 @p1 $0x10;
	v6 =	vand.u32 $0x7, v6;
	v5 =	vadd.s32 v4, v5  }
0x474: {  	[spmem:s2] =	stream.indirect.scatter @p1 [tilespmem:s25], [sflag:$0x1], $0x8, s23, s21, $0xb8;
	v5 =	vor.u32 v6, v5;
	[tilespmem:$0x14678] =	vst v63  }
0x475: {  	_ =	swait.ge @p1 [sflag:s24], $0x80  }
0x476: {  	s23 =	simm.s32 $0x2;
	s21 =	smov.u32 s18;
	[sflag:s24] =	ssyncset.done @p1 $0x0  }
.LBB2_53:
0x477: {  	[sflag:s24] =	ssyncadd.s32 @p1 $0xFFFFFF80  }
0x478: {  	s21 =	sadd.s32 $0x10, s21;
	s24 =	smov.u32 s23;
	s23 =	sadd.s32 $0x1, s23  }
0x479: {  	p0 =	sne.s32 s23, $0x10;
	v5 =	vld.idx.msk [tilespmem:v5+s12+$0x0], $0xffff;
	_ =	sdelay $0x5  }
0x47a: {  	vm0 =	veq.s32 v5, $0x0  }
0x47b: {  	v5 =	vsel vm0, $0x0, v2  }
0x47c: {  	(xrf0) =	vmax.scan.msk.f32 $0xffff, v5;
	_ =	sdelay $0x5  }
0x47d: {  	v5, _, _ =	vpop (xrf0)  }
0x47e: {  	(v2sf) =	vpush v5, $0xF;
	_ =	sdelay $0xe  }
0x47f: {  	s25 =	spop (v2sf)  }
0x480: {  	p1 =	sgt.f32 s25, $0.0e+00;
	_ =	sdelay $0x1  }
0x481: {  	v5 =	vlaneseq.u32 @p1  }
0x482: {  	v5 =	vor.u32 @p1 s21, v5;
	_ =	sdelay $0x3  }
0x483: {  	s25 =	simm.s32 @p1 $0x420  }
0x484: {  	v6 =	vld.idx.msk @p1 [tilespmem:v5+s25+$0x0], $0xffff;
	_ =	sdelay $0x1  }
0x485: {  	s24 =	sadd.s32 s24, s19  }
0x486: {  	v5 =	vmov s24  }
0x487: {  	v7 =	vand.u32 $0x78, v5  }
.Ltmp49:
0x488: {  	s24 =	simm.s32 @p1 $0x1;
	v5 =	vand.u32 $0x7, v5;
	v7 =	vadd.s32 v4, v7;
	(pc) =	sbr.rel @p0 .LBB2_53-.Ltmp49, $4  }
0x489: {  	s26 =	simm.s32 @p1 $0x3430;
	s28 =	simm.s32 @p1 $0x3440;
	s25 =	simm.s32 @p1 $0x10;
	v5 =	vor.u32 v5, v7;
	[tilespmem:$0x3430] =	vst @p1 v6  }
0x48a: {  	[spmem:s2] =	stream.indirect.scatter @p1 [tilespmem:s28], [sflag:$0x1], $0x8, s26, s25, $0xb8;
	[tilespmem:$0x14678] =	vst v63  }
0x48b: {  	_ =	swait.ge @p1 [sflag:s24], $0x80  }
0x48c: {  	[sflag:s24] =	ssyncset.done @p1 $0x0  }
.Ltmp50:
0x48d: {  	_ = 	snop;
	(pc) =	sbr.rel .LBB2_54-.Ltmp50, $1  }
0x48e: {  	_ =	sdelay $0x3  }
.LBB2_57:
0x48f: {  	s17 =	simm.s32 $0x0;
	s18 =	rddreg [dreg:$0xe]  }
0x490: {  	[tilespmem:s13], [sflag:$0x1] =	stream.linear.gather [hbm4b:s18+s17], $0x2100, $0x38;
	[tilespmem:$0x14678] =	vst v63  }
.Ltmp51:
0x491: {  	_ =	swait.ge [sflag:s10], $0x2100;
	(pc) =	sbr.rel .LBB2_58-.Ltmp51, $3  }
0x492: {  	[sflag:s10] =	ssyncset.done $0x0  }
0x493: {  	[sflag:s10] =	ssyncadd.s32 $0xFFFFDF00  }
0x494: {  	[bflag:$0x0] =	sbarrier.arrive $0xFFFF;
	_ =	sdelay $0x1  }
.LBB2_65:
0x495: {  	s17 =	sadd.s32 $0x1, s17  }
0x496: {  	p0 =	sne.s32 s17, $0x1E  }
.Ltmp52:
0x497: {  	_ = 	snop;
	(pc) =	sbr.rel @!p0 .LBB2_66-.Ltmp52, $1  }
0x498: {  	_ =	sdelay $0x3  }
.LBB2_58:
0x499: {  	v4 =	vmov s17;
	_ =	sdelay $0x4  }
0x49a: {  	v3 =	vld.idx.msk [tilespmem:v4+s9+$0x0], $0xffff;
	_ =	sdelay $0x4  }
0x49b: {  	vm0 =	veq.s32 v3, $0x0  }
0x49c: {  	v3 =	vsel vm0, $0x0, v2  }
0x49d: {  	(xrf0) =	vmax.scan.msk.f32 $0xffff, v3;
	_ =	sdelay $0x5  }
0x49e: {  	v3, _, _ =	vpop (xrf0)  }
0x49f: {  	(v2sf) =	vpush v3, $0xF;
	_ =	sdelay $0xe  }
0x4a0: {  	s18 =	spop (v2sf)  }
0x4a1: {  	p0 =	sgt.f32 s18, $0.0e+00  }
.Ltmp53:
0x4a2: {  	_ = 	snop;
	(pc) =	sbr.rel @!p0 .LBB2_65-.Ltmp53, $1  }
0x4a3: {  	_ =	sdelay $0x3  }
0x4a4: {  	s18 =	smul.u32 $0x4200, s17;
	_ =	sdelay $0x1  }
0x4a5: {  	s18 =	sadd.s32 s6, s18  }
0x4a6: {  	s19 =	sshrl.u32 s18, $0x3  }
0x4a7: {  	s18 =	simm.s32 $0x0;
	s20 =	sadd.s32 s4, s19  }
0x4a8: {  	[tilespmem:s18], [sflag:$0x1] =	stream.linear.gather [hbm4b:s20+s18], $0x420, $0x38;
	[tilespmem:$0x14678] =	vst v63  }
0x4a9: {  	_ =	swait.ge [sflag:s10], $0x420  }
0x4aa: {  	[sflag:s10] =	ssyncset.done $0x0  }
.Ltmp54:
0x4ab: {  	s19 =	sadd.s32 s5, s19;
	[sflag:s10] =	ssyncadd.s32 $0xFFFFFBE0;
	(pc) =	sbr.rel .LBB2_60-.Ltmp54, $4  }
0x4ac: {  	[tilespmem:s14], [sflag:$0x1] =	stream.linear.gather [hbm4b:s19+s18], $0x420, $0x38;
	[tilespmem:$0x14678] =	vst v63  }
0x4ad: {  	_ =	swait.ge [sflag:s10], $0x420  }
0x4ae: {  	[sflag:s10] =	ssyncset.done $0x0  }
0x4af: {  	v3 =	vshll.u32 v4, $0x3;
	v4 =	vmul.u32 $0x50, v4;
	s20 =	simm.s32 $0x0;
	s19 =	simm.s32 $0x0;
	[sflag:s10] =	ssyncadd.s32 $0xFFFFFBE0  }
.LBB2_63:
0x4b0: {  	_ =	sdelay $0x1  }
0x4b1: {  	[sflag:s26] =	ssyncset.done @p0 $0x0  }
0x4b2: {  	[sflag:s26] =	ssyncadd.s32 @p0 $0xFFFFFF80  }
0x4b3: {  	v5 =	vld.idx.msk [tilespmem:v5+s12+$0x0], $0xffff;
	_ =	sdelay $0x4  }
0x4b4: {  	vm0 =	veq.s32 v5, $0x0  }
0x4b5: {  	v5 =	vsel vm0, $0x0, v2  }
0x4b6: {  	(xrf0) =	vmax.scan.msk.f32 $0xffff, v5;
	_ =	sdelay $0x5  }
0x4b7: {  	v5, _, _ =	vpop (xrf0)  }
0x4b8: {  	(v2sf) =	vpush v5, $0xF;
	_ =	sdelay $0xe  }
0x4b9: {  	s23 =	spop (v2sf)  }
0x4ba: {  	p0 =	sgt.f32 s23, $0.0e+00;
	_ =	sdelay $0x1  }
0x4bb: {  	s21 =	sadd.s32 $0x10, s21;
	v5 =	vlaneseq.u32 @p0  }
0x4bc: {  	v6 =	vor.u32 @p0 s21, v5;
	v7 =	vor.u32 @p0 $0xFFFFFFF8, v5  }
0x4bd: {  	v7 =	vand.u32 @p0 v7, v6;
	_ =	sdelay $0x3  }
0x4be: {  	s21 =	simm.s32 @p0 $0x420  }
0x4bf: {  	v8 =	vld.idx.msk @p0 [tilespmem:v7+s21+$0x0], $0xffff;
	_ =	sdelay $0x1  }
0x4c0: {  	v6 =	vshll.u32 @p0 v6, $0x3;
	_ =	sdelay $0x2  }
0x4c1: {  	s21 =	simm.s32 @p0 $0x0;
	[tilespmem:$0x3430] =	vst @p0 v8  }
0x4c2: {  	s23 =	simm.s32 @p0 $0x840;
	v7 =	vld.idx.msk @p0 [tilespmem:v7+s21+$0x0], $0xffff  }
0x4c3: {  	v8 =	vld.idx.msk @p0 [tilespmem:v6+s23+$0x0], $0xffff  }
0x4c4: {  	v5 =	vmul.u32 @p0 $0x8, v5;
	_ =	sdelay $0x1  }
0x4c5: {  	v9 =	vor.u32 @p0 $0x1, v6;
	_ =	sdelay $0x1  }
0x4c6: {  	v8 =	vmul.f32 @p0 v8, v7  }
0x4c7: {  	s21 =	simm.s32 @p0 $0x33B0  }
0x4c8: {  	[tilespmem:v5+s21+$0x0] =	vst.idx.msk @p0 $0xffff, v8  }
0x4c9: {  	v8 =	vld.idx.msk @p0 [tilespmem:v9+s23+$0x0], $0xffff;
	_ =	sdelay $0x1  }
0x4ca: {  	v9 =	vor.u32 @p0 $0x1, v5  }
0x4cb: {  	v10 =	vor.u32 @p0 $0x2, v6;
	_ =	sdelay $0x1  }
0x4cc: {  	v8 =	vmul.f32 @p0 v8, v7;
	_ =	sdelay $0x1  }
0x4cd: {  	[tilespmem:v9+s21+$0x0] =	vst.idx.msk @p0 $0xffff, v8  }
0x4ce: {  	v8 =	vld.idx.msk @p0 [tilespmem:v10+s23+$0x0], $0xffff;
	_ =	sdelay $0x1  }
0x4cf: {  	v9 =	vor.u32 @p0 $0x2, v5  }
0x4d0: {  	v10 =	vor.u32 @p0 $0x3, v6;
	_ =	sdelay $0x1  }
0x4d1: {  	v8 =	vmul.f32 @p0 v8, v7;
	_ =	sdelay $0x1  }
0x4d2: {  	[tilespmem:v9+s21+$0x0] =	vst.idx.msk @p0 $0xffff, v8  }
0x4d3: {  	v8 =	vld.idx.msk @p0 [tilespmem:v10+s23+$0x0], $0xffff;
	_ =	sdelay $0x1  }
0x4d4: {  	v9 =	vor.u32 @p0 $0x3, v5  }
0x4d5: {  	v10 =	vor.u32 @p0 $0x4, v6;
	_ =	sdelay $0x1  }
0x4d6: {  	v8 =	vmul.f32 @p0 v8, v7;
	_ =	sdelay $0x1  }
0x4d7: {  	[tilespmem:v9+s21+$0x0] =	vst.idx.msk @p0 $0xffff, v8  }
0x4d8: {  	v8 =	vld.idx.msk @p0 [tilespmem:v10+s23+$0x0], $0xffff;
	_ =	sdelay $0x1  }
0x4d9: {  	v9 =	vor.u32 @p0 $0x4, v5  }
0x4da: {  	v10 =	vor.u32 @p0 $0x5, v6;
	_ =	sdelay $0x1  }
0x4db: {  	v8 =	vmul.f32 @p0 v8, v7;
	_ =	sdelay $0x1  }
0x4dc: {  	[tilespmem:v9+s21+$0x0] =	vst.idx.msk @p0 $0xffff, v8  }
0x4dd: {  	v8 =	vld.idx.msk @p0 [tilespmem:v10+s23+$0x0], $0xffff;
	_ =	sdelay $0x1  }
0x4de: {  	v9 =	vor.u32 @p0 $0x5, v5  }
0x4df: {  	v10 =	vor.u32 @p0 $0x6, v6;
	_ =	sdelay $0x1  }
0x4e0: {  	v8 =	vmul.f32 @p0 v8, v7;
	_ =	sdelay $0x1  }
0x4e1: {  	[tilespmem:v9+s21+$0x0] =	vst.idx.msk @p0 $0xffff, v8  }
0x4e2: {  	v8 =	vld.idx.msk @p0 [tilespmem:v10+s23+$0x0], $0xffff;
	_ =	sdelay $0x1  }
0x4e3: {  	v9 =	vor.u32 @p0 $0x6, v5  }
0x4e4: {  	v6 =	vor.u32 @p0 $0x7, v6;
	_ =	sdelay $0x1  }
0x4e5: {  	v8 =	vmul.f32 @p0 v8, v7;
	_ =	sdelay $0x1  }
0x4e6: {  	[tilespmem:v9+s21+$0x0] =	vst.idx.msk @p0 $0xffff, v8  }
0x4e7: {  	v6 =	vld.idx.msk @p0 [tilespmem:v6+s23+$0x0], $0xffff;
	_ =	sdelay $0x1  }
0x4e8: {  	v5 =	vor.u32 @p0 $0x7, v5;
	_ =	sdelay $0x2  }
0x4e9: {  	v6 =	vmul.f32 @p0 v6, v7;
	_ =	sdelay $0x1  }
0x4ea: {  	s24 =	simm.s32 @p0 $0x3430;
	s25 =	simm.s32 @p0 $0x1;
	s23 =	simm.s32 @p0 $0x10;
	[tilespmem:v5+s21+$0x0] =	vst.idx.msk @p0 $0xffff, v6  }
0x4eb: {  	[spmem:s2] =	stream.indirect.scatter.add.f32 @p0 [tilespmem:s21], [sflag:$0x1], $0x8, s24, s23, $0xb8;
	[tilespmem:$0x14678] =	vst v63  }
0x4ec: {  	_ =	swait.ge @p0 [sflag:s25], $0x80  }
0x4ed: {  	[sflag:s25] =	ssyncset.done @p0 $0x0  }
0x4ee: {  	[sflag:s25] =	ssyncadd.s32 @p0 $0xFFFFFF80  }
.LBB2_64:
0x4ef: {  	s20 =	sadd.s32 $0x1, s20  }
0x4f0: {  	p0 =	sne.s32 s20, $0x5  }
.Ltmp55:
0x4f1: {  	_ = 	snop;
	(pc) =	sbr.rel @!p0 .LBB2_65-.Ltmp55, $2  }
0x4f2: {  	_ =	sdelay $0x2  }
0x4f3: {  	s18 =	sadd.s32 $0x100, s18;
	s19 =	sadd.s32 $0x10, s19  }
.LBB2_60:
0x4f4: {  	v5 =	vmov s20  }
0x4f5: {  	v5 =	vand.u32 $0x7, v5  }
0x4f6: {  	v5 =	vbroadcast v5, $0x0;
	_ =	sdelay $0x1  }
0x4f7: {  	v5 =	vor.u32 v3, v5;
	_ =	sdelay $0x4  }
0x4f8: {  	v5 =	vld.idx.msk [tilespmem:v5+s11+$0x0], $0xffff;
	_ =	sdelay $0x4  }
0x4f9: {  	vm0 =	veq.s32 v5, $0x0  }
0x4fa: {  	v5 =	vsel vm0, $0x0, v2  }
0x4fb: {  	(xrf0) =	vmax.scan.msk.f32 $0xffff, v5;
	_ =	sdelay $0x5  }
0x4fc: {  	v5, _, _ =	vpop (xrf0)  }
0x4fd: {  	(v2sf) =	vpush v5, $0xF;
	_ =	sdelay $0xe  }
0x4fe: {  	s21 =	spop (v2sf)  }
0x4ff: {  	p0 =	sgt.f32 s21, $0.0e+00  }
.Ltmp56:
0x500: {  	_ = 	snop;
	(pc) =	sbr.rel @!p0 .LBB2_64-.Ltmp56, $1  }
0x501: {  	_ =	sdelay $0x3  }
0x502: {  	s21 =	sadd.s32 $0x0, s19  }
0x503: {  	v5 =	vmov s21  }
0x504: {  	v6 =	vand.u32 $0x78, v5  }
0x505: {  	v5 =	vand.u32 $0x7, v5;
	v6 =	vadd.s32 v4, v6  }
0x506: {  	v5 =	vor.u32 v5, v6;
	_ =	sdelay $0x4  }
0x507: {  	v5 =	vld.idx.msk [tilespmem:v5+s12+$0x0], $0xffff;
	_ =	sdelay $0x4  }
0x508: {  	vm0 =	veq.s32 v5, $0x0  }
0x509: {  	v5 =	vsel vm0, $0x0, v2  }
0x50a: {  	(xrf0) =	vmax.scan.msk.f32 $0xffff, v5;
	_ =	sdelay $0x5  }
0x50b: {  	v5, _, _ =	vpop (xrf0)  }
0x50c: {  	(v2sf) =	vpush v5, $0xF;
	_ =	sdelay $0xe  }
0x50d: {  	s26 =	spop (v2sf)  }
0x50e: {  	p0 =	sgt.f32 s26, $0.0e+00;
	_ =	sdelay $0x1  }
0x50f: {  	v5 =	vlaneseq.u32 @p0  }
0x510: {  	v6 =	vor.u32 @p0 s18, v5;
	v7 =	vor.u32 @p0 $0xFFFFFFF8, v5  }
0x511: {  	v7 =	vand.u32 @p0 v7, v6;
	_ =	sdelay $0x3  }
0x512: {  	s21 =	simm.s32 @p0 $0x420  }
0x513: {  	v8 =	vld.idx.msk @p0 [tilespmem:v7+s21+$0x0], $0xffff;
	_ =	sdelay $0x1  }
0x514: {  	v6 =	vshll.u32 @p0 v6, $0x3;
	_ =	sdelay $0x2  }
0x515: {  	s21 =	simm.s32 @p0 $0x0;
	[tilespmem:$0x3430] =	vst @p0 v8  }
0x516: {  	s23 =	simm.s32 @p0 $0x840;
	v7 =	vld.idx.msk @p0 [tilespmem:v7+s21+$0x0], $0xffff  }
0x517: {  	v8 =	vld.idx.msk @p0 [tilespmem:v6+s23+$0x0], $0xffff  }
0x518: {  	v5 =	vmul.u32 @p0 $0x8, v5;
	_ =	sdelay $0x1  }
0x519: {  	v9 =	vor.u32 @p0 $0x1, v6;
	_ =	sdelay $0x1  }
0x51a: {  	v8 =	vmul.f32 @p0 v8, v7  }
0x51b: {  	s21 =	simm.s32 @p0 $0x33B0  }
0x51c: {  	[tilespmem:v5+s21+$0x0] =	vst.idx.msk @p0 $0xffff, v8  }
0x51d: {  	v8 =	vld.idx.msk @p0 [tilespmem:v9+s23+$0x0], $0xffff;
	_ =	sdelay $0x1  }
0x51e: {  	v9 =	vor.u32 @p0 $0x1, v5  }
0x51f: {  	v10 =	vor.u32 @p0 $0x2, v6;
	_ =	sdelay $0x1  }
0x520: {  	v8 =	vmul.f32 @p0 v8, v7;
	_ =	sdelay $0x1  }
0x521: {  	[tilespmem:v9+s21+$0x0] =	vst.idx.msk @p0 $0xffff, v8  }
0x522: {  	v8 =	vld.idx.msk @p0 [tilespmem:v10+s23+$0x0], $0xffff;
	_ =	sdelay $0x1  }
0x523: {  	v9 =	vor.u32 @p0 $0x2, v5  }
0x524: {  	v10 =	vor.u32 @p0 $0x3, v6;
	_ =	sdelay $0x1  }
0x525: {  	v8 =	vmul.f32 @p0 v8, v7;
	_ =	sdelay $0x1  }
0x526: {  	[tilespmem:v9+s21+$0x0] =	vst.idx.msk @p0 $0xffff, v8  }
0x527: {  	v8 =	vld.idx.msk @p0 [tilespmem:v10+s23+$0x0], $0xffff;
	_ =	sdelay $0x1  }
0x528: {  	v9 =	vor.u32 @p0 $0x3, v5  }
0x529: {  	v10 =	vor.u32 @p0 $0x4, v6;
	_ =	sdelay $0x1  }
0x52a: {  	v8 =	vmul.f32 @p0 v8, v7;
	_ =	sdelay $0x1  }
0x52b: {  	[tilespmem:v9+s21+$0x0] =	vst.idx.msk @p0 $0xffff, v8  }
0x52c: {  	v8 =	vld.idx.msk @p0 [tilespmem:v10+s23+$0x0], $0xffff;
	_ =	sdelay $0x1  }
0x52d: {  	v9 =	vor.u32 @p0 $0x4, v5  }
0x52e: {  	v10 =	vor.u32 @p0 $0x5, v6;
	_ =	sdelay $0x1  }
0x52f: {  	v8 =	vmul.f32 @p0 v8, v7;
	_ =	sdelay $0x1  }
0x530: {  	[tilespmem:v9+s21+$0x0] =	vst.idx.msk @p0 $0xffff, v8  }
0x531: {  	v8 =	vld.idx.msk @p0 [tilespmem:v10+s23+$0x0], $0xffff;
	_ =	sdelay $0x1  }
0x532: {  	v9 =	vor.u32 @p0 $0x5, v5  }
0x533: {  	v10 =	vor.u32 @p0 $0x6, v6;
	_ =	sdelay $0x1  }
0x534: {  	v8 =	vmul.f32 @p0 v8, v7;
	_ =	sdelay $0x1  }
0x535: {  	[tilespmem:v9+s21+$0x0] =	vst.idx.msk @p0 $0xffff, v8  }
0x536: {  	v8 =	vld.idx.msk @p0 [tilespmem:v10+s23+$0x0], $0xffff;
	_ =	sdelay $0x1  }
0x537: {  	v9 =	vor.u32 @p0 $0x6, v5  }
0x538: {  	v6 =	vor.u32 @p0 $0x7, v6;
	_ =	sdelay $0x1  }
0x539: {  	v8 =	vmul.f32 @p0 v8, v7;
	_ =	sdelay $0x1  }
0x53a: {  	[tilespmem:v9+s21+$0x0] =	vst.idx.msk @p0 $0xffff, v8  }
0x53b: {  	v6 =	vld.idx.msk @p0 [tilespmem:v6+s23+$0x0], $0xffff;
	_ =	sdelay $0x1  }
0x53c: {  	v5 =	vor.u32 @p0 $0x7, v5;
	_ =	sdelay $0x2  }
0x53d: {  	s28 =	sadd.s32 $0x1, s19;
	v6 =	vmul.f32 @p0 v6, v7  }
0x53e: {  	v7 =	vmov s28  }
0x53f: {  	[tilespmem:v5+s21+$0x0] =	vst.idx.msk @p0 $0xffff, v6;
	v5 =	vand.u32 $0x78, v7  }
0x540: {  	s24 =	simm.s32 @p0 $0x3430;
	s26 =	simm.s32 @p0 $0x1;
	s23 =	simm.s32 @p0 $0x10;
	v6 =	vand.u32 $0x7, v7;
	v5 =	vadd.s32 v4, v5  }
0x541: {  	[spmem:s2] =	stream.indirect.scatter.add.f32 @p0 [tilespmem:s21], [sflag:$0x1], $0x8, s24, s23, $0xb8;
	v5 =	vor.u32 v6, v5;
	[tilespmem:$0x14678] =	vst v63  }
0x542: {  	s23 =	simm.s32 $0x2;
	s21 =	smov.u32 s18;
	_ =	swait.ge @p0 [sflag:s26], $0x80  }
.LBB2_62:
0x543: {  	[sflag:s26] =	ssyncset.done @p0 $0x0  }
0x544: {  	s21 =	sadd.s32 $0x10, s21;
	s24 =	smov.u32 s23;
	s23 =	sadd.s32 $0x1, s23  }
0x545: {  	p1 =	sne.s32 s23, $0x10;
	[sflag:s26] =	ssyncadd.s32 @p0 $0xFFFFFF80  }
0x546: {  	v5 =	vld.idx.msk [tilespmem:v5+s12+$0x0], $0xffff;
	_ =	sdelay $0x5  }
0x547: {  	vm0 =	veq.s32 v5, $0x0  }
0x548: {  	v5 =	vsel vm0, $0x0, v2  }
0x549: {  	(xrf0) =	vmax.scan.msk.f32 $0xffff, v5;
	_ =	sdelay $0x5  }
0x54a: {  	v5, _, _ =	vpop (xrf0)  }
0x54b: {  	(v2sf) =	vpush v5, $0xF;
	_ =	sdelay $0xe  }
0x54c: {  	s25 =	spop (v2sf)  }
0x54d: {  	p0 =	sgt.f32 s25, $0.0e+00;
	_ =	sdelay $0x1  }
0x54e: {  	v5 =	vlaneseq.u32 @p0  }
0x54f: {  	v6 =	vor.u32 @p0 s21, v5;
	v7 =	vor.u32 @p0 $0xFFFFFFF8, v5;
	v5 =	vmul.u32 @p0 $0x8, v5  }
0x550: {  	v7 =	vand.u32 @p0 v7, v6;
	v6 =	vshll.u32 @p0 v6, $0x3  }
0x551: {  	v8 =	vor.u32 @p0 $0x1, v6;
	v9 =	vor.u32 @p0 $0x1, v5;
	v10 =	vor.u32 @p0 $0x2, v6  }
0x552: {  	v11 =	vor.u32 @p0 $0x2, v5;
	v12 =	vor.u32 @p0 $0x3, v6;
	v13 =	vor.u32 @p0 $0x3, v5  }
0x553: {  	v14 =	vor.u32 @p0 $0x4, v6;
	v15 =	vor.u32 @p0 $0x4, v5;
	v16 =	vor.u32 @p0 $0x5, v6  }
0x554: {  	s25 =	simm.s32 @p0 $0x420;
	v17 =	vor.u32 @p0 $0x5, v5;
	v18 =	vor.u32 @p0 $0x6, v6;
	v19 =	vor.u32 @p0 $0x6, v5  }
0x555: {  	v21 =	vor.u32 @p0 $0x7, v6;
	v22 =	vor.u32 @p0 $0x7, v5;
	v20 =	vld.idx.msk @p0 [tilespmem:v7+s25+$0x0], $0xffff;
	_ =	sdelay $0x5  }
0x556: {  	s26 =	simm.s32 @p0 $0x840;
	s25 =	simm.s32 @p0 $0x0;
	[tilespmem:$0x3430] =	vst @p0 v20  }
0x557: {  	v7 =	vld.idx.msk @p0 [tilespmem:v7+s25+$0x0], $0xffff  }
0x558: {  	v6 =	vld.idx.msk @p0 [tilespmem:v6+s26+$0x0], $0xffff;
	_ =	sdelay $0x5  }
0x559: {  	s25 =	simm.s32 @p0 $0x33B0;
	v6 =	vmul.f32 @p0 v6, v7;
	_ =	sdelay $0x1  }
0x55a: {  	[tilespmem:v5+s25+$0x0] =	vst.idx.msk @p0 $0xffff, v6  }
0x55b: {  	v5 =	vld.idx.msk @p0 [tilespmem:v8+s26+$0x0], $0xffff;
	_ =	sdelay $0x5  }
0x55c: {  	v5 =	vmul.f32 @p0 v5, v7;
	_ =	sdelay $0x1  }
0x55d: {  	[tilespmem:v9+s25+$0x0] =	vst.idx.msk @p0 $0xffff, v5  }
0x55e: {  	v5 =	vld.idx.msk @p0 [tilespmem:v10+s26+$0x0], $0xffff;
	_ =	sdelay $0x5  }
0x55f: {  	v5 =	vmul.f32 @p0 v5, v7;
	_ =	sdelay $0x1  }
0x560: {  	[tilespmem:v11+s25+$0x0] =	vst.idx.msk @p0 $0xffff, v5  }
0x561: {  	v5 =	vld.idx.msk @p0 [tilespmem:v12+s26+$0x0], $0xffff;
	_ =	sdelay $0x5  }
0x562: {  	v5 =	vmul.f32 @p0 v5, v7;
	_ =	sdelay $0x1  }
0x563: {  	[tilespmem:v13+s25+$0x0] =	vst.idx.msk @p0 $0xffff, v5  }
0x564: {  	v5 =	vld.idx.msk @p0 [tilespmem:v14+s26+$0x0], $0xffff;
	_ =	sdelay $0x5  }
0x565: {  	v5 =	vmul.f32 @p0 v5, v7;
	_ =	sdelay $0x1  }
0x566: {  	[tilespmem:v15+s25+$0x0] =	vst.idx.msk @p0 $0xffff, v5  }
0x567: {  	v5 =	vld.idx.msk @p0 [tilespmem:v16+s26+$0x0], $0xffff;
	_ =	sdelay $0x5  }
0x568: {  	v5 =	vmul.f32 @p0 v5, v7;
	_ =	sdelay $0x1  }
0x569: {  	[tilespmem:v17+s25+$0x0] =	vst.idx.msk @p0 $0xffff, v5  }
0x56a: {  	v5 =	vld.idx.msk @p0 [tilespmem:v18+s26+$0x0], $0xffff;
	_ =	sdelay $0x5  }
0x56b: {  	v5 =	vmul.f32 @p0 v5, v7;
	_ =	sdelay $0x1  }
0x56c: {  	[tilespmem:v19+s25+$0x0] =	vst.idx.msk @p0 $0xffff, v5  }
0x56d: {  	v5 =	vld.idx.msk @p0 [tilespmem:v21+s26+$0x0], $0xffff;
	_ =	sdelay $0x3  }
0x56e: {  	s24 =	sadd.s32 s24, s19  }
0x56f: {  	v6 =	vmov s24  }
.Ltmp57:
0x570: {  	v8 =	vand.u32 $0x78, v6;
	v7 =	vmul.f32 @p0 v5, v7;
	(pc) =	sbr.rel @p1 .LBB2_62-.Ltmp57, $4  }
0x571: {  	s28 =	simm.s32 @p0 $0x3430;
	s24 =	simm.s32 @p0 $0x10;
	v5 =	vand.u32 $0x7, v6;
	v6 =	vadd.s32 v4, v8  }
0x572: {  	s26 =	simm.s32 @p0 $0x1;
	v5 =	vor.u32 v5, v6;
	[tilespmem:v22+s25+$0x0] =	vst.idx.msk @p0 $0xffff, v7  }
0x573: {  	[spmem:s2] =	stream.indirect.scatter.add.f32 @p0 [tilespmem:s25], [sflag:$0x1], $0x8, s28, s24, $0xb8;
	[tilespmem:$0x14678] =	vst v63  }
0x574: {  	_ =	swait.ge @p0 [sflag:s26], $0x80  }
.Ltmp58:
0x575: {  	_ = 	snop;
	(pc) =	sbr.rel .LBB2_63-.Ltmp58, $1  }
0x576: {  	_ =	sdelay $0x3  }
.LBB2_66:
0x577: {  	[bflag:$0x0] =	sbarrier.arrive $0xFFFF  }
0x578: {  	s17 =	rddreg [dreg:$0xf]  }
0x579: {  	[hbm:s17], [sflag:s15] =	dma.local [spmem:s16], $0x1FA4  }
.Ltmp59:
0x57a: {  	_ =	swait.ge [sflag:s10], $0x1FA4;
	(pc) =	sbr.rel .LBB2_67-.Ltmp59, $4  }
0x57b: {  	[sflag:s10] =	ssyncset.done $0x0  }
0x57c: {  	[sflag:s10] =	ssyncadd.s32 $0xFFFFE05C  }
0x57d: {  	[bflag:$0x0] =	sbarrier.arrive $0xFFFF  }
0x57e: {  	s17 =	simm.s32 $0x0  }
.LBB2_74:
0x57f: {  	s17 =	sadd.s32 $0x1, s17  }
0x580: {  	p0 =	sne.s32 s17, $0x1E  }
.Ltmp60:
0x581: {  	_ = 	snop;
	(pc) =	sbr.rel @!p0 .LBB2_75-.Ltmp60, $1  }
0x582: {  	_ =	sdelay $0x3  }
.LBB2_67:
0x583: {  	v4 =	vmov s17;
	_ =	sdelay $0x4  }
0x584: {  	v3 =	vld.idx.msk [tilespmem:v4+s9+$0x0], $0xffff;
	_ =	sdelay $0x4  }
0x585: {  	vm0 =	veq.s32 v3, $0x0  }
0x586: {  	v3 =	vsel vm0, $0x0, v2  }
0x587: {  	(xrf0) =	vmax.scan.msk.f32 $0xffff, v3;
	_ =	sdelay $0x5  }
0x588: {  	v3, _, _ =	vpop (xrf0)  }
0x589: {  	(v2sf) =	vpush v3, $0xF;
	_ =	sdelay $0xe  }
0x58a: {  	s18 =	spop (v2sf)  }
0x58b: {  	p0 =	sgt.f32 s18, $0.0e+00  }
.Ltmp61:
0x58c: {  	_ = 	snop;
	(pc) =	sbr.rel @!p0 .LBB2_74-.Ltmp61, $1  }
0x58d: {  	_ =	sdelay $0x3  }
0x58e: {  	s18 =	smul.u32 $0x4200, s17;
	_ =	sdelay $0x1  }
0x58f: {  	s18 =	sadd.s32 s6, s18  }
0x590: {  	s18 =	sshrl.u32 s18, $0x3  }
.Ltmp62:
0x591: {  	s19 =	sadd.s32 s5, s18;
	s18 =	simm.s32 $0x0;
	(pc) =	sbr.rel .LBB2_69-.Ltmp62, $4  }
0x592: {  	[tilespmem:s14], [sflag:$0x1] =	stream.linear.gather [hbm4b:s19+s18], $0x420, $0x38;
	[tilespmem:$0x14678] =	vst v63  }
0x593: {  	_ =	swait.ge [sflag:s10], $0x420  }
0x594: {  	[sflag:s10] =	ssyncset.done $0x0  }
0x595: {  	v3 =	vshll.u32 v4, $0x3;
	v4 =	vmul.u32 $0x50, v4;
	s20 =	simm.s32 $0x0;
	s19 =	simm.s32 $0x0;
	[sflag:s10] =	ssyncadd.s32 $0xFFFFFBE0  }
.LBB2_72:
0x596: {  	_ =	sdelay $0x2  }
0x597: {  	[sflag:s24] =	ssyncadd.s32 @p1 $0xFFFFFF80  }
0x598: {  	v5 =	vld.idx.msk [tilespmem:v5+s12+$0x0], $0xffff;
	_ =	sdelay $0x4  }
0x599: {  	vm0 =	veq.s32 v5, $0x0  }
0x59a: {  	v5 =	vsel vm0, $0x0, v2  }
0x59b: {  	(xrf0) =	vmax.scan.msk.f32 $0xffff, v5;
	_ =	sdelay $0x5  }
0x59c: {  	v5, _, _ =	vpop (xrf0)  }
0x59d: {  	(v2sf) =	vpush v5, $0xF;
	_ =	sdelay $0xe  }
0x59e: {  	s23 =	spop (v2sf)  }
0x59f: {  	p0 =	sgt.f32 s23, $0.0e+00;
	_ =	sdelay $0x1  }
0x5a0: {  	s21 =	sadd.s32 $0x10, s21;
	v5 =	vlaneseq.u32 @p0  }
0x5a1: {  	v5 =	vor.u32 @p0 s21, v5;
	_ =	sdelay $0x3  }
0x5a2: {  	s21 =	simm.s32 @p0 $0x420  }
0x5a3: {  	v5 =	vld.idx.msk @p0 [tilespmem:v5+s21+$0x0], $0xffff;
	_ =	sdelay $0x3  }
0x5a4: {  	s23 =	simm.s32 @p0 $0x10  }
0x5a5: {  	s24 =	simm.s32 @p0 $0x3430;
	s25 =	simm.s32 @p0 $0x3440;
	s21 =	simm.s32 @p0 $0x1;
	[tilespmem:$0x3430] =	vst @p0 v5  }
0x5a6: {  	[spmem:s2] =	stream.indirect.scatter @p0 [tilespmem:s25], [sflag:$0x1], $0x8, s24, s23, $0xb8;
	[tilespmem:$0x14678] =	vst v63  }
0x5a7: {  	_ =	swait.ge @p0 [sflag:s21], $0x80  }
0x5a8: {  	[sflag:s21] =	ssyncset.done @p0 $0x0  }
0x5a9: {  	[sflag:s21] =	ssyncadd.s32 @p0 $0xFFFFFF80  }
.LBB2_73:
0x5aa: {  	s20 =	sadd.s32 $0x1, s20  }
0x5ab: {  	p0 =	sne.s32 s20, $0x5  }
.Ltmp63:
0x5ac: {  	_ = 	snop;
	(pc) =	sbr.rel @!p0 .LBB2_74-.Ltmp63, $2  }
0x5ad: {  	_ =	sdelay $0x2  }
0x5ae: {  	s18 =	sadd.s32 $0x100, s18;
	s19 =	sadd.s32 $0x10, s19  }
.LBB2_69:
0x5af: {  	v5 =	vmov s20  }
0x5b0: {  	v5 =	vand.u32 $0x7, v5  }
0x5b1: {  	v5 =	vbroadcast v5, $0x0;
	_ =	sdelay $0x1  }
0x5b2: {  	v5 =	vor.u32 v3, v5;
	_ =	sdelay $0x4  }
0x5b3: {  	v5 =	vld.idx.msk [tilespmem:v5+s11+$0x0], $0xffff;
	_ =	sdelay $0x4  }
0x5b4: {  	vm0 =	veq.s32 v5, $0x0  }
0x5b5: {  	v5 =	vsel vm0, $0x0, v2  }
0x5b6: {  	(xrf0) =	vmax.scan.msk.f32 $0xffff, v5;
	_ =	sdelay $0x5  }
0x5b7: {  	v5, _, _ =	vpop (xrf0)  }
0x5b8: {  	(v2sf) =	vpush v5, $0xF;
	_ =	sdelay $0xe  }
0x5b9: {  	s21 =	spop (v2sf)  }
0x5ba: {  	p0 =	sgt.f32 s21, $0.0e+00  }
.Ltmp64:
0x5bb: {  	_ = 	snop;
	(pc) =	sbr.rel @!p0 .LBB2_73-.Ltmp64, $1  }
0x5bc: {  	_ =	sdelay $0x3  }
0x5bd: {  	s21 =	sadd.s32 $0x0, s19  }
0x5be: {  	v5 =	vmov s21  }
0x5bf: {  	v6 =	vand.u32 $0x78, v5  }
0x5c0: {  	v5 =	vand.u32 $0x7, v5;
	v6 =	vadd.s32 v4, v6  }
0x5c1: {  	v5 =	vor.u32 v5, v6;
	_ =	sdelay $0x4  }
0x5c2: {  	v5 =	vld.idx.msk [tilespmem:v5+s12+$0x0], $0xffff;
	_ =	sdelay $0x4  }
0x5c3: {  	vm0 =	veq.s32 v5, $0x0  }
0x5c4: {  	v5 =	vsel vm0, $0x0, v2  }
0x5c5: {  	(xrf0) =	vmax.scan.msk.f32 $0xffff, v5;
	_ =	sdelay $0x5  }
0x5c6: {  	v5, _, _ =	vpop (xrf0)  }
0x5c7: {  	(v2sf) =	vpush v5, $0xF;
	_ =	sdelay $0xe  }
0x5c8: {  	s26 =	spop (v2sf)  }
0x5c9: {  	p1 =	sgt.f32 s26, $0.0e+00;
	_ =	sdelay $0x1  }
0x5ca: {  	v5 =	vlaneseq.u32 @p1  }
0x5cb: {  	v5 =	vor.u32 @p1 s18, v5;
	_ =	sdelay $0x3  }
0x5cc: {  	s21 =	simm.s32 @p1 $0x420  }
0x5cd: {  	v5 =	vld.idx.msk @p1 [tilespmem:v5+s21+$0x0], $0xffff;
	_ =	sdelay $0x2  }
0x5ce: {  	s28 =	sadd.s32 $0x1, s19  }
0x5cf: {  	v6 =	vmov s28  }
0x5d0: {  	s24 =	simm.s32 @p1 $0x1;
	[tilespmem:$0x3430] =	vst @p1 v5;
	v5 =	vand.u32 $0x78, v6  }
0x5d1: {  	s23 =	simm.s32 @p1 $0x3430;
	s25 =	simm.s32 @p1 $0x3440;
	s21 =	simm.s32 @p1 $0x10;
	v6 =	vand.u32 $0x7, v6;
	v5 =	vadd.s32 v4, v5  }
0x5d2: {  	[spmem:s2] =	stream.indirect.scatter @p1 [tilespmem:s25], [sflag:$0x1], $0x8, s23, s21, $0xb8;
	v5 =	vor.u32 v6, v5;
	[tilespmem:$0x14678] =	vst v63  }
0x5d3: {  	_ =	swait.ge @p1 [sflag:s24], $0x80  }
0x5d4: {  	s23 =	simm.s32 $0x2;
	s21 =	smov.u32 s18;
	[sflag:s24] =	ssyncset.done @p1 $0x0  }
.LBB2_71:
0x5d5: {  	[sflag:s24] =	ssyncadd.s32 @p1 $0xFFFFFF80  }
0x5d6: {  	s21 =	sadd.s32 $0x10, s21;
	s24 =	smov.u32 s23;
	s23 =	sadd.s32 $0x1, s23  }
0x5d7: {  	p0 =	sne.s32 s23, $0x10;
	v5 =	vld.idx.msk [tilespmem:v5+s12+$0x0], $0xffff;
	_ =	sdelay $0x5  }
0x5d8: {  	vm0 =	veq.s32 v5, $0x0  }
0x5d9: {  	v5 =	vsel vm0, $0x0, v2  }
0x5da: {  	(xrf0) =	vmax.scan.msk.f32 $0xffff, v5;
	_ =	sdelay $0x5  }
0x5db: {  	v5, _, _ =	vpop (xrf0)  }
0x5dc: {  	(v2sf) =	vpush v5, $0xF;
	_ =	sdelay $0xe  }
0x5dd: {  	s25 =	spop (v2sf)  }
0x5de: {  	p1 =	sgt.f32 s25, $0.0e+00;
	_ =	sdelay $0x1  }
0x5df: {  	v5 =	vlaneseq.u32 @p1  }
0x5e0: {  	v5 =	vor.u32 @p1 s21, v5;
	_ =	sdelay $0x3  }
0x5e1: {  	s25 =	simm.s32 @p1 $0x420  }
0x5e2: {  	v6 =	vld.idx.msk @p1 [tilespmem:v5+s25+$0x0], $0xffff;
	_ =	sdelay $0x1  }
0x5e3: {  	s24 =	sadd.s32 s24, s19  }
0x5e4: {  	v5 =	vmov s24  }
0x5e5: {  	v7 =	vand.u32 $0x78, v5  }
.Ltmp65:
0x5e6: {  	s24 =	simm.s32 @p1 $0x1;
	v5 =	vand.u32 $0x7, v5;
	v7 =	vadd.s32 v4, v7;
	(pc) =	sbr.rel @p0 .LBB2_71-.Ltmp65, $4  }
0x5e7: {  	s26 =	simm.s32 @p1 $0x3430;
	s28 =	simm.s32 @p1 $0x3440;
	s25 =	simm.s32 @p1 $0x10;
	v5 =	vor.u32 v5, v7;
	[tilespmem:$0x3430] =	vst @p1 v6  }
0x5e8: {  	[spmem:s2] =	stream.indirect.scatter @p1 [tilespmem:s28], [sflag:$0x1], $0x8, s26, s25, $0xb8;
	[tilespmem:$0x14678] =	vst v63  }
0x5e9: {  	_ =	swait.ge @p1 [sflag:s24], $0x80  }
0x5ea: {  	[sflag:s24] =	ssyncset.done @p1 $0x0  }
.Ltmp66:
0x5eb: {  	_ = 	snop;
	(pc) =	sbr.rel .LBB2_72-.Ltmp66, $1  }
0x5ec: {  	_ =	sdelay $0x3  }
.LBB2_75:
0x5ed: {  	s17 =	simm.s32 $0x0;
	s18 =	rddreg [dreg:$0x10]  }
0x5ee: {  	[tilespmem:s13], [sflag:$0x1] =	stream.linear.gather [hbm4b:s18+s17], $0x2100, $0x38;
	[tilespmem:$0x14678] =	vst v63  }
.Ltmp67:
0x5ef: {  	_ =	swait.ge [sflag:s10], $0x2100;
	(pc) =	sbr.rel .LBB2_76-.Ltmp67, $3  }
0x5f0: {  	[sflag:s10] =	ssyncset.done $0x0  }
0x5f1: {  	[sflag:s10] =	ssyncadd.s32 $0xFFFFDF00  }
0x5f2: {  	[bflag:$0x0] =	sbarrier.arrive $0xFFFF;
	_ =	sdelay $0x1  }
.LBB2_83:
0x5f3: {  	s17 =	sadd.s32 $0x1, s17  }
0x5f4: {  	p0 =	sne.s32 s17, $0x1E  }
.Ltmp68:
0x5f5: {  	_ = 	snop;
	(pc) =	sbr.rel @!p0 .LBB2_84-.Ltmp68, $1  }
0x5f6: {  	_ =	sdelay $0x3  }
.LBB2_76:
0x5f7: {  	v4 =	vmov s17;
	_ =	sdelay $0x4  }
0x5f8: {  	v3 =	vld.idx.msk [tilespmem:v4+s9+$0x0], $0xffff;
	_ =	sdelay $0x4  }
0x5f9: {  	vm0 =	veq.s32 v3, $0x0  }
0x5fa: {  	v3 =	vsel vm0, $0x0, v2  }
0x5fb: {  	(xrf0) =	vmax.scan.msk.f32 $0xffff, v3;
	_ =	sdelay $0x5  }
0x5fc: {  	v3, _, _ =	vpop (xrf0)  }
0x5fd: {  	(v2sf) =	vpush v3, $0xF;
	_ =	sdelay $0xe  }
0x5fe: {  	s18 =	spop (v2sf)  }
0x5ff: {  	p0 =	sgt.f32 s18, $0.0e+00  }
.Ltmp69:
0x600: {  	_ = 	snop;
	(pc) =	sbr.rel @!p0 .LBB2_83-.Ltmp69, $1  }
0x601: {  	_ =	sdelay $0x3  }
0x602: {  	s18 =	smul.u32 $0x4200, s17;
	_ =	sdelay $0x1  }
0x603: {  	s18 =	sadd.s32 s6, s18  }
0x604: {  	s19 =	sshrl.u32 s18, $0x3  }
0x605: {  	s18 =	simm.s32 $0x0;
	s20 =	sadd.s32 s4, s19  }
0x606: {  	[tilespmem:s18], [sflag:$0x1] =	stream.linear.gather [hbm4b:s20+s18], $0x420, $0x38;
	[tilespmem:$0x14678] =	vst v63  }
0x607: {  	_ =	swait.ge [sflag:s10], $0x420  }
0x608: {  	[sflag:s10] =	ssyncset.done $0x0  }
.Ltmp70:
0x609: {  	s19 =	sadd.s32 s5, s19;
	[sflag:s10] =	ssyncadd.s32 $0xFFFFFBE0;
	(pc) =	sbr.rel .LBB2_78-.Ltmp70, $4  }
0x60a: {  	[tilespmem:s14], [sflag:$0x1] =	stream.linear.gather [hbm4b:s19+s18], $0x420, $0x38;
	[tilespmem:$0x14678] =	vst v63  }
0x60b: {  	_ =	swait.ge [sflag:s10], $0x420  }
0x60c: {  	[sflag:s10] =	ssyncset.done $0x0  }
0x60d: {  	v3 =	vshll.u32 v4, $0x3;
	v4 =	vmul.u32 $0x50, v4;
	s20 =	simm.s32 $0x0;
	s19 =	simm.s32 $0x0;
	[sflag:s10] =	ssyncadd.s32 $0xFFFFFBE0  }
.LBB2_81:
0x60e: {  	_ =	sdelay $0x1  }
0x60f: {  	[sflag:s26] =	ssyncset.done @p0 $0x0  }
0x610: {  	[sflag:s26] =	ssyncadd.s32 @p0 $0xFFFFFF80  }
0x611: {  	v5 =	vld.idx.msk [tilespmem:v5+s12+$0x0], $0xffff;
	_ =	sdelay $0x4  }
0x612: {  	vm0 =	veq.s32 v5, $0x0  }
0x613: {  	v5 =	vsel vm0, $0x0, v2  }
0x614: {  	(xrf0) =	vmax.scan.msk.f32 $0xffff, v5;
	_ =	sdelay $0x5  }
0x615: {  	v5, _, _ =	vpop (xrf0)  }
0x616: {  	(v2sf) =	vpush v5, $0xF;
	_ =	sdelay $0xe  }
0x617: {  	s23 =	spop (v2sf)  }
0x618: {  	p0 =	sgt.f32 s23, $0.0e+00;
	_ =	sdelay $0x1  }
0x619: {  	s21 =	sadd.s32 $0x10, s21;
	v5 =	vlaneseq.u32 @p0  }
0x61a: {  	v6 =	vor.u32 @p0 s21, v5;
	v7 =	vor.u32 @p0 $0xFFFFFFF8, v5  }
0x61b: {  	v7 =	vand.u32 @p0 v7, v6;
	_ =	sdelay $0x3  }
0x61c: {  	s21 =	simm.s32 @p0 $0x420  }
0x61d: {  	v8 =	vld.idx.msk @p0 [tilespmem:v7+s21+$0x0], $0xffff;
	_ =	sdelay $0x1  }
0x61e: {  	v6 =	vshll.u32 @p0 v6, $0x3;
	_ =	sdelay $0x2  }
0x61f: {  	s21 =	simm.s32 @p0 $0x0;
	[tilespmem:$0x3430] =	vst @p0 v8  }
0x620: {  	s23 =	simm.s32 @p0 $0x840;
	v7 =	vld.idx.msk @p0 [tilespmem:v7+s21+$0x0], $0xffff  }
0x621: {  	v8 =	vld.idx.msk @p0 [tilespmem:v6+s23+$0x0], $0xffff  }
0x622: {  	v5 =	vmul.u32 @p0 $0x8, v5;
	_ =	sdelay $0x1  }
0x623: {  	v9 =	vor.u32 @p0 $0x1, v6;
	_ =	sdelay $0x1  }
0x624: {  	v8 =	vmul.f32 @p0 v8, v7  }
0x625: {  	s21 =	simm.s32 @p0 $0x33B0  }
0x626: {  	[tilespmem:v5+s21+$0x0] =	vst.idx.msk @p0 $0xffff, v8  }
0x627: {  	v8 =	vld.idx.msk @p0 [tilespmem:v9+s23+$0x0], $0xffff;
	_ =	sdelay $0x1  }
0x628: {  	v9 =	vor.u32 @p0 $0x1, v5  }
0x629: {  	v10 =	vor.u32 @p0 $0x2, v6;
	_ =	sdelay $0x1  }
0x62a: {  	v8 =	vmul.f32 @p0 v8, v7;
	_ =	sdelay $0x1  }
0x62b: {  	[tilespmem:v9+s21+$0x0] =	vst.idx.msk @p0 $0xffff, v8  }
0x62c: {  	v8 =	vld.idx.msk @p0 [tilespmem:v10+s23+$0x0], $0xffff;
	_ =	sdelay $0x1  }
0x62d: {  	v9 =	vor.u32 @p0 $0x2, v5  }
0x62e: {  	v10 =	vor.u32 @p0 $0x3, v6;
	_ =	sdelay $0x1  }
0x62f: {  	v8 =	vmul.f32 @p0 v8, v7;
	_ =	sdelay $0x1  }
0x630: {  	[tilespmem:v9+s21+$0x0] =	vst.idx.msk @p0 $0xffff, v8  }
0x631: {  	v8 =	vld.idx.msk @p0 [tilespmem:v10+s23+$0x0], $0xffff;
	_ =	sdelay $0x1  }
0x632: {  	v9 =	vor.u32 @p0 $0x3, v5  }
0x633: {  	v10 =	vor.u32 @p0 $0x4, v6;
	_ =	sdelay $0x1  }
0x634: {  	v8 =	vmul.f32 @p0 v8, v7;
	_ =	sdelay $0x1  }
0x635: {  	[tilespmem:v9+s21+$0x0] =	vst.idx.msk @p0 $0xffff, v8  }
0x636: {  	v8 =	vld.idx.msk @p0 [tilespmem:v10+s23+$0x0], $0xffff;
	_ =	sdelay $0x1  }
0x637: {  	v9 =	vor.u32 @p0 $0x4, v5  }
0x638: {  	v10 =	vor.u32 @p0 $0x5, v6;
	_ =	sdelay $0x1  }
0x639: {  	v8 =	vmul.f32 @p0 v8, v7;
	_ =	sdelay $0x1  }
0x63a: {  	[tilespmem:v9+s21+$0x0] =	vst.idx.msk @p0 $0xffff, v8  }
0x63b: {  	v8 =	vld.idx.msk @p0 [tilespmem:v10+s23+$0x0], $0xffff;
	_ =	sdelay $0x1  }
0x63c: {  	v9 =	vor.u32 @p0 $0x5, v5  }
0x63d: {  	v10 =	vor.u32 @p0 $0x6, v6;
	_ =	sdelay $0x1  }
0x63e: {  	v8 =	vmul.f32 @p0 v8, v7;
	_ =	sdelay $0x1  }
0x63f: {  	[tilespmem:v9+s21+$0x0] =	vst.idx.msk @p0 $0xffff, v8  }
0x640: {  	v8 =	vld.idx.msk @p0 [tilespmem:v10+s23+$0x0], $0xffff;
	_ =	sdelay $0x1  }
0x641: {  	v9 =	vor.u32 @p0 $0x6, v5  }
0x642: {  	v6 =	vor.u32 @p0 $0x7, v6;
	_ =	sdelay $0x1  }
0x643: {  	v8 =	vmul.f32 @p0 v8, v7;
	_ =	sdelay $0x1  }
0x644: {  	[tilespmem:v9+s21+$0x0] =	vst.idx.msk @p0 $0xffff, v8  }
0x645: {  	v6 =	vld.idx.msk @p0 [tilespmem:v6+s23+$0x0], $0xffff;
	_ =	sdelay $0x1  }
0x646: {  	v5 =	vor.u32 @p0 $0x7, v5;
	_ =	sdelay $0x2  }
0x647: {  	v6 =	vmul.f32 @p0 v6, v7;
	_ =	sdelay $0x1  }
0x648: {  	s24 =	simm.s32 @p0 $0x3430;
	s25 =	simm.s32 @p0 $0x1;
	s23 =	simm.s32 @p0 $0x10;
	[tilespmem:v5+s21+$0x0] =	vst.idx.msk @p0 $0xffff, v6  }
0x649: {  	[spmem:s2] =	stream.indirect.scatter.add.f32 @p0 [tilespmem:s21], [sflag:$0x1], $0x8, s24, s23, $0xb8;
	[tilespmem:$0x14678] =	vst v63  }
0x64a: {  	_ =	swait.ge @p0 [sflag:s25], $0x80  }
0x64b: {  	[sflag:s25] =	ssyncset.done @p0 $0x0  }
0x64c: {  	[sflag:s25] =	ssyncadd.s32 @p0 $0xFFFFFF80  }
.LBB2_82:
0x64d: {  	s20 =	sadd.s32 $0x1, s20  }
0x64e: {  	p0 =	sne.s32 s20, $0x5  }
.Ltmp71:
0x64f: {  	_ = 	snop;
	(pc) =	sbr.rel @!p0 .LBB2_83-.Ltmp71, $2  }
0x650: {  	_ =	sdelay $0x2  }
0x651: {  	s18 =	sadd.s32 $0x100, s18;
	s19 =	sadd.s32 $0x10, s19  }
.LBB2_78:
0x652: {  	v5 =	vmov s20  }
0x653: {  	v5 =	vand.u32 $0x7, v5  }
0x654: {  	v5 =	vbroadcast v5, $0x0;
	_ =	sdelay $0x1  }
0x655: {  	v5 =	vor.u32 v3, v5;
	_ =	sdelay $0x4  }
0x656: {  	v5 =	vld.idx.msk [tilespmem:v5+s11+$0x0], $0xffff;
	_ =	sdelay $0x4  }
0x657: {  	vm0 =	veq.s32 v5, $0x0  }
0x658: {  	v5 =	vsel vm0, $0x0, v2  }
0x659: {  	(xrf0) =	vmax.scan.msk.f32 $0xffff, v5;
	_ =	sdelay $0x5  }
0x65a: {  	v5, _, _ =	vpop (xrf0)  }
0x65b: {  	(v2sf) =	vpush v5, $0xF;
	_ =	sdelay $0xe  }
0x65c: {  	s21 =	spop (v2sf)  }
0x65d: {  	p0 =	sgt.f32 s21, $0.0e+00  }
.Ltmp72:
0x65e: {  	_ = 	snop;
	(pc) =	sbr.rel @!p0 .LBB2_82-.Ltmp72, $1  }
0x65f: {  	_ =	sdelay $0x3  }
0x660: {  	s21 =	sadd.s32 $0x0, s19  }
0x661: {  	v5 =	vmov s21  }
0x662: {  	v6 =	vand.u32 $0x78, v5  }
0x663: {  	v5 =	vand.u32 $0x7, v5;
	v6 =	vadd.s32 v4, v6  }
0x664: {  	v5 =	vor.u32 v5, v6;
	_ =	sdelay $0x4  }
0x665: {  	v5 =	vld.idx.msk [tilespmem:v5+s12+$0x0], $0xffff;
	_ =	sdelay $0x4  }
0x666: {  	vm0 =	veq.s32 v5, $0x0  }
0x667: {  	v5 =	vsel vm0, $0x0, v2  }
0x668: {  	(xrf0) =	vmax.scan.msk.f32 $0xffff, v5;
	_ =	sdelay $0x5  }
0x669: {  	v5, _, _ =	vpop (xrf0)  }
0x66a: {  	(v2sf) =	vpush v5, $0xF;
	_ =	sdelay $0xe  }
0x66b: {  	s26 =	spop (v2sf)  }
0x66c: {  	p0 =	sgt.f32 s26, $0.0e+00;
	_ =	sdelay $0x1  }
0x66d: {  	v5 =	vlaneseq.u32 @p0  }
0x66e: {  	v6 =	vor.u32 @p0 s18, v5;
	v7 =	vor.u32 @p0 $0xFFFFFFF8, v5  }
0x66f: {  	v7 =	vand.u32 @p0 v7, v6;
	_ =	sdelay $0x3  }
0x670: {  	s21 =	simm.s32 @p0 $0x420  }
0x671: {  	v8 =	vld.idx.msk @p0 [tilespmem:v7+s21+$0x0], $0xffff;
	_ =	sdelay $0x1  }
0x672: {  	v6 =	vshll.u32 @p0 v6, $0x3;
	_ =	sdelay $0x2  }
0x673: {  	s21 =	simm.s32 @p0 $0x0;
	[tilespmem:$0x3430] =	vst @p0 v8  }
0x674: {  	s23 =	simm.s32 @p0 $0x840;
	v7 =	vld.idx.msk @p0 [tilespmem:v7+s21+$0x0], $0xffff  }
0x675: {  	v8 =	vld.idx.msk @p0 [tilespmem:v6+s23+$0x0], $0xffff  }
0x676: {  	v5 =	vmul.u32 @p0 $0x8, v5;
	_ =	sdelay $0x1  }
0x677: {  	v9 =	vor.u32 @p0 $0x1, v6;
	_ =	sdelay $0x1  }
0x678: {  	v8 =	vmul.f32 @p0 v8, v7  }
0x679: {  	s21 =	simm.s32 @p0 $0x33B0  }
0x67a: {  	[tilespmem:v5+s21+$0x0] =	vst.idx.msk @p0 $0xffff, v8  }
0x67b: {  	v8 =	vld.idx.msk @p0 [tilespmem:v9+s23+$0x0], $0xffff;
	_ =	sdelay $0x1  }
0x67c: {  	v9 =	vor.u32 @p0 $0x1, v5  }
0x67d: {  	v10 =	vor.u32 @p0 $0x2, v6;
	_ =	sdelay $0x1  }
0x67e: {  	v8 =	vmul.f32 @p0 v8, v7;
	_ =	sdelay $0x1  }
0x67f: {  	[tilespmem:v9+s21+$0x0] =	vst.idx.msk @p0 $0xffff, v8  }
0x680: {  	v8 =	vld.idx.msk @p0 [tilespmem:v10+s23+$0x0], $0xffff;
	_ =	sdelay $0x1  }
0x681: {  	v9 =	vor.u32 @p0 $0x2, v5  }
0x682: {  	v10 =	vor.u32 @p0 $0x3, v6;
	_ =	sdelay $0x1  }
0x683: {  	v8 =	vmul.f32 @p0 v8, v7;
	_ =	sdelay $0x1  }
0x684: {  	[tilespmem:v9+s21+$0x0] =	vst.idx.msk @p0 $0xffff, v8  }
0x685: {  	v8 =	vld.idx.msk @p0 [tilespmem:v10+s23+$0x0], $0xffff;
	_ =	sdelay $0x1  }
0x686: {  	v9 =	vor.u32 @p0 $0x3, v5  }
0x687: {  	v10 =	vor.u32 @p0 $0x4, v6;
	_ =	sdelay $0x1  }
0x688: {  	v8 =	vmul.f32 @p0 v8, v7;
	_ =	sdelay $0x1  }
0x689: {  	[tilespmem:v9+s21+$0x0] =	vst.idx.msk @p0 $0xffff, v8  }
0x68a: {  	v8 =	vld.idx.msk @p0 [tilespmem:v10+s23+$0x0], $0xffff;
	_ =	sdelay $0x1  }
0x68b: {  	v9 =	vor.u32 @p0 $0x4, v5  }
0x68c: {  	v10 =	vor.u32 @p0 $0x5, v6;
	_ =	sdelay $0x1  }
0x68d: {  	v8 =	vmul.f32 @p0 v8, v7;
	_ =	sdelay $0x1  }
0x68e: {  	[tilespmem:v9+s21+$0x0] =	vst.idx.msk @p0 $0xffff, v8  }
0x68f: {  	v8 =	vld.idx.msk @p0 [tilespmem:v10+s23+$0x0], $0xffff;
	_ =	sdelay $0x1  }
0x690: {  	v9 =	vor.u32 @p0 $0x5, v5  }
0x691: {  	v10 =	vor.u32 @p0 $0x6, v6;
	_ =	sdelay $0x1  }
0x692: {  	v8 =	vmul.f32 @p0 v8, v7;
	_ =	sdelay $0x1  }
0x693: {  	[tilespmem:v9+s21+$0x0] =	vst.idx.msk @p0 $0xffff, v8  }
0x694: {  	v8 =	vld.idx.msk @p0 [tilespmem:v10+s23+$0x0], $0xffff;
	_ =	sdelay $0x1  }
0x695: {  	v9 =	vor.u32 @p0 $0x6, v5  }
0x696: {  	v6 =	vor.u32 @p0 $0x7, v6;
	_ =	sdelay $0x1  }
0x697: {  	v8 =	vmul.f32 @p0 v8, v7;
	_ =	sdelay $0x1  }
0x698: {  	[tilespmem:v9+s21+$0x0] =	vst.idx.msk @p0 $0xffff, v8  }
0x699: {  	v6 =	vld.idx.msk @p0 [tilespmem:v6+s23+$0x0], $0xffff;
	_ =	sdelay $0x1  }
0x69a: {  	v5 =	vor.u32 @p0 $0x7, v5;
	_ =	sdelay $0x2  }
0x69b: {  	s28 =	sadd.s32 $0x1, s19;
	v6 =	vmul.f32 @p0 v6, v7  }
0x69c: {  	v7 =	vmov s28  }
0x69d: {  	[tilespmem:v5+s21+$0x0] =	vst.idx.msk @p0 $0xffff, v6;
	v5 =	vand.u32 $0x78, v7  }
0x69e: {  	s24 =	simm.s32 @p0 $0x3430;
	s26 =	simm.s32 @p0 $0x1;
	s23 =	simm.s32 @p0 $0x10;
	v6 =	vand.u32 $0x7, v7;
	v5 =	vadd.s32 v4, v5  }
0x69f: {  	[spmem:s2] =	stream.indirect.scatter.add.f32 @p0 [tilespmem:s21], [sflag:$0x1], $0x8, s24, s23, $0xb8;
	v5 =	vor.u32 v6, v5;
	[tilespmem:$0x14678] =	vst v63  }
0x6a0: {  	s23 =	simm.s32 $0x2;
	s21 =	smov.u32 s18;
	_ =	swait.ge @p0 [sflag:s26], $0x80  }
.LBB2_80:
0x6a1: {  	[sflag:s26] =	ssyncset.done @p0 $0x0  }
0x6a2: {  	s21 =	sadd.s32 $0x10, s21;
	s24 =	smov.u32 s23;
	s23 =	sadd.s32 $0x1, s23  }
0x6a3: {  	p1 =	sne.s32 s23, $0x10;
	[sflag:s26] =	ssyncadd.s32 @p0 $0xFFFFFF80  }
0x6a4: {  	v5 =	vld.idx.msk [tilespmem:v5+s12+$0x0], $0xffff;
	_ =	sdelay $0x5  }
0x6a5: {  	vm0 =	veq.s32 v5, $0x0  }
0x6a6: {  	v5 =	vsel vm0, $0x0, v2  }
0x6a7: {  	(xrf0) =	vmax.scan.msk.f32 $0xffff, v5;
	_ =	sdelay $0x5  }
0x6a8: {  	v5, _, _ =	vpop (xrf0)  }
0x6a9: {  	(v2sf) =	vpush v5, $0xF;
	_ =	sdelay $0xe  }
0x6aa: {  	s25 =	spop (v2sf)  }
0x6ab: {  	p0 =	sgt.f32 s25, $0.0e+00;
	_ =	sdelay $0x1  }
0x6ac: {  	v5 =	vlaneseq.u32 @p0  }
0x6ad: {  	v6 =	vor.u32 @p0 s21, v5;
	v7 =	vor.u32 @p0 $0xFFFFFFF8, v5;
	v5 =	vmul.u32 @p0 $0x8, v5  }
0x6ae: {  	v7 =	vand.u32 @p0 v7, v6;
	v6 =	vshll.u32 @p0 v6, $0x3  }
0x6af: {  	v8 =	vor.u32 @p0 $0x1, v6;
	v9 =	vor.u32 @p0 $0x1, v5;
	v10 =	vor.u32 @p0 $0x2, v6  }
0x6b0: {  	v11 =	vor.u32 @p0 $0x2, v5;
	v12 =	vor.u32 @p0 $0x3, v6;
	v13 =	vor.u32 @p0 $0x3, v5  }
0x6b1: {  	v14 =	vor.u32 @p0 $0x4, v6;
	v15 =	vor.u32 @p0 $0x4, v5;
	v16 =	vor.u32 @p0 $0x5, v6  }
0x6b2: {  	s25 =	simm.s32 @p0 $0x420;
	v17 =	vor.u32 @p0 $0x5, v5;
	v18 =	vor.u32 @p0 $0x6, v6;
	v19 =	vor.u32 @p0 $0x6, v5  }
0x6b3: {  	v21 =	vor.u32 @p0 $0x7, v6;
	v22 =	vor.u32 @p0 $0x7, v5;
	v20 =	vld.idx.msk @p0 [tilespmem:v7+s25+$0x0], $0xffff;
	_ =	sdelay $0x5  }
0x6b4: {  	s26 =	simm.s32 @p0 $0x840;
	s25 =	simm.s32 @p0 $0x0;
	[tilespmem:$0x3430] =	vst @p0 v20  }
0x6b5: {  	v7 =	vld.idx.msk @p0 [tilespmem:v7+s25+$0x0], $0xffff  }
0x6b6: {  	v6 =	vld.idx.msk @p0 [tilespmem:v6+s26+$0x0], $0xffff;
	_ =	sdelay $0x5  }
0x6b7: {  	s25 =	simm.s32 @p0 $0x33B0;
	v6 =	vmul.f32 @p0 v6, v7;
	_ =	sdelay $0x1  }
0x6b8: {  	[tilespmem:v5+s25+$0x0] =	vst.idx.msk @p0 $0xffff, v6  }
0x6b9: {  	v5 =	vld.idx.msk @p0 [tilespmem:v8+s26+$0x0], $0xffff;
	_ =	sdelay $0x5  }
0x6ba: {  	v5 =	vmul.f32 @p0 v5, v7;
	_ =	sdelay $0x1  }
0x6bb: {  	[tilespmem:v9+s25+$0x0] =	vst.idx.msk @p0 $0xffff, v5  }
0x6bc: {  	v5 =	vld.idx.msk @p0 [tilespmem:v10+s26+$0x0], $0xffff;
	_ =	sdelay $0x5  }
0x6bd: {  	v5 =	vmul.f32 @p0 v5, v7;
	_ =	sdelay $0x1  }
0x6be: {  	[tilespmem:v11+s25+$0x0] =	vst.idx.msk @p0 $0xffff, v5  }
0x6bf: {  	v5 =	vld.idx.msk @p0 [tilespmem:v12+s26+$0x0], $0xffff;
	_ =	sdelay $0x5  }
0x6c0: {  	v5 =	vmul.f32 @p0 v5, v7;
	_ =	sdelay $0x1  }
0x6c1: {  	[tilespmem:v13+s25+$0x0] =	vst.idx.msk @p0 $0xffff, v5  }
0x6c2: {  	v5 =	vld.idx.msk @p0 [tilespmem:v14+s26+$0x0], $0xffff;
	_ =	sdelay $0x5  }
0x6c3: {  	v5 =	vmul.f32 @p0 v5, v7;
	_ =	sdelay $0x1  }
0x6c4: {  	[tilespmem:v15+s25+$0x0] =	vst.idx.msk @p0 $0xffff, v5  }
0x6c5: {  	v5 =	vld.idx.msk @p0 [tilespmem:v16+s26+$0x0], $0xffff;
	_ =	sdelay $0x5  }
0x6c6: {  	v5 =	vmul.f32 @p0 v5, v7;
	_ =	sdelay $0x1  }
0x6c7: {  	[tilespmem:v17+s25+$0x0] =	vst.idx.msk @p0 $0xffff, v5  }
0x6c8: {  	v5 =	vld.idx.msk @p0 [tilespmem:v18+s26+$0x0], $0xffff;
	_ =	sdelay $0x5  }
0x6c9: {  	v5 =	vmul.f32 @p0 v5, v7;
	_ =	sdelay $0x1  }
0x6ca: {  	[tilespmem:v19+s25+$0x0] =	vst.idx.msk @p0 $0xffff, v5  }
0x6cb: {  	v5 =	vld.idx.msk @p0 [tilespmem:v21+s26+$0x0], $0xffff;
	_ =	sdelay $0x3  }
0x6cc: {  	s24 =	sadd.s32 s24, s19  }
0x6cd: {  	v6 =	vmov s24  }
.Ltmp73:
0x6ce: {  	v8 =	vand.u32 $0x78, v6;
	v7 =	vmul.f32 @p0 v5, v7;
	(pc) =	sbr.rel @p1 .LBB2_80-.Ltmp73, $4  }
0x6cf: {  	s28 =	simm.s32 @p0 $0x3430;
	s24 =	simm.s32 @p0 $0x10;
	v5 =	vand.u32 $0x7, v6;
	v6 =	vadd.s32 v4, v8  }
0x6d0: {  	s26 =	simm.s32 @p0 $0x1;
	v5 =	vor.u32 v5, v6;
	[tilespmem:v22+s25+$0x0] =	vst.idx.msk @p0 $0xffff, v7  }
0x6d1: {  	[spmem:s2] =	stream.indirect.scatter.add.f32 @p0 [tilespmem:s25], [sflag:$0x1], $0x8, s28, s24, $0xb8;
	[tilespmem:$0x14678] =	vst v63  }
0x6d2: {  	_ =	swait.ge @p0 [sflag:s26], $0x80  }
.Ltmp74:
0x6d3: {  	_ = 	snop;
	(pc) =	sbr.rel .LBB2_81-.Ltmp74, $1  }
0x6d4: {  	_ =	sdelay $0x3  }
.LBB2_85:
0x6d5: {  	_ =	sfence.sel $0x180000  }
0x6d6: {  	[bflag:$0x0] =	sbarrier.arrive $0xFFFF  }
0x6d7: {  	_ =	strace $0x90000047  }
0x6d8: {  	s0 =	stileid.u32;
	[bflag:$0x2] =	sbarrier.arrive $0xFFFF  }
0x6d9: {  	p0 =	sne.s32 s0, $0x0;
	s0 =	rddreg [dreg:$0x3]  }
0x6da: {  	s0 =	sadd.s32 @!p0 $0x100000, s0  }
0x6db: {  	[sflag:s0] =	ssyncadd.tile.s32 @!p0 $0x1;
	_ =	shalt  }
.Lfunc_end2:
_tile_overlayer_lowered:
.L_overlay_start_2:
0x6dc: {  	(tag) =	ssettag $0x2  }
0x6dd: {  	s0 =	rddreg [dreg:$0x0];
	s2 =	stileid.u32  }
0x6de: {  	s1 =	rddreg [dreg:$0x1];
	p0 =	sne.s32 s2, $0x0  }
0x6df: {  	s3 =	rddreg [dreg:$0x2];
	[bflag:$0x3] =	sbarrier.arrive $0xFFFF;
	s2 =	simm.s32 @!p0 $0x1C01  }
0x6e0: {  	[timem:s3], [sflag:s2] =	dma.local @!p0 [hbm:s0], s1  }
0x6e1: {  	s0 =	simm.s32 @!p0 $0x1  }
0x6e2: {  	_ =	swait.ge @!p0 [sflag:s0], s1  }
0x6e3: {  	s1 =	ssub.s32 @!p0 $0x0, s1;
	[sflag:s0] =	ssyncset.done @!p0 $0x0  }
0x6e4: {  	[sflag:s0] =	ssyncadd.s32 @!p0 s1  }
0x6e5: {  	[bflag:$0x3] =	sbarrier.arrive $0xFFFF  }
0x6e6: {  	_ =	shalt  }

// kernel: sparse-core-data-format-call.cloned.1.call-start
scs
called_computation_lowered:
.L_overlay_start_0:
0x0: {  	s1 =	sld [smem:$0x3FD9]  }
0x1: {  	s2 =	sld [smem:$0x3FFE];
	_ =	sdelay $0x1  }
0x2: {  	s3 =	srdreg.scid  }
0x3: {  	s0 =	sand.u32 $0x1, s3  }
0x4: {  	s17 =	sshll.u32 s0, $0xA;
	s1 =	sadd.s32 s2, s1  }
0x5: {  	s1 =	sadd.s32 s1, s17  }
0x6: {  	[smem:$0x3FC1] =	sst s1  }
0x7: {  	_ = 	snop  }
0x8: {  	(tm) =	ssettm $0x1  }
0x9: {  	s18 =	sld [smem:$0x3FFB];
	_ =	sdelay $0x3  }
0xa: {  	_ =	strace s18  }
0xb: {  	s1 =	sld [smem:$0x3FFC];
	_ =	sdelay $0x3  }
0xc: {  	_ =	strace s1  }
0xd: {  	s1 =	sld [smem:$0x3FFD];
	_ =	sdelay $0x3  }
0xe: {  	_ =	strace s1  }
0xf: {  	_ =	strace $0x8FFFFFFF  }
0x10: {  	s19 =	sld [smem:$0x3FDB];
	_ =	sdelay $0x1  }
0x11: {  	s20 =	simm.s32 $_scs_section_size  }
0x12: {  	s4 =	simm.s32 $_size__tile_overlayer_lowered;
	s5 =	simm.s32 $_tile_overlayer_lowered  }
0x13: {  	s23 =	simm.s32 $0x1BFF;
	s22 =	sshll.u32 s5, $0x1;
	s1 =	sadd.s32 s20, s19  }
0x14: {  	s6 =	simm.s32 $0x0;
	s21 =	sshll.u32 s4, $0x1;
	s4 =	sadd.s32 s22, s1  }
0x15: {  	[timem:s6], [sflag:s23] =	dma.local [hbm:s4], s21  }
0x16: {  	_ =	swait.ge [sflag:s23], s21  }
0x17: {  	s2 =	ssub.s32 $0x0, s21;
	[sflag:s23] =	ssyncset.done $0x0  }
0x18: {  	[sflag:s23] =	ssyncadd.s32 s2;
	_ =	sdelay $0x1  }
0x19: {  	s24 =	simm.s32 $0x1B8B  }
0x1a: {  	_ =	swait.ge [sflag:s24], $0x1  }
0x1b: {  	[sflag:s24] =	ssyncset.done $0x0  }
0x1c: {  	s26 =	simm.s32 $0x1B8E;
	s25 =	sld [smem:$0x3FFE];
	[sflag:s24] =	ssyncadd.s32 $0xFFFFFFFF  }
0x1d: {  	s27 =	simm.s32 $execute0_lowered;
	[smem:$0x3FD2] =	sst s26  }
0x1e: {  	s4 =	sshll.u32 s27, $0x1;
	_ =	strace $0x80000049;
	[dreg:$0x1] =	wrdreg $0xFFFFFFFF  }
0x1f: {  	s28 =	simm.s32 $_size_execute0_lowered;
	s1 =	sadd.s32 s1, s4;
	[dreg:$0x0] =	wrdreg $0x0  }
0x20: {  	s4 =	sshll.u32 s28, $0x1;
	[dreg:$0x2] =	wrdreg s1  }
0x21: {  	[dreg:$0x3] =	wrdreg s4  }
0x22: {  	[dreg:$0x4] =	wrdreg $0xC0  }
0x23: {  	_ =	task [dreg:s6], $0x5FFFF  }
0x24: {  	[dreg:$0x1] =	wrdreg $0xFFFFFFFF  }
0x25: {  	[dreg:$0x0] =	wrdreg $0x60  }
0x26: {  	[dreg:$0x2] =	wrdreg s25  }
0x27: {  	[dreg:$0x3] =	wrdreg $0x9  }
0x28: {  	_ =	task.clear_ibuf [dreg:s6], $0x4FFFF;
	_ =	strace $0x90000049  }
0x29: {  	s29 =	simm.s32 $0x9;
	_ =	strace $0x8000004B  }
0x2a: {  	_ =	swait.ge [sflag:s29], $0x1  }
0x2b: {  	[sflag:s29] =	ssyncadd.s32 $0xFFFFFFFF  }
0x2c: {  	_ =	strace $0x9000004B  }
0x2d: {  	_ =	sfence  }
0x2e: {  	s30 =	sld [smem:$0x0];
	_ =	sdelay $0x2  }
0x2f: {  	s31 =	sshll.u32 s3, $0xD;
	s3 =	sshrl.u32 s3, $0x2  }
0x30: {  	s2 =	sand.u32 $0x4000, s31;
	s1 =	sadd.s32 s3, s30  }
0x31: {  	s0 =	sor.u32 s2, s0;
	s1 =	sshll.u32 s1, $0x11  }
0x32: {  	s0 =	sor.u32 s1, s0  }
0x33: {  	s0 =	sadd.s32 $0x8F2B, s0  }
0x34: {  	[sflag:s0] =	ssyncadd.remote.s32 $0x1  }
0x35: {  	_ =	sfence.sel $0xFFFF  }
0x36: {  	[dreg:$0x0] =	wrdreg $0xFFFFFFFF;
	(pc) =	sbr.abs _section_cstart, $3  }
0x37: {  	[dreg:$0x1] =	wrdreg $0xFFFFFFFF  }
0x38: {  	_ =	task.clear_ibuf [dreg:s6], $0x2FFFF;
	_ =	strace $0x9FFFFFFF  }
0x39: {  	(tm) =	ssettm $0x7FFFFFFF  }
tec
execute0_lowered:
.L_overlay_start_1:
0x0: {  	(tag) =	ssettag $0x1  }
0x1: {  	s0 =	srdreg.scid  }
0x2: {  	s5 =	rddreg [dreg:$0x0];
	s1 =	sshll.u32 s0, $0x4  }
0x3: {  	s6 =	simm.s32 $0x2;
	s0 =	stileid.u32;
	s1 =	sand.u32 $0x10, s1  }
0x4: {  	s12 =	simm.s32 $0x0;
	p0 =	por $0x0, $0x0;
	s1 =	sor.u32 s0, s1  }
0x5: {  	s11 =	simm.s32 $0x0;
	s9 =	simm.s32 $0x0;
	s2 =	sshll.u32 s1, $0x7  }
.Ltmp0:
0x6: {  	s10 =	simm.s32 $0x0;
	s3 =	ssub.s32 $0x1FA00, s2;
	(pc) =	sbr.rel .LBB1_1-.Ltmp0, $4  }
0x7: {  	s1 =	rddreg [dreg:$0x1];
	_ =	strace $0x8000004A;
	s4 =	sshrl.u32 s3, $0xC  }
0x8: {  	s8 =	smov.u32 s2;
	s3 =	simm.s32 $0x1;
	s7 =	smul.u32 $0xA, s4  }
0x9: {  	s4 =	sadd.s32 $0xC00, s5;
	[sflag:s3] =	ssyncpa.u1 $0x0;
	s5 =	sadd.s32 $0x13C7400, s5  }
0xa: {  	[sflag:s6] =	ssyncpa.u1 $0x0;
	s6 =	sadd.s32 $0xA, s7;
	s7 =	sadd.s32 $0xB, s7  }
.LBB1_5:
0xb: {  	s13 =	sadd.s32 $0x1000, s8  }
0xc: {  	s11 =	simm.s32 $0x1;
	p2 =	sgt.s32 s13, $0x1FA3F  }
0xd: {  	s11 =	simm.s32 @!p2 $0x0  }
0xe: {  	s15 =	sadd.s32 s11, s9  }
0xf: {  	s13 =	smov.u32 @p2 s2;
	p2 =	sgt.s32 s15, $0x9  }
0x10: {  	s15 =	simm.s32 @p2 $0x0;
	p2 =	sne.s32 s10, s7  }
.Ltmp1:
0x11: {  	p1 =	slt.u32 s10, $0x2;
	(pc) =	sbr.rel @!p2 .LBB1_6-.Ltmp1, $4  }
0x12: {  	s14 =	simm.s32 @!p1 $0x2  }
0x13: {  	s12 =	smov.u32 s8;
	p0 =	por !p0, !p0;
	_ =	swait.ge @!p1 [sflag:s14], $0x400  }
0x14: {  	[sflag:s14] =	ssyncset.done @!p1 $0x0;
	s11 =	smov.u32 s9;
	s8 =	smov.u32 s13  }
0x15: {  	[sflag:s14] =	ssyncadd.s32 @!p1 $0xFFFFFC00;
	s10 =	sadd.s32 $0x1, s10;
	s9 =	smov.u32 s15  }
.LBB1_1:
0x16: {  	p1 =	sge.u32 s10, s6  }
0x17: {  	s15 =	smov.u32 s9;
	s17 =	smov.u32 s8;
	p2 =	sgt.s32 @!p1 s9, $0x9  }
0x18: {  	s13 =	sand.u32 @!p1 $0x1FFFFFF, s8;
	s16 =	sshra.s32 @!p1 s9, $0x1F;
	p2 =	por !p2, p1  }
0x19: {  	s18 =	sshra.s32 @!p1 s8, $0x1F;
	s15 =	simm.s32 @p2 $0x9;
	p2 =	sgt.s32 @!p1 s8, $0x1F9C0  }
0x1a: {  	s14 =	smulhi.u32 @!p1 $0x205D0B9, s13;
	s16 =	sand.u32 @!p1 s16, s9;
	p2 =	por !p2, p1  }
0x1b: {  	s15 =	ssub.s32 @!p1 s15, s16;
	s16 =	sand.u32 @!p1 s18, s8;
	s17 =	simm.s32 @p2 $0x1F9C0  }
0x1c: {  	s15 =	sadd.s32 @!p1 $0xFFFFFFF7, s15;
	s16 =	ssub.s32 @!p1 s17, s16  }
0x1d: {  	s14 =	sshrl.u32 @!p1 s14, $0xA;
	p2 =	sgt.s32 @!p1 s15, $0x0;
	s17 =	sadd.s32 @!p1 $0xFFFE0640, s16  }
0x1e: {  	s15 =	sshll.u32 @!p1 s15, $0x3;
	s16 =	ssub.s32 @!p1 $0x1FA40, s16;
	p3 =	sgt.s32 @!p1 s17, $0x7F  }
0x1f: {  	s15 =	ssub.s32 @!p1 $0x8, s15;
	p2 =	por !p2, p1;
	p3 =	por !p3, p1  }
0x20: {  	s14 =	smul.u32 @!p1 $0x1FA40, s14;
	s15 =	simm.s32 @!p2 $0x0;
	s16 =	simm.s32 @!p3 $0x0  }
0x21: {  	s17 =	sxor.u32 @!p1 $0xFFFFFFFF, s10;
	s15 =	smul.u32 @!p1 s16, s15  }
0x22: {  	s13 =	ssub.s32 @!p1 s13, s14;
	s16 =	sshll.u32 @!p1 s17, $0xA;
	s17 =	smul.u32 @!p1 $0x1FA400, s9  }
0x23: {  	s13 =	sshll.u32 @!p1 s13, $0x4  }
0x24: {  	s16 =	sand.u32 @!p1 $0x400, s16;
	s14 =	sand.u32 @!p1 $0x3FFFFFF8, s15;
	s15 =	sadd.s32 @!p1 s4, s17  }
0x25: {  	s17 =	simm.s32 @!p1 $0x80;
	s13 =	sadd.s32 @!p1 s13, s15;
	s15 =	simm.s32 @!p1 $0x8  }
0x26: {  	[tilespmem:s16], [sflag:$0x1] =	stream.strided.gather @!p1 [hbm4b:s13+s15], s14, s17, s15, $0x38;
	[tilespmem:$0x1010] =	vst v63  }
0x27: {  	p1 =	seq.s32 s10, $0x0  }
0x28: {  	p2 =	sge.u32 @!p1 s10, s7  }
0x29: {  	p1 =	por p1, p2  }
.Ltmp2:
0x2a: {  	_ = 	snop;
	(pc) =	sbr.rel @p1 .LBB1_5-.Ltmp2, $1  }
0x2b: {  	_ =	sdelay $0x3  }
0x2c: {  	p1 =	sgt.s32 s11, $0x9;
	s13 =	smov.u32 s11  }
0x2d: {  	s14 =	sshra.s32 s11, $0x1F;
	s15 =	smov.u32 s12;
	s16 =	sshra.s32 s12, $0x1F  }
0x2e: {  	s13 =	simm.s32 @!p1 $0x9;
	s14 =	sand.u32 s14, s11;
	p1 =	sgt.s32 s12, $0x1F9C0  }
0x2f: {  	s29 =	sand.u32 s16, s12;
	s13 =	ssub.s32 s13, s14;
	s15 =	simm.s32 @!p1 $0x1F9C0  }
0x30: {  	s13 =	sadd.s32 $0xFFFFFFF7, s13;
	s14 =	ssub.s32 s15, s29  }
0x31: {  	p1 =	sgt.s32 s13, $0x0;
	s15 =	sadd.s32 $0xFFFE0640, s14;
	s13 =	sshll.u32 s13, $0x3  }
0x32: {  	s14 =	ssub.s32 $0x1FA40, s14;
	p2 =	sgt.s32 s15, $0x7F;
	s13 =	ssub.s32 $0x8, s13  }
0x33: {  	s14 =	simm.s32 @p2 $0x0;
	s13 =	simm.s32 @p1 $0x0  }
0x34: {  	s13 =	smul.u32 s14, s13;
	_ =	sdelay $0x1  }
0x35: {  	s14 =	simm.s32 $0x1;
	s13 =	sand.u32 $0x3FFFFFF8, s13  }
0x36: {  	s14 =	simm.s32 @!p0 $0x0;
	_ =	swait.ge [sflag:s3], s13  }
0x37: {  	s30 =	sshll.u32 s14, $0xA;
	s13 =	ssub.s32 $0x0, s13;
	[sflag:s3] =	ssyncset.done $0x0  }
0x38: {  	s22 =	sor.u32 $0x20, s30;
	[sflag:s3] =	ssyncadd.s32 s13  }
0x39: {  	v0 =	vld.msk [tilespmem:s22+$0xFFFFFFE0], $0xff  }
0x3a: {  	s31 =	smul.u32 $0x1020, s14;
	_ =	sdelay $0x1  }
0x3b: {  	s13 =	sshrl.u32 s31, $0x2  }
0x3c: {  	s13 =	sor.u32 $0x807, s13  }
0x3d: {  	[tilespmem:s13+$0xFFFFFFF9 ss:$0x81] =	vst.msk $0xff, v0  }
0x3e: {  	v0 =	vld.msk [tilespmem:s22+$0xFFFFFFE8], $0xff  }
0x3f: {  	s16 =	sadd.s32 $0x40, s22  }
0x40: {  	v1 =	vld.msk [tilespmem:s16+$0xFFFFFFE0], $0xff;
	_ =	sdelay $0x2  }
0x41: {  	[tilespmem:s13+$0xFFFFFFFA ss:$0x81] =	vst.msk $0xff, v0  }
0x42: {  	s14 =	sadd.s32 $0x8, s13;
	v0 =	vld.msk [tilespmem:s22+$0xFFFFFFF0], $0xff  }
0x43: {  	[tilespmem:s14+$0xFFFFFFF9 ss:$0x81] =	vst.msk $0xff, v1  }
0x44: {  	v1 =	vld.msk [tilespmem:s16+$0xFFFFFFE8], $0xff  }
0x45: {  	s17 =	sadd.s32 $0x40, s16  }
0x46: {  	v2 =	vld.msk [tilespmem:s17+$0xFFFFFFE0], $0xff  }
0x47: {  	[tilespmem:s13+$0xFFFFFFFB ss:$0x81] =	vst.msk $0xff, v0  }
0x48: {  	v0 =	vld.msk [tilespmem:s22+$0xFFFFFFF8], $0xff  }
0x49: {  	[tilespmem:s14+$0xFFFFFFFA ss:$0x81] =	vst.msk $0xff, v1  }
0x4a: {  	s15 =	sadd.s32 $0x8, s14;
	v1 =	vld.msk [tilespmem:s16+$0xFFFFFFF0], $0xff  }
0x4b: {  	[tilespmem:s15+$0xFFFFFFF9 ss:$0x81] =	vst.msk $0xff, v2  }
0x4c: {  	s20 =	sadd.s32 $0x40, s17;
	v2 =	vld.msk [tilespmem:s17+$0xFFFFFFE8], $0xff  }
0x4d: {  	[tilespmem:s13+$0xFFFFFFFC ss:$0x81] =	vst.msk $0xff, v0;
	v0 =	vld.msk [tilespmem:s20+$0xFFFFFFE0], $0xff  }
0x4e: {  	v3 =	vld.msk [tilespmem:s22+$0x0], $0xff  }
0x4f: {  	[tilespmem:s14+$0xFFFFFFFB ss:$0x81] =	vst.msk $0xff, v1  }
0x50: {  	v1 =	vld.msk [tilespmem:s16+$0xFFFFFFF8], $0xff  }
0x51: {  	s18 =	sadd.s32 $0x8, s15;
	[tilespmem:s15+$0xFFFFFFFA ss:$0x81] =	vst.msk $0xff, v2  }
0x52: {  	v2 =	vld.msk [tilespmem:s17+$0xFFFFFFF0], $0xff;
	[tilespmem:s18+$0xFFFFFFF9 ss:$0x81] =	vst.msk $0xff, v0  }
0x53: {  	v0 =	vld.msk [tilespmem:s20+$0xFFFFFFE8], $0xff;
	[tilespmem:s13+$0xFFFFFFFD ss:$0x81] =	vst.msk $0xff, v3  }
0x54: {  	s21 =	sadd.s32 $0x40, s20;
	v3 =	vld.msk [tilespmem:s22+$0x8], $0xff  }
0x55: {  	[tilespmem:s14+$0xFFFFFFFC ss:$0x81] =	vst.msk $0xff, v1;
	v1 =	vld.msk [tilespmem:s21+$0xFFFFFFE0], $0xff  }
0x56: {  	v4 =	vld.msk [tilespmem:s16+$0x0], $0xff  }
0x57: {  	[tilespmem:s15+$0xFFFFFFFB ss:$0x81] =	vst.msk $0xff, v2  }
0x58: {  	v2 =	vld.msk [tilespmem:s17+$0xFFFFFFF8], $0xff;
	[tilespmem:s18+$0xFFFFFFFA ss:$0x81] =	vst.msk $0xff, v0  }
0x59: {  	s19 =	sadd.s32 $0x8, s18;
	v0 =	vld.msk [tilespmem:s20+$0xFFFFFFF0], $0xff;
	[tilespmem:s13+$0xFFFFFFFE ss:$0x81] =	vst.msk $0xff, v3  }
0x5a: {  	[tilespmem:s19+$0xFFFFFFF9 ss:$0x81] =	vst.msk $0xff, v1;
	v1 =	vld.msk [tilespmem:s22+$0x10], $0xff  }
0x5b: {  	[tilespmem:s14+$0xFFFFFFFD ss:$0x81] =	vst.msk $0xff, v4;
	v3 =	vld.msk [tilespmem:s21+$0xFFFFFFE8], $0xff  }
0x5c: {  	s24 =	sadd.s32 $0x40, s21;
	v4 =	vld.msk [tilespmem:s16+$0x8], $0xff  }
0x5d: {  	[tilespmem:s15+$0xFFFFFFFC ss:$0x81] =	vst.msk $0xff, v2;
	v2 =	vld.msk [tilespmem:s24+$0xFFFFFFE0], $0xff  }
0x5e: {  	v5 =	vld.msk [tilespmem:s17+$0x0], $0xff;
	[tilespmem:s18+$0xFFFFFFFB ss:$0x81] =	vst.msk $0xff, v0  }
0x5f: {  	v6 =	vld.msk [tilespmem:s20+$0xFFFFFFF8], $0xff;
	[tilespmem:s13+$0xFFFFFFFF ss:$0x81] =	vst.msk $0xff, v1  }
0x60: {  	s23 =	sand.u32 $0x1, s10;
	[tilespmem:s19+$0xFFFFFFFA ss:$0x81] =	vst.msk $0xff, v3;
	v0 =	vld.msk [tilespmem:s22+$0x18], $0xff  }
0x61: {  	s23 =	smul.u32 $0x1020, s23;
	[tilespmem:s14+$0xFFFFFFFE ss:$0x81] =	vst.msk $0xff, v4;
	v3 =	vld.msk [tilespmem:s21+$0xFFFFFFF0], $0xff;
	s22 =	sadd.s32 $0x8, s19  }
0x62: {  	v1 =	vld.msk [tilespmem:s16+$0x10], $0xff;
	[tilespmem:s22+$0xFFFFFFF9 ss:$0x81] =	vst.msk $0xff, v2  }
0x63: {  	s23 =	sshrl.u32 s23, $0x2;
	[tilespmem:s15+$0xFFFFFFFD ss:$0x81] =	vst.msk $0xff, v5;
	v4 =	vld.msk [tilespmem:s24+$0xFFFFFFE8], $0xff  }
0x64: {  	s25 =	simm.s32 $0x28;
	s23 =	sor.u32 $0x800, s23;
	s26 =	sadd.s32 $0x40, s24;
	v2 =	vld.msk [tilespmem:s17+$0x8], $0xff;
	[tilespmem:s18+$0xFFFFFFFC ss:$0x81] =	vst.msk $0xff, v6  }
.LBB1_3:
0x65: {  	v5 =	vld.msk [tilespmem:s26+$0xFFFFFFE0], $0xff;
	[tilespmem:s13+$0x0 ss:$0x81] =	vst.msk $0xff, v0;
	s13 =	smov.u32 s14;
	s14 =	smov.u32 s15;
	s15 =	smov.u32 s18  }
0x66: {  	s25 =	sadd.s32 $0x8, s25;
	s18 =	smov.u32 s19;
	[tilespmem:s19+$0xFFFFFFFB ss:$0x81] =	vst.msk $0xff, v3;
	v6 =	vld.msk [tilespmem:s20+$0x0], $0xff;
	s19 =	smov.u32 s22  }
0x67: {  	p1 =	slt.u32 s25, $0x78;
	v7 =	vld.msk [tilespmem:s21+$0xFFFFFFF8], $0xff;
	[tilespmem:s13+$0xFFFFFFFF ss:$0x81] =	vst.msk $0xff, v1  }
.Ltmp3:
0x68: {  	[tilespmem:s22+$0xFFFFFFFA ss:$0x81] =	vst.msk $0xff, v4;
	v0 =	vld.msk [tilespmem:s16+$0x18], $0xff;
	s16 =	smov.u32 s17;
	s17 =	smov.u32 s20;
	(pc) =	sbr.rel @p1 .LBB1_3-.Ltmp3, $4  }
0x69: {  	s22 =	sadd.s32 $0x8, s22;
	s20 =	smov.u32 s21;
	s21 =	smov.u32 s24;
	v3 =	vld.msk [tilespmem:s24+$0xFFFFFFF0], $0xff;
	[tilespmem:s14+$0xFFFFFFFE ss:$0x81] =	vst.msk $0xff, v2  }
0x6a: {  	s24 =	smov.u32 s26;
	[tilespmem:s22+$0xFFFFFFF9 ss:$0x81] =	vst.msk $0xff, v5;
	v1 =	vld.msk [tilespmem:s16+$0x10], $0xff  }
0x6b: {  	v4 =	vld.msk [tilespmem:s26+$0xFFFFFFE8], $0xff;
	[tilespmem:s15+$0xFFFFFFFD ss:$0x81] =	vst.msk $0xff, v6  }
0x6c: {  	s26 =	sadd.s32 $0x40, s26;
	[tilespmem:s18+$0xFFFFFFFC ss:$0x81] =	vst.msk $0xff, v7;
	v2 =	vld.msk [tilespmem:s17+$0x8], $0xff  }
0x6d: {  	_ =	sdelay $0x2  }
0x6e: {  	[tilespmem:s22+$0xFFFFFFFA ss:$0x81] =	vst.msk $0xff, v4  }
0x6f: {  	v4 =	vld.msk [tilespmem:s24+$0xFFFFFFF0], $0xff;
	_ =	sdelay $0x3  }
0x70: {  	[tilespmem:s19+$0xFFFFFFFB ss:$0x81] =	vst.msk $0xff, v3  }
0x71: {  	v3 =	vld.msk [tilespmem:s21+$0xFFFFFFF8], $0xff;
	[tilespmem:s22+$0xFFFFFFFB ss:$0x81] =	vst.msk $0xff, v4  }
0x72: {  	v4 =	vld.msk [tilespmem:s24+$0xFFFFFFF8], $0xff;
	_ =	sdelay $0x3  }
0x73: {  	v5 =	vld.msk [tilespmem:s20+$0x0], $0xff;
	[tilespmem:s19+$0xFFFFFFFC ss:$0x81] =	vst.msk $0xff, v3  }
0x74: {  	v3 =	vld.msk [tilespmem:s21+$0x0], $0xff;
	[tilespmem:s22+$0xFFFFFFFC ss:$0x81] =	vst.msk $0xff, v4  }
0x75: {  	v4 =	vld.msk [tilespmem:s24+$0x0], $0xff;
	_ =	sdelay $0x2  }
0x76: {  	[tilespmem:s18+$0xFFFFFFFD ss:$0x81] =	vst.msk $0xff, v5  }
0x77: {  	v5 =	vld.msk [tilespmem:s20+$0x8], $0xff;
	[tilespmem:s19+$0xFFFFFFFD ss:$0x81] =	vst.msk $0xff, v3  }
0x78: {  	v3 =	vld.msk [tilespmem:s21+$0x8], $0xff;
	[tilespmem:s22+$0xFFFFFFFD ss:$0x81] =	vst.msk $0xff, v4  }
0x79: {  	v4 =	vld.msk [tilespmem:s24+$0x8], $0xff;
	_ =	sdelay $0x1  }
0x7a: {  	[tilespmem:s15+$0xFFFFFFFE ss:$0x81] =	vst.msk $0xff, v2  }
0x7b: {  	v2 =	vld.msk [tilespmem:s17+$0x10], $0xff;
	[tilespmem:s18+$0xFFFFFFFE ss:$0x81] =	vst.msk $0xff, v5  }
0x7c: {  	v5 =	vld.msk [tilespmem:s20+$0x10], $0xff;
	[tilespmem:s19+$0xFFFFFFFE ss:$0x81] =	vst.msk $0xff, v3  }
0x7d: {  	v3 =	vld.msk [tilespmem:s21+$0x10], $0xff;
	[tilespmem:s22+$0xFFFFFFFE ss:$0x81] =	vst.msk $0xff, v4  }
0x7e: {  	s25 =	sshll.u32 s12, $0x3;
	v4 =	vld.msk [tilespmem:s24+$0x10], $0xff  }
0x7f: {  	s26 =	sand.u32 $0x7F, s12;
	s25 =	sand.u32 $0xFFFFFC00, s25;
	[tilespmem:s14+$0xFFFFFFFF ss:$0x81] =	vst.msk $0xff, v1  }
0x80: {  	s12 =	sor.u32 s26, s25;
	s28 =	smulhi.u32 $0x8163D283, s25;
	v1 =	vld.msk [tilespmem:s16+$0x18], $0xff;
	[tilespmem:s15+$0xFFFFFFFF ss:$0x81] =	vst.msk $0xff, v2  }
0x81: {  	s27 =	smulhi.u32 $0x8163D283, s12;
	v2 =	vld.msk [tilespmem:s17+$0x18], $0xff;
	[tilespmem:s18+$0xFFFFFFFF ss:$0x81] =	vst.msk $0xff, v5  }
0x82: {  	v61 =	vld.msk [tilespmem:s20+$0x18], $0xff;
	[tilespmem:s19+$0xFFFFFFFF ss:$0x81] =	vst.msk $0xff, v3  }
0x83: {  	s11 =	smul.u32 $0x1FA80, s11;
	s30 =	sshrl.u32 s28, $0x10;
	s16 =	sshrl.u32 s27, $0x10;
	v62 =	vld.msk [tilespmem:s21+$0x18], $0xff;
	[tilespmem:s22+$0xFFFFFFFF ss:$0x81] =	vst.msk $0xff, v4  }
0x84: {  	[tilespmem:s13+$0x0 ss:$0x81] =	vst.msk $0xff, v0;
	s31 =	sand.u32 $0x7, s30;
	s29 =	smul.u32 $0x1FA80, s16;
	v63 =	vld.msk [tilespmem:s24+$0x18], $0xff  }
0x85: {  	[tilespmem:s14+$0x0 ss:$0x81] =	vst.msk $0xff, v1;
	s14 =	smul.u32 $0x3F50, s31  }
.Ltmp4:
0x86: {  	[tilespmem:s15+$0x0 ss:$0x81] =	vst.msk $0xff, v2;
	(pc) =	sbr.rel .LBB1_5-.Ltmp4, $4  }
0x87: {  	s11 =	sadd.s32 s5, s11;
	s12 =	ssub.s32 s12, s29;
	[tilespmem:s18+$0x0 ss:$0x81] =	vst.msk $0xff, v61  }
0x88: {  	s13 =	sshrl.u32 s12, $0x3;
	s11 =	sadd.s32 s14, s11;
	[tilespmem:s19+$0x0 ss:$0x81] =	vst.msk $0xff, v62  }
0x89: {  	s12 =	sand.u32 $0x7, s12;
	s11 =	sadd.s32 s13, s11;
	[tilespmem:s22+$0x0 ss:$0x81] =	vst.msk $0xff, v63  }
0x8a: {  	[hbm4b:s11+s12] =	stream.linear.scatter [tilespmem:s23], [sflag:$0x2], $0x400, $0x20;
	[tilespmem:$0x1010] =	vst v63  }
.LBB1_6:
0x8b: {  	_ =	sfence.sel $0x180000  }
0x8c: {  	s2 =	simm.s32 $0x1;
	[bflag:$0x0] =	sbarrier.arrive $0xFFFF  }
0x8d: {  	s31 =	simm.s32 $0x2;
	[sflag:s2] =	ssyncpa.u1 $0x1  }
0x8e: {  	[sflag:s31] =	ssyncpa.u1 $0x1  }
0x8f: {  	p0 =	sne.s32 s0, $0x0;
	_ =	strace $0x9000004A  }
0x90: {  	s0 =	sadd.s32 @!p0 $0x100000, s1;
	[bflag:$0x2] =	sbarrier.arrive $0xFFFF  }
0x91: {  	[sflag:s0] =	ssyncadd.tile.s32 @!p0 $0x1;
	_ =	shalt  }
.Lfunc_end1:
_tile_overlayer_lowered:
.L_overlay_start_2:
0x92: {  	(tag) =	ssettag $0x2  }
0x93: {  	s0 =	rddreg [dreg:$0x0];
	s2 =	stileid.u32  }
0x94: {  	s1 =	rddreg [dreg:$0x1];
	p0 =	sne.s32 s2, $0x0  }
0x95: {  	s3 =	rddreg [dreg:$0x2];
	[bflag:$0x3] =	sbarrier.arrive $0xFFFF;
	s2 =	simm.s32 @!p0 $0x1C01  }
0x96: {  	[timem:s3], [sflag:s2] =	dma.local @!p0 [hbm:s0], s1  }
0x97: {  	s0 =	simm.s32 @!p0 $0x1  }
0x98: {  	_ =	swait.ge @!p0 [sflag:s0], s1  }
0x99: {  	s1 =	ssub.s32 @!p0 $0x0, s1;
	[sflag:s0] =	ssyncset.done @!p0 $0x0  }
0x9a: {  	[sflag:s0] =	ssyncadd.s32 @!p0 s1  }
0x9b: {  	[bflag:$0x3] =	sbarrier.arrive $0xFFFF  }
0x9c: {  	_ =	shalt  }

</sc_bundles>
